<compile_context>
chip_gen: v7x
topology: tpu7x:2x2x1
jax: 0.10.2.dev20260603
libtpu: 0.0.44.dev20260713+nightly
codegen_flags: <defaults>
</compile_context>

<pallas_src>
import functools

import jax
import jax.numpy as jnp
from jax import lax
from jax.experimental import pallas as pl
from jax.experimental.pallas import tpu as pltpu
from jax.experimental.pallas import tpu_sc as plsc

N = 10000
NPAD = 10240
E = 320000
D = 128
H = 64
G = 64
NC = 2
NS = 16
NW = NC * NS
CH = 128
NCHUNK = 80
EPT = NCHUNK * CH
EPAD = NW * EPT
RPT = NPAD // NS
GRP = 2
NSET = 4
NG = NCHUNK // GRP


def _make_agg(dh):
  grp16 = dh // 16
  mesh = plsc.VectorSubcoreMesh(core_axis_name="c", subcore_axis_name="s")

  @functools.partial(
      pl.kernel,
      mesh=mesh,
      compiler_params=pltpu.CompilerParams(use_tc_tiling_on_sc=False),
      out_type=[
          jax.ShapeDtypeStruct((NPAD, dh), jnp.float32),
          jax.ShapeDtypeStruct((NPAD, dh), jnp.float32),
      ],
      scratch_types=[
          pltpu.VMEM((NCHUNK, CH), jnp.int32),
          pltpu.VMEM((NCHUNK, CH), jnp.int32),
          [pltpu.VMEM((CH, dh), jnp.float32) for _ in range(NSET * GRP)],
          pltpu.VMEM_SHARED((NPAD, dh), jnp.float32),
          [pltpu.SemaphoreType.DMA for _ in range(NSET)],
          [pltpu.SemaphoreType.DMA for _ in range(NSET)],
      ],
  )
  def agg(h_hbm, src_hbm, dst_hbm, out0, out1, sidx, didx, bufs, acc,
          gsems, ssems):
    cid = lax.axis_index("c")
    sid = lax.axis_index("s")
    wid = cid * NS + sid

    def fire_g(s, g):
      for b in range(GRP):
        pltpu.async_copy(h_hbm.at[sidx.at[g * GRP + b]], bufs[s * GRP + b],
                         gsems[s])

    def wait_g(s, g):
      for b in range(GRP):
        pltpu.make_async_copy(h_hbm.at[sidx.at[g * GRP + b]],
                              bufs[s * GRP + b], gsems[s]).wait()

    def fire_s(s, g):
      for b in range(GRP):
        pltpu.async_copy(bufs[s * GRP + b], acc.at[didx.at[g * GRP + b]],
                         ssems[s], add=True)

    def wait_s(s, g):
      for b in range(GRP):
        pltpu.make_async_copy(bufs[s * GRP + b],
                              acc.at[didx.at[g * GRP + b]], ssems[s]).wait()

    def one(s, g):
      wait_g(s, g)
      fire_s(s, g)
      wait_s((s + NSET - 1) % NSET, g - 1)
      fire_g((s + NSET - 1) % NSET, g + NSET - 1)

    pltpu.sync_copy(src_hbm.at[wid], sidx)
    pltpu.sync_copy(dst_hbm.at[wid], didx)
    for g0 in range(NSET - 1):
      fire_g(g0, g0)

    zeros16 = jnp.zeros((16,), jnp.float32)
    zbuf = bufs[NSET * GRP - 1]

    def zbody(k, c):
      zbuf[k // grp16, pl.ds((k % grp16) * 16, 16)] = zeros16
      return c

    lax.fori_loop(0, CH * grp16, zbody, 0)
    rbase = sid * RPT
    for k in range(RPT // CH):
      pltpu.sync_copy(zbuf, acc.at[pl.ds(rbase + k * CH, CH)])
    plsc.subcore_barrier()

    wait_g(0, 0)
    fire_s(0, 0)
    fire_g(NSET - 1, NSET - 1)

    def quad(p, c):
      gb = NSET * p + 1
      for k in range(NSET):
        one((1 + k) % NSET, gb + k)
      return c

    lax.fori_loop(0, (NG - NSET) // NSET, quad, 0)

    for g in range(NG - NSET + 1, NG):
      s = g % NSET
      wait_g(s, g)
      fire_s(s, g)
      wait_s((s + NSET - 1) % NSET, g - 1)
    wait_s((NG - 1) % NSET, NG - 1)
    plsc.subcore_barrier()

    @pl.when(cid == 0)
    def _():
      pltpu.sync_copy(acc.at[pl.ds(rbase, RPT)], out0.at[pl.ds(rbase, RPT)])

    @pl.when(cid == 1)
    def _():
      pltpu.sync_copy(acc.at[pl.ds(rbase, RPT)], out1.at[pl.ds(rbase, RPT)])

  return agg


_AGG64 = _make_agg(H)

_R = 1024
_NB = NPAD // _R


def _mlp_math(y_ref, p0_ref, p1_ref, aux_ref, w2_ref):
  aux = aux_ref[...]
  b1 = aux[0:1]
  gg = aux[1:2]
  bt = aux[2:3]
  mm = aux[3:4]
  vv = aux[4:5]
  b2 = aux[5:6]
  z = y_ref[...] + p0_ref[...] + p1_ref[...] + b1
  sc = gg * lax.rsqrt(vv + 1e-5)
  z = jnp.maximum(z * sc + (bt - mm * sc), 0.0)
  return jnp.maximum(
      jnp.dot(z, w2_ref[...], preferred_element_type=jnp.float32) + b2, 0.0)


def _pre_block(x_ref, w1_ref, o_ref):
  o_ref[...] = jnp.dot(x_ref[...], w1_ref[...],
                       preferred_element_type=jnp.float32)


def _pre_layer(x, w1):
  din = x.shape[1]
  return pl.pallas_call(
      _pre_block,
      grid=(_NB,),
      in_specs=[
          pl.BlockSpec((_R, din), lambda i: (i, 0)),
          pl.BlockSpec((din, H), lambda i: (0, 0)),
      ],
      out_specs=pl.BlockSpec((_R, H), lambda i: (i, 0)),
      out_shape=jax.ShapeDtypeStruct((NPAD, H), jnp.float32),
  )(x, w1)


def _mid_block(y_ref, p0_ref, p1_ref, aux_ref, w2_ref, wn_ref, o_ref):
  h = _mlp_math(y_ref, p0_ref, p1_ref, aux_ref, w2_ref)
  o_ref[...] = jnp.dot(h, wn_ref[...], preferred_element_type=jnp.float32)


def _mid_layer(y, p0, p1, aux, w2, wnext):
  return pl.pallas_call(
      _mid_block,
      grid=(_NB,),
      in_specs=[
          pl.BlockSpec((_R, H), lambda i: (i, 0)),
          pl.BlockSpec((_R, H), lambda i: (i, 0)),
          pl.BlockSpec((_R, H), lambda i: (i, 0)),
          pl.BlockSpec((8, H), lambda i: (0, 0)),
          pl.BlockSpec((H, H), lambda i: (0, 0)),
          pl.BlockSpec((H, H), lambda i: (0, 0)),
      ],
      out_specs=pl.BlockSpec((_R, H), lambda i: (i, 0)),
      out_shape=jax.ShapeDtypeStruct((NPAD, H), jnp.float32),
  )(y, p0, p1, aux, w2, wnext)


def _final_block(y_ref, p0_ref, p1_ref, aux_ref, w2_ref, bc_ref,
                 l1w_ref, l2w_ref, hb_ref, o_ref, pacc):
  i = pl.program_id(0)
  h3 = _mlp_math(y_ref, p0_ref, p1_ref, aux_ref, w2_ref)
  bc = bc_ref[...]
  seg = lax.broadcasted_iota(jnp.int32, (_R, G), 1)
  oh = (bc == seg).astype(jnp.float32)
  part = lax.dot_general(oh, h3, (((0,), (0,)), ((), ())),
                         preferred_element_type=jnp.float32)

  @pl.when(i == 0)
  def _():
    pacc[...] = part

  @pl.when(i > 0)
  def _():
    pacc[...] += part

  @pl.when(i == _NB - 1)
  def _():
    pooled = pacc[...]
    l1 = l1w_ref[...]
    leff = l1[0:H] + l1[H:2 * H] + l1[2 * H:3 * H]
    hb = hb_ref[...]
    h1 = jnp.maximum(
        jnp.dot(pooled, leff, preferred_element_type=jnp.float32) + hb[0:1, :],
        0.0)
    logits = jnp.dot(h1, l2w_ref[...],
                     preferred_element_type=jnp.float32) + hb[1:2, 0:2]
    mx = jnp.max(logits, axis=1, keepdims=True)
    s = jnp.sum(jnp.exp(logits - mx), axis=1, keepdims=True)
    o_ref[...] = logits - mx - jnp.log(s)


def _final_layer(y, p0, p1, aux, w2, bcol, l1w, l2w, hb):
  return pl.pallas_call(
      _final_block,
      grid=(_NB,),
      in_specs=[
          pl.BlockSpec((_R, H), lambda i: (i, 0)),
          pl.BlockSpec((_R, H), lambda i: (i, 0)),
          pl.BlockSpec((_R, H), lambda i: (i, 0)),
          pl.BlockSpec((8, H), lambda i: (0, 0)),
          pl.BlockSpec((H, H), lambda i: (0, 0)),
          pl.BlockSpec((_R, 1), lambda i: (i, 0)),
          pl.BlockSpec((3 * H, H), lambda i: (0, 0)),
          pl.BlockSpec((H, 2), lambda i: (0, 0)),
          pl.BlockSpec((8, H), lambda i: (0, 0)),
      ],
      out_specs=pl.BlockSpec((G, 2), lambda i: (0, 0)),
      out_shape=jax.ShapeDtypeStruct((G, 2), jnp.float32),
      scratch_shapes=[pltpu.VMEM((G, H), jnp.float32)],
  )(y, p0, p1, aux, w2, bcol, l1w, l2w, hb)


def _aux_stack(b1, g, bt, m, v, b2):
  return jnp.concatenate(
      [b1[None], g[None], bt[None], m[None], v[None], b2[None],
       jnp.zeros((2, H), jnp.float32)], axis=0)


def kernel(x, edge_index, batch, W1_0, b1_0, g_0, bt_0, m_0, v_0, W2_0, b2_0,
           W1_1, b1_1, g_1, bt_1, m_1, v_1, W2_1, b2_1,
           W1_2, b1_2, g_2, bt_2, m_2, v_2, W2_2, b2_2,
           lin1_W, lin1_b, lin2_W, lin2_b):
  pe = EPAD - E
  srcp = jnp.concatenate(
      [edge_index[0],
       jnp.arange(pe, dtype=jnp.int32) % N]).reshape(NW, NCHUNK, CH)
  dstp = jnp.concatenate(
      [edge_index[1],
       N + (jnp.arange(pe, dtype=jnp.int32) % (NPAD - N))]).reshape(
           NW, NCHUNK, CH)
  xp = jnp.concatenate([x, jnp.zeros((NPAD - N, D), jnp.float32)], axis=0)
  bcol = jnp.concatenate(
      [batch, jnp.full((NPAD - N,), G, jnp.int32)]).reshape(NPAD, 1)
  aux0 = _aux_stack(b1_0, g_0, bt_0, m_0, v_0, b2_0)
  aux1 = _aux_stack(b1_1, g_1, bt_1, m_1, v_1, b2_1)
  aux2 = _aux_stack(b1_2, g_2, bt_2, m_2, v_2, b2_2)
  hb = jnp.zeros((8, H), jnp.float32).at[0].set(lin1_b).at[1, :2].set(lin2_b)

  y0 = _pre_layer(xp, W1_0)
  p0, p1 = _AGG64(y0, srcp, dstp)
  y1 = _mid_layer(y0, p0, p1, aux0, W2_0, W1_1)
  p0, p1 = _AGG64(y1, srcp, dstp)
  y2 = _mid_layer(y1, p0, p1, aux1, W2_1, W1_2)
  p0, p1 = _AGG64(y2, srcp, dstp)
  return _final_layer(y2, p0, p1, aux2, W2_2, bcol, lin1_W, lin2_W, hb)

# --- scband reference (transcript-rebuilt; emitter-appended) ---
"""Pipeline reference for scband-gin-87385404605077 (READ-ONLY COPY).

The authoritative reference and input builder live on the scoring server;
editing this copy changes nothing except your own understanding.
"""

import jax, jax.numpy as jnp
import numpy as np

N = 10000
E = 320000
D = 128
H = 64
L = 3
G = 64


def setup_inputs(seed: int = 0) -> dict:
    key = jax.random.key(seed)
    ks = jax.random.split(key, 40)
    inp = {}
    inp["x"] = jax.random.normal(ks[0], (N, D), dtype=jnp.float32)
    inp["edge_index"] = jax.random.randint(ks[1], (2, E), 0, N, dtype=jnp.int32)
    inp["batch"] = jnp.sort(jax.random.randint(ks[2], (N,), 0, G, dtype=jnp.int32))
    dims = [D, H, H]
    for i in range(L):
        d_in = dims[i]
        inp[f"W1_{i}"] = jax.random.normal(ks[3 + 6 * i], (d_in, H), dtype=jnp.float32) * (1.0 / np.sqrt(d_in))
        inp[f"b1_{i}"] = jnp.zeros((H,), dtype=jnp.float32)
        inp[f"g_{i}"] = jnp.ones((H,), dtype=jnp.float32)
        inp[f"bt_{i}"] = jnp.zeros((H,), dtype=jnp.float32)
        inp[f"m_{i}"] = jnp.zeros((H,), dtype=jnp.float32)
        inp[f"v_{i}"] = jnp.ones((H,), dtype=jnp.float32)
        inp[f"W2_{i}"] = jax.random.normal(ks[4 + 6 * i], (H, H), dtype=jnp.float32) * (1.0 / np.sqrt(H))
        inp[f"b2_{i}"] = jnp.zeros((H,), dtype=jnp.float32)
    inp["lin1_W"] = jax.random.normal(ks[30], (H * L, 64), dtype=jnp.float32) * (1.0 / np.sqrt(H * L))
    inp["lin1_b"] = jnp.zeros((64,), dtype=jnp.float32)
    inp["lin2_W"] = jax.random.normal(ks[31], (64, 2), dtype=jnp.float32) * (1.0 / 8.0)
    inp["lin2_b"] = jnp.zeros((2,), dtype=jnp.float32)
    return inp


def _bn(x, g, bt, m, v):
    # BatchNorm1d in eval mode (running stats); matches module run under .eval()
    return (x - m) / jnp.sqrt(v + 1e-5) * g + bt


def _gin_forward(x, edge_index, batch, layer_params, lin1_W, lin1_b, lin2_W, lin2_b):
    src = edge_index[0]
    dst = edge_index[1]
    h = x
    for (W1, b1, g, bt, m, v, W2, b2) in layer_params:
        # GINConv: nn((1 + eps) * x + sum_{j in N(i)} x_j), eps = 0
        agg = jnp.zeros_like(h).at[dst].add(h[src])
        hin = h + agg
        hmid = jax.nn.relu(_bn(hin @ W1 + b1, g, bt, m, v))
        h = jax.nn.relu(hmid @ W2 + b2)
    # original module pools the SAME final h once per conv layer, then concats
    pooled = jax.ops.segment_sum(h, batch, num_segments=G)
    hcat = jnp.concatenate([pooled] * L, axis=1)
    h1 = jax.nn.relu(hcat @ lin1_W + lin1_b)
    # dropout is identity in eval mode
    logits = h1 @ lin2_W + lin2_b
    return jax.nn.log_softmax(logits, axis=1)


def reference(x, edge_index, batch, W1_0, b1_0, g_0, bt_0, m_0, v_0, W2_0, b2_0, W1_1, b1_1, g_1, bt_1, m_1, v_1, W2_1, b2_1, W1_2, b1_2, g_2, bt_2, m_2, v_2, W2_2, b2_2, lin1_W, lin1_b, lin2_W, lin2_b):
    layer_params = [
        (W1_0, b1_0, g_0, bt_0, m_0, v_0, W2_0, b2_0),
        (W1_1, b1_1, g_1, bt_1, m_1, v_1, W2_1, b2_1),
        (W1_2, b1_2, g_2, bt_2, m_2, v_2, W2_2, b2_2),
    ]
    return _gin_forward(x, edge_index, batch, layer_params, lin1_W, lin1_b, lin2_W, lin2_b)

if __name__ == "__main__":
    import jax
    _d = setup_inputs()
    print(jax.jit(kernel)(*tuple(_d.values())))

</pallas_src>

<mosaic_0001>
#map = affine_map<(d0, d1) -> (0, 0)>
#map1 = affine_map<(d0, d1) -> (0, 0, 0)>
module attributes {stable_mosaic.version = 14 : i64} {
  func.func @agg(%arg0: i32, %arg1: i32, %arg2: memref<10240x64xf32, #tpu.memory_space<hbm>>, %arg3: memref<32x80x128xi32, #tpu.memory_space<hbm>>, %arg4: memref<32x80x128xi32, #tpu.memory_space<hbm>>, %arg5: memref<10240x64xf32, #tpu.memory_space<hbm>>, %arg6: memref<10240x64xf32, #tpu.memory_space<hbm>>, %arg7: memref<80x128xi32, #tpu.memory_space<vmem>>, %arg8: memref<80x128xi32, #tpu.memory_space<vmem>>, %arg9: memref<128x64xf32, #tpu.memory_space<vmem>>, %arg10: memref<128x64xf32, #tpu.memory_space<vmem>>, %arg11: memref<128x64xf32, #tpu.memory_space<vmem>>, %arg12: memref<128x64xf32, #tpu.memory_space<vmem>>, %arg13: memref<128x64xf32, #tpu.memory_space<vmem>>, %arg14: memref<128x64xf32, #tpu.memory_space<vmem>>, %arg15: memref<128x64xf32, #tpu.memory_space<vmem>>, %arg16: memref<128x64xf32, #tpu.memory_space<vmem>>, %arg17: memref<10240x64xf32, #tpu.memory_space<vmem_shared>>, %arg18: memref<!tpu.dma_semaphore, #tpu.memory_space<semaphore_mem>>, %arg19: memref<!tpu.dma_semaphore, #tpu.memory_space<semaphore_mem>>, %arg20: memref<!tpu.dma_semaphore, #tpu.memory_space<semaphore_mem>>, %arg21: memref<!tpu.dma_semaphore, #tpu.memory_space<semaphore_mem>>, %arg22: memref<!tpu.dma_semaphore, #tpu.memory_space<semaphore_mem>>, %arg23: memref<!tpu.dma_semaphore, #tpu.memory_space<semaphore_mem>>, %arg24: memref<!tpu.dma_semaphore, #tpu.memory_space<semaphore_mem>>, %arg25: memref<!tpu.dma_semaphore, #tpu.memory_space<semaphore_mem>>) attributes {dimension_semantics = [#tpu.dimension_semantics<core_parallel>, #tpu.dimension_semantics<subcore_parallel>], iteration_bounds = array<i64: 2, 16>, scalar_prefetch = 0 : i64, scratch_operands = 19 : i64, tpu.core_type = #tpu.core_type<sc_vector_subcore>, window_params = [{transform_indices = #map}, {transform_indices = #map1}, {transform_indices = #map1}, {transform_indices = #map}, {transform_indices = #map}]} {
    %mul3A = arith.constant 16 : i32
    %mul3A_0 = arith.muli %arg0, %mul3A : i32
    %add3A = arith.addi %mul3A_0, %arg1 : i32
    "tpu.region"() ({
      %run_scoped3A = tpu.sem_alloc : memref<!tpu.dma_semaphore, #tpu.memory_space<semaphore_mem>>
      %dma_start3A_255 = arith.constant 0 : i32
      %dma_start3A_256 = arith.constant 0 : i32
      %dma_start3A_257 = tpu.memref_slice %arg3[%add3A, %dma_start3A_255, %dma_start3A_256] : memref<32x80x128xi32, #tpu.memory_space<hbm>> -> memref<1x80x128xi32, #tpu.memory_space<hbm>>
      %dma_start3A_258 = tpu.memref_squeeze %dma_start3A_257 : memref<1x80x128xi32, #tpu.memory_space<hbm>> -> memref<80x128xi32, #tpu.memory_space<hbm>>
      %dma_start3A_259 = arith.constant 0 : i32
      %dma_start3A_260 = arith.constant 0 : i32
      %dma_start3A_261 = tpu.memref_slice %arg3[%add3A, %dma_start3A_259, %dma_start3A_260] : memref<32x80x128xi32, #tpu.memory_space<hbm>> -> memref<1x80x128xi32, #tpu.memory_space<hbm>>
      %dma_start3A_262 = tpu.memref_squeeze %dma_start3A_261 : memref<1x80x128xi32, #tpu.memory_space<hbm>> -> memref<80x128xi32, #tpu.memory_space<hbm>>
      tpu.enqueue_dma source(%dma_start3A_262 : memref<80x128xi32, #tpu.memory_space<hbm>>) target(%arg7 : memref<80x128xi32, #tpu.memory_space<vmem>>) target_semaphore(%run_scoped3A : memref<!tpu.dma_semaphore, #tpu.memory_space<semaphore_mem>>)
      %dma_wait3A_263 = arith.constant 0 : i32
      %dma_wait3A_264 = arith.constant 0 : i32
      %dma_wait3A_265 = tpu.memref_slice %arg3[%add3A, %dma_wait3A_263, %dma_wait3A_264] : memref<32x80x128xi32, #tpu.memory_space<hbm>> -> memref<1x80x128xi32, #tpu.memory_space<hbm>>
      %dma_wait3A_266 = tpu.memref_squeeze %dma_wait3A_265 : memref<1x80x128xi32, #tpu.memory_space<hbm>> -> memref<80x128xi32, #tpu.memory_space<hbm>>
      %dma_wait3A_267 = arith.constant 0 : i32
      %dma_wait3A_268 = arith.constant 0 : i32
      %dma_wait3A_269 = tpu.memref_slice %arg3[%add3A, %dma_wait3A_267, %dma_wait3A_268] : memref<32x80x128xi32, #tpu.memory_space<hbm>> -> memref<1x80x128xi32, #tpu.memory_space<hbm>>
      %dma_wait3A_270 = tpu.memref_squeeze %dma_wait3A_269 : memref<1x80x128xi32, #tpu.memory_space<hbm>> -> memref<80x128xi32, #tpu.memory_space<hbm>>
      tpu.wait_dma2 semaphore(%run_scoped3A : memref<!tpu.dma_semaphore, #tpu.memory_space<semaphore_mem>>) src(%dma_wait3A_270 : memref<80x128xi32, #tpu.memory_space<hbm>>) dst(%arg7 : memref<80x128xi32, #tpu.memory_space<vmem>>)
      tpu.yield
    }) : () -> ()
    "tpu.region"() ({
      %run_scoped3A = tpu.sem_alloc : memref<!tpu.dma_semaphore, #tpu.memory_space<semaphore_mem>>
      %dma_start3A_255 = arith.constant 0 : i32
      %dma_start3A_256 = arith.constant 0 : i32
      %dma_start3A_257 = tpu.memref_slice %arg4[%add3A, %dma_start3A_255, %dma_start3A_256] : memref<32x80x128xi32, #tpu.memory_space<hbm>> -> memref<1x80x128xi32, #tpu.memory_space<hbm>>
      %dma_start3A_258 = tpu.memref_squeeze %dma_start3A_257 : memref<1x80x128xi32, #tpu.memory_space<hbm>> -> memref<80x128xi32, #tpu.memory_space<hbm>>
      %dma_start3A_259 = arith.constant 0 : i32
      %dma_start3A_260 = arith.constant 0 : i32
      %dma_start3A_261 = tpu.memref_slice %arg4[%add3A, %dma_start3A_259, %dma_start3A_260] : memref<32x80x128xi32, #tpu.memory_space<hbm>> -> memref<1x80x128xi32, #tpu.memory_space<hbm>>
      %dma_start3A_262 = tpu.memref_squeeze %dma_start3A_261 : memref<1x80x128xi32, #tpu.memory_space<hbm>> -> memref<80x128xi32, #tpu.memory_space<hbm>>
      tpu.enqueue_dma source(%dma_start3A_262 : memref<80x128xi32, #tpu.memory_space<hbm>>) target(%arg8 : memref<80x128xi32, #tpu.memory_space<vmem>>) target_semaphore(%run_scoped3A : memref<!tpu.dma_semaphore, #tpu.memory_space<semaphore_mem>>)
      %dma_wait3A_263 = arith.constant 0 : i32
      %dma_wait3A_264 = arith.constant 0 : i32
      %dma_wait3A_265 = tpu.memref_slice %arg4[%add3A, %dma_wait3A_263, %dma_wait3A_264] : memref<32x80x128xi32, #tpu.memory_space<hbm>> -> memref<1x80x128xi32, #tpu.memory_space<hbm>>
      %dma_wait3A_266 = tpu.memref_squeeze %dma_wait3A_265 : memref<1x80x128xi32, #tpu.memory_space<hbm>> -> memref<80x128xi32, #tpu.memory_space<hbm>>
      %dma_wait3A_267 = arith.constant 0 : i32
      %dma_wait3A_268 = arith.constant 0 : i32
      %dma_wait3A_269 = tpu.memref_slice %arg4[%add3A, %dma_wait3A_267, %dma_wait3A_268] : memref<32x80x128xi32, #tpu.memory_space<hbm>> -> memref<1x80x128xi32, #tpu.memory_space<hbm>>
      %dma_wait3A_270 = tpu.memref_squeeze %dma_wait3A_269 : memref<1x80x128xi32, #tpu.memory_space<hbm>> -> memref<80x128xi32, #tpu.memory_space<hbm>>
      tpu.wait_dma2 semaphore(%run_scoped3A : memref<!tpu.dma_semaphore, #tpu.memory_space<semaphore_mem>>) src(%dma_wait3A_270 : memref<80x128xi32, #tpu.memory_space<hbm>>) dst(%arg8 : memref<80x128xi32, #tpu.memory_space<vmem>>)
      tpu.yield
    }) : () -> ()
    %dma_start3A = arith.constant 0 : i32
    %dma_start3A_1 = arith.constant 0 : i32
    %dma_start3A_2 = tpu.memref_slice %arg7[%dma_start3A, %dma_start3A_1] : memref<80x128xi32, #tpu.memory_space<vmem>> -> memref<1x128xi32, #tpu.memory_space<vmem>>
    %dma_start3A_3 = tpu.memref_squeeze %dma_start3A_2 : memref<1x128xi32, #tpu.memory_space<vmem>> -> memref<128xi32, #tpu.memory_space<vmem>>
    %dma_start3A_4 = arith.constant 0 : i32
    %dma_start3A_5 = arith.constant 0 : i32
    %dma_start3A_6 = tpu.memref_slice %arg2[%dma_start3A_4, %dma_start3A_5] : memref<10240x64xf32, #tpu.memory_space<hbm>> -> memref<10240x64xf32, #tpu.memory_space<hbm>>
    tpu.enqueue_indirect_dma source(%dma_start3A_6 : memref<10240x64xf32, #tpu.memory_space<hbm>>) target(%arg9 : memref<128x64xf32, #tpu.memory_space<vmem>>) offsets(%dma_start3A_3 : memref<128xi32, #tpu.memory_space<vmem>>) semaphore(%arg18 : memref<!tpu.dma_semaphore, #tpu.memory_space<semaphore_mem>>)
    %dma_start3A_7 = arith.constant 1 : i32
    %dma_start3A_8 = arith.constant 0 : i32
    %dma_start3A_9 = tpu.memref_slice %arg7[%dma_start3A_7, %dma_start3A_8] : memref<80x128xi32, #tpu.memory_space<vmem>> -> memref<1x128xi32, #tpu.memory_space<vmem>>
    %dma_start3A_10 = tpu.memref_squeeze %dma_start3A_9 : memref<1x128xi32, #tpu.memory_space<vmem>> -> memref<128xi32, #tpu.memory_space<vmem>>
    %dma_start3A_11 = arith.constant 0 : i32
    %dma_start3A_12 = arith.constant 0 : i32
    %dma_start3A_13 = tpu.memref_slice %arg2[%dma_start3A_11, %dma_start3A_12] : memref<10240x64xf32, #tpu.memory_space<hbm>> -> memref<10240x64xf32, #tpu.memory_space<hbm>>
    tpu.enqueue_indirect_dma source(%dma_start3A_13 : memref<10240x64xf32, #tpu.memory_space<hbm>>) target(%arg10 : memref<128x64xf32, #tpu.memory_space<vmem>>) offsets(%dma_start3A_10 : memref<128xi32, #tpu.memory_space<vmem>>) semaphore(%arg18 : memref<!tpu.dma_semaphore, #tpu.memory_space<semaphore_mem>>)
    %dma_start3A_14 = arith.constant 2 : i32
    %dma_start3A_15 = arith.constant 0 : i32
    %dma_start3A_16 = tpu.memref_slice %arg7[%dma_start3A_14, %dma_start3A_15] : memref<80x128xi32, #tpu.memory_space<vmem>> -> memref<1x128xi32, #tpu.memory_space<vmem>>
    %dma_start3A_17 = tpu.memref_squeeze %dma_start3A_16 : memref<1x128xi32, #tpu.memory_space<vmem>> -> memref<128xi32, #tpu.memory_space<vmem>>
    %dma_start3A_18 = arith.constant 0 : i32
    %dma_start3A_19 = arith.constant 0 : i32
    %dma_start3A_20 = tpu.memref_slice %arg2[%dma_start3A_18, %dma_start3A_19] : memref<10240x64xf32, #tpu.memory_space<hbm>> -> memref<10240x64xf32, #tpu.memory_space<hbm>>
    tpu.enqueue_indirect_dma source(%dma_start3A_20 : memref<10240x64xf32, #tpu.memory_space<hbm>>) target(%arg11 : memref<128x64xf32, #tpu.memory_space<vmem>>) offsets(%dma_start3A_17 : memref<128xi32, #tpu.memory_space<vmem>>) semaphore(%arg19 : memref<!tpu.dma_semaphore, #tpu.memory_space<semaphore_mem>>)
    %dma_start3A_21 = arith.constant 3 : i32
    %dma_start3A_22 = arith.constant 0 : i32
    %dma_start3A_23 = tpu.memref_slice %arg7[%dma_start3A_21, %dma_start3A_22] : memref<80x128xi32, #tpu.memory_space<vmem>> -> memref<1x128xi32, #tpu.memory_space<vmem>>
    %dma_start3A_24 = tpu.memref_squeeze %dma_start3A_23 : memref<1x128xi32, #tpu.memory_space<vmem>> -> memref<128xi32, #tpu.memory_space<vmem>>
    %dma_start3A_25 = arith.constant 0 : i32
    %dma_start3A_26 = arith.constant 0 : i32
    %dma_start3A_27 = tpu.memref_slice %arg2[%dma_start3A_25, %dma_start3A_26] : memref<10240x64xf32, #tpu.memory_space<hbm>> -> memref<10240x64xf32, #tpu.memory_space<hbm>>
    tpu.enqueue_indirect_dma source(%dma_start3A_27 : memref<10240x64xf32, #tpu.memory_space<hbm>>) target(%arg12 : memref<128x64xf32, #tpu.memory_space<vmem>>) offsets(%dma_start3A_24 : memref<128xi32, #tpu.memory_space<vmem>>) semaphore(%arg19 : memref<!tpu.dma_semaphore, #tpu.memory_space<semaphore_mem>>)
    %dma_start3A_28 = arith.constant 4 : i32
    %dma_start3A_29 = arith.constant 0 : i32
    %dma_start3A_30 = tpu.memref_slice %arg7[%dma_start3A_28, %dma_start3A_29] : memref<80x128xi32, #tpu.memory_space<vmem>> -> memref<1x128xi32, #tpu.memory_space<vmem>>
    %dma_start3A_31 = tpu.memref_squeeze %dma_start3A_30 : memref<1x128xi32, #tpu.memory_space<vmem>> -> memref<128xi32, #tpu.memory_space<vmem>>
    %dma_start3A_32 = arith.constant 0 : i32
    %dma_start3A_33 = arith.constant 0 : i32
    %dma_start3A_34 = tpu.memref_slice %arg2[%dma_start3A_32, %dma_start3A_33] : memref<10240x64xf32, #tpu.memory_space<hbm>> -> memref<10240x64xf32, #tpu.memory_space<hbm>>
    tpu.enqueue_indirect_dma source(%dma_start3A_34 : memref<10240x64xf32, #tpu.memory_space<hbm>>) target(%arg13 : memref<128x64xf32, #tpu.memory_space<vmem>>) offsets(%dma_start3A_31 : memref<128xi32, #tpu.memory_space<vmem>>) semaphore(%arg20 : memref<!tpu.dma_semaphore, #tpu.memory_space<semaphore_mem>>)
    %dma_start3A_35 = arith.constant 5 : i32
    %dma_start3A_36 = arith.constant 0 : i32
    %dma_start3A_37 = tpu.memref_slice %arg7[%dma_start3A_35, %dma_start3A_36] : memref<80x128xi32, #tpu.memory_space<vmem>> -> memref<1x128xi32, #tpu.memory_space<vmem>>
    %dma_start3A_38 = tpu.memref_squeeze %dma_start3A_37 : memref<1x128xi32, #tpu.memory_space<vmem>> -> memref<128xi32, #tpu.memory_space<vmem>>
    %dma_start3A_39 = arith.constant 0 : i32
    %dma_start3A_40 = arith.constant 0 : i32
    %dma_start3A_41 = tpu.memref_slice %arg2[%dma_start3A_39, %dma_start3A_40] : memref<10240x64xf32, #tpu.memory_space<hbm>> -> memref<10240x64xf32, #tpu.memory_space<hbm>>
    tpu.enqueue_indirect_dma source(%dma_start3A_41 : memref<10240x64xf32, #tpu.memory_space<hbm>>) target(%arg14 : memref<128x64xf32, #tpu.memory_space<vmem>>) offsets(%dma_start3A_38 : memref<128xi32, #tpu.memory_space<vmem>>) semaphore(%arg20 : memref<!tpu.dma_semaphore, #tpu.memory_space<semaphore_mem>>)
    %broadcast_in_dim3A = arith.constant 0.000000e+00 : f32
    %broadcast_in_dim3A_42 = vector.broadcast %broadcast_in_dim3A : f32 to vector<16xf32>
    %scan3A = arith.constant 0 : i32
    %scan3A_43 = arith.constant 0 : i32
    %scan3A_44 = arith.constant 512 : i32
    %scan3A_45 = arith.addi %scan3A_43, %scan3A_44 : i32
    %scan3A_46 = arith.constant 1 : i32
    scf.for %scan3A_255 = %scan3A_43 to %scan3A_45 step %scan3A_46  : i32 {
      %jit3A = arith.constant 4 : i32
      %div3A = arith.divsi %scan3A_255, %jit3A : i32
      %sign3A = arith.constant 0 : i32
      %sign3A_256 = arith.cmpi sgt, %scan3A_255, %sign3A : i32
      %sign3A_257 = arith.extui %sign3A_256 : i1 to i32
      %sign3A_258 = arith.constant 0 : i32
      %sign3A_259 = arith.cmpi slt, %scan3A_255, %sign3A_258 : i32
      %sign3A_260 = arith.extui %sign3A_259 : i1 to i32
      %sign3A_261 = arith.subi %sign3A_257, %sign3A_260 : i32
      %sign3A_262 = arith.constant 0 : i32
      %sign3A_263 = arith.cmpi sgt, %jit3A, %sign3A_262 : i32
      %sign3A_264 = arith.extui %sign3A_263 : i1 to i32
      %sign3A_265 = arith.constant 0 : i32
      %sign3A_266 = arith.cmpi slt, %jit3A, %sign3A_265 : i32
      %sign3A_267 = arith.extui %sign3A_266 : i1 to i32
      %sign3A_268 = arith.subi %sign3A_264, %sign3A_267 : i32
      %ne3A = arith.cmpi ne, %sign3A_261, %sign3A_268 : i32
      %rem3A = arith.remsi %scan3A_255, %jit3A : i32
      %ne3A_269 = arith.constant 0 : i32
      %ne3A_270 = arith.cmpi ne, %rem3A, %ne3A_269 : i32
      %and3A = arith.andi %ne3A, %ne3A_270 : i1
      %sub3A = arith.constant 1 : i32
      %sub3A_271 = arith.subi %div3A, %sub3A : i32
      %select_n3A = arith.select %and3A, %sub3A_271, %div3A : i32
      %jit3A_272 = arith.constant 4 : i32
      %eq3A_273 = arith.constant 0 : i32
      %eq3A_274 = arith.cmpi eq, %jit3A_272, %eq3A_273 : i32
      %jit3A_275 = arith.constant 1 : i32
      %select_n3A_276 = arith.select %eq3A_274, %jit3A_275, %jit3A_272 : i32
      %rem3A_277 = arith.remsi %scan3A_255, %select_n3A_276 : i32
      %ne3A_278 = arith.constant 0 : i32
      %ne3A_279 = arith.cmpi ne, %rem3A_277, %ne3A_278 : i32
      %lt3A = arith.constant 0 : i32
      %lt3A_280 = arith.cmpi slt, %rem3A_277, %lt3A : i32
      %lt3A_281 = arith.constant 0 : i32
      %lt3A_282 = arith.cmpi slt, %select_n3A_276, %lt3A_281 : i32
      %ne3A_283 = arith.xori %lt3A_280, %lt3A_282 : i1
      %and3A_284 = arith.andi %ne3A_283, %ne3A_279 : i1
      %add3A_285 = arith.addi %rem3A_277, %select_n3A_276 : i32
      %select_n3A_286 = arith.select %and3A_284, %add3A_285, %rem3A_277 : i32
      %mul3A_287 = arith.constant 16 : i32
      %mul3A_288 = arith.muli %select_n3A_286, %mul3A_287 : i32
      %swap3A = arith.index_cast %select_n3A : i32 to index
      %swap3A_289 = arith.index_cast %mul3A_288 : i32 to index
      %swap3A_290 = tpu.vector_load %arg16[%swap3A, %swap3A_289] {strides = array<i32>} : memref<128x64xf32, #tpu.memory_space<vmem>>, vector<1x16xf32>,
      %swap3A_291 = vector.shape_cast %swap3A_290 : vector<1x16xf32> to vector<16xf32>
      %swap3A_292 = vector.shape_cast %broadcast_in_dim3A_42 : vector<16xf32> to vector<1x16xf32>
      tpu.vector_store %arg16[%swap3A, %swap3A_289], %swap3A_292 {strides = array<i32>} : memref<128x64xf32, #tpu.memory_space<vmem>>, vector<1x16xf32>,
    }
    %scan3A_47 = arith.constant 512 : i32
    %mul3A_48 = arith.constant 640 : i32
    %mul3A_49 = arith.muli %arg1, %mul3A_48 : i32
    %add3A_50 = arith.constant 0 : i32
    %add3A_51 = arith.addi %mul3A_49, %add3A_50 : i32
    "tpu.region"() ({
      %run_scoped3A = tpu.sem_alloc : memref<!tpu.dma_semaphore, #tpu.memory_space<semaphore_mem>>
      %dma_start3A_255 = arith.constant 0 : i32
      %dma_start3A_256 = tpu.memref_slice %arg17[%add3A_51, %dma_start3A_255] : memref<10240x64xf32, #tpu.memory_space<vmem_shared>> -> memref<128x64xf32, #tpu.memory_space<vmem_shared>>
      %dma_start3A_257 = arith.constant 0 : i32
      %dma_start3A_258 = tpu.memref_slice %arg17[%add3A_51, %dma_start3A_257] : memref<10240x64xf32, #tpu.memory_space<vmem_shared>> -> memref<128x64xf32, #tpu.memory_space<vmem_shared>>
      tpu.enqueue_dma source(%arg16 : memref<128x64xf32, #tpu.memory_space<vmem>>) target(%dma_start3A_258 : memref<128x64xf32, #tpu.memory_space<vmem_shared>>) target_semaphore(%run_scoped3A : memref<!tpu.dma_semaphore, #tpu.memory_space<semaphore_mem>>)
      %dma_wait3A_259 = arith.constant 0 : i32
      %dma_wait3A_260 = tpu.memref_slice %arg17[%add3A_51, %dma_wait3A_259] : memref<10240x64xf32, #tpu.memory_space<vmem_shared>> -> memref<128x64xf32, #tpu.memory_space<vmem_shared>>
      %dma_wait3A_261 = arith.constant 0 : i32
      %dma_wait3A_262 = tpu.memref_slice %arg17[%add3A_51, %dma_wait3A_261] : memref<10240x64xf32, #tpu.memory_space<vmem_shared>> -> memref<128x64xf32, #tpu.memory_space<vmem_shared>>
      tpu.wait_dma2 semaphore(%run_scoped3A : memref<!tpu.dma_semaphore, #tpu.memory_space<semaphore_mem>>) src(%arg16 : memref<128x64xf32, #tpu.memory_space<vmem>>) dst(%dma_wait3A_262 : memref<128x64xf32, #tpu.memory_space<vmem_shared>>)
      tpu.yield
    }) : () -> ()
    %add3A_52 = arith.constant 128 : i32
    %add3A_53 = arith.addi %mul3A_49, %add3A_52 : i32
    "tpu.region"() ({
      %run_scoped3A = tpu.sem_alloc : memref<!tpu.dma_semaphore, #tpu.memory_space<semaphore_mem>>
      %dma_start3A_255 = arith.constant 0 : i32
      %dma_start3A_256 = tpu.memref_slice %arg17[%add3A_53, %dma_start3A_255] : memref<10240x64xf32, #tpu.memory_space<vmem_shared>> -> memref<128x64xf32, #tpu.memory_space<vmem_shared>>
      %dma_start3A_257 = arith.constant 0 : i32
      %dma_start3A_258 = tpu.memref_slice %arg17[%add3A_53, %dma_start3A_257] : memref<10240x64xf32, #tpu.memory_space<vmem_shared>> -> memref<128x64xf32, #tpu.memory_space<vmem_shared>>
      tpu.enqueue_dma source(%arg16 : memref<128x64xf32, #tpu.memory_space<vmem>>) target(%dma_start3A_258 : memref<128x64xf32, #tpu.memory_space<vmem_shared>>) target_semaphore(%run_scoped3A : memref<!tpu.dma_semaphore, #tpu.memory_space<semaphore_mem>>)
      %dma_wait3A_259 = arith.constant 0 : i32
      %dma_wait3A_260 = tpu.memref_slice %arg17[%add3A_53, %dma_wait3A_259] : memref<10240x64xf32, #tpu.memory_space<vmem_shared>> -> memref<128x64xf32, #tpu.memory_space<vmem_shared>>
      %dma_wait3A_261 = arith.constant 0 : i32
      %dma_wait3A_262 = tpu.memref_slice %arg17[%add3A_53, %dma_wait3A_261] : memref<10240x64xf32, #tpu.memory_space<vmem_shared>> -> memref<128x64xf32, #tpu.memory_space<vmem_shared>>
      tpu.wait_dma2 semaphore(%run_scoped3A : memref<!tpu.dma_semaphore, #tpu.memory_space<semaphore_mem>>) src(%arg16 : memref<128x64xf32, #tpu.memory_space<vmem>>) dst(%dma_wait3A_262 : memref<128x64xf32, #tpu.memory_space<vmem_shared>>)
      tpu.yield
    }) : () -> ()
    %add3A_54 = arith.constant 256 : i32
    %add3A_55 = arith.addi %mul3A_49, %add3A_54 : i32
    "tpu.region"() ({
      %run_scoped3A = tpu.sem_alloc : memref<!tpu.dma_semaphore, #tpu.memory_space<semaphore_mem>>
      %dma_start3A_255 = arith.constant 0 : i32
      %dma_start3A_256 = tpu.memref_slice %arg17[%add3A_55, %dma_start3A_255] : memref<10240x64xf32, #tpu.memory_space<vmem_shared>> -> memref<128x64xf32, #tpu.memory_space<vmem_shared>>
      %dma_start3A_257 = arith.constant 0 : i32
      %dma_start3A_258 = tpu.memref_slice %arg17[%add3A_55, %dma_start3A_257] : memref<10240x64xf32, #tpu.memory_space<vmem_shared>> -> memref<128x64xf32, #tpu.memory_space<vmem_shared>>
      tpu.enqueue_dma source(%arg16 : memref<128x64xf32, #tpu.memory_space<vmem>>) target(%dma_start3A_258 : memref<128x64xf32, #tpu.memory_space<vmem_shared>>) target_semaphore(%run_scoped3A : memref<!tpu.dma_semaphore, #tpu.memory_space<semaphore_mem>>)
      %dma_wait3A_259 = arith.constant 0 : i32
      %dma_wait3A_260 = tpu.memref_slice %arg17[%add3A_55, %dma_wait3A_259] : memref<10240x64xf32, #tpu.memory_space<vmem_shared>> -> memref<128x64xf32, #tpu.memory_space<vmem_shared>>
      %dma_wait3A_261 = arith.constant 0 : i32
      %dma_wait3A_262 = tpu.memref_slice %arg17[%add3A_55, %dma_wait3A_261] : memref<10240x64xf32, #tpu.memory_space<vmem_shared>> -> memref<128x64xf32, #tpu.memory_space<vmem_shared>>
      tpu.wait_dma2 semaphore(%run_scoped3A : memref<!tpu.dma_semaphore, #tpu.memory_space<semaphore_mem>>) src(%arg16 : memref<128x64xf32, #tpu.memory_space<vmem>>) dst(%dma_wait3A_262 : memref<128x64xf32, #tpu.memory_space<vmem_shared>>)
      tpu.yield
    }) : () -> ()
    %add3A_56 = arith.constant 384 : i32
    %add3A_57 = arith.addi %mul3A_49, %add3A_56 : i32
    "tpu.region"() ({
      %run_scoped3A = tpu.sem_alloc : memref<!tpu.dma_semaphore, #tpu.memory_space<semaphore_mem>>
      %dma_start3A_255 = arith.constant 0 : i32
      %dma_start3A_256 = tpu.memref_slice %arg17[%add3A_57, %dma_start3A_255] : memref<10240x64xf32, #tpu.memory_space<vmem_shared>> -> memref<128x64xf32, #tpu.memory_space<vmem_shared>>
      %dma_start3A_257 = arith.constant 0 : i32
      %dma_start3A_258 = tpu.memref_slice %arg17[%add3A_57, %dma_start3A_257] : memref<10240x64xf32, #tpu.memory_space<vmem_shared>> -> memref<128x64xf32, #tpu.memory_space<vmem_shared>>
      tpu.enqueue_dma source(%arg16 : memref<128x64xf32, #tpu.memory_space<vmem>>) target(%dma_start3A_258 : memref<128x64xf32, #tpu.memory_space<vmem_shared>>) target_semaphore(%run_scoped3A : memref<!tpu.dma_semaphore, #tpu.memory_space<semaphore_mem>>)
      %dma_wait3A_259 = arith.constant 0 : i32
      %dma_wait3A_260 = tpu.memref_slice %arg17[%add3A_57, %dma_wait3A_259] : memref<10240x64xf32, #tpu.memory_space<vmem_shared>> -> memref<128x64xf32, #tpu.memory_space<vmem_shared>>
      %dma_wait3A_261 = arith.constant 0 : i32
      %dma_wait3A_262 = tpu.memref_slice %arg17[%add3A_57, %dma_wait3A_261] : memref<10240x64xf32, #tpu.memory_space<vmem_shared>> -> memref<128x64xf32, #tpu.memory_space<vmem_shared>>
      tpu.wait_dma2 semaphore(%run_scoped3A : memref<!tpu.dma_semaphore, #tpu.memory_space<semaphore_mem>>) src(%arg16 : memref<128x64xf32, #tpu.memory_space<vmem>>) dst(%dma_wait3A_262 : memref<128x64xf32, #tpu.memory_space<vmem_shared>>)
      tpu.yield
    }) : () -> ()
    %add3A_58 = arith.constant 512 : i32
    %add3A_59 = arith.addi %mul3A_49, %add3A_58 : i32
    "tpu.region"() ({
      %run_scoped3A = tpu.sem_alloc : memref<!tpu.dma_semaphore, #tpu.memory_space<semaphore_mem>>
      %dma_start3A_255 = arith.constant 0 : i32
      %dma_start3A_256 = tpu.memref_slice %arg17[%add3A_59, %dma_start3A_255] : memref<10240x64xf32, #tpu.memory_space<vmem_shared>> -> memref<128x64xf32, #tpu.memory_space<vmem_shared>>
      %dma_start3A_257 = arith.constant 0 : i32
      %dma_start3A_258 = tpu.memref_slice %arg17[%add3A_59, %dma_start3A_257] : memref<10240x64xf32, #tpu.memory_space<vmem_shared>> -> memref<128x64xf32, #tpu.memory_space<vmem_shared>>
      tpu.enqueue_dma source(%arg16 : memref<128x64xf32, #tpu.memory_space<vmem>>) target(%dma_start3A_258 : memref<128x64xf32, #tpu.memory_space<vmem_shared>>) target_semaphore(%run_scoped3A : memref<!tpu.dma_semaphore, #tpu.memory_space<semaphore_mem>>)
      %dma_wait3A_259 = arith.constant 0 : i32
      %dma_wait3A_260 = tpu.memref_slice %arg17[%add3A_59, %dma_wait3A_259] : memref<10240x64xf32, #tpu.memory_space<vmem_shared>> -> memref<128x64xf32, #tpu.memory_space<vmem_shared>>
      %dma_wait3A_261 = arith.constant 0 : i32
      %dma_wait3A_262 = tpu.memref_slice %arg17[%add3A_59, %dma_wait3A_261] : memref<10240x64xf32, #tpu.memory_space<vmem_shared>> -> memref<128x64xf32, #tpu.memory_space<vmem_shared>>
      tpu.wait_dma2 semaphore(%run_scoped3A : memref<!tpu.dma_semaphore, #tpu.memory_space<semaphore_mem>>) src(%arg16 : memref<128x64xf32, #tpu.memory_space<vmem>>) dst(%dma_wait3A_262 : memref<128x64xf32, #tpu.memory_space<vmem_shared>>)
      tpu.yield
    }) : () -> ()
    %barrier3A = arith.constant 0 : index
    tpu.barrier barrier_id(%barrier3A)
    %dma_wait3A = arith.constant 0 : i32
    %dma_wait3A_60 = arith.constant 0 : i32
    %dma_wait3A_61 = tpu.memref_slice %arg7[%dma_wait3A, %dma_wait3A_60] : memref<80x128xi32, #tpu.memory_space<vmem>> -> memref<1x128xi32, #tpu.memory_space<vmem>>
    %dma_wait3A_62 = tpu.memref_squeeze %dma_wait3A_61 : memref<1x128xi32, #tpu.memory_space<vmem>> -> memref<128xi32, #tpu.memory_space<vmem>>
    %dma_wait3A_63 = arith.constant 0 : i32
    %dma_wait3A_64 = arith.constant 0 : i32
    %dma_wait3A_65 = tpu.memref_slice %arg2[%dma_wait3A_63, %dma_wait3A_64] : memref<10240x64xf32, #tpu.memory_space<hbm>> -> memref<10240x64xf32, #tpu.memory_space<hbm>>
    tpu.wait_indirect_dma semaphore(%arg18 : memref<!tpu.dma_semaphore, #tpu.memory_space<semaphore_mem>>) src(%dma_wait3A_65 : memref<10240x64xf32, #tpu.memory_space<hbm>>) dst(%arg9 : memref<128x64xf32, #tpu.memory_space<vmem>>)
    %dma_wait3A_66 = arith.constant 1 : i32
    %dma_wait3A_67 = arith.constant 0 : i32
    %dma_wait3A_68 = tpu.memref_slice %arg7[%dma_wait3A_66, %dma_wait3A_67] : memref<80x128xi32, #tpu.memory_space<vmem>> -> memref<1x128xi32, #tpu.memory_space<vmem>>
    %dma_wait3A_69 = tpu.memref_squeeze %dma_wait3A_68 : memref<1x128xi32, #tpu.memory_space<vmem>> -> memref<128xi32, #tpu.memory_space<vmem>>
    %dma_wait3A_70 = arith.constant 0 : i32
    %dma_wait3A_71 = arith.constant 0 : i32
    %dma_wait3A_72 = tpu.memref_slice %arg2[%dma_wait3A_70, %dma_wait3A_71] : memref<10240x64xf32, #tpu.memory_space<hbm>> -> memref<10240x64xf32, #tpu.memory_space<hbm>>
    tpu.wait_indirect_dma semaphore(%arg18 : memref<!tpu.dma_semaphore, #tpu.memory_space<semaphore_mem>>) src(%dma_wait3A_72 : memref<10240x64xf32, #tpu.memory_space<hbm>>) dst(%arg10 : memref<128x64xf32, #tpu.memory_space<vmem>>)
    %dma_start3A_73 = arith.constant 0 : i32
    %dma_start3A_74 = arith.constant 0 : i32
    %dma_start3A_75 = tpu.memref_slice %arg8[%dma_start3A_73, %dma_start3A_74] : memref<80x128xi32, #tpu.memory_space<vmem>> -> memref<1x128xi32, #tpu.memory_space<vmem>>
    %dma_start3A_76 = tpu.memref_squeeze %dma_start3A_75 : memref<1x128xi32, #tpu.memory_space<vmem>> -> memref<128xi32, #tpu.memory_space<vmem>>
    %dma_start3A_77 = arith.constant 0 : i32
    %dma_start3A_78 = arith.constant 0 : i32
    %dma_start3A_79 = tpu.memref_slice %arg17[%dma_start3A_77, %dma_start3A_78] : memref<10240x64xf32, #tpu.memory_space<vmem_shared>> -> memref<10240x64xf32, #tpu.memory_space<vmem_shared>>
    tpu.enqueue_indirect_dma source(%arg9 : memref<128x64xf32, #tpu.memory_space<vmem>>) target(%dma_start3A_79 : memref<10240x64xf32, #tpu.memory_space<vmem_shared>>) offsets(%dma_start3A_76 : memref<128xi32, #tpu.memory_space<vmem>>) semaphore(%arg22 : memref<!tpu.dma_semaphore, #tpu.memory_space<semaphore_mem>>) {add = true}
    %dma_start3A_80 = arith.constant 1 : i32
    %dma_start3A_81 = arith.constant 0 : i32
    %dma_start3A_82 = tpu.memref_slice %arg8[%dma_start3A_80, %dma_start3A_81] : memref<80x128xi32, #tpu.memory_space<vmem>> -> memref<1x128xi32, #tpu.memory_space<vmem>>
    %dma_start3A_83 = tpu.memref_squeeze %dma_start3A_82 : memref<1x128xi32, #tpu.memory_space<vmem>> -> memref<128xi32, #tpu.memory_space<vmem>>
    %dma_start3A_84 = arith.constant 0 : i32
    %dma_start3A_85 = arith.constant 0 : i32
    %dma_start3A_86 = tpu.memref_slice %arg17[%dma_start3A_84, %dma_start3A_85] : memref<10240x64xf32, #tpu.memory_space<vmem_shared>> -> memref<10240x64xf32, #tpu.memory_space<vmem_shared>>
    tpu.enqueue_indirect_dma source(%arg10 : memref<128x64xf32, #tpu.memory_space<vmem>>) target(%dma_start3A_86 : memref<10240x64xf32, #tpu.memory_space<vmem_shared>>) offsets(%dma_start3A_83 : memref<128xi32, #tpu.memory_space<vmem>>) semaphore(%arg22 : memref<!tpu.dma_semaphore, #tpu.memory_space<semaphore_mem>>) {add = true}
    %dma_start3A_87 = arith.constant 6 : i32
    %dma_start3A_88 = arith.constant 0 : i32
    %dma_start3A_89 = tpu.memref_slice %arg7[%dma_start3A_87, %dma_start3A_88] : memref<80x128xi32, #tpu.memory_space<vmem>> -> memref<1x128xi32, #tpu.memory_space<vmem>>
    %dma_start3A_90 = tpu.memref_squeeze %dma_start3A_89 : memref<1x128xi32, #tpu.memory_space<vmem>> -> memref<128xi32, #tpu.memory_space<vmem>>
    %dma_start3A_91 = arith.constant 0 : i32
    %dma_start3A_92 = arith.constant 0 : i32
    %dma_start3A_93 = tpu.memref_slice %arg2[%dma_start3A_91, %dma_start3A_92] : memref<10240x64xf32, #tpu.memory_space<hbm>> -> memref<10240x64xf32, #tpu.memory_space<hbm>>
    tpu.enqueue_indirect_dma source(%dma_start3A_93 : memref<10240x64xf32, #tpu.memory_space<hbm>>) target(%arg15 : memref<128x64xf32, #tpu.memory_space<vmem>>) offsets(%dma_start3A_90 : memref<128xi32, #tpu.memory_space<vmem>>) semaphore(%arg21 : memref<!tpu.dma_semaphore, #tpu.memory_space<semaphore_mem>>)
    %dma_start3A_94 = arith.constant 7 : i32
    %dma_start3A_95 = arith.constant 0 : i32
    %dma_start3A_96 = tpu.memref_slice %arg7[%dma_start3A_94, %dma_start3A_95] : memref<80x128xi32, #tpu.memory_space<vmem>> -> memref<1x128xi32, #tpu.memory_space<vmem>>
    %dma_start3A_97 = tpu.memref_squeeze %dma_start3A_96 : memref<1x128xi32, #tpu.memory_space<vmem>> -> memref<128xi32, #tpu.memory_space<vmem>>
    %dma_start3A_98 = arith.constant 0 : i32
    %dma_start3A_99 = arith.constant 0 : i32
    %dma_start3A_100 = tpu.memref_slice %arg2[%dma_start3A_98, %dma_start3A_99] : memref<10240x64xf32, #tpu.memory_space<hbm>> -> memref<10240x64xf32, #tpu.memory_space<hbm>>
    tpu.enqueue_indirect_dma source(%dma_start3A_100 : memref<10240x64xf32, #tpu.memory_space<hbm>>) target(%arg16 : memref<128x64xf32, #tpu.memory_space<vmem>>) offsets(%dma_start3A_97 : memref<128xi32, #tpu.memory_space<vmem>>) semaphore(%arg21 : memref<!tpu.dma_semaphore, #tpu.memory_space<semaphore_mem>>)
    %scan3A_101 = arith.constant 0 : i32
    %scan3A_102 = arith.constant 0 : i32
    %scan3A_103 = arith.constant 9 : i32
    %scan3A_104 = arith.addi %scan3A_102, %scan3A_103 : i32
    %scan3A_105 = arith.constant 1 : i32
    scf.for %scan3A_255 = %scan3A_102 to %scan3A_104 step %scan3A_105  : i32 {
      %mul3A_256 = arith.constant 4 : i32
      %mul3A_257 = arith.muli %mul3A_256, %scan3A_255 : i32
      %add3A_258 = arith.constant 1 : i32
      %add3A_259 = arith.addi %mul3A_257, %add3A_258 : i32
      %add3A_260 = arith.constant 0 : i32
      %add3A_261 = arith.addi %add3A_259, %add3A_260 : i32
      %mul3A_262 = arith.constant 2 : i32
      %mul3A_263 = arith.muli %add3A_261, %mul3A_262 : i32
      %add3A_264 = arith.constant 0 : i32
      %add3A_265 = arith.addi %mul3A_263, %add3A_264 : i32
      %dma_wait3A_266 = arith.constant 0 : i32
      %dma_wait3A_267 = tpu.memref_slice %arg7[%add3A_265, %dma_wait3A_266] : memref<80x128xi32, #tpu.memory_space<vmem>> -> memref<1x128xi32, #tpu.memory_space<vmem>>
      %dma_wait3A_268 = tpu.memref_squeeze %dma_wait3A_267 : memref<1x128xi32, #tpu.memory_space<vmem>> -> memref<128xi32, #tpu.memory_space<vmem>>
      %dma_wait3A_269 = arith.constant 0 : i32
      %dma_wait3A_270 = arith.constant 0 : i32
      %dma_wait3A_271 = tpu.memref_slice %arg2[%dma_wait3A_269, %dma_wait3A_270] : memref<10240x64xf32, #tpu.memory_space<hbm>> -> memref<10240x64xf32, #tpu.memory_space<hbm>>
      tpu.wait_indirect_dma semaphore(%arg19 : memref<!tpu.dma_semaphore, #tpu.memory_space<semaphore_mem>>) src(%dma_wait3A_271 : memref<10240x64xf32, #tpu.memory_space<hbm>>) dst(%arg11 : memref<128x64xf32, #tpu.memory_space<vmem>>)
      %mul3A_272 = arith.constant 2 : i32
      %mul3A_273 = arith.muli %add3A_261, %mul3A_272 : i32
      %add3A_274 = arith.constant 1 : i32
      %add3A_275 = arith.addi %mul3A_273, %add3A_274 : i32
      %dma_wait3A_276 = arith.constant 0 : i32
      %dma_wait3A_277 = tpu.memref_slice %arg7[%add3A_275, %dma_wait3A_276] : memref<80x128xi32, #tpu.memory_space<vmem>> -> memref<1x128xi32, #tpu.memory_space<vmem>>
      %dma_wait3A_278 = tpu.memref_squeeze %dma_wait3A_277 : memref<1x128xi32, #tpu.memory_space<vmem>> -> memref<128xi32, #tpu.memory_space<vmem>>
      %dma_wait3A_279 = arith.constant 0 : i32
      %dma_wait3A_280 = arith.constant 0 : i32
      %dma_wait3A_281 = tpu.memref_slice %arg2[%dma_wait3A_279, %dma_wait3A_280] : memref<10240x64xf32, #tpu.memory_space<hbm>> -> memref<10240x64xf32, #tpu.memory_space<hbm>>
      tpu.wait_indirect_dma semaphore(%arg19 : memref<!tpu.dma_semaphore, #tpu.memory_space<semaphore_mem>>) src(%dma_wait3A_281 : memref<10240x64xf32, #tpu.memory_space<hbm>>) dst(%arg12 : memref<128x64xf32, #tpu.memory_space<vmem>>)
      %mul3A_282 = arith.constant 2 : i32
      %mul3A_283 = arith.muli %add3A_261, %mul3A_282 : i32
      %add3A_284 = arith.constant 0 : i32
      %add3A_285 = arith.addi %mul3A_283, %add3A_284 : i32
      %dma_start3A_286 = arith.constant 0 : i32
      %dma_start3A_287 = tpu.memref_slice %arg8[%add3A_285, %dma_start3A_286] : memref<80x128xi32, #tpu.memory_space<vmem>> -> memref<1x128xi32, #tpu.memory_space<vmem>>
      %dma_start3A_288 = tpu.memref_squeeze %dma_start3A_287 : memref<1x128xi32, #tpu.memory_space<vmem>> -> memref<128xi32, #tpu.memory_space<vmem>>
      %dma_start3A_289 = arith.constant 0 : i32
      %dma_start3A_290 = arith.constant 0 : i32
      %dma_start3A_291 = tpu.memref_slice %arg17[%dma_start3A_289, %dma_start3A_290] : memref<10240x64xf32, #tpu.memory_space<vmem_shared>> -> memref<10240x64xf32, #tpu.memory_space<vmem_shared>>
      tpu.enqueue_indirect_dma source(%arg11 : memref<128x64xf32, #tpu.memory_space<vmem>>) target(%dma_start3A_291 : memref<10240x64xf32, #tpu.memory_space<vmem_shared>>) offsets(%dma_start3A_288 : memref<128xi32, #tpu.memory_space<vmem>>) semaphore(%arg23 : memref<!tpu.dma_semaphore, #tpu.memory_space<semaphore_mem>>) {add = true}
      %mul3A_292 = arith.constant 2 : i32
      %mul3A_293 = arith.muli %add3A_261, %mul3A_292 : i32
      %add3A_294 = arith.constant 1 : i32
      %add3A_295 = arith.addi %mul3A_293, %add3A_294 : i32
      %dma_start3A_296 = arith.constant 0 : i32
      %dma_start3A_297 = tpu.memref_slice %arg8[%add3A_295, %dma_start3A_296] : memref<80x128xi32, #tpu.memory_space<vmem>> -> memref<1x128xi32, #tpu.memory_space<vmem>>
      %dma_start3A_298 = tpu.memref_squeeze %dma_start3A_297 : memref<1x128xi32, #tpu.memory_space<vmem>> -> memref<128xi32, #tpu.memory_space<vmem>>
      %dma_start3A_299 = arith.constant 0 : i32
      %dma_start3A_300 = arith.constant 0 : i32
      %dma_start3A_301 = tpu.memref_slice %arg17[%dma_start3A_299, %dma_start3A_300] : memref<10240x64xf32, #tpu.memory_space<vmem_shared>> -> memref<10240x64xf32, #tpu.memory_space<vmem_shared>>
      tpu.enqueue_indirect_dma source(%arg12 : memref<128x64xf32, #tpu.memory_space<vmem>>) target(%dma_start3A_301 : memref<10240x64xf32, #tpu.memory_space<vmem_shared>>) offsets(%dma_start3A_298 : memref<128xi32, #tpu.memory_space<vmem>>) semaphore(%arg23 : memref<!tpu.dma_semaphore, #tpu.memory_space<semaphore_mem>>) {add = true}
      %sub3A = arith.constant 1 : i32
      %sub3A_302 = arith.subi %add3A_261, %sub3A : i32
      %mul3A_303 = arith.constant 2 : i32
      %mul3A_304 = arith.muli %sub3A_302, %mul3A_303 : i32
      %add3A_305 = arith.constant 0 : i32
      %add3A_306 = arith.addi %mul3A_304, %add3A_305 : i32
      %dma_wait3A_307 = arith.constant 0 : i32
      %dma_wait3A_308 = tpu.memref_slice %arg8[%add3A_306, %dma_wait3A_307] : memref<80x128xi32, #tpu.memory_space<vmem>> -> memref<1x128xi32, #tpu.memory_space<vmem>>
      %dma_wait3A_309 = tpu.memref_squeeze %dma_wait3A_308 : memref<1x128xi32, #tpu.memory_space<vmem>> -> memref<128xi32, #tpu.memory_space<vmem>>
      %dma_wait3A_310 = arith.constant 0 : i32
      %dma_wait3A_311 = arith.constant 0 : i32
      %dma_wait3A_312 = tpu.memref_slice %arg17[%dma_wait3A_310, %dma_wait3A_311] : memref<10240x64xf32, #tpu.memory_space<vmem_shared>> -> memref<10240x64xf32, #tpu.memory_space<vmem_shared>>
      tpu.wait_indirect_dma semaphore(%arg22 : memref<!tpu.dma_semaphore, #tpu.memory_space<semaphore_mem>>) src(%arg9 : memref<128x64xf32, #tpu.memory_space<vmem>>) dst(%dma_wait3A_312 : memref<10240x64xf32, #tpu.memory_space<vmem_shared>>)
      %mul3A_313 = arith.constant 2 : i32
      %mul3A_314 = arith.muli %sub3A_302, %mul3A_313 : i32
      %add3A_315 = arith.constant 1 : i32
      %add3A_316 = arith.addi %mul3A_314, %add3A_315 : i32
      %dma_wait3A_317 = arith.constant 0 : i32
      %dma_wait3A_318 = tpu.memref_slice %arg8[%add3A_316, %dma_wait3A_317] : memref<80x128xi32, #tpu.memory_space<vmem>> -> memref<1x128xi32, #tpu.memory_space<vmem>>
      %dma_wait3A_319 = tpu.memref_squeeze %dma_wait3A_318 : memref<1x128xi32, #tpu.memory_space<vmem>> -> memref<128xi32, #tpu.memory_space<vmem>>
      %dma_wait3A_320 = arith.constant 0 : i32
      %dma_wait3A_321 = arith.constant 0 : i32
      %dma_wait3A_322 = tpu.memref_slice %arg17[%dma_wait3A_320, %dma_wait3A_321] : memref<10240x64xf32, #tpu.memory_space<vmem_shared>> -> memref<10240x64xf32, #tpu.memory_space<vmem_shared>>
      tpu.wait_indirect_dma semaphore(%arg22 : memref<!tpu.dma_semaphore, #tpu.memory_space<semaphore_mem>>) src(%arg10 : memref<128x64xf32, #tpu.memory_space<vmem>>) dst(%dma_wait3A_322 : memref<10240x64xf32, #tpu.memory_space<vmem_shared>>)
      %add3A_323 = arith.constant 4 : i32
      %add3A_324 = arith.addi %add3A_261, %add3A_323 : i32
      %sub3A_325 = arith.constant 1 : i32
      %sub3A_326 = arith.subi %add3A_324, %sub3A_325 : i32
      %mul3A_327 = arith.constant 2 : i32
      %mul3A_328 = arith.muli %sub3A_326, %mul3A_327 : i32
      %add3A_329 = arith.constant 0 : i32
      %add3A_330 = arith.addi %mul3A_328, %add3A_329 : i32
      %dma_start3A_331 = arith.constant 0 : i32
      %dma_start3A_332 = tpu.memref_slice %arg7[%add3A_330, %dma_start3A_331] : memref<80x128xi32, #tpu.memory_space<vmem>> -> memref<1x128xi32, #tpu.memory_space<vmem>>
      %dma_start3A_333 = tpu.memref_squeeze %dma_start3A_332 : memref<1x128xi32, #tpu.memory_space<vmem>> -> memref<128xi32, #tpu.memory_space<vmem>>
      %dma_start3A_334 = arith.constant 0 : i32
      %dma_start3A_335 = arith.constant 0 : i32
      %dma_start3A_336 = tpu.memref_slice %arg2[%dma_start3A_334, %dma_start3A_335] : memref<10240x64xf32, #tpu.memory_space<hbm>> -> memref<10240x64xf32, #tpu.memory_space<hbm>>
      tpu.enqueue_indirect_dma source(%dma_start3A_336 : memref<10240x64xf32, #tpu.memory_space<hbm>>) target(%arg9 : memref<128x64xf32, #tpu.memory_space<vmem>>) offsets(%dma_start3A_333 : memref<128xi32, #tpu.memory_space<vmem>>) semaphore(%arg18 : memref<!tpu.dma_semaphore, #tpu.memory_space<semaphore_mem>>)
      %mul3A_337 = arith.constant 2 : i32
      %mul3A_338 = arith.muli %sub3A_326, %mul3A_337 : i32
      %add3A_339 = arith.constant 1 : i32
      %add3A_340 = arith.addi %mul3A_338, %add3A_339 : i32
      %dma_start3A_341 = arith.constant 0 : i32
      %dma_start3A_342 = tpu.memref_slice %arg7[%add3A_340, %dma_start3A_341] : memref<80x128xi32, #tpu.memory_space<vmem>> -> memref<1x128xi32, #tpu.memory_space<vmem>>
      %dma_start3A_343 = tpu.memref_squeeze %dma_start3A_342 : memref<1x128xi32, #tpu.memory_space<vmem>> -> memref<128xi32, #tpu.memory_space<vmem>>
      %dma_start3A_344 = arith.constant 0 : i32
      %dma_start3A_345 = arith.constant 0 : i32
      %dma_start3A_346 = tpu.memref_slice %arg2[%dma_start3A_344, %dma_start3A_345] : memref<10240x64xf32, #tpu.memory_space<hbm>> -> memref<10240x64xf32, #tpu.memory_space<hbm>>
      tpu.enqueue_indirect_dma source(%dma_start3A_346 : memref<10240x64xf32, #tpu.memory_space<hbm>>) target(%arg10 : memref<128x64xf32, #tpu.memory_space<vmem>>) offsets(%dma_start3A_343 : memref<128xi32, #tpu.memory_space<vmem>>) semaphore(%arg18 : memref<!tpu.dma_semaphore, #tpu.memory_space<semaphore_mem>>)
      %add3A_347 = arith.constant 1 : i32
      %add3A_348 = arith.addi %add3A_259, %add3A_347 : i32
      %mul3A_349 = arith.constant 2 : i32
      %mul3A_350 = arith.muli %add3A_348, %mul3A_349 : i32
      %add3A_351 = arith.constant 0 : i32
      %add3A_352 = arith.addi %mul3A_350, %add3A_351 : i32
      %dma_wait3A_353 = arith.constant 0 : i32
      %dma_wait3A_354 = tpu.memref_slice %arg7[%add3A_352, %dma_wait3A_353] : memref<80x128xi32, #tpu.memory_space<vmem>> -> memref<1x128xi32, #tpu.memory_space<vmem>>
      %dma_wait3A_355 = tpu.memref_squeeze %dma_wait3A_354 : memref<1x128xi32, #tpu.memory_space<vmem>> -> memref<128xi32, #tpu.memory_space<vmem>>
      %dma_wait3A_356 = arith.constant 0 : i32
      %dma_wait3A_357 = arith.constant 0 : i32
      %dma_wait3A_358 = tpu.memref_slice %arg2[%dma_wait3A_356, %dma_wait3A_357] : memref<10240x64xf32, #tpu.memory_space<hbm>> -> memref<10240x64xf32, #tpu.memory_space<hbm>>
      tpu.wait_indirect_dma semaphore(%arg20 : memref<!tpu.dma_semaphore, #tpu.memory_space<semaphore_mem>>) src(%dma_wait3A_358 : memref<10240x64xf32, #tpu.memory_space<hbm>>) dst(%arg13 : memref<128x64xf32, #tpu.memory_space<vmem>>)
      %mul3A_359 = arith.constant 2 : i32
      %mul3A_360 = arith.muli %add3A_348, %mul3A_359 : i32
      %add3A_361 = arith.constant 1 : i32
      %add3A_362 = arith.addi %mul3A_360, %add3A_361 : i32
      %dma_wait3A_363 = arith.constant 0 : i32
      %dma_wait3A_364 = tpu.memref_slice %arg7[%add3A_362, %dma_wait3A_363] : memref<80x128xi32, #tpu.memory_space<vmem>> -> memref<1x128xi32, #tpu.memory_space<vmem>>
      %dma_wait3A_365 = tpu.memref_squeeze %dma_wait3A_364 : memref<1x128xi32, #tpu.memory_space<vmem>> -> memref<128xi32, #tpu.memory_space<vmem>>
      %dma_wait3A_366 = arith.constant 0 : i32
      %dma_wait3A_367 = arith.constant 0 : i32
      %dma_wait3A_368 = tpu.memref_slice %arg2[%dma_wait3A_366, %dma_wait3A_367] : memref<10240x64xf32, #tpu.memory_space<hbm>> -> memref<10240x64xf32, #tpu.memory_space<hbm>>
      tpu.wait_indirect_dma semaphore(%arg20 : memref<!tpu.dma_semaphore, #tpu.memory_space<semaphore_mem>>) src(%dma_wait3A_368 : memref<10240x64xf32, #tpu.memory_space<hbm>>) dst(%arg14 : memref<128x64xf32, #tpu.memory_space<vmem>>)
      %mul3A_369 = arith.constant 2 : i32
      %mul3A_370 = arith.muli %add3A_348, %mul3A_369 : i32
      %add3A_371 = arith.constant 0 : i32
      %add3A_372 = arith.addi %mul3A_370, %add3A_371 : i32
      %dma_start3A_373 = arith.constant 0 : i32
      %dma_start3A_374 = tpu.memref_slice %arg8[%add3A_372, %dma_start3A_373] : memref<80x128xi32, #tpu.memory_space<vmem>> -> memref<1x128xi32, #tpu.memory_space<vmem>>
      %dma_start3A_375 = tpu.memref_squeeze %dma_start3A_374 : memref<1x128xi32, #tpu.memory_space<vmem>> -> memref<128xi32, #tpu.memory_space<vmem>>
      %dma_start3A_376 = arith.constant 0 : i32
      %dma_start3A_377 = arith.constant 0 : i32
      %dma_start3A_378 = tpu.memref_slice %arg17[%dma_start3A_376, %dma_start3A_377] : memref<10240x64xf32, #tpu.memory_space<vmem_shared>> -> memref<10240x64xf32, #tpu.memory_space<vmem_shared>>
      tpu.enqueue_indirect_dma source(%arg13 : memref<128x64xf32, #tpu.memory_space<vmem>>) target(%dma_start3A_378 : memref<10240x64xf32, #tpu.memory_space<vmem_shared>>) offsets(%dma_start3A_375 : memref<128xi32, #tpu.memory_space<vmem>>) semaphore(%arg24 : memref<!tpu.dma_semaphore, #tpu.memory_space<semaphore_mem>>) {add = true}
      %mul3A_379 = arith.constant 2 : i32
      %mul3A_380 = arith.muli %add3A_348, %mul3A_379 : i32
      %add3A_381 = arith.constant 1 : i32
      %add3A_382 = arith.addi %mul3A_380, %add3A_381 : i32
      %dma_start3A_383 = arith.constant 0 : i32
      %dma_start3A_384 = tpu.memref_slice %arg8[%add3A_382, %dma_start3A_383] : memref<80x128xi32, #tpu.memory_space<vmem>> -> memref<1x128xi32, #tpu.memory_space<vmem>>
      %dma_start3A_385 = tpu.memref_squeeze %dma_start3A_384 : memref<1x128xi32, #tpu.memory_space<vmem>> -> memref<128xi32, #tpu.memory_space<vmem>>
      %dma_start3A_386 = arith.constant 0 : i32
      %dma_start3A_387 = arith.constant 0 : i32
      %dma_start3A_388 = tpu.memref_slice %arg17[%dma_start3A_386, %dma_start3A_387] : memref<10240x64xf32, #tpu.memory_space<vmem_shared>> -> memref<10240x64xf32, #tpu.memory_space<vmem_shared>>
      tpu.enqueue_indirect_dma source(%arg14 : memref<128x64xf32, #tpu.memory_space<vmem>>) target(%dma_start3A_388 : memref<10240x64xf32, #tpu.memory_space<vmem_shared>>) offsets(%dma_start3A_385 : memref<128xi32, #tpu.memory_space<vmem>>) semaphore(%arg24 : memref<!tpu.dma_semaphore, #tpu.memory_space<semaphore_mem>>) {add = true}
      %sub3A_389 = arith.constant 1 : i32
      %sub3A_390 = arith.subi %add3A_348, %sub3A_389 : i32
      %mul3A_391 = arith.constant 2 : i32
      %mul3A_392 = arith.muli %sub3A_390, %mul3A_391 : i32
      %add3A_393 = arith.constant 0 : i32
      %add3A_394 = arith.addi %mul3A_392, %add3A_393 : i32
      %dma_wait3A_395 = arith.constant 0 : i32
      %dma_wait3A_396 = tpu.memref_slice %arg8[%add3A_394, %dma_wait3A_395] : memref<80x128xi32, #tpu.memory_space<vmem>> -> memref<1x128xi32, #tpu.memory_space<vmem>>
      %dma_wait3A_397 = tpu.memref_squeeze %dma_wait3A_396 : memref<1x128xi32, #tpu.memory_space<vmem>> -> memref<128xi32, #tpu.memory_space<vmem>>
      %dma_wait3A_398 = arith.constant 0 : i32
      %dma_wait3A_399 = arith.constant 0 : i32
      %dma_wait3A_400 = tpu.memref_slice %arg17[%dma_wait3A_398, %dma_wait3A_399] : memref<10240x64xf32, #tpu.memory_space<vmem_shared>> -> memref<10240x64xf32, #tpu.memory_space<vmem_shared>>
      tpu.wait_indirect_dma semaphore(%arg23 : memref<!tpu.dma_semaphore, #tpu.memory_space<semaphore_mem>>) src(%arg11 : memref<128x64xf32, #tpu.memory_space<vmem>>) dst(%dma_wait3A_400 : memref<10240x64xf32, #tpu.memory_space<vmem_shared>>)
      %mul3A_401 = arith.constant 2 : i32
      %mul3A_402 = arith.muli %sub3A_390, %mul3A_401 : i32
      %add3A_403 = arith.constant 1 : i32
      %add3A_404 = arith.addi %mul3A_402, %add3A_403 : i32
      %dma_wait3A_405 = arith.constant 0 : i32
      %dma_wait3A_406 = tpu.memref_slice %arg8[%add3A_404, %dma_wait3A_405] : memref<80x128xi32, #tpu.memory_space<vmem>> -> memref<1x128xi32, #tpu.memory_space<vmem>>
      %dma_wait3A_407 = tpu.memref_squeeze %dma_wait3A_406 : memref<1x128xi32, #tpu.memory_space<vmem>> -> memref<128xi32, #tpu.memory_space<vmem>>
      %dma_wait3A_408 = arith.constant 0 : i32
      %dma_wait3A_409 = arith.constant 0 : i32
      %dma_wait3A_410 = tpu.memref_slice %arg17[%dma_wait3A_408, %dma_wait3A_409] : memref<10240x64xf32, #tpu.memory_space<vmem_shared>> -> memref<10240x64xf32, #tpu.memory_space<vmem_shared>>
      tpu.wait_indirect_dma semaphore(%arg23 : memref<!tpu.dma_semaphore, #tpu.memory_space<semaphore_mem>>) src(%arg12 : memref<128x64xf32, #tpu.memory_space<vmem>>) dst(%dma_wait3A_410 : memref<10240x64xf32, #tpu.memory_space<vmem_shared>>)
      %add3A_411 = arith.constant 4 : i32
      %add3A_412 = arith.addi %add3A_348, %add3A_411 : i32
      %sub3A_413 = arith.constant 1 : i32
      %sub3A_414 = arith.subi %add3A_412, %sub3A_413 : i32
      %mul3A_415 = arith.constant 2 : i32
      %mul3A_416 = arith.muli %sub3A_414, %mul3A_415 : i32
      %add3A_417 = arith.constant 0 : i32
      %add3A_418 = arith.addi %mul3A_416, %add3A_417 : i32
      %dma_start3A_419 = arith.constant 0 : i32
      %dma_start3A_420 = tpu.memref_slice %arg7[%add3A_418, %dma_start3A_419] : memref<80x128xi32, #tpu.memory_space<vmem>> -> memref<1x128xi32, #tpu.memory_space<vmem>>
      %dma_start3A_421 = tpu.memref_squeeze %dma_start3A_420 : memref<1x128xi32, #tpu.memory_space<vmem>> -> memref<128xi32, #tpu.memory_space<vmem>>
      %dma_start3A_422 = arith.constant 0 : i32
      %dma_start3A_423 = arith.constant 0 : i32
      %dma_start3A_424 = tpu.memref_slice %arg2[%dma_start3A_422, %dma_start3A_423] : memref<10240x64xf32, #tpu.memory_space<hbm>> -> memref<10240x64xf32, #tpu.memory_space<hbm>>
      tpu.enqueue_indirect_dma source(%dma_start3A_424 : memref<10240x64xf32, #tpu.memory_space<hbm>>) target(%arg11 : memref<128x64xf32, #tpu.memory_space<vmem>>) offsets(%dma_start3A_421 : memref<128xi32, #tpu.memory_space<vmem>>) semaphore(%arg19 : memref<!tpu.dma_semaphore, #tpu.memory_space<semaphore_mem>>)
      %mul3A_425 = arith.constant 2 : i32
      %mul3A_426 = arith.muli %sub3A_414, %mul3A_425 : i32
      %add3A_427 = arith.constant 1 : i32
      %add3A_428 = arith.addi %mul3A_426, %add3A_427 : i32
      %dma_start3A_429 = arith.constant 0 : i32
      %dma_start3A_430 = tpu.memref_slice %arg7[%add3A_428, %dma_start3A_429] : memref<80x128xi32, #tpu.memory_space<vmem>> -> memref<1x128xi32, #tpu.memory_space<vmem>>
      %dma_start3A_431 = tpu.memref_squeeze %dma_start3A_430 : memref<1x128xi32, #tpu.memory_space<vmem>> -> memref<128xi32, #tpu.memory_space<vmem>>
      %dma_start3A_432 = arith.constant 0 : i32
      %dma_start3A_433 = arith.constant 0 : i32
      %dma_start3A_434 = tpu.memref_slice %arg2[%dma_start3A_432, %dma_start3A_433] : memref<10240x64xf32, #tpu.memory_space<hbm>> -> memref<10240x64xf32, #tpu.memory_space<hbm>>
      tpu.enqueue_indirect_dma source(%dma_start3A_434 : memref<10240x64xf32, #tpu.memory_space<hbm>>) target(%arg12 : memref<128x64xf32, #tpu.memory_space<vmem>>) offsets(%dma_start3A_431 : memref<128xi32, #tpu.memory_space<vmem>>) semaphore(%arg19 : memref<!tpu.dma_semaphore, #tpu.memory_space<semaphore_mem>>)
      %add3A_435 = arith.constant 2 : i32
      %add3A_436 = arith.addi %add3A_259, %add3A_435 : i32
      %mul3A_437 = arith.constant 2 : i32
      %mul3A_438 = arith.muli %add3A_436, %mul3A_437 : i32
      %add3A_439 = arith.constant 0 : i32
      %add3A_440 = arith.addi %mul3A_438, %add3A_439 : i32
      %dma_wait3A_441 = arith.constant 0 : i32
      %dma_wait3A_442 = tpu.memref_slice %arg7[%add3A_440, %dma_wait3A_441] : memref<80x128xi32, #tpu.memory_space<vmem>> -> memref<1x128xi32, #tpu.memory_space<vmem>>
      %dma_wait3A_443 = tpu.memref_squeeze %dma_wait3A_442 : memref<1x128xi32, #tpu.memory_space<vmem>> -> memref<128xi32, #tpu.memory_space<vmem>>
      %dma_wait3A_444 = arith.constant 0 : i32
      %dma_wait3A_445 = arith.constant 0 : i32
      %dma_wait3A_446 = tpu.memref_slice %arg2[%dma_wait3A_444, %dma_wait3A_445] : memref<10240x64xf32, #tpu.memory_space<hbm>> -> memref<10240x64xf32, #tpu.memory_space<hbm>>
      tpu.wait_indirect_dma semaphore(%arg21 : memref<!tpu.dma_semaphore, #tpu.memory_space<semaphore_mem>>) src(%dma_wait3A_446 : memref<10240x64xf32, #tpu.memory_space<hbm>>) dst(%arg15 : memref<128x64xf32, #tpu.memory_space<vmem>>)
      %mul3A_447 = arith.constant 2 : i32
      %mul3A_448 = arith.muli %add3A_436, %mul3A_447 : i32
      %add3A_449 = arith.constant 1 : i32
      %add3A_450 = arith.addi %mul3A_448, %add3A_449 : i32
      %dma_wait3A_451 = arith.constant 0 : i32
      %dma_wait3A_452 = tpu.memref_slice %arg7[%add3A_450, %dma_wait3A_451] : memref<80x128xi32, #tpu.memory_space<vmem>> -> memref<1x128xi32, #tpu.memory_space<vmem>>
      %dma_wait3A_453 = tpu.memref_squeeze %dma_wait3A_452 : memref<1x128xi32, #tpu.memory_space<vmem>> -> memref<128xi32, #tpu.memory_space<vmem>>
      %dma_wait3A_454 = arith.constant 0 : i32
      %dma_wait3A_455 = arith.constant 0 : i32
      %dma_wait3A_456 = tpu.memref_slice %arg2[%dma_wait3A_454, %dma_wait3A_455] : memref<10240x64xf32, #tpu.memory_space<hbm>> -> memref<10240x64xf32, #tpu.memory_space<hbm>>
      tpu.wait_indirect_dma semaphore(%arg21 : memref<!tpu.dma_semaphore, #tpu.memory_space<semaphore_mem>>) src(%dma_wait3A_456 : memref<10240x64xf32, #tpu.memory_space<hbm>>) dst(%arg16 : memref<128x64xf32, #tpu.memory_space<vmem>>)
      %mul3A_457 = arith.constant 2 : i32
      %mul3A_458 = arith.muli %add3A_436, %mul3A_457 : i32
      %add3A_459 = arith.constant 0 : i32
      %add3A_460 = arith.addi %mul3A_458, %add3A_459 : i32
      %dma_start3A_461 = arith.constant 0 : i32
      %dma_start3A_462 = tpu.memref_slice %arg8[%add3A_460, %dma_start3A_461] : memref<80x128xi32, #tpu.memory_space<vmem>> -> memref<1x128xi32, #tpu.memory_space<vmem>>
      %dma_start3A_463 = tpu.memref_squeeze %dma_start3A_462 : memref<1x128xi32, #tpu.memory_space<vmem>> -> memref<128xi32, #tpu.memory_space<vmem>>
      %dma_start3A_464 = arith.constant 0 : i32
      %dma_start3A_465 = arith.constant 0 : i32
      %dma_start3A_466 = tpu.memref_slice %arg17[%dma_start3A_464, %dma_start3A_465] : memref<10240x64xf32, #tpu.memory_space<vmem_shared>> -> memref<10240x64xf32, #tpu.memory_space<vmem_shared>>
      tpu.enqueue_indirect_dma source(%arg15 : memref<128x64xf32, #tpu.memory_space<vmem>>) target(%dma_start3A_466 : memref<10240x64xf32, #tpu.memory_space<vmem_shared>>) offsets(%dma_start3A_463 : memref<128xi32, #tpu.memory_space<vmem>>) semaphore(%arg25 : memref<!tpu.dma_semaphore, #tpu.memory_space<semaphore_mem>>) {add = true}
      %mul3A_467 = arith.constant 2 : i32
      %mul3A_468 = arith.muli %add3A_436, %mul3A_467 : i32
      %add3A_469 = arith.constant 1 : i32
      %add3A_470 = arith.addi %mul3A_468, %add3A_469 : i32
      %dma_start3A_471 = arith.constant 0 : i32
      %dma_start3A_472 = tpu.memref_slice %arg8[%add3A_470, %dma_start3A_471] : memref<80x128xi32, #tpu.memory_space<vmem>> -> memref<1x128xi32, #tpu.memory_space<vmem>>
      %dma_start3A_473 = tpu.memref_squeeze %dma_start3A_472 : memref<1x128xi32, #tpu.memory_space<vmem>> -> memref<128xi32, #tpu.memory_space<vmem>>
      %dma_start3A_474 = arith.constant 0 : i32
      %dma_start3A_475 = arith.constant 0 : i32
      %dma_start3A_476 = tpu.memref_slice %arg17[%dma_start3A_474, %dma_start3A_475] : memref<10240x64xf32, #tpu.memory_space<vmem_shared>> -> memref<10240x64xf32, #tpu.memory_space<vmem_shared>>
      tpu.enqueue_indirect_dma source(%arg16 : memref<128x64xf32, #tpu.memory_space<vmem>>) target(%dma_start3A_476 : memref<10240x64xf32, #tpu.memory_space<vmem_shared>>) offsets(%dma_start3A_473 : memref<128xi32, #tpu.memory_space<vmem>>) semaphore(%arg25 : memref<!tpu.dma_semaphore, #tpu.memory_space<semaphore_mem>>) {add = true}
      %sub3A_477 = arith.constant 1 : i32
      %sub3A_478 = arith.subi %add3A_436, %sub3A_477 : i32
      %mul3A_479 = arith.constant 2 : i32
      %mul3A_480 = arith.muli %sub3A_478, %mul3A_479 : i32
      %add3A_481 = arith.constant 0 : i32
      %add3A_482 = arith.addi %mul3A_480, %add3A_481 : i32
      %dma_wait3A_483 = arith.constant 0 : i32
      %dma_wait3A_484 = tpu.memref_slice %arg8[%add3A_482, %dma_wait3A_483] : memref<80x128xi32, #tpu.memory_space<vmem>> -> memref<1x128xi32, #tpu.memory_space<vmem>>
      %dma_wait3A_485 = tpu.memref_squeeze %dma_wait3A_484 : memref<1x128xi32, #tpu.memory_space<vmem>> -> memref<128xi32, #tpu.memory_space<vmem>>
      %dma_wait3A_486 = arith.constant 0 : i32
      %dma_wait3A_487 = arith.constant 0 : i32
      %dma_wait3A_488 = tpu.memref_slice %arg17[%dma_wait3A_486, %dma_wait3A_487] : memref<10240x64xf32, #tpu.memory_space<vmem_shared>> -> memref<10240x64xf32, #tpu.memory_space<vmem_shared>>
      tpu.wait_indirect_dma semaphore(%arg24 : memref<!tpu.dma_semaphore, #tpu.memory_space<semaphore_mem>>) src(%arg13 : memref<128x64xf32, #tpu.memory_space<vmem>>) dst(%dma_wait3A_488 : memref<10240x64xf32, #tpu.memory_space<vmem_shared>>)
      %mul3A_489 = arith.constant 2 : i32
      %mul3A_490 = arith.muli %sub3A_478, %mul3A_489 : i32
      %add3A_491 = arith.constant 1 : i32
      %add3A_492 = arith.addi %mul3A_490, %add3A_491 : i32
      %dma_wait3A_493 = arith.constant 0 : i32
      %dma_wait3A_494 = tpu.memref_slice %arg8[%add3A_492, %dma_wait3A_493] : memref<80x128xi32, #tpu.memory_space<vmem>> -> memref<1x128xi32, #tpu.memory_space<vmem>>
      %dma_wait3A_495 = tpu.memref_squeeze %dma_wait3A_494 : memref<1x128xi32, #tpu.memory_space<vmem>> -> memref<128xi32, #tpu.memory_space<vmem>>
      %dma_wait3A_496 = arith.constant 0 : i32
      %dma_wait3A_497 = arith.constant 0 : i32
      %dma_wait3A_498 = tpu.memref_slice %arg17[%dma_wait3A_496, %dma_wait3A_497] : memref<10240x64xf32, #tpu.memory_space<vmem_shared>> -> memref<10240x64xf32, #tpu.memory_space<vmem_shared>>
      tpu.wait_indirect_dma semaphore(%arg24 : memref<!tpu.dma_semaphore, #tpu.memory_space<semaphore_mem>>) src(%arg14 : memref<128x64xf32, #tpu.memory_space<vmem>>) dst(%dma_wait3A_498 : memref<10240x64xf32, #tpu.memory_space<vmem_shared>>)
      %add3A_499 = arith.constant 4 : i32
      %add3A_500 = arith.addi %add3A_436, %add3A_499 : i32
      %sub3A_501 = arith.constant 1 : i32
      %sub3A_502 = arith.subi %add3A_500, %sub3A_501 : i32
      %mul3A_503 = arith.constant 2 : i32
      %mul3A_504 = arith.muli %sub3A_502, %mul3A_503 : i32
      %add3A_505 = arith.constant 0 : i32
      %add3A_506 = arith.addi %mul3A_504, %add3A_505 : i32
      %dma_start3A_507 = arith.constant 0 : i32
      %dma_start3A_508 = tpu.memref_slice %arg7[%add3A_506, %dma_start3A_507] : memref<80x128xi32, #tpu.memory_space<vmem>> -> memref<1x128xi32, #tpu.memory_space<vmem>>
      %dma_start3A_509 = tpu.memref_squeeze %dma_start3A_508 : memref<1x128xi32, #tpu.memory_space<vmem>> -> memref<128xi32, #tpu.memory_space<vmem>>
      %dma_start3A_510 = arith.constant 0 : i32
      %dma_start3A_511 = arith.constant 0 : i32
      %dma_start3A_512 = tpu.memref_slice %arg2[%dma_start3A_510, %dma_start3A_511] : memref<10240x64xf32, #tpu.memory_space<hbm>> -> memref<10240x64xf32, #tpu.memory_space<hbm>>
      tpu.enqueue_indirect_dma source(%dma_start3A_512 : memref<10240x64xf32, #tpu.memory_space<hbm>>) target(%arg13 : memref<128x64xf32, #tpu.memory_space<vmem>>) offsets(%dma_start3A_509 : memref<128xi32, #tpu.memory_space<vmem>>) semaphore(%arg20 : memref<!tpu.dma_semaphore, #tpu.memory_space<semaphore_mem>>)
      %mul3A_513 = arith.constant 2 : i32
      %mul3A_514 = arith.muli %sub3A_502, %mul3A_513 : i32
      %add3A_515 = arith.constant 1 : i32
      %add3A_516 = arith.addi %mul3A_514, %add3A_515 : i32
      %dma_start3A_517 = arith.constant 0 : i32
      %dma_start3A_518 = tpu.memref_slice %arg7[%add3A_516, %dma_start3A_517] : memref<80x128xi32, #tpu.memory_space<vmem>> -> memref<1x128xi32, #tpu.memory_space<vmem>>
      %dma_start3A_519 = tpu.memref_squeeze %dma_start3A_518 : memref<1x128xi32, #tpu.memory_space<vmem>> -> memref<128xi32, #tpu.memory_space<vmem>>
      %dma_start3A_520 = arith.constant 0 : i32
      %dma_start3A_521 = arith.constant 0 : i32
      %dma_start3A_522 = tpu.memref_slice %arg2[%dma_start3A_520, %dma_start3A_521] : memref<10240x64xf32, #tpu.memory_space<hbm>> -> memref<10240x64xf32, #tpu.memory_space<hbm>>
      tpu.enqueue_indirect_dma source(%dma_start3A_522 : memref<10240x64xf32, #tpu.memory_space<hbm>>) target(%arg14 : memref<128x64xf32, #tpu.memory_space<vmem>>) offsets(%dma_start3A_519 : memref<128xi32, #tpu.memory_space<vmem>>) semaphore(%arg20 : memref<!tpu.dma_semaphore, #tpu.memory_space<semaphore_mem>>)
      %add3A_523 = arith.constant 3 : i32
      %add3A_524 = arith.addi %add3A_259, %add3A_523 : i32
      %mul3A_525 = arith.constant 2 : i32
      %mul3A_526 = arith.muli %add3A_524, %mul3A_525 : i32
      %add3A_527 = arith.constant 0 : i32
      %add3A_528 = arith.addi %mul3A_526, %add3A_527 : i32
      %dma_wait3A_529 = arith.constant 0 : i32
      %dma_wait3A_530 = tpu.memref_slice %arg7[%add3A_528, %dma_wait3A_529] : memref<80x128xi32, #tpu.memory_space<vmem>> -> memref<1x128xi32, #tpu.memory_space<vmem>>
      %dma_wait3A_531 = tpu.memref_squeeze %dma_wait3A_530 : memref<1x128xi32, #tpu.memory_space<vmem>> -> memref<128xi32, #tpu.memory_space<vmem>>
      %dma_wait3A_532 = arith.constant 0 : i32
      %dma_wait3A_533 = arith.constant 0 : i32
      %dma_wait3A_534 = tpu.memref_slice %arg2[%dma_wait3A_532, %dma_wait3A_533] : memref<10240x64xf32, #tpu.memory_space<hbm>> -> memref<10240x64xf32, #tpu.memory_space<hbm>>
      tpu.wait_indirect_dma semaphore(%arg18 : memref<!tpu.dma_semaphore, #tpu.memory_space<semaphore_mem>>) src(%dma_wait3A_534 : memref<10240x64xf32, #tpu.memory_space<hbm>>) dst(%arg9 : memref<128x64xf32, #tpu.memory_space<vmem>>)
      %mul3A_535 = arith.constant 2 : i32
      %mul3A_536 = arith.muli %add3A_524, %mul3A_535 : i32
      %add3A_537 = arith.constant 1 : i32
      %add3A_538 = arith.addi %mul3A_536, %add3A_537 : i32
      %dma_wait3A_539 = arith.constant 0 : i32
      %dma_wait3A_540 = tpu.memref_slice %arg7[%add3A_538, %dma_wait3A_539] : memref<80x128xi32, #tpu.memory_space<vmem>> -> memref<1x128xi32, #tpu.memory_space<vmem>>
      %dma_wait3A_541 = tpu.memref_squeeze %dma_wait3A_540 : memref<1x128xi32, #tpu.memory_space<vmem>> -> memref<128xi32, #tpu.memory_space<vmem>>
      %dma_wait3A_542 = arith.constant 0 : i32
      %dma_wait3A_543 = arith.constant 0 : i32
      %dma_wait3A_544 = tpu.memref_slice %arg2[%dma_wait3A_542, %dma_wait3A_543] : memref<10240x64xf32, #tpu.memory_space<hbm>> -> memref<10240x64xf32, #tpu.memory_space<hbm>>
      tpu.wait_indirect_dma semaphore(%arg18 : memref<!tpu.dma_semaphore, #tpu.memory_space<semaphore_mem>>) src(%dma_wait3A_544 : memref<10240x64xf32, #tpu.memory_space<hbm>>) dst(%arg10 : memref<128x64xf32, #tpu.memory_space<vmem>>)
      %mul3A_545 = arith.constant 2 : i32
      %mul3A_546 = arith.muli %add3A_524, %mul3A_545 : i32
      %add3A_547 = arith.constant 0 : i32
      %add3A_548 = arith.addi %mul3A_546, %add3A_547 : i32
      %dma_start3A_549 = arith.constant 0 : i32
      %dma_start3A_550 = tpu.memref_slice %arg8[%add3A_548, %dma_start3A_549] : memref<80x128xi32, #tpu.memory_space<vmem>> -> memref<1x128xi32, #tpu.memory_space<vmem>>
      %dma_start3A_551 = tpu.memref_squeeze %dma_start3A_550 : memref<1x128xi32, #tpu.memory_space<vmem>> -> memref<128xi32, #tpu.memory_space<vmem>>
      %dma_start3A_552 = arith.constant 0 : i32
      %dma_start3A_553 = arith.constant 0 : i32
      %dma_start3A_554 = tpu.memref_slice %arg17[%dma_start3A_552, %dma_start3A_553] : memref<10240x64xf32, #tpu.memory_space<vmem_shared>> -> memref<10240x64xf32, #tpu.memory_space<vmem_shared>>
      tpu.enqueue_indirect_dma source(%arg9 : memref<128x64xf32, #tpu.memory_space<vmem>>) target(%dma_start3A_554 : memref<10240x64xf32, #tpu.memory_space<vmem_shared>>) offsets(%dma_start3A_551 : memref<128xi32, #tpu.memory_space<vmem>>) semaphore(%arg22 : memref<!tpu.dma_semaphore, #tpu.memory_space<semaphore_mem>>) {add = true}
      %mul3A_555 = arith.constant 2 : i32
      %mul3A_556 = arith.muli %add3A_524, %mul3A_555 : i32
      %add3A_557 = arith.constant 1 : i32
      %add3A_558 = arith.addi %mul3A_556, %add3A_557 : i32
      %dma_start3A_559 = arith.constant 0 : i32
      %dma_start3A_560 = tpu.memref_slice %arg8[%add3A_558, %dma_start3A_559] : memref<80x128xi32, #tpu.memory_space<vmem>> -> memref<1x128xi32, #tpu.memory_space<vmem>>
      %dma_start3A_561 = tpu.memref_squeeze %dma_start3A_560 : memref<1x128xi32, #tpu.memory_space<vmem>> -> memref<128xi32, #tpu.memory_space<vmem>>
      %dma_start3A_562 = arith.constant 0 : i32
      %dma_start3A_563 = arith.constant 0 : i32
      %dma_start3A_564 = tpu.memref_slice %arg17[%dma_start3A_562, %dma_start3A_563] : memref<10240x64xf32, #tpu.memory_space<vmem_shared>> -> memref<10240x64xf32, #tpu.memory_space<vmem_shared>>
      tpu.enqueue_indirect_dma source(%arg10 : memref<128x64xf32, #tpu.memory_space<vmem>>) target(%dma_start3A_564 : memref<10240x64xf32, #tpu.memory_space<vmem_shared>>) offsets(%dma_start3A_561 : memref<128xi32, #tpu.memory_space<vmem>>) semaphore(%arg22 : memref<!tpu.dma_semaphore, #tpu.memory_space<semaphore_mem>>) {add = true}
      %sub3A_565 = arith.constant 1 : i32
      %sub3A_566 = arith.subi %add3A_524, %sub3A_565 : i32
      %mul3A_567 = arith.constant 2 : i32
      %mul3A_568 = arith.muli %sub3A_566, %mul3A_567 : i32
      %add3A_569 = arith.constant 0 : i32
      %add3A_570 = arith.addi %mul3A_568, %add3A_569 : i32
      %dma_wait3A_571 = arith.constant 0 : i32
      %dma_wait3A_572 = tpu.memref_slice %arg8[%add3A_570, %dma_wait3A_571] : memref<80x128xi32, #tpu.memory_space<vmem>> -> memref<1x128xi32, #tpu.memory_space<vmem>>
      %dma_wait3A_573 = tpu.memref_squeeze %dma_wait3A_572 : memref<1x128xi32, #tpu.memory_space<vmem>> -> memref<128xi32, #tpu.memory_space<vmem>>
      %dma_wait3A_574 = arith.constant 0 : i32
      %dma_wait3A_575 = arith.constant 0 : i32
      %dma_wait3A_576 = tpu.memref_slice %arg17[%dma_wait3A_574, %dma_wait3A_575] : memref<10240x64xf32, #tpu.memory_space<vmem_shared>> -> memref<10240x64xf32, #tpu.memory_space<vmem_shared>>
      tpu.wait_indirect_dma semaphore(%arg25 : memref<!tpu.dma_semaphore, #tpu.memory_space<semaphore_mem>>) src(%arg15 : memref<128x64xf32, #tpu.memory_space<vmem>>) dst(%dma_wait3A_576 : memref<10240x64xf32, #tpu.memory_space<vmem_shared>>)
      %mul3A_577 = arith.constant 2 : i32
      %mul3A_578 = arith.muli %sub3A_566, %mul3A_577 : i32
      %add3A_579 = arith.constant 1 : i32
      %add3A_580 = arith.addi %mul3A_578, %add3A_579 : i32
      %dma_wait3A_581 = arith.constant 0 : i32
      %dma_wait3A_582 = tpu.memref_slice %arg8[%add3A_580, %dma_wait3A_581] : memref<80x128xi32, #tpu.memory_space<vmem>> -> memref<1x128xi32, #tpu.memory_space<vmem>>
      %dma_wait3A_583 = tpu.memref_squeeze %dma_wait3A_582 : memref<1x128xi32, #tpu.memory_space<vmem>> -> memref<128xi32, #tpu.memory_space<vmem>>
      %dma_wait3A_584 = arith.constant 0 : i32
      %dma_wait3A_585 = arith.constant 0 : i32
      %dma_wait3A_586 = tpu.memref_slice %arg17[%dma_wait3A_584, %dma_wait3A_585] : memref<10240x64xf32, #tpu.memory_space<vmem_shared>> -> memref<10240x64xf32, #tpu.memory_space<vmem_shared>>
      tpu.wait_indirect_dma semaphore(%arg25 : memref<!tpu.dma_semaphore, #tpu.memory_space<semaphore_mem>>) src(%arg16 : memref<128x64xf32, #tpu.memory_space<vmem>>) dst(%dma_wait3A_586 : memref<10240x64xf32, #tpu.memory_space<vmem_shared>>)
      %add3A_587 = arith.constant 4 : i32
      %add3A_588 = arith.addi %add3A_524, %add3A_587 : i32
      %sub3A_589 = arith.constant 1 : i32
      %sub3A_590 = arith.subi %add3A_588, %sub3A_589 : i32
      %mul3A_591 = arith.constant 2 : i32
      %mul3A_592 = arith.muli %sub3A_590, %mul3A_591 : i32
      %add3A_593 = arith.constant 0 : i32
      %add3A_594 = arith.addi %mul3A_592, %add3A_593 : i32
      %dma_start3A_595 = arith.constant 0 : i32
      %dma_start3A_596 = tpu.memref_slice %arg7[%add3A_594, %dma_start3A_595] : memref<80x128xi32, #tpu.memory_space<vmem>> -> memref<1x128xi32, #tpu.memory_space<vmem>>
      %dma_start3A_597 = tpu.memref_squeeze %dma_start3A_596 : memref<1x128xi32, #tpu.memory_space<vmem>> -> memref<128xi32, #tpu.memory_space<vmem>>
      %dma_start3A_598 = arith.constant 0 : i32
      %dma_start3A_599 = arith.constant 0 : i32
      %dma_start3A_600 = tpu.memref_slice %arg2[%dma_start3A_598, %dma_start3A_599] : memref<10240x64xf32, #tpu.memory_space<hbm>> -> memref<10240x64xf32, #tpu.memory_space<hbm>>
      tpu.enqueue_indirect_dma source(%dma_start3A_600 : memref<10240x64xf32, #tpu.memory_space<hbm>>) target(%arg15 : memref<128x64xf32, #tpu.memory_space<vmem>>) offsets(%dma_start3A_597 : memref<128xi32, #tpu.memory_space<vmem>>) semaphore(%arg21 : memref<!tpu.dma_semaphore, #tpu.memory_space<semaphore_mem>>)
      %mul3A_601 = arith.constant 2 : i32
      %mul3A_602 = arith.muli %sub3A_590, %mul3A_601 : i32
      %add3A_603 = arith.constant 1 : i32
      %add3A_604 = arith.addi %mul3A_602, %add3A_603 : i32
      %dma_start3A_605 = arith.constant 0 : i32
      %dma_start3A_606 = tpu.memref_slice %arg7[%add3A_604, %dma_start3A_605] : memref<80x128xi32, #tpu.memory_space<vmem>> -> memref<1x128xi32, #tpu.memory_space<vmem>>
      %dma_start3A_607 = tpu.memref_squeeze %dma_start3A_606 : memref<1x128xi32, #tpu.memory_space<vmem>> -> memref<128xi32, #tpu.memory_space<vmem>>
      %dma_start3A_608 = arith.constant 0 : i32
      %dma_start3A_609 = arith.constant 0 : i32
      %dma_start3A_610 = tpu.memref_slice %arg2[%dma_start3A_608, %dma_start3A_609] : memref<10240x64xf32, #tpu.memory_space<hbm>> -> memref<10240x64xf32, #tpu.memory_space<hbm>>
      tpu.enqueue_indirect_dma source(%dma_start3A_610 : memref<10240x64xf32, #tpu.memory_space<hbm>>) target(%arg16 : memref<128x64xf32, #tpu.memory_space<vmem>>) offsets(%dma_start3A_607 : memref<128xi32, #tpu.memory_space<vmem>>) semaphore(%arg21 : memref<!tpu.dma_semaphore, #tpu.memory_space<semaphore_mem>>)
    }
    %scan3A_106 = arith.constant 9 : i32
    %dma_wait3A_107 = arith.constant 74 : i32
    %dma_wait3A_108 = arith.constant 0 : i32
    %dma_wait3A_109 = tpu.memref_slice %arg7[%dma_wait3A_107, %dma_wait3A_108] : memref<80x128xi32, #tpu.memory_space<vmem>> -> memref<1x128xi32, #tpu.memory_space<vmem>>
    %dma_wait3A_110 = tpu.memref_squeeze %dma_wait3A_109 : memref<1x128xi32, #tpu.memory_space<vmem>> -> memref<128xi32, #tpu.memory_space<vmem>>
    %dma_wait3A_111 = arith.constant 0 : i32
    %dma_wait3A_112 = arith.constant 0 : i32
    %dma_wait3A_113 = tpu.memref_slice %arg2[%dma_wait3A_111, %dma_wait3A_112] : memref<10240x64xf32, #tpu.memory_space<hbm>> -> memref<10240x64xf32, #tpu.memory_space<hbm>>
    tpu.wait_indirect_dma semaphore(%arg19 : memref<!tpu.dma_semaphore, #tpu.memory_space<semaphore_mem>>) src(%dma_wait3A_113 : memref<10240x64xf32, #tpu.memory_space<hbm>>) dst(%arg11 : memref<128x64xf32, #tpu.memory_space<vmem>>)
    %dma_wait3A_114 = arith.constant 75 : i32
    %dma_wait3A_115 = arith.constant 0 : i32
    %dma_wait3A_116 = tpu.memref_slice %arg7[%dma_wait3A_114, %dma_wait3A_115] : memref<80x128xi32, #tpu.memory_space<vmem>> -> memref<1x128xi32, #tpu.memory_space<vmem>>
    %dma_wait3A_117 = tpu.memref_squeeze %dma_wait3A_116 : memref<1x128xi32, #tpu.memory_space<vmem>> -> memref<128xi32, #tpu.memory_space<vmem>>
    %dma_wait3A_118 = arith.constant 0 : i32
    %dma_wait3A_119 = arith.constant 0 : i32
    %dma_wait3A_120 = tpu.memref_slice %arg2[%dma_wait3A_118, %dma_wait3A_119] : memref<10240x64xf32, #tpu.memory_space<hbm>> -> memref<10240x64xf32, #tpu.memory_space<hbm>>
    tpu.wait_indirect_dma semaphore(%arg19 : memref<!tpu.dma_semaphore, #tpu.memory_space<semaphore_mem>>) src(%dma_wait3A_120 : memref<10240x64xf32, #tpu.memory_space<hbm>>) dst(%arg12 : memref<128x64xf32, #tpu.memory_space<vmem>>)
    %dma_start3A_121 = arith.constant 74 : i32
    %dma_start3A_122 = arith.constant 0 : i32
    %dma_start3A_123 = tpu.memref_slice %arg8[%dma_start3A_121, %dma_start3A_122] : memref<80x128xi32, #tpu.memory_space<vmem>> -> memref<1x128xi32, #tpu.memory_space<vmem>>
    %dma_start3A_124 = tpu.memref_squeeze %dma_start3A_123 : memref<1x128xi32, #tpu.memory_space<vmem>> -> memref<128xi32, #tpu.memory_space<vmem>>
    %dma_start3A_125 = arith.constant 0 : i32
    %dma_start3A_126 = arith.constant 0 : i32
    %dma_start3A_127 = tpu.memref_slice %arg17[%dma_start3A_125, %dma_start3A_126] : memref<10240x64xf32, #tpu.memory_space<vmem_shared>> -> memref<10240x64xf32, #tpu.memory_space<vmem_shared>>
    tpu.enqueue_indirect_dma source(%arg11 : memref<128x64xf32, #tpu.memory_space<vmem>>) target(%dma_start3A_127 : memref<10240x64xf32, #tpu.memory_space<vmem_shared>>) offsets(%dma_start3A_124 : memref<128xi32, #tpu.memory_space<vmem>>) semaphore(%arg23 : memref<!tpu.dma_semaphore, #tpu.memory_space<semaphore_mem>>) {add = true}
    %dma_start3A_128 = arith.constant 75 : i32
    %dma_start3A_129 = arith.constant 0 : i32
    %dma_start3A_130 = tpu.memref_slice %arg8[%dma_start3A_128, %dma_start3A_129] : memref<80x128xi32, #tpu.memory_space<vmem>> -> memref<1x128xi32, #tpu.memory_space<vmem>>
    %dma_start3A_131 = tpu.memref_squeeze %dma_start3A_130 : memref<1x128xi32, #tpu.memory_space<vmem>> -> memref<128xi32, #tpu.memory_space<vmem>>
    %dma_start3A_132 = arith.constant 0 : i32
    %dma_start3A_133 = arith.constant 0 : i32
    %dma_start3A_134 = tpu.memref_slice %arg17[%dma_start3A_132, %dma_start3A_133] : memref<10240x64xf32, #tpu.memory_space<vmem_shared>> -> memref<10240x64xf32, #tpu.memory_space<vmem_shared>>
    tpu.enqueue_indirect_dma source(%arg12 : memref<128x64xf32, #tpu.memory_space<vmem>>) target(%dma_start3A_134 : memref<10240x64xf32, #tpu.memory_space<vmem_shared>>) offsets(%dma_start3A_131 : memref<128xi32, #tpu.memory_space<vmem>>) semaphore(%arg23 : memref<!tpu.dma_semaphore, #tpu.memory_space<semaphore_mem>>) {add = true}
    %dma_wait3A_135 = arith.constant 72 : i32
    %dma_wait3A_136 = arith.constant 0 : i32
    %dma_wait3A_137 = tpu.memref_slice %arg8[%dma_wait3A_135, %dma_wait3A_136] : memref<80x128xi32, #tpu.memory_space<vmem>> -> memref<1x128xi32, #tpu.memory_space<vmem>>
    %dma_wait3A_138 = tpu.memref_squeeze %dma_wait3A_137 : memref<1x128xi32, #tpu.memory_space<vmem>> -> memref<128xi32, #tpu.memory_space<vmem>>
    %dma_wait3A_139 = arith.constant 0 : i32
    %dma_wait3A_140 = arith.constant 0 : i32
    %dma_wait3A_141 = tpu.memref_slice %arg17[%dma_wait3A_139, %dma_wait3A_140] : memref<10240x64xf32, #tpu.memory_space<vmem_shared>> -> memref<10240x64xf32, #tpu.memory_space<vmem_shared>>
    tpu.wait_indirect_dma semaphore(%arg22 : memref<!tpu.dma_semaphore, #tpu.memory_space<semaphore_mem>>) src(%arg9 : memref<128x64xf32, #tpu.memory_space<vmem>>) dst(%dma_wait3A_141 : memref<10240x64xf32, #tpu.memory_space<vmem_shared>>)
    %dma_wait3A_142 = arith.constant 73 : i32
    %dma_wait3A_143 = arith.constant 0 : i32
    %dma_wait3A_144 = tpu.memref_slice %arg8[%dma_wait3A_142, %dma_wait3A_143] : memref<80x128xi32, #tpu.memory_space<vmem>> -> memref<1x128xi32, #tpu.memory_space<vmem>>
    %dma_wait3A_145 = tpu.memref_squeeze %dma_wait3A_144 : memref<1x128xi32, #tpu.memory_space<vmem>> -> memref<128xi32, #tpu.memory_space<vmem>>
    %dma_wait3A_146 = arith.constant 0 : i32
    %dma_wait3A_147 = arith.constant 0 : i32
    %dma_wait3A_148 = tpu.memref_slice %arg17[%dma_wait3A_146, %dma_wait3A_147] : memref<10240x64xf32, #tpu.memory_space<vmem_shared>> -> memref<10240x64xf32, #tpu.memory_space<vmem_shared>>
    tpu.wait_indirect_dma semaphore(%arg22 : memref<!tpu.dma_semaphore, #tpu.memory_space<semaphore_mem>>) src(%arg10 : memref<128x64xf32, #tpu.memory_space<vmem>>) dst(%dma_wait3A_148 : memref<10240x64xf32, #tpu.memory_space<vmem_shared>>)
    %dma_wait3A_149 = arith.constant 76 : i32
    %dma_wait3A_150 = arith.constant 0 : i32
    %dma_wait3A_151 = tpu.memref_slice %arg7[%dma_wait3A_149, %dma_wait3A_150] : memref<80x128xi32, #tpu.memory_space<vmem>> -> memref<1x128xi32, #tpu.memory_space<vmem>>
    %dma_wait3A_152 = tpu.memref_squeeze %dma_wait3A_151 : memref<1x128xi32, #tpu.memory_space<vmem>> -> memref<128xi32, #tpu.memory_space<vmem>>
    %dma_wait3A_153 = arith.constant 0 : i32
    %dma_wait3A_154 = arith.constant 0 : i32
    %dma_wait3A_155 = tpu.memref_slice %arg2[%dma_wait3A_153, %dma_wait3A_154] : memref<10240x64xf32, #tpu.memory_space<hbm>> -> memref<10240x64xf32, #tpu.memory_space<hbm>>
    tpu.wait_indirect_dma semaphore(%arg20 : memref<!tpu.dma_semaphore, #tpu.memory_space<semaphore_mem>>) src(%dma_wait3A_155 : memref<10240x64xf32, #tpu.memory_space<hbm>>) dst(%arg13 : memref<128x64xf32, #tpu.memory_space<vmem>>)
    %dma_wait3A_156 = arith.constant 77 : i32
    %dma_wait3A_157 = arith.constant 0 : i32
    %dma_wait3A_158 = tpu.memref_slice %arg7[%dma_wait3A_156, %dma_wait3A_157] : memref<80x128xi32, #tpu.memory_space<vmem>> -> memref<1x128xi32, #tpu.memory_space<vmem>>
    %dma_wait3A_159 = tpu.memref_squeeze %dma_wait3A_158 : memref<1x128xi32, #tpu.memory_space<vmem>> -> memref<128xi32, #tpu.memory_space<vmem>>
    %dma_wait3A_160 = arith.constant 0 : i32
    %dma_wait3A_161 = arith.constant 0 : i32
    %dma_wait3A_162 = tpu.memref_slice %arg2[%dma_wait3A_160, %dma_wait3A_161] : memref<10240x64xf32, #tpu.memory_space<hbm>> -> memref<10240x64xf32, #tpu.memory_space<hbm>>
    tpu.wait_indirect_dma semaphore(%arg20 : memref<!tpu.dma_semaphore, #tpu.memory_space<semaphore_mem>>) src(%dma_wait3A_162 : memref<10240x64xf32, #tpu.memory_space<hbm>>) dst(%arg14 : memref<128x64xf32, #tpu.memory_space<vmem>>)
    %dma_start3A_163 = arith.constant 76 : i32
    %dma_start3A_164 = arith.constant 0 : i32
    %dma_start3A_165 = tpu.memref_slice %arg8[%dma_start3A_163, %dma_start3A_164] : memref<80x128xi32, #tpu.memory_space<vmem>> -> memref<1x128xi32, #tpu.memory_space<vmem>>
    %dma_start3A_166 = tpu.memref_squeeze %dma_start3A_165 : memref<1x128xi32, #tpu.memory_space<vmem>> -> memref<128xi32, #tpu.memory_space<vmem>>
    %dma_start3A_167 = arith.constant 0 : i32
    %dma_start3A_168 = arith.constant 0 : i32
    %dma_start3A_169 = tpu.memref_slice %arg17[%dma_start3A_167, %dma_start3A_168] : memref<10240x64xf32, #tpu.memory_space<vmem_shared>> -> memref<10240x64xf32, #tpu.memory_space<vmem_shared>>
    tpu.enqueue_indirect_dma source(%arg13 : memref<128x64xf32, #tpu.memory_space<vmem>>) target(%dma_start3A_169 : memref<10240x64xf32, #tpu.memory_space<vmem_shared>>) offsets(%dma_start3A_166 : memref<128xi32, #tpu.memory_space<vmem>>) semaphore(%arg24 : memref<!tpu.dma_semaphore, #tpu.memory_space<semaphore_mem>>) {add = true}
    %dma_start3A_170 = arith.constant 77 : i32
    %dma_start3A_171 = arith.constant 0 : i32
    %dma_start3A_172 = tpu.memref_slice %arg8[%dma_start3A_170, %dma_start3A_171] : memref<80x128xi32, #tpu.memory_space<vmem>> -> memref<1x128xi32, #tpu.memory_space<vmem>>
    %dma_start3A_173 = tpu.memref_squeeze %dma_start3A_172 : memref<1x128xi32, #tpu.memory_space<vmem>> -> memref<128xi32, #tpu.memory_space<vmem>>
    %dma_start3A_174 = arith.constant 0 : i32
    %dma_start3A_175 = arith.constant 0 : i32
    %dma_start3A_176 = tpu.memref_slice %arg17[%dma_start3A_174, %dma_start3A_175] : memref<10240x64xf32, #tpu.memory_space<vmem_shared>> -> memref<10240x64xf32, #tpu.memory_space<vmem_shared>>
    tpu.enqueue_indirect_dma source(%arg14 : memref<128x64xf32, #tpu.memory_space<vmem>>) target(%dma_start3A_176 : memref<10240x64xf32, #tpu.memory_space<vmem_shared>>) offsets(%dma_start3A_173 : memref<128xi32, #tpu.memory_space<vmem>>) semaphore(%arg24 : memref<!tpu.dma_semaphore, #tpu.memory_space<semaphore_mem>>) {add = true}
    %dma_wait3A_177 = arith.constant 74 : i32
    %dma_wait3A_178 = arith.constant 0 : i32
    %dma_wait3A_179 = tpu.memref_slice %arg8[%dma_wait3A_177, %dma_wait3A_178] : memref<80x128xi32, #tpu.memory_space<vmem>> -> memref<1x128xi32, #tpu.memory_space<vmem>>
    %dma_wait3A_180 = tpu.memref_squeeze %dma_wait3A_179 : memref<1x128xi32, #tpu.memory_space<vmem>> -> memref<128xi32, #tpu.memory_space<vmem>>
    %dma_wait3A_181 = arith.constant 0 : i32
    %dma_wait3A_182 = arith.constant 0 : i32
    %dma_wait3A_183 = tpu.memref_slice %arg17[%dma_wait3A_181, %dma_wait3A_182] : memref<10240x64xf32, #tpu.memory_space<vmem_shared>> -> memref<10240x64xf32, #tpu.memory_space<vmem_shared>>
    tpu.wait_indirect_dma semaphore(%arg23 : memref<!tpu.dma_semaphore, #tpu.memory_space<semaphore_mem>>) src(%arg11 : memref<128x64xf32, #tpu.memory_space<vmem>>) dst(%dma_wait3A_183 : memref<10240x64xf32, #tpu.memory_space<vmem_shared>>)
    %dma_wait3A_184 = arith.constant 75 : i32
    %dma_wait3A_185 = arith.constant 0 : i32
    %dma_wait3A_186 = tpu.memref_slice %arg8[%dma_wait3A_184, %dma_wait3A_185] : memref<80x128xi32, #tpu.memory_space<vmem>> -> memref<1x128xi32, #tpu.memory_space<vmem>>
    %dma_wait3A_187 = tpu.memref_squeeze %dma_wait3A_186 : memref<1x128xi32, #tpu.memory_space<vmem>> -> memref<128xi32, #tpu.memory_space<vmem>>
    %dma_wait3A_188 = arith.constant 0 : i32
    %dma_wait3A_189 = arith.constant 0 : i32
    %dma_wait3A_190 = tpu.memref_slice %arg17[%dma_wait3A_188, %dma_wait3A_189] : memref<10240x64xf32, #tpu.memory_space<vmem_shared>> -> memref<10240x64xf32, #tpu.memory_space<vmem_shared>>
    tpu.wait_indirect_dma semaphore(%arg23 : memref<!tpu.dma_semaphore, #tpu.memory_space<semaphore_mem>>) src(%arg12 : memref<128x64xf32, #tpu.memory_space<vmem>>) dst(%dma_wait3A_190 : memref<10240x64xf32, #tpu.memory_space<vmem_shared>>)
    %dma_wait3A_191 = arith.constant 78 : i32
    %dma_wait3A_192 = arith.constant 0 : i32
    %dma_wait3A_193 = tpu.memref_slice %arg7[%dma_wait3A_191, %dma_wait3A_192] : memref<80x128xi32, #tpu.memory_space<vmem>> -> memref<1x128xi32, #tpu.memory_space<vmem>>
    %dma_wait3A_194 = tpu.memref_squeeze %dma_wait3A_193 : memref<1x128xi32, #tpu.memory_space<vmem>> -> memref<128xi32, #tpu.memory_space<vmem>>
    %dma_wait3A_195 = arith.constant 0 : i32
    %dma_wait3A_196 = arith.constant 0 : i32
    %dma_wait3A_197 = tpu.memref_slice %arg2[%dma_wait3A_195, %dma_wait3A_196] : memref<10240x64xf32, #tpu.memory_space<hbm>> -> memref<10240x64xf32, #tpu.memory_space<hbm>>
    tpu.wait_indirect_dma semaphore(%arg21 : memref<!tpu.dma_semaphore, #tpu.memory_space<semaphore_mem>>) src(%dma_wait3A_197 : memref<10240x64xf32, #tpu.memory_space<hbm>>) dst(%arg15 : memref<128x64xf32, #tpu.memory_space<vmem>>)
    %dma_wait3A_198 = arith.constant 79 : i32
    %dma_wait3A_199 = arith.constant 0 : i32
    %dma_wait3A_200 = tpu.memref_slice %arg7[%dma_wait3A_198, %dma_wait3A_199] : memref<80x128xi32, #tpu.memory_space<vmem>> -> memref<1x128xi32, #tpu.memory_space<vmem>>
    %dma_wait3A_201 = tpu.memref_squeeze %dma_wait3A_200 : memref<1x128xi32, #tpu.memory_space<vmem>> -> memref<128xi32, #tpu.memory_space<vmem>>
    %dma_wait3A_202 = arith.constant 0 : i32
    %dma_wait3A_203 = arith.constant 0 : i32
    %dma_wait3A_204 = tpu.memref_slice %arg2[%dma_wait3A_202, %dma_wait3A_203] : memref<10240x64xf32, #tpu.memory_space<hbm>> -> memref<10240x64xf32, #tpu.memory_space<hbm>>
    tpu.wait_indirect_dma semaphore(%arg21 : memref<!tpu.dma_semaphore, #tpu.memory_space<semaphore_mem>>) src(%dma_wait3A_204 : memref<10240x64xf32, #tpu.memory_space<hbm>>) dst(%arg16 : memref<128x64xf32, #tpu.memory_space<vmem>>)
    %dma_start3A_205 = arith.constant 78 : i32
    %dma_start3A_206 = arith.constant 0 : i32
    %dma_start3A_207 = tpu.memref_slice %arg8[%dma_start3A_205, %dma_start3A_206] : memref<80x128xi32, #tpu.memory_space<vmem>> -> memref<1x128xi32, #tpu.memory_space<vmem>>
    %dma_start3A_208 = tpu.memref_squeeze %dma_start3A_207 : memref<1x128xi32, #tpu.memory_space<vmem>> -> memref<128xi32, #tpu.memory_space<vmem>>
    %dma_start3A_209 = arith.constant 0 : i32
    %dma_start3A_210 = arith.constant 0 : i32
    %dma_start3A_211 = tpu.memref_slice %arg17[%dma_start3A_209, %dma_start3A_210] : memref<10240x64xf32, #tpu.memory_space<vmem_shared>> -> memref<10240x64xf32, #tpu.memory_space<vmem_shared>>
    tpu.enqueue_indirect_dma source(%arg15 : memref<128x64xf32, #tpu.memory_space<vmem>>) target(%dma_start3A_211 : memref<10240x64xf32, #tpu.memory_space<vmem_shared>>) offsets(%dma_start3A_208 : memref<128xi32, #tpu.memory_space<vmem>>) semaphore(%arg25 : memref<!tpu.dma_semaphore, #tpu.memory_space<semaphore_mem>>) {add = true}
    %dma_start3A_212 = arith.constant 79 : i32
    %dma_start3A_213 = arith.constant 0 : i32
    %dma_start3A_214 = tpu.memref_slice %arg8[%dma_start3A_212, %dma_start3A_213] : memref<80x128xi32, #tpu.memory_space<vmem>> -> memref<1x128xi32, #tpu.memory_space<vmem>>
    %dma_start3A_215 = tpu.memref_squeeze %dma_start3A_214 : memref<1x128xi32, #tpu.memory_space<vmem>> -> memref<128xi32, #tpu.memory_space<vmem>>
    %dma_start3A_216 = arith.constant 0 : i32
    %dma_start3A_217 = arith.constant 0 : i32
    %dma_start3A_218 = tpu.memref_slice %arg17[%dma_start3A_216, %dma_start3A_217] : memref<10240x64xf32, #tpu.memory_space<vmem_shared>> -> memref<10240x64xf32, #tpu.memory_space<vmem_shared>>
    tpu.enqueue_indirect_dma source(%arg16 : memref<128x64xf32, #tpu.memory_space<vmem>>) target(%dma_start3A_218 : memref<10240x64xf32, #tpu.memory_space<vmem_shared>>) offsets(%dma_start3A_215 : memref<128xi32, #tpu.memory_space<vmem>>) semaphore(%arg25 : memref<!tpu.dma_semaphore, #tpu.memory_space<semaphore_mem>>) {add = true}
    %dma_wait3A_219 = arith.constant 76 : i32
    %dma_wait3A_220 = arith.constant 0 : i32
    %dma_wait3A_221 = tpu.memref_slice %arg8[%dma_wait3A_219, %dma_wait3A_220] : memref<80x128xi32, #tpu.memory_space<vmem>> -> memref<1x128xi32, #tpu.memory_space<vmem>>
    %dma_wait3A_222 = tpu.memref_squeeze %dma_wait3A_221 : memref<1x128xi32, #tpu.memory_space<vmem>> -> memref<128xi32, #tpu.memory_space<vmem>>
    %dma_wait3A_223 = arith.constant 0 : i32
    %dma_wait3A_224 = arith.constant 0 : i32
    %dma_wait3A_225 = tpu.memref_slice %arg17[%dma_wait3A_223, %dma_wait3A_224] : memref<10240x64xf32, #tpu.memory_space<vmem_shared>> -> memref<10240x64xf32, #tpu.memory_space<vmem_shared>>
    tpu.wait_indirect_dma semaphore(%arg24 : memref<!tpu.dma_semaphore, #tpu.memory_space<semaphore_mem>>) src(%arg13 : memref<128x64xf32, #tpu.memory_space<vmem>>) dst(%dma_wait3A_225 : memref<10240x64xf32, #tpu.memory_space<vmem_shared>>)
    %dma_wait3A_226 = arith.constant 77 : i32
    %dma_wait3A_227 = arith.constant 0 : i32
    %dma_wait3A_228 = tpu.memref_slice %arg8[%dma_wait3A_226, %dma_wait3A_227] : memref<80x128xi32, #tpu.memory_space<vmem>> -> memref<1x128xi32, #tpu.memory_space<vmem>>
    %dma_wait3A_229 = tpu.memref_squeeze %dma_wait3A_228 : memref<1x128xi32, #tpu.memory_space<vmem>> -> memref<128xi32, #tpu.memory_space<vmem>>
    %dma_wait3A_230 = arith.constant 0 : i32
    %dma_wait3A_231 = arith.constant 0 : i32
    %dma_wait3A_232 = tpu.memref_slice %arg17[%dma_wait3A_230, %dma_wait3A_231] : memref<10240x64xf32, #tpu.memory_space<vmem_shared>> -> memref<10240x64xf32, #tpu.memory_space<vmem_shared>>
    tpu.wait_indirect_dma semaphore(%arg24 : memref<!tpu.dma_semaphore, #tpu.memory_space<semaphore_mem>>) src(%arg14 : memref<128x64xf32, #tpu.memory_space<vmem>>) dst(%dma_wait3A_232 : memref<10240x64xf32, #tpu.memory_space<vmem_shared>>)
    %dma_wait3A_233 = arith.constant 78 : i32
    %dma_wait3A_234 = arith.constant 0 : i32
    %dma_wait3A_235 = tpu.memref_slice %arg8[%dma_wait3A_233, %dma_wait3A_234] : memref<80x128xi32, #tpu.memory_space<vmem>> -> memref<1x128xi32, #tpu.memory_space<vmem>>
    %dma_wait3A_236 = tpu.memref_squeeze %dma_wait3A_235 : memref<1x128xi32, #tpu.memory_space<vmem>> -> memref<128xi32, #tpu.memory_space<vmem>>
    %dma_wait3A_237 = arith.constant 0 : i32
    %dma_wait3A_238 = arith.constant 0 : i32
    %dma_wait3A_239 = tpu.memref_slice %arg17[%dma_wait3A_237, %dma_wait3A_238] : memref<10240x64xf32, #tpu.memory_space<vmem_shared>> -> memref<10240x64xf32, #tpu.memory_space<vmem_shared>>
    tpu.wait_indirect_dma semaphore(%arg25 : memref<!tpu.dma_semaphore, #tpu.memory_space<semaphore_mem>>) src(%arg15 : memref<128x64xf32, #tpu.memory_space<vmem>>) dst(%dma_wait3A_239 : memref<10240x64xf32, #tpu.memory_space<vmem_shared>>)
    %dma_wait3A_240 = arith.constant 79 : i32
    %dma_wait3A_241 = arith.constant 0 : i32
    %dma_wait3A_242 = tpu.memref_slice %arg8[%dma_wait3A_240, %dma_wait3A_241] : memref<80x128xi32, #tpu.memory_space<vmem>> -> memref<1x128xi32, #tpu.memory_space<vmem>>
    %dma_wait3A_243 = tpu.memref_squeeze %dma_wait3A_242 : memref<1x128xi32, #tpu.memory_space<vmem>> -> memref<128xi32, #tpu.memory_space<vmem>>
    %dma_wait3A_244 = arith.constant 0 : i32
    %dma_wait3A_245 = arith.constant 0 : i32
    %dma_wait3A_246 = tpu.memref_slice %arg17[%dma_wait3A_244, %dma_wait3A_245] : memref<10240x64xf32, #tpu.memory_space<vmem_shared>> -> memref<10240x64xf32, #tpu.memory_space<vmem_shared>>
    tpu.wait_indirect_dma semaphore(%arg25 : memref<!tpu.dma_semaphore, #tpu.memory_space<semaphore_mem>>) src(%arg16 : memref<128x64xf32, #tpu.memory_space<vmem>>) dst(%dma_wait3A_246 : memref<10240x64xf32, #tpu.memory_space<vmem_shared>>)
    %barrier3A_247 = arith.constant 0 : index
    tpu.barrier barrier_id(%barrier3A_247)
    %eq3A = arith.constant 0 : i32
    %eq3A_248 = arith.cmpi eq, %arg0, %eq3A : i32
    %convert_element_type3A = arith.extui %eq3A_248 : i1 to i32
    %cond3A = arith.constant 0 : i32
    %cond3A_249 = arith.cmpi ne, %convert_element_type3A, %cond3A : i32
    scf.if %cond3A_249 {
      "tpu.region"() ({
        %run_scoped3A = tpu.sem_alloc : memref<!tpu.dma_semaphore, #tpu.memory_space<semaphore_mem>>
        %dma_start3A_255 = arith.constant 0 : i32
        %dma_start3A_256 = tpu.memref_slice %arg5[%mul3A_49, %dma_start3A_255] : memref<10240x64xf32, #tpu.memory_space<hbm>> -> memref<640x64xf32, #tpu.memory_space<hbm>>
        %dma_start3A_257 = arith.constant 0 : i32
        %dma_start3A_258 = tpu.memref_slice %arg17[%mul3A_49, %dma_start3A_257] : memref<10240x64xf32, #tpu.memory_space<vmem_shared>> -> memref<640x64xf32, #tpu.memory_space<vmem_shared>>
        tpu.enqueue_dma source(%dma_start3A_258 : memref<640x64xf32, #tpu.memory_space<vmem_shared>>) target(%dma_start3A_256 : memref<640x64xf32, #tpu.memory_space<hbm>>) target_semaphore(%run_scoped3A : memref<!tpu.dma_semaphore, #tpu.memory_space<semaphore_mem>>)
        %dma_wait3A_259 = arith.constant 0 : i32
        %dma_wait3A_260 = tpu.memref_slice %arg5[%mul3A_49, %dma_wait3A_259] : memref<10240x64xf32, #tpu.memory_space<hbm>> -> memref<640x64xf32, #tpu.memory_space<hbm>>
        %dma_wait3A_261 = arith.constant 0 : i32
        %dma_wait3A_262 = tpu.memref_slice %arg17[%mul3A_49, %dma_wait3A_261] : memref<10240x64xf32, #tpu.memory_space<vmem_shared>> -> memref<640x64xf32, #tpu.memory_space<vmem_shared>>
        tpu.wait_dma2 semaphore(%run_scoped3A : memref<!tpu.dma_semaphore, #tpu.memory_space<semaphore_mem>>) src(%dma_wait3A_262 : memref<640x64xf32, #tpu.memory_space<vmem_shared>>) dst(%dma_wait3A_260 : memref<640x64xf32, #tpu.memory_space<hbm>>)
        tpu.yield
      }) : () -> ()
    } else {
    }
    %eq3A_250 = arith.constant 1 : i32
    %eq3A_251 = arith.cmpi eq, %arg0, %eq3A_250 : i32
    %convert_element_type3A_252 = arith.extui %eq3A_251 : i1 to i32
    %cond3A_253 = arith.constant 0 : i32
    %cond3A_254 = arith.cmpi ne, %convert_element_type3A_252, %cond3A_253 : i32
    scf.if %cond3A_254 {
      "tpu.region"() ({
        %run_scoped3A = tpu.sem_alloc : memref<!tpu.dma_semaphore, #tpu.memory_space<semaphore_mem>>
        %dma_start3A_255 = arith.constant 0 : i32
        %dma_start3A_256 = tpu.memref_slice %arg6[%mul3A_49, %dma_start3A_255] : memref<10240x64xf32, #tpu.memory_space<hbm>> -> memref<640x64xf32, #tpu.memory_space<hbm>>
        %dma_start3A_257 = arith.constant 0 : i32
        %dma_start3A_258 = tpu.memref_slice %arg17[%mul3A_49, %dma_start3A_257] : memref<10240x64xf32, #tpu.memory_space<vmem_shared>> -> memref<640x64xf32, #tpu.memory_space<vmem_shared>>
        tpu.enqueue_dma source(%dma_start3A_258 : memref<640x64xf32, #tpu.memory_space<vmem_shared>>) target(%dma_start3A_256 : memref<640x64xf32, #tpu.memory_space<hbm>>) target_semaphore(%run_scoped3A : memref<!tpu.dma_semaphore, #tpu.memory_space<semaphore_mem>>)
        %dma_wait3A_259 = arith.constant 0 : i32
        %dma_wait3A_260 = tpu.memref_slice %arg6[%mul3A_49, %dma_wait3A_259] : memref<10240x64xf32, #tpu.memory_space<hbm>> -> memref<640x64xf32, #tpu.memory_space<hbm>>
        %dma_wait3A_261 = arith.constant 0 : i32
        %dma_wait3A_262 = tpu.memref_slice %arg17[%mul3A_49, %dma_wait3A_261] : memref<10240x64xf32, #tpu.memory_space<vmem_shared>> -> memref<640x64xf32, #tpu.memory_space<vmem_shared>>
        tpu.wait_dma2 semaphore(%run_scoped3A : memref<!tpu.dma_semaphore, #tpu.memory_space<semaphore_mem>>) src(%dma_wait3A_262 : memref<640x64xf32, #tpu.memory_space<vmem_shared>>) dst(%dma_wait3A_260 : memref<640x64xf32, #tpu.memory_space<hbm>>)
        tpu.yield
      }) : () -> ()
    } else {
    }
    return
  }
}

#map = affine_map<(d0, d1) -> (0, 0)>
#map1 = affine_map<(d0, d1) -> (0, 0, 0)>
module attributes {stable_mosaic.version = 14 : i64} {
  func.func @agg(%arg0: i32, %arg1: i32, %arg2: memref<10240x64xf32, #tpu.memory_space<hbm>>, %arg3: memref<32x80x128xi32, #tpu.memory_space<hbm>>, %arg4: memref<32x80x128xi32, #tpu.memory_space<hbm>>, %arg5: memref<10240x64xf32, #tpu.memory_space<hbm>>, %arg6: memref<10240x64xf32, #tpu.memory_space<hbm>>, %arg7: memref<80x128xi32, #tpu.memory_space<vmem>>, %arg8: memref<80x128xi32, #tpu.memory_space<vmem>>, %arg9: memref<128x64xf32, #tpu.memory_space<vmem>>, %arg10: memref<128x64xf32, #tpu.memory_space<vmem>>, %arg11: memref<128x64xf32, #tpu.memory_space<vmem>>, %arg12: memref<128x64xf32, #tpu.memory_space<vmem>>, %arg13: memref<128x64xf32, #tpu.memory_space<vmem>>, %arg14: memref<128x64xf32, #tpu.memory_space<vmem>>, %arg15: memref<128x64xf32, #tpu.memory_space<vmem>>, %arg16: memref<128x64xf32, #tpu.memory_space<vmem>>, %arg17: memref<10240x64xf32, #tpu.memory_space<vmem_shared>>, %arg18: memref<!tpu.dma_semaphore, #tpu.memory_space<semaphore_mem>>, %arg19: memref<!tpu.dma_semaphore, #tpu.memory_space<semaphore_mem>>, %arg20: memref<!tpu.dma_semaphore, #tpu.memory_space<semaphore_mem>>, %arg21: memref<!tpu.dma_semaphore, #tpu.memory_space<semaphore_mem>>, %arg22: memref<!tpu.dma_semaphore, #tpu.memory_space<semaphore_mem>>, %arg23: memref<!tpu.dma_semaphore, #tpu.memory_space<semaphore_mem>>, %arg24: memref<!tpu.dma_semaphore, #tpu.memory_space<semaphore_mem>>, %arg25: memref<!tpu.dma_semaphore, #tpu.memory_space<semaphore_mem>>) attributes {dimension_semantics = [#tpu.dimension_semantics<core_parallel>, #tpu.dimension_semantics<subcore_parallel>], iteration_bounds = array<i64: 2, 16>, scalar_prefetch = 0 : i64, scratch_operands = 19 : i64, tpu.core_type = #tpu.core_type<sc_vector_subcore>, window_params = [{transform_indices = #map}, {transform_indices = #map1}, {transform_indices = #map1}, {transform_indices = #map}, {transform_indices = #map}]} {
    %mul3A = arith.constant 16 : i32
    %mul3A_0 = arith.muli %arg0, %mul3A : i32
    %add3A = arith.addi %mul3A_0, %arg1 : i32
    "tpu.region"() ({
      %run_scoped3A = tpu.sem_alloc : memref<!tpu.dma_semaphore, #tpu.memory_space<semaphore_mem>>
      %dma_start3A_255 = arith.constant 0 : i32
      %dma_start3A_256 = arith.constant 0 : i32
      %dma_start3A_257 = tpu.memref_slice %arg3[%add3A, %dma_start3A_255, %dma_start3A_256] : memref<32x80x128xi32, #tpu.memory_space<hbm>> -> memref<1x80x128xi32, #tpu.memory_space<hbm>>
      %dma_start3A_258 = tpu.memref_squeeze %dma_start3A_257 : memref<1x80x128xi32, #tpu.memory_space<hbm>> -> memref<80x128xi32, #tpu.memory_space<hbm>>
      %dma_start3A_259 = arith.constant 0 : i32
      %dma_start3A_260 = arith.constant 0 : i32
      %dma_start3A_261 = tpu.memref_slice %arg3[%add3A, %dma_start3A_259, %dma_start3A_260] : memref<32x80x128xi32, #tpu.memory_space<hbm>> -> memref<1x80x128xi32, #tpu.memory_space<hbm>>
      %dma_start3A_262 = tpu.memref_squeeze %dma_start3A_261 : memref<1x80x128xi32, #tpu.memory_space<hbm>> -> memref<80x128xi32, #tpu.memory_space<hbm>>
      tpu.enqueue_dma source(%dma_start3A_262 : memref<80x128xi32, #tpu.memory_space<hbm>>) target(%arg7 : memref<80x128xi32, #tpu.memory_space<vmem>>) target_semaphore(%run_scoped3A : memref<!tpu.dma_semaphore, #tpu.memory_space<semaphore_mem>>)
      %dma_wait3A_263 = arith.constant 0 : i32
      %dma_wait3A_264 = arith.constant 0 : i32
      %dma_wait3A_265 = tpu.memref_slice %arg3[%add3A, %dma_wait3A_263, %dma_wait3A_264] : memref<32x80x128xi32, #tpu.memory_space<hbm>> -> memref<1x80x128xi32, #tpu.memory_space<hbm>>
      %dma_wait3A_266 = tpu.memref_squeeze %dma_wait3A_265 : memref<1x80x128xi32, #tpu.memory_space<hbm>> -> memref<80x128xi32, #tpu.memory_space<hbm>>
      %dma_wait3A_267 = arith.constant 0 : i32
      %dma_wait3A_268 = arith.constant 0 : i32
      %dma_wait3A_269 = tpu.memref_slice %arg3[%add3A, %dma_wait3A_267, %dma_wait3A_268] : memref<32x80x128xi32, #tpu.memory_space<hbm>> -> memref<1x80x128xi32, #tpu.memory_space<hbm>>
      %dma_wait3A_270 = tpu.memref_squeeze %dma_wait3A_269 : memref<1x80x128xi32, #tpu.memory_space<hbm>> -> memref<80x128xi32, #tpu.memory_space<hbm>>
      tpu.wait_dma2 semaphore(%run_scoped3A : memref<!tpu.dma_semaphore, #tpu.memory_space<semaphore_mem>>) src(%dma_wait3A_270 : memref<80x128xi32, #tpu.memory_space<hbm>>) dst(%arg7 : memref<80x128xi32, #tpu.memory_space<vmem>>)
      tpu.yield
    }) : () -> ()
    "tpu.region"() ({
      %run_scoped3A = tpu.sem_alloc : memref<!tpu.dma_semaphore, #tpu.memory_space<semaphore_mem>>
      %dma_start3A_255 = arith.constant 0 : i32
      %dma_start3A_256 = arith.constant 0 : i32
      %dma_start3A_257 = tpu.memref_slice %arg4[%add3A, %dma_start3A_255, %dma_start3A_256] : memref<32x80x128xi32, #tpu.memory_space<hbm>> -> memref<1x80x128xi32, #tpu.memory_space<hbm>>
      %dma_start3A_258 = tpu.memref_squeeze %dma_start3A_257 : memref<1x80x128xi32, #tpu.memory_space<hbm>> -> memref<80x128xi32, #tpu.memory_space<hbm>>
      %dma_start3A_259 = arith.constant 0 : i32
      %dma_start3A_260 = arith.constant 0 : i32
      %dma_start3A_261 = tpu.memref_slice %arg4[%add3A, %dma_start3A_259, %dma_start3A_260] : memref<32x80x128xi32, #tpu.memory_space<hbm>> -> memref<1x80x128xi32, #tpu.memory_space<hbm>>
      %dma_start3A_262 = tpu.memref_squeeze %dma_start3A_261 : memref<1x80x128xi32, #tpu.memory_space<hbm>> -> memref<80x128xi32, #tpu.memory_space<hbm>>
      tpu.enqueue_dma source(%dma_start3A_262 : memref<80x128xi32, #tpu.memory_space<hbm>>) target(%arg8 : memref<80x128xi32, #tpu.memory_space<vmem>>) target_semaphore(%run_scoped3A : memref<!tpu.dma_semaphore, #tpu.memory_space<semaphore_mem>>)
      %dma_wait3A_263 = arith.constant 0 : i32
      %dma_wait3A_264 = arith.constant 0 : i32
      %dma_wait3A_265 = tpu.memref_slice %arg4[%add3A, %dma_wait3A_263, %dma_wait3A_264] : memref<32x80x128xi32, #tpu.memory_space<hbm>> -> memref<1x80x128xi32, #tpu.memory_space<hbm>>
      %dma_wait3A_266 = tpu.memref_squeeze %dma_wait3A_265 : memref<1x80x128xi32, #tpu.memory_space<hbm>> -> memref<80x128xi32, #tpu.memory_space<hbm>>
      %dma_wait3A_267 = arith.constant 0 : i32
      %dma_wait3A_268 = arith.constant 0 : i32
      %dma_wait3A_269 = tpu.memref_slice %arg4[%add3A, %dma_wait3A_267, %dma_wait3A_268] : memref<32x80x128xi32, #tpu.memory_space<hbm>> -> memref<1x80x128xi32, #tpu.memory_space<hbm>>
      %dma_wait3A_270 = tpu.memref_squeeze %dma_wait3A_269 : memref<1x80x128xi32, #tpu.memory_space<hbm>> -> memref<80x128xi32, #tpu.memory_space<hbm>>
      tpu.wait_dma2 semaphore(%run_scoped3A : memref<!tpu.dma_semaphore, #tpu.memory_space<semaphore_mem>>) src(%dma_wait3A_270 : memref<80x128xi32, #tpu.memory_space<hbm>>) dst(%arg8 : memref<80x128xi32, #tpu.memory_space<vmem>>)
      tpu.yield
    }) : () -> ()
    %dma_start3A = arith.constant 0 : i32
    %dma_start3A_1 = arith.constant 0 : i32
    %dma_start3A_2 = tpu.memref_slice %arg7[%dma_start3A, %dma_start3A_1] : memref<80x128xi32, #tpu.memory_space<vmem>> -> memref<1x128xi32, #tpu.memory_space<vmem>>
    %dma_start3A_3 = tpu.memref_squeeze %dma_start3A_2 : memref<1x128xi32, #tpu.memory_space<vmem>> -> memref<128xi32, #tpu.memory_space<vmem>>
    %dma_start3A_4 = arith.constant 0 : i32
    %dma_start3A_5 = arith.constant 0 : i32
    %dma_start3A_6 = tpu.memref_slice %arg2[%dma_start3A_4, %dma_start3A_5] : memref<10240x64xf32, #tpu.memory_space<hbm>> -> memref<10240x64xf32, #tpu.memory_space<hbm>>
    tpu.enqueue_indirect_dma source(%dma_start3A_6 : memref<10240x64xf32, #tpu.memory_space<hbm>>) target(%arg9 : memref<128x64xf32, #tpu.memory_space<vmem>>) offsets(%dma_start3A_3 : memref<128xi32, #tpu.memory_space<vmem>>) semaphore(%arg18 : memref<!tpu.dma_semaphore, #tpu.memory_space<semaphore_mem>>)
    %dma_start3A_7 = arith.constant 1 : i32
    %dma_start3A_8 = arith.constant 0 : i32
    %dma_start3A_9 = tpu.memref_slice %arg7[%dma_start3A_7, %dma_start3A_8] : memref<80x128xi32, #tpu.memory_space<vmem>> -> memref<1x128xi32, #tpu.memory_space<vmem>>
    %dma_start3A_10 = tpu.memref_squeeze %dma_start3A_9 : memref<1x128xi32, #tpu.memory_space<vmem>> -> memref<128xi32, #tpu.memory_space<vmem>>
    %dma_start3A_11 = arith.constant 0 : i32
    %dma_start3A_12 = arith.constant 0 : i32
    %dma_start3A_13 = tpu.memref_slice %arg2[%dma_start3A_11, %dma_start3A_12] : memref<10240x64xf32, #tpu.memory_space<hbm>> -> memref<10240x64xf32, #tpu.memory_space<hbm>>
    tpu.enqueue_indirect_dma source(%dma_start3A_13 : memref<10240x64xf32, #tpu.memory_space<hbm>>) target(%arg10 : memref<128x64xf32, #tpu.memory_space<vmem>>) offsets(%dma_start3A_10 : memref<128xi32, #tpu.memory_space<vmem>>) semaphore(%arg18 : memref<!tpu.dma_semaphore, #tpu.memory_space<semaphore_mem>>)
    %dma_start3A_14 = arith.constant 2 : i32
    %dma_start3A_15 = arith.constant 0 : i32
    %dma_start3A_16 = tpu.memref_slice %arg7[%dma_start3A_14, %dma_start3A_15] : memref<80x128xi32, #tpu.memory_space<vmem>> -> memref<1x128xi32, #tpu.memory_space<vmem>>
    %dma_start3A_17 = tpu.memref_squeeze %dma_start3A_16 : memref<1x128xi32, #tpu.memory_space<vmem>> -> memref<128xi32, #tpu.memory_space<vmem>>
    %dma_start3A_18 = arith.constant 0 : i32
    %dma_start3A_19 = arith.constant 0 : i32
    %dma_start3A_20 = tpu.memref_slice %arg2[%dma_start3A_18, %dma_start3A_19] : memref<10240x64xf32, #tpu.memory_space<hbm>> -> memref<10240x64xf32, #tpu.memory_space<hbm>>
    tpu.enqueue_indirect_dma source(%dma_start3A_20 : memref<10240x64xf32, #tpu.memory_space<hbm>>) target(%arg11 : memref<128x64xf32, #tpu.memory_space<vmem>>) offsets(%dma_start3A_17 : memref<128xi32, #tpu.memory_space<vmem>>) semaphore(%arg19 : memref<!tpu.dma_semaphore, #tpu.memory_space<semaphore_mem>>)
    %dma_start3A_21 = arith.constant 3 : i32
    %dma_start3A_22 = arith.constant 0 : i32
    %dma_start3A_23 = tpu.memref_slice %arg7[%dma_start3A_21, %dma_start3A_22] : memref<80x128xi32, #tpu.memory_space<vmem>> -> memref<1x128xi32, #tpu.memory_space<vmem>>
    %dma_start3A_24 = tpu.memref_squeeze %dma_start3A_23 : memref<1x128xi32, #tpu.memory_space<vmem>> -> memref<128xi32, #tpu.memory_space<vmem>>
    %dma_start3A_25 = arith.constant 0 : i32
    %dma_start3A_26 = arith.constant 0 : i32
    %dma_start3A_27 = tpu.memref_slice %arg2[%dma_start3A_25, %dma_start3A_26] : memref<10240x64xf32, #tpu.memory_space<hbm>> -> memref<10240x64xf32, #tpu.memory_space<hbm>>
    tpu.enqueue_indirect_dma source(%dma_start3A_27 : memref<10240x64xf32, #tpu.memory_space<hbm>>) target(%arg12 : memref<128x64xf32, #tpu.memory_space<vmem>>) offsets(%dma_start3A_24 : memref<128xi32, #tpu.memory_space<vmem>>) semaphore(%arg19 : memref<!tpu.dma_semaphore, #tpu.memory_space<semaphore_mem>>)
    %dma_start3A_28 = arith.constant 4 : i32
    %dma_start3A_29 = arith.constant 0 : i32
    %dma_start3A_30 = tpu.memref_slice %arg7[%dma_start3A_28, %dma_start3A_29] : memref<80x128xi32, #tpu.memory_space<vmem>> -> memref<1x128xi32, #tpu.memory_space<vmem>>
    %dma_start3A_31 = tpu.memref_squeeze %dma_start3A_30 : memref<1x128xi32, #tpu.memory_space<vmem>> -> memref<128xi32, #tpu.memory_space<vmem>>
    %dma_start3A_32 = arith.constant 0 : i32
    %dma_start3A_33 = arith.constant 0 : i32
    %dma_start3A_34 = tpu.memref_slice %arg2[%dma_start3A_32, %dma_start3A_33] : memref<10240x64xf32, #tpu.memory_space<hbm>> -> memref<10240x64xf32, #tpu.memory_space<hbm>>
    tpu.enqueue_indirect_dma source(%dma_start3A_34 : memref<10240x64xf32, #tpu.memory_space<hbm>>) target(%arg13 : memref<128x64xf32, #tpu.memory_space<vmem>>) offsets(%dma_start3A_31 : memref<128xi32, #tpu.memory_space<vmem>>) semaphore(%arg20 : memref<!tpu.dma_semaphore, #tpu.memory_space<semaphore_mem>>)
    %dma_start3A_35 = arith.constant 5 : i32
    %dma_start3A_36 = arith.constant 0 : i32
    %dma_start3A_37 = tpu.memref_slice %arg7[%dma_start3A_35, %dma_start3A_36] : memref<80x128xi32, #tpu.memory_space<vmem>> -> memref<1x128xi32, #tpu.memory_space<vmem>>
    %dma_start3A_38 = tpu.memref_squeeze %dma_start3A_37 : memref<1x128xi32, #tpu.memory_space<vmem>> -> memref<128xi32, #tpu.memory_space<vmem>>
    %dma_start3A_39 = arith.constant 0 : i32
    %dma_start3A_40 = arith.constant 0 : i32
    %dma_start3A_41 = tpu.memref_slice %arg2[%dma_start3A_39, %dma_start3A_40] : memref<10240x64xf32, #tpu.memory_space<hbm>> -> memref<10240x64xf32, #tpu.memory_space<hbm>>
    tpu.enqueue_indirect_dma source(%dma_start3A_41 : memref<10240x64xf32, #tpu.memory_space<hbm>>) target(%arg14 : memref<128x64xf32, #tpu.memory_space<vmem>>) offsets(%dma_start3A_38 : memref<128xi32, #tpu.memory_space<vmem>>) semaphore(%arg20 : memref<!tpu.dma_semaphore, #tpu.memory_space<semaphore_mem>>)
    %broadcast_in_dim3A = arith.constant 0.000000e+00 : f32
    %broadcast_in_dim3A_42 = vector.broadcast %broadcast_in_dim3A : f32 to vector<16xf32>
    %scan3A = arith.constant 0 : i32
    %scan3A_43 = arith.constant 0 : i32
    %scan3A_44 = arith.constant 512 : i32
    %scan3A_45 = arith.addi %scan3A_43, %scan3A_44 : i32
    %scan3A_46 = arith.constant 1 : i32
    scf.for %scan3A_255 = %scan3A_43 to %scan3A_45 step %scan3A_46  : i32 {
      %jit3A = arith.constant 4 : i32
      %div3A = arith.divsi %scan3A_255, %jit3A : i32
      %sign3A = arith.constant 0 : i32
      %sign3A_256 = arith.cmpi sgt, %scan3A_255, %sign3A : i32
      %sign3A_257 = arith.extui %sign3A_256 : i1 to i32
      %sign3A_258 = arith.constant 0 : i32
      %sign3A_259 = arith.cmpi slt, %scan3A_255, %sign3A_258 : i32
      %sign3A_260 = arith.extui %sign3A_259 : i1 to i32
      %sign3A_261 = arith.subi %sign3A_257, %sign3A_260 : i32
      %sign3A_262 = arith.constant 0 : i32
      %sign3A_263 = arith.cmpi sgt, %jit3A, %sign3A_262 : i32
      %sign3A_264 = arith.extui %sign3A_263 : i1 to i32
      %sign3A_265 = arith.constant 0 : i32
      %sign3A_266 = arith.cmpi slt, %jit3A, %sign3A_265 : i32
      %sign3A_267 = arith.extui %sign3A_266 : i1 to i32
      %sign3A_268 = arith.subi %sign3A_264, %sign3A_267 : i32
      %ne3A = arith.cmpi ne, %sign3A_261, %sign3A_268 : i32
      %rem3A = arith.remsi %scan3A_255, %jit3A : i32
      %ne3A_269 = arith.constant 0 : i32
      %ne3A_270 = arith.cmpi ne, %rem3A, %ne3A_269 : i32
      %and3A = arith.andi %ne3A, %ne3A_270 : i1
      %sub3A = arith.constant 1 : i32
      %sub3A_271 = arith.subi %div3A, %sub3A : i32
      %select_n3A = arith.select %and3A, %sub3A_271, %div3A : i32
      %jit3A_272 = arith.constant 4 : i32
      %eq3A_273 = arith.constant 0 : i32
      %eq3A_274 = arith.cmpi eq, %jit3A_272, %eq3A_273 : i32
      %jit3A_275 = arith.constant 1 : i32
      %select_n3A_276 = arith.select %eq3A_274, %jit3A_275, %jit3A_272 : i32
      %rem3A_277 = arith.remsi %scan3A_255, %select_n3A_276 : i32
      %ne3A_278 = arith.constant 0 : i32
      %ne3A_279 = arith.cmpi ne, %rem3A_277, %ne3A_278 : i32
      %lt3A = arith.constant 0 : i32
      %lt3A_280 = arith.cmpi slt, %rem3A_277, %lt3A : i32
      %lt3A_281 = arith.constant 0 : i32
      %lt3A_282 = arith.cmpi slt, %select_n3A_276, %lt3A_281 : i32
      %ne3A_283 = arith.xori %lt3A_280, %lt3A_282 : i1
      %and3A_284 = arith.andi %ne3A_283, %ne3A_279 : i1
      %add3A_285 = arith.addi %rem3A_277, %select_n3A_276 : i32
      %select_n3A_286 = arith.select %and3A_284, %add3A_285, %rem3A_277 : i32
      %mul3A_287 = arith.constant 16 : i32
      %mul3A_288 = arith.muli %select_n3A_286, %mul3A_287 : i32
      %swap3A = arith.index_cast %select_n3A : i32 to index
      %swap3A_289 = arith.index_cast %mul3A_288 : i32 to index
      %swap3A_290 = tpu.vector_load %arg16[%swap3A, %swap3A_289] {strides = array<i32>} : memref<128x64xf32, #tpu.memory_space<vmem>>, vector<1x16xf32>,
      %swap3A_291 = vector.shape_cast %swap3A_290 : vector<1x16xf32> to vector<16xf32>
      %swap3A_292 = vector.shape_cast %broadcast_in_dim3A_42 : vector<16xf32> to vector<1x16xf32>
      tpu.vector_store %arg16[%swap3A, %swap3A_289], %swap3A_292 {strides = array<i32>} : memref<128x64xf32, #tpu.memory_space<vmem>>, vector<1x16xf32>,
    }
    %scan3A_47 = arith.constant 512 : i32
    %mul3A_48 = arith.constant 640 : i32
    %mul3A_49 = arith.muli %arg1, %mul3A_48 : i32
    %add3A_50 = arith.constant 0 : i32
    %add3A_51 = arith.addi %mul3A_49, %add3A_50 : i32
    "tpu.region"() ({
      %run_scoped3A = tpu.sem_alloc : memref<!tpu.dma_semaphore, #tpu.memory_space<semaphore_mem>>
      %dma_start3A_255 = arith.constant 0 : i32
      %dma_start3A_256 = tpu.memref_slice %arg17[%add3A_51, %dma_start3A_255] : memref<10240x64xf32, #tpu.memory_space<vmem_shared>> -> memref<128x64xf32, #tpu.memory_space<vmem_shared>>
      %dma_start3A_257 = arith.constant 0 : i32
      %dma_start3A_258 = tpu.memref_slice %arg17[%add3A_51, %dma_start3A_257] : memref<10240x64xf32, #tpu.memory_space<vmem_shared>> -> memref<128x64xf32, #tpu.memory_space<vmem_shared>>
      tpu.enqueue_dma source(%arg16 : memref<128x64xf32, #tpu.memory_space<vmem>>) target(%dma_start3A_258 : memref<128x64xf32, #tpu.memory_space<vmem_shared>>) target_semaphore(%run_scoped3A : memref<!tpu.dma_semaphore, #tpu.memory_space<semaphore_mem>>)
      %dma_wait3A_259 = arith.constant 0 : i32
      %dma_wait3A_260 = tpu.memref_slice %arg17[%add3A_51, %dma_wait3A_259] : memref<10240x64xf32, #tpu.memory_space<vmem_shared>> -> memref<128x64xf32, #tpu.memory_space<vmem_shared>>
      %dma_wait3A_261 = arith.constant 0 : i32
      %dma_wait3A_262 = tpu.memref_slice %arg17[%add3A_51, %dma_wait3A_261] : memref<10240x64xf32, #tpu.memory_space<vmem_shared>> -> memref<128x64xf32, #tpu.memory_space<vmem_shared>>
      tpu.wait_dma2 semaphore(%run_scoped3A : memref<!tpu.dma_semaphore, #tpu.memory_space<semaphore_mem>>) src(%arg16 : memref<128x64xf32, #tpu.memory_space<vmem>>) dst(%dma_wait3A_262 : memref<128x64xf32, #tpu.memory_space<vmem_shared>>)
      tpu.yield
    }) : () -> ()
    %add3A_52 = arith.constant 128 : i32
    %add3A_53 = arith.addi %mul3A_49, %add3A_52 : i32
    "tpu.region"() ({
      %run_scoped3A = tpu.sem_alloc : memref<!tpu.dma_semaphore, #tpu.memory_space<semaphore_mem>>
      %dma_start3A_255 = arith.constant 0 : i32
      %dma_start3A_256 = tpu.memref_slice %arg17[%add3A_53, %dma_start3A_255] : memref<10240x64xf32, #tpu.memory_space<vmem_shared>> -> memref<128x64xf32, #tpu.memory_space<vmem_shared>>
      %dma_start3A_257 = arith.constant 0 : i32
      %dma_start3A_258 = tpu.memref_slice %arg17[%add3A_53, %dma_start3A_257] : memref<10240x64xf32, #tpu.memory_space<vmem_shared>> -> memref<128x64xf32, #tpu.memory_space<vmem_shared>>
      tpu.enqueue_dma source(%arg16 : memref<128x64xf32, #tpu.memory_space<vmem>>) target(%dma_start3A_258 : memref<128x64xf32, #tpu.memory_space<vmem_shared>>) target_semaphore(%run_scoped3A : memref<!tpu.dma_semaphore, #tpu.memory_space<semaphore_mem>>)
      %dma_wait3A_259 = arith.constant 0 : i32
      %dma_wait3A_260 = tpu.memref_slice %arg17[%add3A_53, %dma_wait3A_259] : memref<10240x64xf32, #tpu.memory_space<vmem_shared>> -> memref<128x64xf32, #tpu.memory_space<vmem_shared>>
      %dma_wait3A_261 = arith.constant 0 : i32
      %dma_wait3A_262 = tpu.memref_slice %arg17[%add3A_53, %dma_wait3A_261] : memref<10240x64xf32, #tpu.memory_space<vmem_shared>> -> memref<128x64xf32, #tpu.memory_space<vmem_shared>>
      tpu.wait_dma2 semaphore(%run_scoped3A : memref<!tpu.dma_semaphore, #tpu.memory_space<semaphore_mem>>) src(%arg16 : memref<128x64xf32, #tpu.memory_space<vmem>>) dst(%dma_wait3A_262 : memref<128x64xf32, #tpu.memory_space<vmem_shared>>)
      tpu.yield
    }) : () -> ()
    %add3A_54 = arith.constant 256 : i32
    %add3A_55 = arith.addi %mul3A_49, %add3A_54 : i32
    "tpu.region"() ({
      %run_scoped3A = tpu.sem_alloc : memref<!tpu.dma_semaphore, #tpu.memory_space<semaphore_mem>>
      %dma_start3A_255 = arith.constant 0 : i32
      %dma_start3A_256 = tpu.memref_slice %arg17[%add3A_55, %dma_start3A_255] : memref<10240x64xf32, #tpu.memory_space<vmem_shared>> -> memref<128x64xf32, #tpu.memory_space<vmem_shared>>
      %dma_start3A_257 = arith.constant 0 : i32
      %dma_start3A_258 = tpu.memref_slice %arg17[%add3A_55, %dma_start3A_257] : memref<10240x64xf32, #tpu.memory_space<vmem_shared>> -> memref<128x64xf32, #tpu.memory_space<vmem_shared>>
      tpu.enqueue_dma source(%arg16 : memref<128x64xf32, #tpu.memory_space<vmem>>) target(%dma_start3A_258 : memref<128x64xf32, #tpu.memory_space<vmem_shared>>) target_semaphore(%run_scoped3A : memref<!tpu.dma_semaphore, #tpu.memory_space<semaphore_mem>>)
      %dma_wait3A_259 = arith.constant 0 : i32
      %dma_wait3A_260 = tpu.memref_slice %arg17[%add3A_55, %dma_wait3A_259] : memref<10240x64xf32, #tpu.memory_space<vmem_shared>> -> memref<128x64xf32, #tpu.memory_space<vmem_shared>>
      %dma_wait3A_261 = arith.constant 0 : i32
      %dma_wait3A_262 = tpu.memref_slice %arg17[%add3A_55, %dma_wait3A_261] : memref<10240x64xf32, #tpu.memory_space<vmem_shared>> -> memref<128x64xf32, #tpu.memory_space<vmem_shared>>
      tpu.wait_dma2 semaphore(%run_scoped3A : memref<!tpu.dma_semaphore, #tpu.memory_space<semaphore_mem>>) src(%arg16 : memref<128x64xf32, #tpu.memory_space<vmem>>) dst(%dma_wait3A_262 : memref<128x64xf32, #tpu.memory_space<vmem_shared>>)
      tpu.yield
    }) : () -> ()
    %add3A_56 = arith.constant 384 : i32
    %add3A_57 = arith.addi %mul3A_49, %add3A_56 : i32
    "tpu.region"() ({
      %run_scoped3A = tpu.sem_alloc : memref<!tpu.dma_semaphore, #tpu.memory_space<semaphore_mem>>
      %dma_start3A_255 = arith.constant 0 : i32
      %dma_start3A_256 = tpu.memref_slice %arg17[%add3A_57, %dma_start3A_255] : memref<10240x64xf32, #tpu.memory_space<vmem_shared>> -> memref<128x64xf32, #tpu.memory_space<vmem_shared>>
      %dma_start3A_257 = arith.constant 0 : i32
      %dma_start3A_258 = tpu.memref_slice %arg17[%add3A_57, %dma_start3A_257] : memref<10240x64xf32, #tpu.memory_space<vmem_shared>> -> memref<128x64xf32, #tpu.memory_space<vmem_shared>>
      tpu.enqueue_dma source(%arg16 : memref<128x64xf32, #tpu.memory_space<vmem>>) target(%dma_start3A_258 : memref<128x64xf32, #tpu.memory_space<vmem_shared>>) target_semaphore(%run_scoped3A : memref<!tpu.dma_semaphore, #tpu.memory_space<semaphore_mem>>)
      %dma_wait3A_259 = arith.constant 0 : i32
      %dma_wait3A_260 = tpu.memref_slice %arg17[%add3A_57, %dma_wait3A_259] : memref<10240x64xf32, #tpu.memory_space<vmem_shared>> -> memref<128x64xf32, #tpu.memory_space<vmem_shared>>
      %dma_wait3A_261 = arith.constant 0 : i32
      %dma_wait3A_262 = tpu.memref_slice %arg17[%add3A_57, %dma_wait3A_261] : memref<10240x64xf32, #tpu.memory_space<vmem_shared>> -> memref<128x64xf32, #tpu.memory_space<vmem_shared>>
      tpu.wait_dma2 semaphore(%run_scoped3A : memref<!tpu.dma_semaphore, #tpu.memory_space<semaphore_mem>>) src(%arg16 : memref<128x64xf32, #tpu.memory_space<vmem>>) dst(%dma_wait3A_262 : memref<128x64xf32, #tpu.memory_space<vmem_shared>>)
      tpu.yield
    }) : () -> ()
    %add3A_58 = arith.constant 512 : i32
    %add3A_59 = arith.addi %mul3A_49, %add3A_58 : i32
    "tpu.region"() ({
      %run_scoped3A = tpu.sem_alloc : memref<!tpu.dma_semaphore, #tpu.memory_space<semaphore_mem>>
      %dma_start3A_255 = arith.constant 0 : i32
      %dma_start3A_256 = tpu.memref_slice %arg17[%add3A_59, %dma_start3A_255] : memref<10240x64xf32, #tpu.memory_space<vmem_shared>> -> memref<128x64xf32, #tpu.memory_space<vmem_shared>>
      %dma_start3A_257 = arith.constant 0 : i32
      %dma_start3A_258 = tpu.memref_slice %arg17[%add3A_59, %dma_start3A_257] : memref<10240x64xf32, #tpu.memory_space<vmem_shared>> -> memref<128x64xf32, #tpu.memory_space<vmem_shared>>
      tpu.enqueue_dma source(%arg16 : memref<128x64xf32, #tpu.memory_space<vmem>>) target(%dma_start3A_258 : memref<128x64xf32, #tpu.memory_space<vmem_shared>>) target_semaphore(%run_scoped3A : memref<!tpu.dma_semaphore, #tpu.memory_space<semaphore_mem>>)
      %dma_wait3A_259 = arith.constant 0 : i32
      %dma_wait3A_260 = tpu.memref_slice %arg17[%add3A_59, %dma_wait3A_259] : memref<10240x64xf32, #tpu.memory_space<vmem_shared>> -> memref<128x64xf32, #tpu.memory_space<vmem_shared>>
      %dma_wait3A_261 = arith.constant 0 : i32
      %dma_wait3A_262 = tpu.memref_slice %arg17[%add3A_59, %dma_wait3A_261] : memref<10240x64xf32, #tpu.memory_space<vmem_shared>> -> memref<128x64xf32, #tpu.memory_space<vmem_shared>>
      tpu.wait_dma2 semaphore(%run_scoped3A : memref<!tpu.dma_semaphore, #tpu.memory_space<semaphore_mem>>) src(%arg16 : memref<128x64xf32, #tpu.memory_space<vmem>>) dst(%dma_wait3A_262 : memref<128x64xf32, #tpu.memory_space<vmem_shared>>)
      tpu.yield
    }) : () -> ()
    %barrier3A = arith.constant 0 : index
    tpu.barrier barrier_id(%barrier3A)
    %dma_wait3A = arith.constant 0 : i32
    %dma_wait3A_60 = arith.constant 0 : i32
    %dma_wait3A_61 = tpu.memref_slice %arg7[%dma_wait3A, %dma_wait3A_60] : memref<80x128xi32, #tpu.memory_space<vmem>> -> memref<1x128xi32, #tpu.memory_space<vmem>>
    %dma_wait3A_62 = tpu.memref_squeeze %dma_wait3A_61 : memref<1x128xi32, #tpu.memory_space<vmem>> -> memref<128xi32, #tpu.memory_space<vmem>>
    %dma_wait3A_63 = arith.constant 0 : i32
    %dma_wait3A_64 = arith.constant 0 : i32
    %dma_wait3A_65 = tpu.memref_slice %arg2[%dma_wait3A_63, %dma_wait3A_64] : memref<10240x64xf32, #tpu.memory_space<hbm>> -> memref<10240x64xf32, #tpu.memory_space<hbm>>
    tpu.wait_indirect_dma semaphore(%arg18 : memref<!tpu.dma_semaphore, #tpu.memory_space<semaphore_mem>>) src(%dma_wait3A_65 : memref<10240x64xf32, #tpu.memory_space<hbm>>) dst(%arg9 : memref<128x64xf32, #tpu.memory_space<vmem>>)
    %dma_wait3A_66 = arith.constant 1 : i32
    %dma_wait3A_67 = arith.constant 0 : i32
    %dma_wait3A_68 = tpu.memref_slice %arg7[%dma_wait3A_66, %dma_wait3A_67] : memref<80x128xi32, #tpu.memory_space<vmem>> -> memref<1x128xi32, #tpu.memory_space<vmem>>
    %dma_wait3A_69 = tpu.memref_squeeze %dma_wait3A_68 : memref<1x128xi32, #tpu.memory_space<vmem>> -> memref<128xi32, #tpu.memory_space<vmem>>
    %dma_wait3A_70 = arith.constant 0 : i32
    %dma_wait3A_71 = arith.constant 0 : i32
    %dma_wait3A_72 = tpu.memref_slice %arg2[%dma_wait3A_70, %dma_wait3A_71] : memref<10240x64xf32, #tpu.memory_space<hbm>> -> memref<10240x64xf32, #tpu.memory_space<hbm>>
    tpu.wait_indirect_dma semaphore(%arg18 : memref<!tpu.dma_semaphore, #tpu.memory_space<semaphore_mem>>) src(%dma_wait3A_72 : memref<10240x64xf32, #tpu.memory_space<hbm>>) dst(%arg10 : memref<128x64xf32, #tpu.memory_space<vmem>>)
    %dma_start3A_73 = arith.constant 0 : i32
    %dma_start3A_74 = arith.constant 0 : i32
    %dma_start3A_75 = tpu.memref_slice %arg8[%dma_start3A_73, %dma_start3A_74] : memref<80x128xi32, #tpu.memory_space<vmem>> -> memref<1x128xi32, #tpu.memory_space<vmem>>
    %dma_start3A_76 = tpu.memref_squeeze %dma_start3A_75 : memref<1x128xi32, #tpu.memory_space<vmem>> -> memref<128xi32, #tpu.memory_space<vmem>>
    %dma_start3A_77 = arith.constant 0 : i32
    %dma_start3A_78 = arith.constant 0 : i32
    %dma_start3A_79 = tpu.memref_slice %arg17[%dma_start3A_77, %dma_start3A_78] : memref<10240x64xf32, #tpu.memory_space<vmem_shared>> -> memref<10240x64xf32, #tpu.memory_space<vmem_shared>>
    tpu.enqueue_indirect_dma source(%arg9 : memref<128x64xf32, #tpu.memory_space<vmem>>) target(%dma_start3A_79 : memref<10240x64xf32, #tpu.memory_space<vmem_shared>>) offsets(%dma_start3A_76 : memref<128xi32, #tpu.memory_space<vmem>>) semaphore(%arg22 : memref<!tpu.dma_semaphore, #tpu.memory_space<semaphore_mem>>) {add = true}
    %dma_start3A_80 = arith.constant 1 : i32
    %dma_start3A_81 = arith.constant 0 : i32
    %dma_start3A_82 = tpu.memref_slice %arg8[%dma_start3A_80, %dma_start3A_81] : memref<80x128xi32, #tpu.memory_space<vmem>> -> memref<1x128xi32, #tpu.memory_space<vmem>>
    %dma_start3A_83 = tpu.memref_squeeze %dma_start3A_82 : memref<1x128xi32, #tpu.memory_space<vmem>> -> memref<128xi32, #tpu.memory_space<vmem>>
    %dma_start3A_84 = arith.constant 0 : i32
    %dma_start3A_85 = arith.constant 0 : i32
    %dma_start3A_86 = tpu.memref_slice %arg17[%dma_start3A_84, %dma_start3A_85] : memref<10240x64xf32, #tpu.memory_space<vmem_shared>> -> memref<10240x64xf32, #tpu.memory_space<vmem_shared>>
    tpu.enqueue_indirect_dma source(%arg10 : memref<128x64xf32, #tpu.memory_space<vmem>>) target(%dma_start3A_86 : memref<10240x64xf32, #tpu.memory_space<vmem_shared>>) offsets(%dma_start3A_83 : memref<128xi32, #tpu.memory_space<vmem>>) semaphore(%arg22 : memref<!tpu.dma_semaphore, #tpu.memory_space<semaphore_mem>>) {add = true}
    %dma_start3A_87 = arith.constant 6 : i32
    %dma_start3A_88 = arith.constant 0 : i32
    %dma_start3A_89 = tpu.memref_slice %arg7[%dma_start3A_87, %dma_start3A_88] : memref<80x128xi32, #tpu.memory_space<vmem>> -> memref<1x128xi32, #tpu.memory_space<vmem>>
    %dma_start3A_90 = tpu.memref_squeeze %dma_start3A_89 : memref<1x128xi32, #tpu.memory_space<vmem>> -> memref<128xi32, #tpu.memory_space<vmem>>
    %dma_start3A_91 = arith.constant 0 : i32
    %dma_start3A_92 = arith.constant 0 : i32
    %dma_start3A_93 = tpu.memref_slice %arg2[%dma_start3A_91, %dma_start3A_92] : memref<10240x64xf32, #tpu.memory_space<hbm>> -> memref<10240x64xf32, #tpu.memory_space<hbm>>
    tpu.enqueue_indirect_dma source(%dma_start3A_93 : memref<10240x64xf32, #tpu.memory_space<hbm>>) target(%arg15 : memref<128x64xf32, #tpu.memory_space<vmem>>) offsets(%dma_start3A_90 : memref<128xi32, #tpu.memory_space<vmem>>) semaphore(%arg21 : memref<!tpu.dma_semaphore, #tpu.memory_space<semaphore_mem>>)
    %dma_start3A_94 = arith.constant 7 : i32
    %dma_start3A_95 = arith.constant 0 : i32
    %dma_start3A_96 = tpu.memref_slice %arg7[%dma_start3A_94, %dma_start3A_95] : memref<80x128xi32, #tpu.memory_space<vmem>> -> memref<1x128xi32, #tpu.memory_space<vmem>>
    %dma_start3A_97 = tpu.memref_squeeze %dma_start3A_96 : memref<1x128xi32, #tpu.memory_space<vmem>> -> memref<128xi32, #tpu.memory_space<vmem>>
    %dma_start3A_98 = arith.constant 0 : i32
    %dma_start3A_99 = arith.constant 0 : i32
    %dma_start3A_100 = tpu.memref_slice %arg2[%dma_start3A_98, %dma_start3A_99] : memref<10240x64xf32, #tpu.memory_space<hbm>> -> memref<10240x64xf32, #tpu.memory_space<hbm>>
    tpu.enqueue_indirect_dma source(%dma_start3A_100 : memref<10240x64xf32, #tpu.memory_space<hbm>>) target(%arg16 : memref<128x64xf32, #tpu.memory_space<vmem>>) offsets(%dma_start3A_97 : memref<128xi32, #tpu.memory_space<vmem>>) semaphore(%arg21 : memref<!tpu.dma_semaphore, #tpu.memory_space<semaphore_mem>>)
    %scan3A_101 = arith.constant 0 : i32
    %scan3A_102 = arith.constant 0 : i32
    %scan3A_103 = arith.constant 9 : i32
    %scan3A_104 = arith.addi %scan3A_102, %scan3A_103 : i32
    %scan3A_105 = arith.constant 1 : i32
    scf.for %scan3A_255 = %scan3A_102 to %scan3A_104 step %scan3A_105  : i32 {
      %mul3A_256 = arith.constant 4 : i32
      %mul3A_257 = arith.muli %mul3A_256, %scan3A_255 : i32
      %add3A_258 = arith.constant 1 : i32
      %add3A_259 = arith.addi %mul3A_257, %add3A_258 : i32
      %add3A_260 = arith.constant 0 : i32
      %add3A_261 = arith.addi %add3A_259, %add3A_260 : i32
      %mul3A_262 = arith.constant 2 : i32
      %mul3A_263 = arith.muli %add3A_261, %mul3A_262 : i32
      %add3A_264 = arith.constant 0 : i32
      %add3A_265 = arith.addi %mul3A_263, %add3A_264 : i32
      %dma_wait3A_266 = arith.constant 0 : i32
      %dma_wait3A_267 = tpu.memref_slice %arg7[%add3A_265, %dma_wait3A_266] : memref<80x128xi32, #tpu.memory_space<vmem>> -> memref<1x128xi32, #tpu.memory_space<vmem>>
      %dma_wait3A_268 = tpu.memref_squeeze %dma_wait3A_267 : memref<1x128xi32, #tpu.memory_space<vmem>> -> memref<128xi32, #tpu.memory_space<vmem>>
      %dma_wait3A_269 = arith.constant 0 : i32
      %dma_wait3A_270 = arith.constant 0 : i32
      %dma_wait3A_271 = tpu.memref_slice %arg2[%dma_wait3A_269, %dma_wait3A_270] : memref<10240x64xf32, #tpu.memory_space<hbm>> -> memref<10240x64xf32, #tpu.memory_space<hbm>>
      tpu.wait_indirect_dma semaphore(%arg19 : memref<!tpu.dma_semaphore, #tpu.memory_space<semaphore_mem>>) src(%dma_wait3A_271 : memref<10240x64xf32, #tpu.memory_space<hbm>>) dst(%arg11 : memref<128x64xf32, #tpu.memory_space<vmem>>)
      %mul3A_272 = arith.constant 2 : i32
      %mul3A_273 = arith.muli %add3A_261, %mul3A_272 : i32
      %add3A_274 = arith.constant 1 : i32
      %add3A_275 = arith.addi %mul3A_273, %add3A_274 : i32
      %dma_wait3A_276 = arith.constant 0 : i32
      %dma_wait3A_277 = tpu.memref_slice %arg7[%add3A_275, %dma_wait3A_276] : memref<80x128xi32, #tpu.memory_space<vmem>> -> memref<1x128xi32, #tpu.memory_space<vmem>>
      %dma_wait3A_278 = tpu.memref_squeeze %dma_wait3A_277 : memref<1x128xi32, #tpu.memory_space<vmem>> -> memref<128xi32, #tpu.memory_space<vmem>>
      %dma_wait3A_279 = arith.constant 0 : i32
      %dma_wait3A_280 = arith.constant 0 : i32
      %dma_wait3A_281 = tpu.memref_slice %arg2[%dma_wait3A_279, %dma_wait3A_280] : memref<10240x64xf32, #tpu.memory_space<hbm>> -> memref<10240x64xf32, #tpu.memory_space<hbm>>
      tpu.wait_indirect_dma semaphore(%arg19 : memref<!tpu.dma_semaphore, #tpu.memory_space<semaphore_mem>>) src(%dma_wait3A_281 : memref<10240x64xf32, #tpu.memory_space<hbm>>) dst(%arg12 : memref<128x64xf32, #tpu.memory_space<vmem>>)
      %mul3A_282 = arith.constant 2 : i32
      %mul3A_283 = arith.muli %add3A_261, %mul3A_282 : i32
      %add3A_284 = arith.constant 0 : i32
      %add3A_285 = arith.addi %mul3A_283, %add3A_284 : i32
      %dma_start3A_286 = arith.constant 0 : i32
      %dma_start3A_287 = tpu.memref_slice %arg8[%add3A_285, %dma_start3A_286] : memref<80x128xi32, #tpu.memory_space<vmem>> -> memref<1x128xi32, #tpu.memory_space<vmem>>
      %dma_start3A_288 = tpu.memref_squeeze %dma_start3A_287 : memref<1x128xi32, #tpu.memory_space<vmem>> -> memref<128xi32, #tpu.memory_space<vmem>>
      %dma_start3A_289 = arith.constant 0 : i32
      %dma_start3A_290 = arith.constant 0 : i32
      %dma_start3A_291 = tpu.memref_slice %arg17[%dma_start3A_289, %dma_start3A_290] : memref<10240x64xf32, #tpu.memory_space<vmem_shared>> -> memref<10240x64xf32, #tpu.memory_space<vmem_shared>>
      tpu.enqueue_indirect_dma source(%arg11 : memref<128x64xf32, #tpu.memory_space<vmem>>) target(%dma_start3A_291 : memref<10240x64xf32, #tpu.memory_space<vmem_shared>>) offsets(%dma_start3A_288 : memref<128xi32, #tpu.memory_space<vmem>>) semaphore(%arg23 : memref<!tpu.dma_semaphore, #tpu.memory_space<semaphore_mem>>) {add = true}
      %mul3A_292 = arith.constant 2 : i32
      %mul3A_293 = arith.muli %add3A_261, %mul3A_292 : i32
      %add3A_294 = arith.constant 1 : i32
      %add3A_295 = arith.addi %mul3A_293, %add3A_294 : i32
      %dma_start3A_296 = arith.constant 0 : i32
      %dma_start3A_297 = tpu.memref_slice %arg8[%add3A_295, %dma_start3A_296] : memref<80x128xi32, #tpu.memory_space<vmem>> -> memref<1x128xi32, #tpu.memory_space<vmem>>
      %dma_start3A_298 = tpu.memref_squeeze %dma_start3A_297 : memref<1x128xi32, #tpu.memory_space<vmem>> -> memref<128xi32, #tpu.memory_space<vmem>>
      %dma_start3A_299 = arith.constant 0 : i32
      %dma_start3A_300 = arith.constant 0 : i32
      %dma_start3A_301 = tpu.memref_slice %arg17[%dma_start3A_299, %dma_start3A_300] : memref<10240x64xf32, #tpu.memory_space<vmem_shared>> -> memref<10240x64xf32, #tpu.memory_space<vmem_shared>>
      tpu.enqueue_indirect_dma source(%arg12 : memref<128x64xf32, #tpu.memory_space<vmem>>) target(%dma_start3A_301 : memref<10240x64xf32, #tpu.memory_space<vmem_shared>>) offsets(%dma_start3A_298 : memref<128xi32, #tpu.memory_space<vmem>>) semaphore(%arg23 : memref<!tpu.dma_semaphore, #tpu.memory_space<semaphore_mem>>) {add = true}
      %sub3A = arith.constant 1 : i32
      %sub3A_302 = arith.subi %add3A_261, %sub3A : i32
      %mul3A_303 = arith.constant 2 : i32
      %mul3A_304 = arith.muli %sub3A_302, %mul3A_303 : i32
      %add3A_305 = arith.constant 0 : i32
      %add3A_306 = arith.addi %mul3A_304, %add3A_305 : i32
      %dma_wait3A_307 = arith.constant 0 : i32
      %dma_wait3A_308 = tpu.memref_slice %arg8[%add3A_306, %dma_wait3A_307] : memref<80x128xi32, #tpu.memory_space<vmem>> -> memref<1x128xi32, #tpu.memory_space<vmem>>
      %dma_wait3A_309 = tpu.memref_squeeze %dma_wait3A_308 : memref<1x128xi32, #tpu.memory_space<vmem>> -> memref<128xi32, #tpu.memory_space<vmem>>
      %dma_wait3A_310 = arith.constant 0 : i32
      %dma_wait3A_311 = arith.constant 0 : i32
      %dma_wait3A_312 = tpu.memref_slice %arg17[%dma_wait3A_310, %dma_wait3A_311] : memref<10240x64xf32, #tpu.memory_space<vmem_shared>> -> memref<10240x64xf32, #tpu.memory_space<vmem_shared>>
      tpu.wait_indirect_dma semaphore(%arg22 : memref<!tpu.dma_semaphore, #tpu.memory_space<semaphore_mem>>) src(%arg9 : memref<128x64xf32, #tpu.memory_space<vmem>>) dst(%dma_wait3A_312 : memref<10240x64xf32, #tpu.memory_space<vmem_shared>>)
      %mul3A_313 = arith.constant 2 : i32
      %mul3A_314 = arith.muli %sub3A_302, %mul3A_313 : i32
      %add3A_315 = arith.constant 1 : i32
      %add3A_316 = arith.addi %mul3A_314, %add3A_315 : i32
      %dma_wait3A_317 = arith.constant 0 : i32
      %dma_wait3A_318 = tpu.memref_slice %arg8[%add3A_316, %dma_wait3A_317] : memref<80x128xi32, #tpu.memory_space<vmem>> -> memref<1x128xi32, #tpu.memory_space<vmem>>
      %dma_wait3A_319 = tpu.memref_squeeze %dma_wait3A_318 : memref<1x128xi32, #tpu.memory_space<vmem>> -> memref<128xi32, #tpu.memory_space<vmem>>
      %dma_wait3A_320 = arith.constant 0 : i32
      %dma_wait3A_321 = arith.constant 0 : i32
      %dma_wait3A_322 = tpu.memref_slice %arg17[%dma_wait3A_320, %dma_wait3A_321] : memref<10240x64xf32, #tpu.memory_space<vmem_shared>> -> memref<10240x64xf32, #tpu.memory_space<vmem_shared>>
      tpu.wait_indirect_dma semaphore(%arg22 : memref<!tpu.dma_semaphore, #tpu.memory_space<semaphore_mem>>) src(%arg10 : memref<128x64xf32, #tpu.memory_space<vmem>>) dst(%dma_wait3A_322 : memref<10240x64xf32, #tpu.memory_space<vmem_shared>>)
      %add3A_323 = arith.constant 4 : i32
      %add3A_324 = arith.addi %add3A_261, %add3A_323 : i32
      %sub3A_325 = arith.constant 1 : i32
      %sub3A_326 = arith.subi %add3A_324, %sub3A_325 : i32
      %mul3A_327 = arith.constant 2 : i32
      %mul3A_328 = arith.muli %sub3A_326, %mul3A_327 : i32
      %add3A_329 = arith.constant 0 : i32
      %add3A_330 = arith.addi %mul3A_328, %add3A_329 : i32
      %dma_start3A_331 = arith.constant 0 : i32
      %dma_start3A_332 = tpu.memref_slice %arg7[%add3A_330, %dma_start3A_331] : memref<80x128xi32, #tpu.memory_space<vmem>> -> memref<1x128xi32, #tpu.memory_space<vmem>>
      %dma_start3A_333 = tpu.memref_squeeze %dma_start3A_332 : memref<1x128xi32, #tpu.memory_space<vmem>> -> memref<128xi32, #tpu.memory_space<vmem>>
      %dma_start3A_334 = arith.constant 0 : i32
      %dma_start3A_335 = arith.constant 0 : i32
      %dma_start3A_336 = tpu.memref_slice %arg2[%dma_start3A_334, %dma_start3A_335] : memref<10240x64xf32, #tpu.memory_space<hbm>> -> memref<10240x64xf32, #tpu.memory_space<hbm>>
      tpu.enqueue_indirect_dma source(%dma_start3A_336 : memref<10240x64xf32, #tpu.memory_space<hbm>>) target(%arg9 : memref<128x64xf32, #tpu.memory_space<vmem>>) offsets(%dma_start3A_333 : memref<128xi32, #tpu.memory_space<vmem>>) semaphore(%arg18 : memref<!tpu.dma_semaphore, #tpu.memory_space<semaphore_mem>>)
      %mul3A_337 = arith.constant 2 : i32
      %mul3A_338 = arith.muli %sub3A_326, %mul3A_337 : i32
      %add3A_339 = arith.constant 1 : i32
      %add3A_340 = arith.addi %mul3A_338, %add3A_339 : i32
      %dma_start3A_341 = arith.constant 0 : i32
      %dma_start3A_342 = tpu.memref_slice %arg7[%add3A_340, %dma_start3A_341] : memref<80x128xi32, #tpu.memory_space<vmem>> -> memref<1x128xi32, #tpu.memory_space<vmem>>
      %dma_start3A_343 = tpu.memref_squeeze %dma_start3A_342 : memref<1x128xi32, #tpu.memory_space<vmem>> -> memref<128xi32, #tpu.memory_space<vmem>>
      %dma_start3A_344 = arith.constant 0 : i32
      %dma_start3A_345 = arith.constant 0 : i32
      %dma_start3A_346 = tpu.memref_slice %arg2[%dma_start3A_344, %dma_start3A_345] : memref<10240x64xf32, #tpu.memory_space<hbm>> -> memref<10240x64xf32, #tpu.memory_space<hbm>>
      tpu.enqueue_indirect_dma source(%dma_start3A_346 : memref<10240x64xf32, #tpu.memory_space<hbm>>) target(%arg10 : memref<128x64xf32, #tpu.memory_space<vmem>>) offsets(%dma_start3A_343 : memref<128xi32, #tpu.memory_space<vmem>>) semaphore(%arg18 : memref<!tpu.dma_semaphore, #tpu.memory_space<semaphore_mem>>)
      %add3A_347 = arith.constant 1 : i32
      %add3A_348 = arith.addi %add3A_259, %add3A_347 : i32
      %mul3A_349 = arith.constant 2 : i32
      %mul3A_350 = arith.muli %add3A_348, %mul3A_349 : i32
      %add3A_351 = arith.constant 0 : i32
      %add3A_352 = arith.addi %mul3A_350, %add3A_351 : i32
      %dma_wait3A_353 = arith.constant 0 : i32
      %dma_wait3A_354 = tpu.memref_slice %arg7[%add3A_352, %dma_wait3A_353] : memref<80x128xi32, #tpu.memory_space<vmem>> -> memref<1x128xi32, #tpu.memory_space<vmem>>
      %dma_wait3A_355 = tpu.memref_squeeze %dma_wait3A_354 : memref<1x128xi32, #tpu.memory_space<vmem>> -> memref<128xi32, #tpu.memory_space<vmem>>
      %dma_wait3A_356 = arith.constant 0 : i32
      %dma_wait3A_357 = arith.constant 0 : i32
      %dma_wait3A_358 = tpu.memref_slice %arg2[%dma_wait3A_356, %dma_wait3A_357] : memref<10240x64xf32, #tpu.memory_space<hbm>> -> memref<10240x64xf32, #tpu.memory_space<hbm>>
      tpu.wait_indirect_dma semaphore(%arg20 : memref<!tpu.dma_semaphore, #tpu.memory_space<semaphore_mem>>) src(%dma_wait3A_358 : memref<10240x64xf32, #tpu.memory_space<hbm>>) dst(%arg13 : memref<128x64xf32, #tpu.memory_space<vmem>>)
      %mul3A_359 = arith.constant 2 : i32
      %mul3A_360 = arith.muli %add3A_348, %mul3A_359 : i32
      %add3A_361 = arith.constant 1 : i32
      %add3A_362 = arith.addi %mul3A_360, %add3A_361 : i32
      %dma_wait3A_363 = arith.constant 0 : i32
      %dma_wait3A_364 = tpu.memref_slice %arg7[%add3A_362, %dma_wait3A_363] : memref<80x128xi32, #tpu.memory_space<vmem>> -> memref<1x128xi32, #tpu.memory_space<vmem>>
      %dma_wait3A_365 = tpu.memref_squeeze %dma_wait3A_364 : memref<1x128xi32, #tpu.memory_space<vmem>> -> memref<128xi32, #tpu.memory_space<vmem>>
      %dma_wait3A_366 = arith.constant 0 : i32
      %dma_wait3A_367 = arith.constant 0 : i32
      %dma_wait3A_368 = tpu.memref_slice %arg2[%dma_wait3A_366, %dma_wait3A_367] : memref<10240x64xf32, #tpu.memory_space<hbm>> -> memref<10240x64xf32, #tpu.memory_space<hbm>>
      tpu.wait_indirect_dma semaphore(%arg20 : memref<!tpu.dma_semaphore, #tpu.memory_space<semaphore_mem>>) src(%dma_wait3A_368 : memref<10240x64xf32, #tpu.memory_space<hbm>>) dst(%arg14 : memref<128x64xf32, #tpu.memory_space<vmem>>)
      %mul3A_369 = arith.constant 2 : i32
      %mul3A_370 = arith.muli %add3A_348, %mul3A_369 : i32
      %add3A_371 = arith.constant 0 : i32
      %add3A_372 = arith.addi %mul3A_370, %add3A_371 : i32
      %dma_start3A_373 = arith.constant 0 : i32
      %dma_start3A_374 = tpu.memref_slice %arg8[%add3A_372, %dma_start3A_373] : memref<80x128xi32, #tpu.memory_space<vmem>> -> memref<1x128xi32, #tpu.memory_space<vmem>>
      %dma_start3A_375 = tpu.memref_squeeze %dma_start3A_374 : memref<1x128xi32, #tpu.memory_space<vmem>> -> memref<128xi32, #tpu.memory_space<vmem>>
      %dma_start3A_376 = arith.constant 0 : i32
      %dma_start3A_377 = arith.constant 0 : i32
      %dma_start3A_378 = tpu.memref_slice %arg17[%dma_start3A_376, %dma_start3A_377] : memref<10240x64xf32, #tpu.memory_space<vmem_shared>> -> memref<10240x64xf32, #tpu.memory_space<vmem_shared>>
      tpu.enqueue_indirect_dma source(%arg13 : memref<128x64xf32, #tpu.memory_space<vmem>>) target(%dma_start3A_378 : memref<10240x64xf32, #tpu.memory_space<vmem_shared>>) offsets(%dma_start3A_375 : memref<128xi32, #tpu.memory_space<vmem>>) semaphore(%arg24 : memref<!tpu.dma_semaphore, #tpu.memory_space<semaphore_mem>>) {add = true}
      %mul3A_379 = arith.constant 2 : i32
      %mul3A_380 = arith.muli %add3A_348, %mul3A_379 : i32
      %add3A_381 = arith.constant 1 : i32
      %add3A_382 = arith.addi %mul3A_380, %add3A_381 : i32
      %dma_start3A_383 = arith.constant 0 : i32
      %dma_start3A_384 = tpu.memref_slice %arg8[%add3A_382, %dma_start3A_383] : memref<80x128xi32, #tpu.memory_space<vmem>> -> memref<1x128xi32, #tpu.memory_space<vmem>>
      %dma_start3A_385 = tpu.memref_squeeze %dma_start3A_384 : memref<1x128xi32, #tpu.memory_space<vmem>> -> memref<128xi32, #tpu.memory_space<vmem>>
      %dma_start3A_386 = arith.constant 0 : i32
      %dma_start3A_387 = arith.constant 0 : i32
      %dma_start3A_388 = tpu.memref_slice %arg17[%dma_start3A_386, %dma_start3A_387] : memref<10240x64xf32, #tpu.memory_space<vmem_shared>> -> memref<10240x64xf32, #tpu.memory_space<vmem_shared>>
      tpu.enqueue_indirect_dma source(%arg14 : memref<128x64xf32, #tpu.memory_space<vmem>>) target(%dma_start3A_388 : memref<10240x64xf32, #tpu.memory_space<vmem_shared>>) offsets(%dma_start3A_385 : memref<128xi32, #tpu.memory_space<vmem>>) semaphore(%arg24 : memref<!tpu.dma_semaphore, #tpu.memory_space<semaphore_mem>>) {add = true}
      %sub3A_389 = arith.constant 1 : i32
      %sub3A_390 = arith.subi %add3A_348, %sub3A_389 : i32
      %mul3A_391 = arith.constant 2 : i32
      %mul3A_392 = arith.muli %sub3A_390, %mul3A_391 : i32
      %add3A_393 = arith.constant 0 : i32
      %add3A_394 = arith.addi %mul3A_392, %add3A_393 : i32
      %dma_wait3A_395 = arith.constant 0 : i32
      %dma_wait3A_396 = tpu.memref_slice %arg8[%add3A_394, %dma_wait3A_395] : memref<80x128xi32, #tpu.memory_space<vmem>> -> memref<1x128xi32, #tpu.memory_space<vmem>>
      %dma_wait3A_397 = tpu.memref_squeeze %dma_wait3A_396 : memref<1x128xi32, #tpu.memory_space<vmem>> -> memref<128xi32, #tpu.memory_space<vmem>>
      %dma_wait3A_398 = arith.constant 0 : i32
      %dma_wait3A_399 = arith.constant 0 : i32
      %dma_wait3A_400 = tpu.memref_slice %arg17[%dma_wait3A_398, %dma_wait3A_399] : memref<10240x64xf32, #tpu.memory_space<vmem_shared>> -> memref<10240x64xf32, #tpu.memory_space<vmem_shared>>
      tpu.wait_indirect_dma semaphore(%arg23 : memref<!tpu.dma_semaphore, #tpu.memory_space<semaphore_mem>>) src(%arg11 : memref<128x64xf32, #tpu.memory_space<vmem>>) dst(%dma_wait3A_400 : memref<10240x64xf32, #tpu.memory_space<vmem_shared>>)
      %mul3A_401 = arith.constant 2 : i32
      %mul3A_402 = arith.muli %sub3A_390, %mul3A_401 : i32
      %add3A_403 = arith.constant 1 : i32
      %add3A_404 = arith.addi %mul3A_402, %add3A_403 : i32
      %dma_wait3A_405 = arith.constant 0 : i32
      %dma_wait3A_406 = tpu.memref_slice %arg8[%add3A_404, %dma_wait3A_405] : memref<80x128xi32, #tpu.memory_space<vmem>> -> memref<1x128xi32, #tpu.memory_space<vmem>>
      %dma_wait3A_407 = tpu.memref_squeeze %dma_wait3A_406 : memref<1x128xi32, #tpu.memory_space<vmem>> -> memref<128xi32, #tpu.memory_space<vmem>>
      %dma_wait3A_408 = arith.constant 0 : i32
      %dma_wait3A_409 = arith.constant 0 : i32
      %dma_wait3A_410 = tpu.memref_slice %arg17[%dma_wait3A_408, %dma_wait3A_409] : memref<10240x64xf32, #tpu.memory_space<vmem_shared>> -> memref<10240x64xf32, #tpu.memory_space<vmem_shared>>
      tpu.wait_indirect_dma semaphore(%arg23 : memref<!tpu.dma_semaphore, #tpu.memory_space<semaphore_mem>>) src(%arg12 : memref<128x64xf32, #tpu.memory_space<vmem>>) dst(%dma_wait3A_410 : memref<10240x64xf32, #tpu.memory_space<vmem_shared>>)
      %add3A_411 = arith.constant 4 : i32
      %add3A_412 = arith.addi %add3A_348, %add3A_411 : i32
      %sub3A_413 = arith.constant 1 : i32
      %sub3A_414 = arith.subi %add3A_412, %sub3A_413 : i32
      %mul3A_415 = arith.constant 2 : i32
      %mul3A_416 = arith.muli %sub3A_414, %mul3A_415 : i32
      %add3A_417 = arith.constant 0 : i32
      %add3A_418 = arith.addi %mul3A_416, %add3A_417 : i32
      %dma_start3A_419 = arith.constant 0 : i32
      %dma_start3A_420 = tpu.memref_slice %arg7[%add3A_418, %dma_start3A_419] : memref<80x128xi32, #tpu.memory_space<vmem>> -> memref<1x128xi32, #tpu.memory_space<vmem>>
      %dma_start3A_421 = tpu.memref_squeeze %dma_start3A_420 : memref<1x128xi32, #tpu.memory_space<vmem>> -> memref<128xi32, #tpu.memory_space<vmem>>
      %dma_start3A_422 = arith.constant 0 : i32
      %dma_start3A_423 = arith.constant 0 : i32
      %dma_start3A_424 = tpu.memref_slice %arg2[%dma_start3A_422, %dma_start3A_423] : memref<10240x64xf32, #tpu.memory_space<hbm>> -> memref<10240x64xf32, #tpu.memory_space<hbm>>
      tpu.enqueue_indirect_dma source(%dma_start3A_424 : memref<10240x64xf32, #tpu.memory_space<hbm>>) target(%arg11 : memref<128x64xf32, #tpu.memory_space<vmem>>) offsets(%dma_start3A_421 : memref<128xi32, #tpu.memory_space<vmem>>) semaphore(%arg19 : memref<!tpu.dma_semaphore, #tpu.memory_space<semaphore_mem>>)
      %mul3A_425 = arith.constant 2 : i32
      %mul3A_426 = arith.muli %sub3A_414, %mul3A_425 : i32
      %add3A_427 = arith.constant 1 : i32
      %add3A_428 = arith.addi %mul3A_426, %add3A_427 : i32
      %dma_start3A_429 = arith.constant 0 : i32
      %dma_start3A_430 = tpu.memref_slice %arg7[%add3A_428, %dma_start3A_429] : memref<80x128xi32, #tpu.memory_space<vmem>> -> memref<1x128xi32, #tpu.memory_space<vmem>>
      %dma_start3A_431 = tpu.memref_squeeze %dma_start3A_430 : memref<1x128xi32, #tpu.memory_space<vmem>> -> memref<128xi32, #tpu.memory_space<vmem>>
      %dma_start3A_432 = arith.constant 0 : i32
      %dma_start3A_433 = arith.constant 0 : i32
      %dma_start3A_434 = tpu.memref_slice %arg2[%dma_start3A_432, %dma_start3A_433] : memref<10240x64xf32, #tpu.memory_space<hbm>> -> memref<10240x64xf32, #tpu.memory_space<hbm>>
      tpu.enqueue_indirect_dma source(%dma_start3A_434 : memref<10240x64xf32, #tpu.memory_space<hbm>>) target(%arg12 : memref<128x64xf32, #tpu.memory_space<vmem>>) offsets(%dma_start3A_431 : memref<128xi32, #tpu.memory_space<vmem>>) semaphore(%arg19 : memref<!tpu.dma_semaphore, #tpu.memory_space<semaphore_mem>>)
      %add3A_435 = arith.constant 2 : i32
      %add3A_436 = arith.addi %add3A_259, %add3A_435 : i32
      %mul3A_437 = arith.constant 2 : i32
      %mul3A_438 = arith.muli %add3A_436, %mul3A_437 : i32
      %add3A_439 = arith.constant 0 : i32
      %add3A_440 = arith.addi %mul3A_438, %add3A_439 : i32
      %dma_wait3A_441 = arith.constant 0 : i32
      %dma_wait3A_442 = tpu.memref_slice %arg7[%add3A_440, %dma_wait3A_441] : memref<80x128xi32, #tpu.memory_space<vmem>> -> memref<1x128xi32, #tpu.memory_space<vmem>>
      %dma_wait3A_443 = tpu.memref_squeeze %dma_wait3A_442 : memref<1x128xi32, #tpu.memory_space<vmem>> -> memref<128xi32, #tpu.memory_space<vmem>>
      %dma_wait3A_444 = arith.constant 0 : i32
      %dma_wait3A_445 = arith.constant 0 : i32
      %dma_wait3A_446 = tpu.memref_slice %arg2[%dma_wait3A_444, %dma_wait3A_445] : memref<10240x64xf32, #tpu.memory_space<hbm>> -> memref<10240x64xf32, #tpu.memory_space<hbm>>
      tpu.wait_indirect_dma semaphore(%arg21 : memref<!tpu.dma_semaphore, #tpu.memory_space<semaphore_mem>>) src(%dma_wait3A_446 : memref<10240x64xf32, #tpu.memory_space<hbm>>) dst(%arg15 : memref<128x64xf32, #tpu.memory_space<vmem>>)
      %mul3A_447 = arith.constant 2 : i32
      %mul3A_448 = arith.muli %add3A_436, %mul3A_447 : i32
      %add3A_449 = arith.constant 1 : i32
      %add3A_450 = arith.addi %mul3A_448, %add3A_449 : i32
      %dma_wait3A_451 = arith.constant 0 : i32
      %dma_wait3A_452 = tpu.memref_slice %arg7[%add3A_450, %dma_wait3A_451] : memref<80x128xi32, #tpu.memory_space<vmem>> -> memref<1x128xi32, #tpu.memory_space<vmem>>
      %dma_wait3A_453 = tpu.memref_squeeze %dma_wait3A_452 : memref<1x128xi32, #tpu.memory_space<vmem>> -> memref<128xi32, #tpu.memory_space<vmem>>
      %dma_wait3A_454 = arith.constant 0 : i32
      %dma_wait3A_455 = arith.constant 0 : i32
      %dma_wait3A_456 = tpu.memref_slice %arg2[%dma_wait3A_454, %dma_wait3A_455] : memref<10240x64xf32, #tpu.memory_space<hbm>> -> memref<10240x64xf32, #tpu.memory_space<hbm>>
      tpu.wait_indirect_dma semaphore(%arg21 : memref<!tpu.dma_semaphore, #tpu.memory_space<semaphore_mem>>) src(%dma_wait3A_456 : memref<10240x64xf32, #tpu.memory_space<hbm>>) dst(%arg16 : memref<128x64xf32, #tpu.memory_space<vmem>>)
      %mul3A_457 = arith.constant 2 : i32
      %mul3A_458 = arith.muli %add3A_436, %mul3A_457 : i32
      %add3A_459 = arith.constant 0 : i32
      %add3A_460 = arith.addi %mul3A_458, %add3A_459 : i32
      %dma_start3A_461 = arith.constant 0 : i32
      %dma_start3A_462 = tpu.memref_slice %arg8[%add3A_460, %dma_start3A_461] : memref<80x128xi32, #tpu.memory_space<vmem>> -> memref<1x128xi32, #tpu.memory_space<vmem>>
      %dma_start3A_463 = tpu.memref_squeeze %dma_start3A_462 : memref<1x128xi32, #tpu.memory_space<vmem>> -> memref<128xi32, #tpu.memory_space<vmem>>
      %dma_start3A_464 = arith.constant 0 : i32
      %dma_start3A_465 = arith.constant 0 : i32
      %dma_start3A_466 = tpu.memref_slice %arg17[%dma_start3A_464, %dma_start3A_465] : memref<10240x64xf32, #tpu.memory_space<vmem_shared>> -> memref<10240x64xf32, #tpu.memory_space<vmem_shared>>
      tpu.enqueue_indirect_dma source(%arg15 : memref<128x64xf32, #tpu.memory_space<vmem>>) target(%dma_start3A_466 : memref<10240x64xf32, #tpu.memory_space<vmem_shared>>) offsets(%dma_start3A_463 : memref<128xi32, #tpu.memory_space<vmem>>) semaphore(%arg25 : memref<!tpu.dma_semaphore, #tpu.memory_space<semaphore_mem>>) {add = true}
      %mul3A_467 = arith.constant 2 : i32
      %mul3A_468 = arith.muli %add3A_436, %mul3A_467 : i32
      %add3A_469 = arith.constant 1 : i32
      %add3A_470 = arith.addi %mul3A_468, %add3A_469 : i32
      %dma_start3A_471 = arith.constant 0 : i32
      %dma_start3A_472 = tpu.memref_slice %arg8[%add3A_470, %dma_start3A_471] : memref<80x128xi32, #tpu.memory_space<vmem>> -> memref<1x128xi32, #tpu.memory_space<vmem>>
      %dma_start3A_473 = tpu.memref_squeeze %dma_start3A_472 : memref<1x128xi32, #tpu.memory_space<vmem>> -> memref<128xi32, #tpu.memory_space<vmem>>
      %dma_start3A_474 = arith.constant 0 : i32
      %dma_start3A_475 = arith.constant 0 : i32
      %dma_start3A_476 = tpu.memref_slice %arg17[%dma_start3A_474, %dma_start3A_475] : memref<10240x64xf32, #tpu.memory_space<vmem_shared>> -> memref<10240x64xf32, #tpu.memory_space<vmem_shared>>
      tpu.enqueue_indirect_dma source(%arg16 : memref<128x64xf32, #tpu.memory_space<vmem>>) target(%dma_start3A_476 : memref<10240x64xf32, #tpu.memory_space<vmem_shared>>) offsets(%dma_start3A_473 : memref<128xi32, #tpu.memory_space<vmem>>) semaphore(%arg25 : memref<!tpu.dma_semaphore, #tpu.memory_space<semaphore_mem>>) {add = true}
      %sub3A_477 = arith.constant 1 : i32
      %sub3A_478 = arith.subi %add3A_436, %sub3A_477 : i32
      %mul3A_479 = arith.constant 2 : i32
      %mul3A_480 = arith.muli %sub3A_478, %mul3A_479 : i32
      %add3A_481 = arith.constant 0 : i32
      %add3A_482 = arith.addi %mul3A_480, %add3A_481 : i32
      %dma_wait3A_483 = arith.constant 0 : i32
      %dma_wait3A_484 = tpu.memref_slice %arg8[%add3A_482, %dma_wait3A_483] : memref<80x128xi32, #tpu.memory_space<vmem>> -> memref<1x128xi32, #tpu.memory_space<vmem>>
      %dma_wait3A_485 = tpu.memref_squeeze %dma_wait3A_484 : memref<1x128xi32, #tpu.memory_space<vmem>> -> memref<128xi32, #tpu.memory_space<vmem>>
      %dma_wait3A_486 = arith.constant 0 : i32
      %dma_wait3A_487 = arith.constant 0 : i32
      %dma_wait3A_488 = tpu.memref_slice %arg17[%dma_wait3A_486, %dma_wait3A_487] : memref<10240x64xf32, #tpu.memory_space<vmem_shared>> -> memref<10240x64xf32, #tpu.memory_space<vmem_shared>>
      tpu.wait_indirect_dma semaphore(%arg24 : memref<!tpu.dma_semaphore, #tpu.memory_space<semaphore_mem>>) src(%arg13 : memref<128x64xf32, #tpu.memory_space<vmem>>) dst(%dma_wait3A_488 : memref<10240x64xf32, #tpu.memory_space<vmem_shared>>)
      %mul3A_489 = arith.constant 2 : i32
      %mul3A_490 = arith.muli %sub3A_478, %mul3A_489 : i32
      %add3A_491 = arith.constant 1 : i32
      %add3A_492 = arith.addi %mul3A_490, %add3A_491 : i32
      %dma_wait3A_493 = arith.constant 0 : i32
      %dma_wait3A_494 = tpu.memref_slice %arg8[%add3A_492, %dma_wait3A_493] : memref<80x128xi32, #tpu.memory_space<vmem>> -> memref<1x128xi32, #tpu.memory_space<vmem>>
      %dma_wait3A_495 = tpu.memref_squeeze %dma_wait3A_494 : memref<1x128xi32, #tpu.memory_space<vmem>> -> memref<128xi32, #tpu.memory_space<vmem>>
      %dma_wait3A_496 = arith.constant 0 : i32
      %dma_wait3A_497 = arith.constant 0 : i32
      %dma_wait3A_498 = tpu.memref_slice %arg17[%dma_wait3A_496, %dma_wait3A_497] : memref<10240x64xf32, #tpu.memory_space<vmem_shared>> -> memref<10240x64xf32, #tpu.memory_space<vmem_shared>>
      tpu.wait_indirect_dma semaphore(%arg24 : memref<!tpu.dma_semaphore, #tpu.memory_space<semaphore_mem>>) src(%arg14 : memref<128x64xf32, #tpu.memory_space<vmem>>) dst(%dma_wait3A_498 : memref<10240x64xf32, #tpu.memory_space<vmem_shared>>)
      %add3A_499 = arith.constant 4 : i32
      %add3A_500 = arith.addi %add3A_436, %add3A_499 : i32
      %sub3A_501 = arith.constant 1 : i32
      %sub3A_502 = arith.subi %add3A_500, %sub3A_501 : i32
      %mul3A_503 = arith.constant 2 : i32
      %mul3A_504 = arith.muli %sub3A_502, %mul3A_503 : i32
      %add3A_505 = arith.constant 0 : i32
      %add3A_506 = arith.addi %mul3A_504, %add3A_505 : i32
      %dma_start3A_507 = arith.constant 0 : i32
      %dma_start3A_508 = tpu.memref_slice %arg7[%add3A_506, %dma_start3A_507] : memref<80x128xi32, #tpu.memory_space<vmem>> -> memref<1x128xi32, #tpu.memory_space<vmem>>
      %dma_start3A_509 = tpu.memref_squeeze %dma_start3A_508 : memref<1x128xi32, #tpu.memory_space<vmem>> -> memref<128xi32, #tpu.memory_space<vmem>>
      %dma_start3A_510 = arith.constant 0 : i32
      %dma_start3A_511 = arith.constant 0 : i32
      %dma_start3A_512 = tpu.memref_slice %arg2[%dma_start3A_510, %dma_start3A_511] : memref<10240x64xf32, #tpu.memory_space<hbm>> -> memref<10240x64xf32, #tpu.memory_space<hbm>>
      tpu.enqueue_indirect_dma source(%dma_start3A_512 : memref<10240x64xf32, #tpu.memory_space<hbm>>) target(%arg13 : memref<128x64xf32, #tpu.memory_space<vmem>>) offsets(%dma_start3A_509 : memref<128xi32, #tpu.memory_space<vmem>>) semaphore(%arg20 : memref<!tpu.dma_semaphore, #tpu.memory_space<semaphore_mem>>)
      %mul3A_513 = arith.constant 2 : i32
      %mul3A_514 = arith.muli %sub3A_502, %mul3A_513 : i32
      %add3A_515 = arith.constant 1 : i32
      %add3A_516 = arith.addi %mul3A_514, %add3A_515 : i32
      %dma_start3A_517 = arith.constant 0 : i32
      %dma_start3A_518 = tpu.memref_slice %arg7[%add3A_516, %dma_start3A_517] : memref<80x128xi32, #tpu.memory_space<vmem>> -> memref<1x128xi32, #tpu.memory_space<vmem>>
      %dma_start3A_519 = tpu.memref_squeeze %dma_start3A_518 : memref<1x128xi32, #tpu.memory_space<vmem>> -> memref<128xi32, #tpu.memory_space<vmem>>
      %dma_start3A_520 = arith.constant 0 : i32
      %dma_start3A_521 = arith.constant 0 : i32
      %dma_start3A_522 = tpu.memref_slice %arg2[%dma_start3A_520, %dma_start3A_521] : memref<10240x64xf32, #tpu.memory_space<hbm>> -> memref<10240x64xf32, #tpu.memory_space<hbm>>
      tpu.enqueue_indirect_dma source(%dma_start3A_522 : memref<10240x64xf32, #tpu.memory_space<hbm>>) target(%arg14 : memref<128x64xf32, #tpu.memory_space<vmem>>) offsets(%dma_start3A_519 : memref<128xi32, #tpu.memory_space<vmem>>) semaphore(%arg20 : memref<!tpu.dma_semaphore, #tpu.memory_space<semaphore_mem>>)
      %add3A_523 = arith.constant 3 : i32
      %add3A_524 = arith.addi %add3A_259, %add3A_523 : i32
      %mul3A_525 = arith.constant 2 : i32
      %mul3A_526 = arith.muli %add3A_524, %mul3A_525 : i32
      %add3A_527 = arith.constant 0 : i32
      %add3A_528 = arith.addi %mul3A_526, %add3A_527 : i32
      %dma_wait3A_529 = arith.constant 0 : i32
      %dma_wait3A_530 = tpu.memref_slice %arg7[%add3A_528, %dma_wait3A_529] : memref<80x128xi32, #tpu.memory_space<vmem>> -> memref<1x128xi32, #tpu.memory_space<vmem>>
      %dma_wait3A_531 = tpu.memref_squeeze %dma_wait3A_530 : memref<1x128xi32, #tpu.memory_space<vmem>> -> memref<128xi32, #tpu.memory_space<vmem>>
      %dma_wait3A_532 = arith.constant 0 : i32
      %dma_wait3A_533 = arith.constant 0 : i32
      %dma_wait3A_534 = tpu.memref_slice %arg2[%dma_wait3A_532, %dma_wait3A_533] : memref<10240x64xf32, #tpu.memory_space<hbm>> -> memref<10240x64xf32, #tpu.memory_space<hbm>>
      tpu.wait_indirect_dma semaphore(%arg18 : memref<!tpu.dma_semaphore, #tpu.memory_space<semaphore_mem>>) src(%dma_wait3A_534 : memref<10240x64xf32, #tpu.memory_space<hbm>>) dst(%arg9 : memref<128x64xf32, #tpu.memory_space<vmem>>)
      %mul3A_535 = arith.constant 2 : i32
      %mul3A_536 = arith.muli %add3A_524, %mul3A_535 : i32
      %add3A_537 = arith.constant 1 : i32
      %add3A_538 = arith.addi %mul3A_536, %add3A_537 : i32
      %dma_wait3A_539 = arith.constant 0 : i32
      %dma_wait3A_540 = tpu.memref_slice %arg7[%add3A_538, %dma_wait3A_539] : memref<80x128xi32, #tpu.memory_space<vmem>> -> memref<1x128xi32, #tpu.memory_space<vmem>>
      %dma_wait3A_541 = tpu.memref_squeeze %dma_wait3A_540 : memref<1x128xi32, #tpu.memory_space<vmem>> -> memref<128xi32, #tpu.memory_space<vmem>>
      %dma_wait3A_542 = arith.constant 0 : i32
      %dma_wait3A_543 = arith.constant 0 : i32
      %dma_wait3A_544 = tpu.memref_slice %arg2[%dma_wait3A_542, %dma_wait3A_543] : memref<10240x64xf32, #tpu.memory_space<hbm>> -> memref<10240x64xf32, #tpu.memory_space<hbm>>
      tpu.wait_indirect_dma semaphore(%arg18 : memref<!tpu.dma_semaphore, #tpu.memory_space<semaphore_mem>>) src(%dma_wait3A_544 : memref<10240x64xf32, #tpu.memory_space<hbm>>) dst(%arg10 : memref<128x64xf32, #tpu.memory_space<vmem>>)
      %mul3A_545 = arith.constant 2 : i32
      %mul3A_546 = arith.muli %add3A_524, %mul3A_545 : i32
      %add3A_547 = arith.constant 0 : i32
      %add3A_548 = arith.addi %mul3A_546, %add3A_547 : i32
      %dma_start3A_549 = arith.constant 0 : i32
      %dma_start3A_550 = tpu.memref_slice %arg8[%add3A_548, %dma_start3A_549] : memref<80x128xi32, #tpu.memory_space<vmem>> -> memref<1x128xi32, #tpu.memory_space<vmem>>
      %dma_start3A_551 = tpu.memref_squeeze %dma_start3A_550 : memref<1x128xi32, #tpu.memory_space<vmem>> -> memref<128xi32, #tpu.memory_space<vmem>>
      %dma_start3A_552 = arith.constant 0 : i32
      %dma_start3A_553 = arith.constant 0 : i32
      %dma_start3A_554 = tpu.memref_slice %arg17[%dma_start3A_552, %dma_start3A_553] : memref<10240x64xf32, #tpu.memory_space<vmem_shared>> -> memref<10240x64xf32, #tpu.memory_space<vmem_shared>>
      tpu.enqueue_indirect_dma source(%arg9 : memref<128x64xf32, #tpu.memory_space<vmem>>) target(%dma_start3A_554 : memref<10240x64xf32, #tpu.memory_space<vmem_shared>>) offsets(%dma_start3A_551 : memref<128xi32, #tpu.memory_space<vmem>>) semaphore(%arg22 : memref<!tpu.dma_semaphore, #tpu.memory_space<semaphore_mem>>) {add = true}
      %mul3A_555 = arith.constant 2 : i32
      %mul3A_556 = arith.muli %add3A_524, %mul3A_555 : i32
      %add3A_557 = arith.constant 1 : i32
      %add3A_558 = arith.addi %mul3A_556, %add3A_557 : i32
      %dma_start3A_559 = arith.constant 0 : i32
      %dma_start3A_560 = tpu.memref_slice %arg8[%add3A_558, %dma_start3A_559] : memref<80x128xi32, #tpu.memory_space<vmem>> -> memref<1x128xi32, #tpu.memory_space<vmem>>
      %dma_start3A_561 = tpu.memref_squeeze %dma_start3A_560 : memref<1x128xi32, #tpu.memory_space<vmem>> -> memref<128xi32, #tpu.memory_space<vmem>>
      %dma_start3A_562 = arith.constant 0 : i32
      %dma_start3A_563 = arith.constant 0 : i32
      %dma_start3A_564 = tpu.memref_slice %arg17[%dma_start3A_562, %dma_start3A_563] : memref<10240x64xf32, #tpu.memory_space<vmem_shared>> -> memref<10240x64xf32, #tpu.memory_space<vmem_shared>>
      tpu.enqueue_indirect_dma source(%arg10 : memref<128x64xf32, #tpu.memory_space<vmem>>) target(%dma_start3A_564 : memref<10240x64xf32, #tpu.memory_space<vmem_shared>>) offsets(%dma_start3A_561 : memref<128xi32, #tpu.memory_space<vmem>>) semaphore(%arg22 : memref<!tpu.dma_semaphore, #tpu.memory_space<semaphore_mem>>) {add = true}
      %sub3A_565 = arith.constant 1 : i32
      %sub3A_566 = arith.subi %add3A_524, %sub3A_565 : i32
      %mul3A_567 = arith.constant 2 : i32
      %mul3A_568 = arith.muli %sub3A_566, %mul3A_567 : i32
      %add3A_569 = arith.constant 0 : i32
      %add3A_570 = arith.addi %mul3A_568, %add3A_569 : i32
      %dma_wait3A_571 = arith.constant 0 : i32
      %dma_wait3A_572 = tpu.memref_slice %arg8[%add3A_570, %dma_wait3A_571] : memref<80x128xi32, #tpu.memory_space<vmem>> -> memref<1x128xi32, #tpu.memory_space<vmem>>
      %dma_wait3A_573 = tpu.memref_squeeze %dma_wait3A_572 : memref<1x128xi32, #tpu.memory_space<vmem>> -> memref<128xi32, #tpu.memory_space<vmem>>
      %dma_wait3A_574 = arith.constant 0 : i32
      %dma_wait3A_575 = arith.constant 0 : i32
      %dma_wait3A_576 = tpu.memref_slice %arg17[%dma_wait3A_574, %dma_wait3A_575] : memref<10240x64xf32, #tpu.memory_space<vmem_shared>> -> memref<10240x64xf32, #tpu.memory_space<vmem_shared>>
      tpu.wait_indirect_dma semaphore(%arg25 : memref<!tpu.dma_semaphore, #tpu.memory_space<semaphore_mem>>) src(%arg15 : memref<128x64xf32, #tpu.memory_space<vmem>>) dst(%dma_wait3A_576 : memref<10240x64xf32, #tpu.memory_space<vmem_shared>>)
      %mul3A_577 = arith.constant 2 : i32
      %mul3A_578 = arith.muli %sub3A_566, %mul3A_577 : i32
      %add3A_579 = arith.constant 1 : i32
      %add3A_580 = arith.addi %mul3A_578, %add3A_579 : i32
      %dma_wait3A_581 = arith.constant 0 : i32
      %dma_wait3A_582 = tpu.memref_slice %arg8[%add3A_580, %dma_wait3A_581] : memref<80x128xi32, #tpu.memory_space<vmem>> -> memref<1x128xi32, #tpu.memory_space<vmem>>
      %dma_wait3A_583 = tpu.memref_squeeze %dma_wait3A_582 : memref<1x128xi32, #tpu.memory_space<vmem>> -> memref<128xi32, #tpu.memory_space<vmem>>
      %dma_wait3A_584 = arith.constant 0 : i32
      %dma_wait3A_585 = arith.constant 0 : i32
      %dma_wait3A_586 = tpu.memref_slice %arg17[%dma_wait3A_584, %dma_wait3A_585] : memref<10240x64xf32, #tpu.memory_space<vmem_shared>> -> memref<10240x64xf32, #tpu.memory_space<vmem_shared>>
      tpu.wait_indirect_dma semaphore(%arg25 : memref<!tpu.dma_semaphore, #tpu.memory_space<semaphore_mem>>) src(%arg16 : memref<128x64xf32, #tpu.memory_space<vmem>>) dst(%dma_wait3A_586 : memref<10240x64xf32, #tpu.memory_space<vmem_shared>>)
      %add3A_587 = arith.constant 4 : i32
      %add3A_588 = arith.addi %add3A_524, %add3A_587 : i32
      %sub3A_589 = arith.constant 1 : i32
      %sub3A_590 = arith.subi %add3A_588, %sub3A_589 : i32
      %mul3A_591 = arith.constant 2 : i32
      %mul3A_592 = arith.muli %sub3A_590, %mul3A_591 : i32
      %add3A_593 = arith.constant 0 : i32
      %add3A_594 = arith.addi %mul3A_592, %add3A_593 : i32
      %dma_start3A_595 = arith.constant 0 : i32
      %dma_start3A_596 = tpu.memref_slice %arg7[%add3A_594, %dma_start3A_595] : memref<80x128xi32, #tpu.memory_space<vmem>> -> memref<1x128xi32, #tpu.memory_space<vmem>>
      %dma_start3A_597 = tpu.memref_squeeze %dma_start3A_596 : memref<1x128xi32, #tpu.memory_space<vmem>> -> memref<128xi32, #tpu.memory_space<vmem>>
      %dma_start3A_598 = arith.constant 0 : i32
      %dma_start3A_599 = arith.constant 0 : i32
      %dma_start3A_600 = tpu.memref_slice %arg2[%dma_start3A_598, %dma_start3A_599] : memref<10240x64xf32, #tpu.memory_space<hbm>> -> memref<10240x64xf32, #tpu.memory_space<hbm>>
      tpu.enqueue_indirect_dma source(%dma_start3A_600 : memref<10240x64xf32, #tpu.memory_space<hbm>>) target(%arg15 : memref<128x64xf32, #tpu.memory_space<vmem>>) offsets(%dma_start3A_597 : memref<128xi32, #tpu.memory_space<vmem>>) semaphore(%arg21 : memref<!tpu.dma_semaphore, #tpu.memory_space<semaphore_mem>>)
      %mul3A_601 = arith.constant 2 : i32
      %mul3A_602 = arith.muli %sub3A_590, %mul3A_601 : i32
      %add3A_603 = arith.constant 1 : i32
      %add3A_604 = arith.addi %mul3A_602, %add3A_603 : i32
      %dma_start3A_605 = arith.constant 0 : i32
      %dma_start3A_606 = tpu.memref_slice %arg7[%add3A_604, %dma_start3A_605] : memref<80x128xi32, #tpu.memory_space<vmem>> -> memref<1x128xi32, #tpu.memory_space<vmem>>
      %dma_start3A_607 = tpu.memref_squeeze %dma_start3A_606 : memref<1x128xi32, #tpu.memory_space<vmem>> -> memref<128xi32, #tpu.memory_space<vmem>>
      %dma_start3A_608 = arith.constant 0 : i32
      %dma_start3A_609 = arith.constant 0 : i32
      %dma_start3A_610 = tpu.memref_slice %arg2[%dma_start3A_608, %dma_start3A_609] : memref<10240x64xf32, #tpu.memory_space<hbm>> -> memref<10240x64xf32, #tpu.memory_space<hbm>>
      tpu.enqueue_indirect_dma source(%dma_start3A_610 : memref<10240x64xf32, #tpu.memory_space<hbm>>) target(%arg16 : memref<128x64xf32, #tpu.memory_space<vmem>>) offsets(%dma_start3A_607 : memref<128xi32, #tpu.memory_space<vmem>>) semaphore(%arg21 : memref<!tpu.dma_semaphore, #tpu.memory_space<semaphore_mem>>)
    }
    %scan3A_106 = arith.constant 9 : i32
    %dma_wait3A_107 = arith.constant 74 : i32
    %dma_wait3A_108 = arith.constant 0 : i32
    %dma_wait3A_109 = tpu.memref_slice %arg7[%dma_wait3A_107, %dma_wait3A_108] : memref<80x128xi32, #tpu.memory_space<vmem>> -> memref<1x128xi32, #tpu.memory_space<vmem>>
    %dma_wait3A_110 = tpu.memref_squeeze %dma_wait3A_109 : memref<1x128xi32, #tpu.memory_space<vmem>> -> memref<128xi32, #tpu.memory_space<vmem>>
    %dma_wait3A_111 = arith.constant 0 : i32
    %dma_wait3A_112 = arith.constant 0 : i32
    %dma_wait3A_113 = tpu.memref_slice %arg2[%dma_wait3A_111, %dma_wait3A_112] : memref<10240x64xf32, #tpu.memory_space<hbm>> -> memref<10240x64xf32, #tpu.memory_space<hbm>>
    tpu.wait_indirect_dma semaphore(%arg19 : memref<!tpu.dma_semaphore, #tpu.memory_space<semaphore_mem>>) src(%dma_wait3A_113 : memref<10240x64xf32, #tpu.memory_space<hbm>>) dst(%arg11 : memref<128x64xf32, #tpu.memory_space<vmem>>)
    %dma_wait3A_114 = arith.constant 75 : i32
    %dma_wait3A_115 = arith.constant 0 : i32
    %dma_wait3A_116 = tpu.memref_slice %arg7[%dma_wait3A_114, %dma_wait3A_115] : memref<80x128xi32, #tpu.memory_space<vmem>> -> memref<1x128xi32, #tpu.memory_space<vmem>>
    %dma_wait3A_117 = tpu.memref_squeeze %dma_wait3A_116 : memref<1x128xi32, #tpu.memory_space<vmem>> -> memref<128xi32, #tpu.memory_space<vmem>>
    %dma_wait3A_118 = arith.constant 0 : i32
    %dma_wait3A_119 = arith.constant 0 : i32
    %dma_wait3A_120 = tpu.memref_slice %arg2[%dma_wait3A_118, %dma_wait3A_119] : memref<10240x64xf32, #tpu.memory_space<hbm>> -> memref<10240x64xf32, #tpu.memory_space<hbm>>
    tpu.wait_indirect_dma semaphore(%arg19 : memref<!tpu.dma_semaphore, #tpu.memory_space<semaphore_mem>>) src(%dma_wait3A_120 : memref<10240x64xf32, #tpu.memory_space<hbm>>) dst(%arg12 : memref<128x64xf32, #tpu.memory_space<vmem>>)
    %dma_start3A_121 = arith.constant 74 : i32
    %dma_start3A_122 = arith.constant 0 : i32
    %dma_start3A_123 = tpu.memref_slice %arg8[%dma_start3A_121, %dma_start3A_122] : memref<80x128xi32, #tpu.memory_space<vmem>> -> memref<1x128xi32, #tpu.memory_space<vmem>>
    %dma_start3A_124 = tpu.memref_squeeze %dma_start3A_123 : memref<1x128xi32, #tpu.memory_space<vmem>> -> memref<128xi32, #tpu.memory_space<vmem>>
    %dma_start3A_125 = arith.constant 0 : i32
    %dma_start3A_126 = arith.constant 0 : i32
    %dma_start3A_127 = tpu.memref_slice %arg17[%dma_start3A_125, %dma_start3A_126] : memref<10240x64xf32, #tpu.memory_space<vmem_shared>> -> memref<10240x64xf32, #tpu.memory_space<vmem_shared>>
    tpu.enqueue_indirect_dma source(%arg11 : memref<128x64xf32, #tpu.memory_space<vmem>>) target(%dma_start3A_127 : memref<10240x64xf32, #tpu.memory_space<vmem_shared>>) offsets(%dma_start3A_124 : memref<128xi32, #tpu.memory_space<vmem>>) semaphore(%arg23 : memref<!tpu.dma_semaphore, #tpu.memory_space<semaphore_mem>>) {add = true}
    %dma_start3A_128 = arith.constant 75 : i32
    %dma_start3A_129 = arith.constant 0 : i32
    %dma_start3A_130 = tpu.memref_slice %arg8[%dma_start3A_128, %dma_start3A_129] : memref<80x128xi32, #tpu.memory_space<vmem>> -> memref<1x128xi32, #tpu.memory_space<vmem>>
    %dma_start3A_131 = tpu.memref_squeeze %dma_start3A_130 : memref<1x128xi32, #tpu.memory_space<vmem>> -> memref<128xi32, #tpu.memory_space<vmem>>
    %dma_start3A_132 = arith.constant 0 : i32
    %dma_start3A_133 = arith.constant 0 : i32
    %dma_start3A_134 = tpu.memref_slice %arg17[%dma_start3A_132, %dma_start3A_133] : memref<10240x64xf32, #tpu.memory_space<vmem_shared>> -> memref<10240x64xf32, #tpu.memory_space<vmem_shared>>
    tpu.enqueue_indirect_dma source(%arg12 : memref<128x64xf32, #tpu.memory_space<vmem>>) target(%dma_start3A_134 : memref<10240x64xf32, #tpu.memory_space<vmem_shared>>) offsets(%dma_start3A_131 : memref<128xi32, #tpu.memory_space<vmem>>) semaphore(%arg23 : memref<!tpu.dma_semaphore, #tpu.memory_space<semaphore_mem>>) {add = true}
    %dma_wait3A_135 = arith.constant 72 : i32
    %dma_wait3A_136 = arith.constant 0 : i32
    %dma_wait3A_137 = tpu.memref_slice %arg8[%dma_wait3A_135, %dma_wait3A_136] : memref<80x128xi32, #tpu.memory_space<vmem>> -> memref<1x128xi32, #tpu.memory_space<vmem>>
    %dma_wait3A_138 = tpu.memref_squeeze %dma_wait3A_137 : memref<1x128xi32, #tpu.memory_space<vmem>> -> memref<128xi32, #tpu.memory_space<vmem>>
    %dma_wait3A_139 = arith.constant 0 : i32
    %dma_wait3A_140 = arith.constant 0 : i32
    %dma_wait3A_141 = tpu.memref_slice %arg17[%dma_wait3A_139, %dma_wait3A_140] : memref<10240x64xf32, #tpu.memory_space<vmem_shared>> -> memref<10240x64xf32, #tpu.memory_space<vmem_shared>>
    tpu.wait_indirect_dma semaphore(%arg22 : memref<!tpu.dma_semaphore, #tpu.memory_space<semaphore_mem>>) src(%arg9 : memref<128x64xf32, #tpu.memory_space<vmem>>) dst(%dma_wait3A_141 : memref<10240x64xf32, #tpu.memory_space<vmem_shared>>)
    %dma_wait3A_142 = arith.constant 73 : i32
    %dma_wait3A_143 = arith.constant 0 : i32
    %dma_wait3A_144 = tpu.memref_slice %arg8[%dma_wait3A_142, %dma_wait3A_143] : memref<80x128xi32, #tpu.memory_space<vmem>> -> memref<1x128xi32, #tpu.memory_space<vmem>>
    %dma_wait3A_145 = tpu.memref_squeeze %dma_wait3A_144 : memref<1x128xi32, #tpu.memory_space<vmem>> -> memref<128xi32, #tpu.memory_space<vmem>>
    %dma_wait3A_146 = arith.constant 0 : i32
    %dma_wait3A_147 = arith.constant 0 : i32
    %dma_wait3A_148 = tpu.memref_slice %arg17[%dma_wait3A_146, %dma_wait3A_147] : memref<10240x64xf32, #tpu.memory_space<vmem_shared>> -> memref<10240x64xf32, #tpu.memory_space<vmem_shared>>
    tpu.wait_indirect_dma semaphore(%arg22 : memref<!tpu.dma_semaphore, #tpu.memory_space<semaphore_mem>>) src(%arg10 : memref<128x64xf32, #tpu.memory_space<vmem>>) dst(%dma_wait3A_148 : memref<10240x64xf32, #tpu.memory_space<vmem_shared>>)
    %dma_wait3A_149 = arith.constant 76 : i32
    %dma_wait3A_150 = arith.constant 0 : i32
    %dma_wait3A_151 = tpu.memref_slice %arg7[%dma_wait3A_149, %dma_wait3A_150] : memref<80x128xi32, #tpu.memory_space<vmem>> -> memref<1x128xi32, #tpu.memory_space<vmem>>
    %dma_wait3A_152 = tpu.memref_squeeze %dma_wait3A_151 : memref<1x128xi32, #tpu.memory_space<vmem>> -> memref<128xi32, #tpu.memory_space<vmem>>
    %dma_wait3A_153 = arith.constant 0 : i32
    %dma_wait3A_154 = arith.constant 0 : i32
    %dma_wait3A_155 = tpu.memref_slice %arg2[%dma_wait3A_153, %dma_wait3A_154] : memref<10240x64xf32, #tpu.memory_space<hbm>> -> memref<10240x64xf32, #tpu.memory_space<hbm>>
    tpu.wait_indirect_dma semaphore(%arg20 : memref<!tpu.dma_semaphore, #tpu.memory_space<semaphore_mem>>) src(%dma_wait3A_155 : memref<10240x64xf32, #tpu.memory_space<hbm>>) dst(%arg13 : memref<128x64xf32, #tpu.memory_space<vmem>>)
    %dma_wait3A_156 = arith.constant 77 : i32
    %dma_wait3A_157 = arith.constant 0 : i32
    %dma_wait3A_158 = tpu.memref_slice %arg7[%dma_wait3A_156, %dma_wait3A_157] : memref<80x128xi32, #tpu.memory_space<vmem>> -> memref<1x128xi32, #tpu.memory_space<vmem>>
    %dma_wait3A_159 = tpu.memref_squeeze %dma_wait3A_158 : memref<1x128xi32, #tpu.memory_space<vmem>> -> memref<128xi32, #tpu.memory_space<vmem>>
    %dma_wait3A_160 = arith.constant 0 : i32
    %dma_wait3A_161 = arith.constant 0 : i32
    %dma_wait3A_162 = tpu.memref_slice %arg2[%dma_wait3A_160, %dma_wait3A_161] : memref<10240x64xf32, #tpu.memory_space<hbm>> -> memref<10240x64xf32, #tpu.memory_space<hbm>>
    tpu.wait_indirect_dma semaphore(%arg20 : memref<!tpu.dma_semaphore, #tpu.memory_space<semaphore_mem>>) src(%dma_wait3A_162 : memref<10240x64xf32, #tpu.memory_space<hbm>>) dst(%arg14 : memref<128x64xf32, #tpu.memory_space<vmem>>)
    %dma_start3A_163 = arith.constant 76 : i32
    %dma_start3A_164 = arith.constant 0 : i32
    %dma_start3A_165 = tpu.memref_slice %arg8[%dma_start3A_163, %dma_start3A_164] : memref<80x128xi32, #tpu.memory_space<vmem>> -> memref<1x128xi32, #tpu.memory_space<vmem>>
    %dma_start3A_166 = tpu.memref_squeeze %dma_start3A_165 : memref<1x128xi32, #tpu.memory_space<vmem>> -> memref<128xi32, #tpu.memory_space<vmem>>
    %dma_start3A_167 = arith.constant 0 : i32
    %dma_start3A_168 = arith.constant 0 : i32
    %dma_start3A_169 = tpu.memref_slice %arg17[%dma_start3A_167, %dma_start3A_168] : memref<10240x64xf32, #tpu.memory_space<vmem_shared>> -> memref<10240x64xf32, #tpu.memory_space<vmem_shared>>
    tpu.enqueue_indirect_dma source(%arg13 : memref<128x64xf32, #tpu.memory_space<vmem>>) target(%dma_start3A_169 : memref<10240x64xf32, #tpu.memory_space<vmem_shared>>) offsets(%dma_start3A_166 : memref<128xi32, #tpu.memory_space<vmem>>) semaphore(%arg24 : memref<!tpu.dma_semaphore, #tpu.memory_space<semaphore_mem>>) {add = true}
    %dma_start3A_170 = arith.constant 77 : i32
    %dma_start3A_171 = arith.constant 0 : i32
    %dma_start3A_172 = tpu.memref_slice %arg8[%dma_start3A_170, %dma_start3A_171] : memref<80x128xi32, #tpu.memory_space<vmem>> -> memref<1x128xi32, #tpu.memory_space<vmem>>
    %dma_start3A_173 = tpu.memref_squeeze %dma_start3A_172 : memref<1x128xi32, #tpu.memory_space<vmem>> -> memref<128xi32, #tpu.memory_space<vmem>>
    %dma_start3A_174 = arith.constant 0 : i32
    %dma_start3A_175 = arith.constant 0 : i32
    %dma_start3A_176 = tpu.memref_slice %arg17[%dma_start3A_174, %dma_start3A_175] : memref<10240x64xf32, #tpu.memory_space<vmem_shared>> -> memref<10240x64xf32, #tpu.memory_space<vmem_shared>>
    tpu.enqueue_indirect_dma source(%arg14 : memref<128x64xf32, #tpu.memory_space<vmem>>) target(%dma_start3A_176 : memref<10240x64xf32, #tpu.memory_space<vmem_shared>>) offsets(%dma_start3A_173 : memref<128xi32, #tpu.memory_space<vmem>>) semaphore(%arg24 : memref<!tpu.dma_semaphore, #tpu.memory_space<semaphore_mem>>) {add = true}
    %dma_wait3A_177 = arith.constant 74 : i32
    %dma_wait3A_178 = arith.constant 0 : i32
    %dma_wait3A_179 = tpu.memref_slice %arg8[%dma_wait3A_177, %dma_wait3A_178] : memref<80x128xi32, #tpu.memory_space<vmem>> -> memref<1x128xi32, #tpu.memory_space<vmem>>
    %dma_wait3A_180 = tpu.memref_squeeze %dma_wait3A_179 : memref<1x128xi32, #tpu.memory_space<vmem>> -> memref<128xi32, #tpu.memory_space<vmem>>
    %dma_wait3A_181 = arith.constant 0 : i32
    %dma_wait3A_182 = arith.constant 0 : i32
    %dma_wait3A_183 = tpu.memref_slice %arg17[%dma_wait3A_181, %dma_wait3A_182] : memref<10240x64xf32, #tpu.memory_space<vmem_shared>> -> memref<10240x64xf32, #tpu.memory_space<vmem_shared>>
    tpu.wait_indirect_dma semaphore(%arg23 : memref<!tpu.dma_semaphore, #tpu.memory_space<semaphore_mem>>) src(%arg11 : memref<128x64xf32, #tpu.memory_space<vmem>>) dst(%dma_wait3A_183 : memref<10240x64xf32, #tpu.memory_space<vmem_shared>>)
    %dma_wait3A_184 = arith.constant 75 : i32
    %dma_wait3A_185 = arith.constant 0 : i32
    %dma_wait3A_186 = tpu.memref_slice %arg8[%dma_wait3A_184, %dma_wait3A_185] : memref<80x128xi32, #tpu.memory_space<vmem>> -> memref<1x128xi32, #tpu.memory_space<vmem>>
    %dma_wait3A_187 = tpu.memref_squeeze %dma_wait3A_186 : memref<1x128xi32, #tpu.memory_space<vmem>> -> memref<128xi32, #tpu.memory_space<vmem>>
    %dma_wait3A_188 = arith.constant 0 : i32
    %dma_wait3A_189 = arith.constant 0 : i32
    %dma_wait3A_190 = tpu.memref_slice %arg17[%dma_wait3A_188, %dma_wait3A_189] : memref<10240x64xf32, #tpu.memory_space<vmem_shared>> -> memref<10240x64xf32, #tpu.memory_space<vmem_shared>>
    tpu.wait_indirect_dma semaphore(%arg23 : memref<!tpu.dma_semaphore, #tpu.memory_space<semaphore_mem>>) src(%arg12 : memref<128x64xf32, #tpu.memory_space<vmem>>) dst(%dma_wait3A_190 : memref<10240x64xf32, #tpu.memory_space<vmem_shared>>)
    %dma_wait3A_191 = arith.constant 78 : i32
    %dma_wait3A_192 = arith.constant 0 : i32
    %dma_wait3A_193 = tpu.memref_slice %arg7[%dma_wait3A_191, %dma_wait3A_192] : memref<80x128xi32, #tpu.memory_space<vmem>> -> memref<1x128xi32, #tpu.memory_space<vmem>>
    %dma_wait3A_194 = tpu.memref_squeeze %dma_wait3A_193 : memref<1x128xi32, #tpu.memory_space<vmem>> -> memref<128xi32, #tpu.memory_space<vmem>>
    %dma_wait3A_195 = arith.constant 0 : i32
    %dma_wait3A_196 = arith.constant 0 : i32
    %dma_wait3A_197 = tpu.memref_slice %arg2[%dma_wait3A_195, %dma_wait3A_196] : memref<10240x64xf32, #tpu.memory_space<hbm>> -> memref<10240x64xf32, #tpu.memory_space<hbm>>
    tpu.wait_indirect_dma semaphore(%arg21 : memref<!tpu.dma_semaphore, #tpu.memory_space<semaphore_mem>>) src(%dma_wait3A_197 : memref<10240x64xf32, #tpu.memory_space<hbm>>) dst(%arg15 : memref<128x64xf32, #tpu.memory_space<vmem>>)
    %dma_wait3A_198 = arith.constant 79 : i32
    %dma_wait3A_199 = arith.constant 0 : i32
    %dma_wait3A_200 = tpu.memref_slice %arg7[%dma_wait3A_198, %dma_wait3A_199] : memref<80x128xi32, #tpu.memory_space<vmem>> -> memref<1x128xi32, #tpu.memory_space<vmem>>
    %dma_wait3A_201 = tpu.memref_squeeze %dma_wait3A_200 : memref<1x128xi32, #tpu.memory_space<vmem>> -> memref<128xi32, #tpu.memory_space<vmem>>
    %dma_wait3A_202 = arith.constant 0 : i32
    %dma_wait3A_203 = arith.constant 0 : i32
    %dma_wait3A_204 = tpu.memref_slice %arg2[%dma_wait3A_202, %dma_wait3A_203] : memref<10240x64xf32, #tpu.memory_space<hbm>> -> memref<10240x64xf32, #tpu.memory_space<hbm>>
    tpu.wait_indirect_dma semaphore(%arg21 : memref<!tpu.dma_semaphore, #tpu.memory_space<semaphore_mem>>) src(%dma_wait3A_204 : memref<10240x64xf32, #tpu.memory_space<hbm>>) dst(%arg16 : memref<128x64xf32, #tpu.memory_space<vmem>>)
    %dma_start3A_205 = arith.constant 78 : i32
    %dma_start3A_206 = arith.constant 0 : i32
    %dma_start3A_207 = tpu.memref_slice %arg8[%dma_start3A_205, %dma_start3A_206] : memref<80x128xi32, #tpu.memory_space<vmem>> -> memref<1x128xi32, #tpu.memory_space<vmem>>
    %dma_start3A_208 = tpu.memref_squeeze %dma_start3A_207 : memref<1x128xi32, #tpu.memory_space<vmem>> -> memref<128xi32, #tpu.memory_space<vmem>>
    %dma_start3A_209 = arith.constant 0 : i32
    %dma_start3A_210 = arith.constant 0 : i32
    %dma_start3A_211 = tpu.memref_slice %arg17[%dma_start3A_209, %dma_start3A_210] : memref<10240x64xf32, #tpu.memory_space<vmem_shared>> -> memref<10240x64xf32, #tpu.memory_space<vmem_shared>>
    tpu.enqueue_indirect_dma source(%arg15 : memref<128x64xf32, #tpu.memory_space<vmem>>) target(%dma_start3A_211 : memref<10240x64xf32, #tpu.memory_space<vmem_shared>>) offsets(%dma_start3A_208 : memref<128xi32, #tpu.memory_space<vmem>>) semaphore(%arg25 : memref<!tpu.dma_semaphore, #tpu.memory_space<semaphore_mem>>) {add = true}
    %dma_start3A_212 = arith.constant 79 : i32
    %dma_start3A_213 = arith.constant 0 : i32
    %dma_start3A_214 = tpu.memref_slice %arg8[%dma_start3A_212, %dma_start3A_213] : memref<80x128xi32, #tpu.memory_space<vmem>> -> memref<1x128xi32, #tpu.memory_space<vmem>>
    %dma_start3A_215 = tpu.memref_squeeze %dma_start3A_214 : memref<1x128xi32, #tpu.memory_space<vmem>> -> memref<128xi32, #tpu.memory_space<vmem>>
    %dma_start3A_216 = arith.constant 0 : i32
    %dma_start3A_217 = arith.constant 0 : i32
    %dma_start3A_218 = tpu.memref_slice %arg17[%dma_start3A_216, %dma_start3A_217] : memref<10240x64xf32, #tpu.memory_space<vmem_shared>> -> memref<10240x64xf32, #tpu.memory_space<vmem_shared>>
    tpu.enqueue_indirect_dma source(%arg16 : memref<128x64xf32, #tpu.memory_space<vmem>>) target(%dma_start3A_218 : memref<10240x64xf32, #tpu.memory_space<vmem_shared>>) offsets(%dma_start3A_215 : memref<128xi32, #tpu.memory_space<vmem>>) semaphore(%arg25 : memref<!tpu.dma_semaphore, #tpu.memory_space<semaphore_mem>>) {add = true}
    %dma_wait3A_219 = arith.constant 76 : i32
    %dma_wait3A_220 = arith.constant 0 : i32
    %dma_wait3A_221 = tpu.memref_slice %arg8[%dma_wait3A_219, %dma_wait3A_220] : memref<80x128xi32, #tpu.memory_space<vmem>> -> memref<1x128xi32, #tpu.memory_space<vmem>>
    %dma_wait3A_222 = tpu.memref_squeeze %dma_wait3A_221 : memref<1x128xi32, #tpu.memory_space<vmem>> -> memref<128xi32, #tpu.memory_space<vmem>>
    %dma_wait3A_223 = arith.constant 0 : i32
    %dma_wait3A_224 = arith.constant 0 : i32
    %dma_wait3A_225 = tpu.memref_slice %arg17[%dma_wait3A_223, %dma_wait3A_224] : memref<10240x64xf32, #tpu.memory_space<vmem_shared>> -> memref<10240x64xf32, #tpu.memory_space<vmem_shared>>
    tpu.wait_indirect_dma semaphore(%arg24 : memref<!tpu.dma_semaphore, #tpu.memory_space<semaphore_mem>>) src(%arg13 : memref<128x64xf32, #tpu.memory_space<vmem>>) dst(%dma_wait3A_225 : memref<10240x64xf32, #tpu.memory_space<vmem_shared>>)
    %dma_wait3A_226 = arith.constant 77 : i32
    %dma_wait3A_227 = arith.constant 0 : i32
    %dma_wait3A_228 = tpu.memref_slice %arg8[%dma_wait3A_226, %dma_wait3A_227] : memref<80x128xi32, #tpu.memory_space<vmem>> -> memref<1x128xi32, #tpu.memory_space<vmem>>
    %dma_wait3A_229 = tpu.memref_squeeze %dma_wait3A_228 : memref<1x128xi32, #tpu.memory_space<vmem>> -> memref<128xi32, #tpu.memory_space<vmem>>
    %dma_wait3A_230 = arith.constant 0 : i32
    %dma_wait3A_231 = arith.constant 0 : i32
    %dma_wait3A_232 = tpu.memref_slice %arg17[%dma_wait3A_230, %dma_wait3A_231] : memref<10240x64xf32, #tpu.memory_space<vmem_shared>> -> memref<10240x64xf32, #tpu.memory_space<vmem_shared>>
    tpu.wait_indirect_dma semaphore(%arg24 : memref<!tpu.dma_semaphore, #tpu.memory_space<semaphore_mem>>) src(%arg14 : memref<128x64xf32, #tpu.memory_space<vmem>>) dst(%dma_wait3A_232 : memref<10240x64xf32, #tpu.memory_space<vmem_shared>>)
    %dma_wait3A_233 = arith.constant 78 : i32
    %dma_wait3A_234 = arith.constant 0 : i32
    %dma_wait3A_235 = tpu.memref_slice %arg8[%dma_wait3A_233, %dma_wait3A_234] : memref<80x128xi32, #tpu.memory_space<vmem>> -> memref<1x128xi32, #tpu.memory_space<vmem>>
    %dma_wait3A_236 = tpu.memref_squeeze %dma_wait3A_235 : memref<1x128xi32, #tpu.memory_space<vmem>> -> memref<128xi32, #tpu.memory_space<vmem>>
    %dma_wait3A_237 = arith.constant 0 : i32
    %dma_wait3A_238 = arith.constant 0 : i32
    %dma_wait3A_239 = tpu.memref_slice %arg17[%dma_wait3A_237, %dma_wait3A_238] : memref<10240x64xf32, #tpu.memory_space<vmem_shared>> -> memref<10240x64xf32, #tpu.memory_space<vmem_shared>>
    tpu.wait_indirect_dma semaphore(%arg25 : memref<!tpu.dma_semaphore, #tpu.memory_space<semaphore_mem>>) src(%arg15 : memref<128x64xf32, #tpu.memory_space<vmem>>) dst(%dma_wait3A_239 : memref<10240x64xf32, #tpu.memory_space<vmem_shared>>)
    %dma_wait3A_240 = arith.constant 79 : i32
    %dma_wait3A_241 = arith.constant 0 : i32
    %dma_wait3A_242 = tpu.memref_slice %arg8[%dma_wait3A_240, %dma_wait3A_241] : memref<80x128xi32, #tpu.memory_space<vmem>> -> memref<1x128xi32, #tpu.memory_space<vmem>>
    %dma_wait3A_243 = tpu.memref_squeeze %dma_wait3A_242 : memref<1x128xi32, #tpu.memory_space<vmem>> -> memref<128xi32, #tpu.memory_space<vmem>>
    %dma_wait3A_244 = arith.constant 0 : i32
    %dma_wait3A_245 = arith.constant 0 : i32
    %dma_wait3A_246 = tpu.memref_slice %arg17[%dma_wait3A_244, %dma_wait3A_245] : memref<10240x64xf32, #tpu.memory_space<vmem_shared>> -> memref<10240x64xf32, #tpu.memory_space<vmem_shared>>
    tpu.wait_indirect_dma semaphore(%arg25 : memref<!tpu.dma_semaphore, #tpu.memory_space<semaphore_mem>>) src(%arg16 : memref<128x64xf32, #tpu.memory_space<vmem>>) dst(%dma_wait3A_246 : memref<10240x64xf32, #tpu.memory_space<vmem_shared>>)
    %barrier3A_247 = arith.constant 0 : index
    tpu.barrier barrier_id(%barrier3A_247)
    %eq3A = arith.constant 0 : i32
    %eq3A_248 = arith.cmpi eq, %arg0, %eq3A : i32
    %convert_element_type3A = arith.extui %eq3A_248 : i1 to i32
    %cond3A = arith.constant 0 : i32
    %cond3A_249 = arith.cmpi ne, %convert_element_type3A, %cond3A : i32
    scf.if %cond3A_249 {
      "tpu.region"() ({
        %run_scoped3A = tpu.sem_alloc : memref<!tpu.dma_semaphore, #tpu.memory_space<semaphore_mem>>
        %dma_start3A_255 = arith.constant 0 : i32
        %dma_start3A_256 = tpu.memref_slice %arg5[%mul3A_49, %dma_start3A_255] : memref<10240x64xf32, #tpu.memory_space<hbm>> -> memref<640x64xf32, #tpu.memory_space<hbm>>
        %dma_start3A_257 = arith.constant 0 : i32
        %dma_start3A_258 = tpu.memref_slice %arg17[%mul3A_49, %dma_start3A_257] : memref<10240x64xf32, #tpu.memory_space<vmem_shared>> -> memref<640x64xf32, #tpu.memory_space<vmem_shared>>
        tpu.enqueue_dma source(%dma_start3A_258 : memref<640x64xf32, #tpu.memory_space<vmem_shared>>) target(%dma_start3A_256 : memref<640x64xf32, #tpu.memory_space<hbm>>) target_semaphore(%run_scoped3A : memref<!tpu.dma_semaphore, #tpu.memory_space<semaphore_mem>>)
        %dma_wait3A_259 = arith.constant 0 : i32
        %dma_wait3A_260 = tpu.memref_slice %arg5[%mul3A_49, %dma_wait3A_259] : memref<10240x64xf32, #tpu.memory_space<hbm>> -> memref<640x64xf32, #tpu.memory_space<hbm>>
        %dma_wait3A_261 = arith.constant 0 : i32
        %dma_wait3A_262 = tpu.memref_slice %arg17[%mul3A_49, %dma_wait3A_261] : memref<10240x64xf32, #tpu.memory_space<vmem_shared>> -> memref<640x64xf32, #tpu.memory_space<vmem_shared>>
        tpu.wait_dma2 semaphore(%run_scoped3A : memref<!tpu.dma_semaphore, #tpu.memory_space<semaphore_mem>>) src(%dma_wait3A_262 : memref<640x64xf32, #tpu.memory_space<vmem_shared>>) dst(%dma_wait3A_260 : memref<640x64xf32, #tpu.memory_space<hbm>>)
        tpu.yield
      }) : () -> ()
    } else {
    }
    %eq3A_250 = arith.constant 1 : i32
    %eq3A_251 = arith.cmpi eq, %arg0, %eq3A_250 : i32
    %convert_element_type3A_252 = arith.extui %eq3A_251 : i1 to i32
    %cond3A_253 = arith.constant 0 : i32
    %cond3A_254 = arith.cmpi ne, %convert_element_type3A_252, %cond3A_253 : i32
    scf.if %cond3A_254 {
      "tpu.region"() ({
        %run_scoped3A = tpu.sem_alloc : memref<!tpu.dma_semaphore, #tpu.memory_space<semaphore_mem>>
        %dma_start3A_255 = arith.constant 0 : i32
        %dma_start3A_256 = tpu.memref_slice %arg6[%mul3A_49, %dma_start3A_255] : memref<10240x64xf32, #tpu.memory_space<hbm>> -> memref<640x64xf32, #tpu.memory_space<hbm>>
        %dma_start3A_257 = arith.constant 0 : i32
        %dma_start3A_258 = tpu.memref_slice %arg17[%mul3A_49, %dma_start3A_257] : memref<10240x64xf32, #tpu.memory_space<vmem_shared>> -> memref<640x64xf32, #tpu.memory_space<vmem_shared>>
        tpu.enqueue_dma source(%dma_start3A_258 : memref<640x64xf32, #tpu.memory_space<vmem_shared>>) target(%dma_start3A_256 : memref<640x64xf32, #tpu.memory_space<hbm>>) target_semaphore(%run_scoped3A : memref<!tpu.dma_semaphore, #tpu.memory_space<semaphore_mem>>)
        %dma_wait3A_259 = arith.constant 0 : i32
        %dma_wait3A_260 = tpu.memref_slice %arg6[%mul3A_49, %dma_wait3A_259] : memref<10240x64xf32, #tpu.memory_space<hbm>> -> memref<640x64xf32, #tpu.memory_space<hbm>>
        %dma_wait3A_261 = arith.constant 0 : i32
        %dma_wait3A_262 = tpu.memref_slice %arg17[%mul3A_49, %dma_wait3A_261] : memref<10240x64xf32, #tpu.memory_space<vmem_shared>> -> memref<640x64xf32, #tpu.memory_space<vmem_shared>>
        tpu.wait_dma2 semaphore(%run_scoped3A : memref<!tpu.dma_semaphore, #tpu.memory_space<semaphore_mem>>) src(%dma_wait3A_262 : memref<640x64xf32, #tpu.memory_space<vmem_shared>>) dst(%dma_wait3A_260 : memref<640x64xf32, #tpu.memory_space<hbm>>)
        tpu.yield
      }) : () -> ()
    } else {
    }
    return
  }
}

#map = affine_map<(d0, d1) -> (0, 0)>
#map1 = affine_map<(d0, d1) -> (0, 0, 0)>
module attributes {stable_mosaic.version = 14 : i64} {
  func.func @agg(%arg0: i32, %arg1: i32, %arg2: memref<10240x64xf32, #tpu.memory_space<hbm>>, %arg3: memref<32x80x128xi32, #tpu.memory_space<hbm>>, %arg4: memref<32x80x128xi32, #tpu.memory_space<hbm>>, %arg5: memref<10240x64xf32, #tpu.memory_space<hbm>>, %arg6: memref<10240x64xf32, #tpu.memory_space<hbm>>, %arg7: memref<80x128xi32, #tpu.memory_space<vmem>>, %arg8: memref<80x128xi32, #tpu.memory_space<vmem>>, %arg9: memref<128x64xf32, #tpu.memory_space<vmem>>, %arg10: memref<128x64xf32, #tpu.memory_space<vmem>>, %arg11: memref<128x64xf32, #tpu.memory_space<vmem>>, %arg12: memref<128x64xf32, #tpu.memory_space<vmem>>, %arg13: memref<128x64xf32, #tpu.memory_space<vmem>>, %arg14: memref<128x64xf32, #tpu.memory_space<vmem>>, %arg15: memref<128x64xf32, #tpu.memory_space<vmem>>, %arg16: memref<128x64xf32, #tpu.memory_space<vmem>>, %arg17: memref<10240x64xf32, #tpu.memory_space<vmem_shared>>, %arg18: memref<!tpu.dma_semaphore, #tpu.memory_space<semaphore_mem>>, %arg19: memref<!tpu.dma_semaphore, #tpu.memory_space<semaphore_mem>>, %arg20: memref<!tpu.dma_semaphore, #tpu.memory_space<semaphore_mem>>, %arg21: memref<!tpu.dma_semaphore, #tpu.memory_space<semaphore_mem>>, %arg22: memref<!tpu.dma_semaphore, #tpu.memory_space<semaphore_mem>>, %arg23: memref<!tpu.dma_semaphore, #tpu.memory_space<semaphore_mem>>, %arg24: memref<!tpu.dma_semaphore, #tpu.memory_space<semaphore_mem>>, %arg25: memref<!tpu.dma_semaphore, #tpu.memory_space<semaphore_mem>>) attributes {dimension_semantics = [#tpu.dimension_semantics<core_parallel>, #tpu.dimension_semantics<subcore_parallel>], iteration_bounds = array<i64: 2, 16>, scalar_prefetch = 0 : i64, scratch_operands = 19 : i64, tpu.core_type = #tpu.core_type<sc_vector_subcore>, window_params = [{transform_indices = #map}, {transform_indices = #map1}, {transform_indices = #map1}, {transform_indices = #map}, {transform_indices = #map}]} {
    %mul3A = arith.constant 16 : i32
    %mul3A_0 = arith.muli %arg0, %mul3A : i32
    %add3A = arith.addi %mul3A_0, %arg1 : i32
    "tpu.region"() ({
      %run_scoped3A = tpu.sem_alloc : memref<!tpu.dma_semaphore, #tpu.memory_space<semaphore_mem>>
      %dma_start3A_255 = arith.constant 0 : i32
      %dma_start3A_256 = arith.constant 0 : i32
      %dma_start3A_257 = tpu.memref_slice %arg3[%add3A, %dma_start3A_255, %dma_start3A_256] : memref<32x80x128xi32, #tpu.memory_space<hbm>> -> memref<1x80x128xi32, #tpu.memory_space<hbm>>
      %dma_start3A_258 = tpu.memref_squeeze %dma_start3A_257 : memref<1x80x128xi32, #tpu.memory_space<hbm>> -> memref<80x128xi32, #tpu.memory_space<hbm>>
      %dma_start3A_259 = arith.constant 0 : i32
      %dma_start3A_260 = arith.constant 0 : i32
      %dma_start3A_261 = tpu.memref_slice %arg3[%add3A, %dma_start3A_259, %dma_start3A_260] : memref<32x80x128xi32, #tpu.memory_space<hbm>> -> memref<1x80x128xi32, #tpu.memory_space<hbm>>
      %dma_start3A_262 = tpu.memref_squeeze %dma_start3A_261 : memref<1x80x128xi32, #tpu.memory_space<hbm>> -> memref<80x128xi32, #tpu.memory_space<hbm>>
      tpu.enqueue_dma source(%dma_start3A_262 : memref<80x128xi32, #tpu.memory_space<hbm>>) target(%arg7 : memref<80x128xi32, #tpu.memory_space<vmem>>) target_semaphore(%run_scoped3A : memref<!tpu.dma_semaphore, #tpu.memory_space<semaphore_mem>>)
      %dma_wait3A_263 = arith.constant 0 : i32
      %dma_wait3A_264 = arith.constant 0 : i32
      %dma_wait3A_265 = tpu.memref_slice %arg3[%add3A, %dma_wait3A_263, %dma_wait3A_264] : memref<32x80x128xi32, #tpu.memory_space<hbm>> -> memref<1x80x128xi32, #tpu.memory_space<hbm>>
      %dma_wait3A_266 = tpu.memref_squeeze %dma_wait3A_265 : memref<1x80x128xi32, #tpu.memory_space<hbm>> -> memref<80x128xi32, #tpu.memory_space<hbm>>
      %dma_wait3A_267 = arith.constant 0 : i32
      %dma_wait3A_268 = arith.constant 0 : i32
      %dma_wait3A_269 = tpu.memref_slice %arg3[%add3A, %dma_wait3A_267, %dma_wait3A_268] : memref<32x80x128xi32, #tpu.memory_space<hbm>> -> memref<1x80x128xi32, #tpu.memory_space<hbm>>
      %dma_wait3A_270 = tpu.memref_squeeze %dma_wait3A_269 : memref<1x80x128xi32, #tpu.memory_space<hbm>> -> memref<80x128xi32, #tpu.memory_space<hbm>>
      tpu.wait_dma2 semaphore(%run_scoped3A : memref<!tpu.dma_semaphore, #tpu.memory_space<semaphore_mem>>) src(%dma_wait3A_270 : memref<80x128xi32, #tpu.memory_space<hbm>>) dst(%arg7 : memref<80x128xi32, #tpu.memory_space<vmem>>)
      tpu.yield
    }) : () -> ()
    "tpu.region"() ({
      %run_scoped3A = tpu.sem_alloc : memref<!tpu.dma_semaphore, #tpu.memory_space<semaphore_mem>>
      %dma_start3A_255 = arith.constant 0 : i32
      %dma_start3A_256 = arith.constant 0 : i32
      %dma_start3A_257 = tpu.memref_slice %arg4[%add3A, %dma_start3A_255, %dma_start3A_256] : memref<32x80x128xi32, #tpu.memory_space<hbm>> -> memref<1x80x128xi32, #tpu.memory_space<hbm>>
      %dma_start3A_258 = tpu.memref_squeeze %dma_start3A_257 : memref<1x80x128xi32, #tpu.memory_space<hbm>> -> memref<80x128xi32, #tpu.memory_space<hbm>>
      %dma_start3A_259 = arith.constant 0 : i32
      %dma_start3A_260 = arith.constant 0 : i32
      %dma_start3A_261 = tpu.memref_slice %arg4[%add3A, %dma_start3A_259, %dma_start3A_260] : memref<32x80x128xi32, #tpu.memory_space<hbm>> -> memref<1x80x128xi32, #tpu.memory_space<hbm>>
      %dma_start3A_262 = tpu.memref_squeeze %dma_start3A_261 : memref<1x80x128xi32, #tpu.memory_space<hbm>> -> memref<80x128xi32, #tpu.memory_space<hbm>>
      tpu.enqueue_dma source(%dma_start3A_262 : memref<80x128xi32, #tpu.memory_space<hbm>>) target(%arg8 : memref<80x128xi32, #tpu.memory_space<vmem>>) target_semaphore(%run_scoped3A : memref<!tpu.dma_semaphore, #tpu.memory_space<semaphore_mem>>)
      %dma_wait3A_263 = arith.constant 0 : i32
      %dma_wait3A_264 = arith.constant 0 : i32
      %dma_wait3A_265 = tpu.memref_slice %arg4[%add3A, %dma_wait3A_263, %dma_wait3A_264] : memref<32x80x128xi32, #tpu.memory_space<hbm>> -> memref<1x80x128xi32, #tpu.memory_space<hbm>>
      %dma_wait3A_266 = tpu.memref_squeeze %dma_wait3A_265 : memref<1x80x128xi32, #tpu.memory_space<hbm>> -> memref<80x128xi32, #tpu.memory_space<hbm>>
      %dma_wait3A_267 = arith.constant 0 : i32
      %dma_wait3A_268 = arith.constant 0 : i32
      %dma_wait3A_269 = tpu.memref_slice %arg4[%add3A, %dma_wait3A_267, %dma_wait3A_268] : memref<32x80x128xi32, #tpu.memory_space<hbm>> -> memref<1x80x128xi32, #tpu.memory_space<hbm>>
      %dma_wait3A_270 = tpu.memref_squeeze %dma_wait3A_269 : memref<1x80x128xi32, #tpu.memory_space<hbm>> -> memref<80x128xi32, #tpu.memory_space<hbm>>
      tpu.wait_dma2 semaphore(%run_scoped3A : memref<!tpu.dma_semaphore, #tpu.memory_space<semaphore_mem>>) src(%dma_wait3A_270 : memref<80x128xi32, #tpu.memory_space<hbm>>) dst(%arg8 : memref<80x128xi32, #tpu.memory_space<vmem>>)
      tpu.yield
    }) : () -> ()
    %dma_start3A = arith.constant 0 : i32
    %dma_start3A_1 = arith.constant 0 : i32
    %dma_start3A_2 = tpu.memref_slice %arg7[%dma_start3A, %dma_start3A_1] : memref<80x128xi32, #tpu.memory_space<vmem>> -> memref<1x128xi32, #tpu.memory_space<vmem>>
    %dma_start3A_3 = tpu.memref_squeeze %dma_start3A_2 : memref<1x128xi32, #tpu.memory_space<vmem>> -> memref<128xi32, #tpu.memory_space<vmem>>
    %dma_start3A_4 = arith.constant 0 : i32
    %dma_start3A_5 = arith.constant 0 : i32
    %dma_start3A_6 = tpu.memref_slice %arg2[%dma_start3A_4, %dma_start3A_5] : memref<10240x64xf32, #tpu.memory_space<hbm>> -> memref<10240x64xf32, #tpu.memory_space<hbm>>
    tpu.enqueue_indirect_dma source(%dma_start3A_6 : memref<10240x64xf32, #tpu.memory_space<hbm>>) target(%arg9 : memref<128x64xf32, #tpu.memory_space<vmem>>) offsets(%dma_start3A_3 : memref<128xi32, #tpu.memory_space<vmem>>) semaphore(%arg18 : memref<!tpu.dma_semaphore, #tpu.memory_space<semaphore_mem>>)
    %dma_start3A_7 = arith.constant 1 : i32
    %dma_start3A_8 = arith.constant 0 : i32
    %dma_start3A_9 = tpu.memref_slice %arg7[%dma_start3A_7, %dma_start3A_8] : memref<80x128xi32, #tpu.memory_space<vmem>> -> memref<1x128xi32, #tpu.memory_space<vmem>>
    %dma_start3A_10 = tpu.memref_squeeze %dma_start3A_9 : memref<1x128xi32, #tpu.memory_space<vmem>> -> memref<128xi32, #tpu.memory_space<vmem>>
    %dma_start3A_11 = arith.constant 0 : i32
    %dma_start3A_12 = arith.constant 0 : i32
    %dma_start3A_13 = tpu.memref_slice %arg2[%dma_start3A_11, %dma_start3A_12] : memref<10240x64xf32, #tpu.memory_space<hbm>> -> memref<10240x64xf32, #tpu.memory_space<hbm>>
    tpu.enqueue_indirect_dma source(%dma_start3A_13 : memref<10240x64xf32, #tpu.memory_space<hbm>>) target(%arg10 : memref<128x64xf32, #tpu.memory_space<vmem>>) offsets(%dma_start3A_10 : memref<128xi32, #tpu.memory_space<vmem>>) semaphore(%arg18 : memref<!tpu.dma_semaphore, #tpu.memory_space<semaphore_mem>>)
    %dma_start3A_14 = arith.constant 2 : i32
    %dma_start3A_15 = arith.constant 0 : i32
    %dma_start3A_16 = tpu.memref_slice %arg7[%dma_start3A_14, %dma_start3A_15] : memref<80x128xi32, #tpu.memory_space<vmem>> -> memref<1x128xi32, #tpu.memory_space<vmem>>
    %dma_start3A_17 = tpu.memref_squeeze %dma_start3A_16 : memref<1x128xi32, #tpu.memory_space<vmem>> -> memref<128xi32, #tpu.memory_space<vmem>>
    %dma_start3A_18 = arith.constant 0 : i32
    %dma_start3A_19 = arith.constant 0 : i32
    %dma_start3A_20 = tpu.memref_slice %arg2[%dma_start3A_18, %dma_start3A_19] : memref<10240x64xf32, #tpu.memory_space<hbm>> -> memref<10240x64xf32, #tpu.memory_space<hbm>>
    tpu.enqueue_indirect_dma source(%dma_start3A_20 : memref<10240x64xf32, #tpu.memory_space<hbm>>) target(%arg11 : memref<128x64xf32, #tpu.memory_space<vmem>>) offsets(%dma_start3A_17 : memref<128xi32, #tpu.memory_space<vmem>>) semaphore(%arg19 : memref<!tpu.dma_semaphore, #tpu.memory_space<semaphore_mem>>)
    %dma_start3A_21 = arith.constant 3 : i32
    %dma_start3A_22 = arith.constant 0 : i32
    %dma_start3A_23 = tpu.memref_slice %arg7[%dma_start3A_21, %dma_start3A_22] : memref<80x128xi32, #tpu.memory_space<vmem>> -> memref<1x128xi32, #tpu.memory_space<vmem>>
    %dma_start3A_24 = tpu.memref_squeeze %dma_start3A_23 : memref<1x128xi32, #tpu.memory_space<vmem>> -> memref<128xi32, #tpu.memory_space<vmem>>
    %dma_start3A_25 = arith.constant 0 : i32
    %dma_start3A_26 = arith.constant 0 : i32
    %dma_start3A_27 = tpu.memref_slice %arg2[%dma_start3A_25, %dma_start3A_26] : memref<10240x64xf32, #tpu.memory_space<hbm>> -> memref<10240x64xf32, #tpu.memory_space<hbm>>
    tpu.enqueue_indirect_dma source(%dma_start3A_27 : memref<10240x64xf32, #tpu.memory_space<hbm>>) target(%arg12 : memref<128x64xf32, #tpu.memory_space<vmem>>) offsets(%dma_start3A_24 : memref<128xi32, #tpu.memory_space<vmem>>) semaphore(%arg19 : memref<!tpu.dma_semaphore, #tpu.memory_space<semaphore_mem>>)
    %dma_start3A_28 = arith.constant 4 : i32
    %dma_start3A_29 = arith.constant 0 : i32
    %dma_start3A_30 = tpu.memref_slice %arg7[%dma_start3A_28, %dma_start3A_29] : memref<80x128xi32, #tpu.memory_space<vmem>> -> memref<1x128xi32, #tpu.memory_space<vmem>>
    %dma_start3A_31 = tpu.memref_squeeze %dma_start3A_30 : memref<1x128xi32, #tpu.memory_space<vmem>> -> memref<128xi32, #tpu.memory_space<vmem>>
    %dma_start3A_32 = arith.constant 0 : i32
    %dma_start3A_33 = arith.constant 0 : i32
    %dma_start3A_34 = tpu.memref_slice %arg2[%dma_start3A_32, %dma_start3A_33] : memref<10240x64xf32, #tpu.memory_space<hbm>> -> memref<10240x64xf32, #tpu.memory_space<hbm>>
    tpu.enqueue_indirect_dma source(%dma_start3A_34 : memref<10240x64xf32, #tpu.memory_space<hbm>>) target(%arg13 : memref<128x64xf32, #tpu.memory_space<vmem>>) offsets(%dma_start3A_31 : memref<128xi32, #tpu.memory_space<vmem>>) semaphore(%arg20 : memref<!tpu.dma_semaphore, #tpu.memory_space<semaphore_mem>>)
    %dma_start3A_35 = arith.constant 5 : i32
    %dma_start3A_36 = arith.constant 0 : i32
    %dma_start3A_37 = tpu.memref_slice %arg7[%dma_start3A_35, %dma_start3A_36] : memref<80x128xi32, #tpu.memory_space<vmem>> -> memref<1x128xi32, #tpu.memory_space<vmem>>
    %dma_start3A_38 = tpu.memref_squeeze %dma_start3A_37 : memref<1x128xi32, #tpu.memory_space<vmem>> -> memref<128xi32, #tpu.memory_space<vmem>>
    %dma_start3A_39 = arith.constant 0 : i32
    %dma_start3A_40 = arith.constant 0 : i32
    %dma_start3A_41 = tpu.memref_slice %arg2[%dma_start3A_39, %dma_start3A_40] : memref<10240x64xf32, #tpu.memory_space<hbm>> -> memref<10240x64xf32, #tpu.memory_space<hbm>>
    tpu.enqueue_indirect_dma source(%dma_start3A_41 : memref<10240x64xf32, #tpu.memory_space<hbm>>) target(%arg14 : memref<128x64xf32, #tpu.memory_space<vmem>>) offsets(%dma_start3A_38 : memref<128xi32, #tpu.memory_space<vmem>>) semaphore(%arg20 : memref<!tpu.dma_semaphore, #tpu.memory_space<semaphore_mem>>)
    %broadcast_in_dim3A = arith.constant 0.000000e+00 : f32
    %broadcast_in_dim3A_42 = vector.broadcast %broadcast_in_dim3A : f32 to vector<16xf32>
    %scan3A = arith.constant 0 : i32
    %scan3A_43 = arith.constant 0 : i32
    %scan3A_44 = arith.constant 512 : i32
    %scan3A_45 = arith.addi %scan3A_43, %scan3A_44 : i32
    %scan3A_46 = arith.constant 1 : i32
    scf.for %scan3A_255 = %scan3A_43 to %scan3A_45 step %scan3A_46  : i32 {
      %jit3A = arith.constant 4 : i32
      %div3A = arith.divsi %scan3A_255, %jit3A : i32
      %sign3A = arith.constant 0 : i32
      %sign3A_256 = arith.cmpi sgt, %scan3A_255, %sign3A : i32
      %sign3A_257 = arith.extui %sign3A_256 : i1 to i32
      %sign3A_258 = arith.constant 0 : i32
      %sign3A_259 = arith.cmpi slt, %scan3A_255, %sign3A_258 : i32
      %sign3A_260 = arith.extui %sign3A_259 : i1 to i32
      %sign3A_261 = arith.subi %sign3A_257, %sign3A_260 : i32
      %sign3A_262 = arith.constant 0 : i32
      %sign3A_263 = arith.cmpi sgt, %jit3A, %sign3A_262 : i32
      %sign3A_264 = arith.extui %sign3A_263 : i1 to i32
      %sign3A_265 = arith.constant 0 : i32
      %sign3A_266 = arith.cmpi slt, %jit3A, %sign3A_265 : i32
      %sign3A_267 = arith.extui %sign3A_266 : i1 to i32
      %sign3A_268 = arith.subi %sign3A_264, %sign3A_267 : i32
      %ne3A = arith.cmpi ne, %sign3A_261, %sign3A_268 : i32
      %rem3A = arith.remsi %scan3A_255, %jit3A : i32
      %ne3A_269 = arith.constant 0 : i32
      %ne3A_270 = arith.cmpi ne, %rem3A, %ne3A_269 : i32
      %and3A = arith.andi %ne3A, %ne3A_270 : i1
      %sub3A = arith.constant 1 : i32
      %sub3A_271 = arith.subi %div3A, %sub3A : i32
      %select_n3A = arith.select %and3A, %sub3A_271, %div3A : i32
      %jit3A_272 = arith.constant 4 : i32
      %eq3A_273 = arith.constant 0 : i32
      %eq3A_274 = arith.cmpi eq, %jit3A_272, %eq3A_273 : i32
      %jit3A_275 = arith.constant 1 : i32
      %select_n3A_276 = arith.select %eq3A_274, %jit3A_275, %jit3A_272 : i32
      %rem3A_277 = arith.remsi %scan3A_255, %select_n3A_276 : i32
      %ne3A_278 = arith.constant 0 : i32
      %ne3A_279 = arith.cmpi ne, %rem3A_277, %ne3A_278 : i32
      %lt3A = arith.constant 0 : i32
      %lt3A_280 = arith.cmpi slt, %rem3A_277, %lt3A : i32
      %lt3A_281 = arith.constant 0 : i32
      %lt3A_282 = arith.cmpi slt, %select_n3A_276, %lt3A_281 : i32
      %ne3A_283 = arith.xori %lt3A_280, %lt3A_282 : i1
      %and3A_284 = arith.andi %ne3A_283, %ne3A_279 : i1
      %add3A_285 = arith.addi %rem3A_277, %select_n3A_276 : i32
      %select_n3A_286 = arith.select %and3A_284, %add3A_285, %rem3A_277 : i32
      %mul3A_287 = arith.constant 16 : i32
      %mul3A_288 = arith.muli %select_n3A_286, %mul3A_287 : i32
      %swap3A = arith.index_cast %select_n3A : i32 to index
      %swap3A_289 = arith.index_cast %mul3A_288 : i32 to index
      %swap3A_290 = tpu.vector_load %arg16[%swap3A, %swap3A_289] {strides = array<i32>} : memref<128x64xf32, #tpu.memory_space<vmem>>, vector<1x16xf32>,
      %swap3A_291 = vector.shape_cast %swap3A_290 : vector<1x16xf32> to vector<16xf32>
      %swap3A_292 = vector.shape_cast %broadcast_in_dim3A_42 : vector<16xf32> to vector<1x16xf32>
      tpu.vector_store %arg16[%swap3A, %swap3A_289], %swap3A_292 {strides = array<i32>} : memref<128x64xf32, #tpu.memory_space<vmem>>, vector<1x16xf32>,
    }
    %scan3A_47 = arith.constant 512 : i32
    %mul3A_48 = arith.constant 640 : i32
    %mul3A_49 = arith.muli %arg1, %mul3A_48 : i32
    %add3A_50 = arith.constant 0 : i32
    %add3A_51 = arith.addi %mul3A_49, %add3A_50 : i32
    "tpu.region"() ({
      %run_scoped3A = tpu.sem_alloc : memref<!tpu.dma_semaphore, #tpu.memory_space<semaphore_mem>>
      %dma_start3A_255 = arith.constant 0 : i32
      %dma_start3A_256 = tpu.memref_slice %arg17[%add3A_51, %dma_start3A_255] : memref<10240x64xf32, #tpu.memory_space<vmem_shared>> -> memref<128x64xf32, #tpu.memory_space<vmem_shared>>
      %dma_start3A_257 = arith.constant 0 : i32
      %dma_start3A_258 = tpu.memref_slice %arg17[%add3A_51, %dma_start3A_257] : memref<10240x64xf32, #tpu.memory_space<vmem_shared>> -> memref<128x64xf32, #tpu.memory_space<vmem_shared>>
      tpu.enqueue_dma source(%arg16 : memref<128x64xf32, #tpu.memory_space<vmem>>) target(%dma_start3A_258 : memref<128x64xf32, #tpu.memory_space<vmem_shared>>) target_semaphore(%run_scoped3A : memref<!tpu.dma_semaphore, #tpu.memory_space<semaphore_mem>>)
      %dma_wait3A_259 = arith.constant 0 : i32
      %dma_wait3A_260 = tpu.memref_slice %arg17[%add3A_51, %dma_wait3A_259] : memref<10240x64xf32, #tpu.memory_space<vmem_shared>> -> memref<128x64xf32, #tpu.memory_space<vmem_shared>>
      %dma_wait3A_261 = arith.constant 0 : i32
      %dma_wait3A_262 = tpu.memref_slice %arg17[%add3A_51, %dma_wait3A_261] : memref<10240x64xf32, #tpu.memory_space<vmem_shared>> -> memref<128x64xf32, #tpu.memory_space<vmem_shared>>
      tpu.wait_dma2 semaphore(%run_scoped3A : memref<!tpu.dma_semaphore, #tpu.memory_space<semaphore_mem>>) src(%arg16 : memref<128x64xf32, #tpu.memory_space<vmem>>) dst(%dma_wait3A_262 : memref<128x64xf32, #tpu.memory_space<vmem_shared>>)
      tpu.yield
    }) : () -> ()
    %add3A_52 = arith.constant 128 : i32
    %add3A_53 = arith.addi %mul3A_49, %add3A_52 : i32
    "tpu.region"() ({
      %run_scoped3A = tpu.sem_alloc : memref<!tpu.dma_semaphore, #tpu.memory_space<semaphore_mem>>
      %dma_start3A_255 = arith.constant 0 : i32
      %dma_start3A_256 = tpu.memref_slice %arg17[%add3A_53, %dma_start3A_255] : memref<10240x64xf32, #tpu.memory_space<vmem_shared>> -> memref<128x64xf32, #tpu.memory_space<vmem_shared>>
      %dma_start3A_257 = arith.constant 0 : i32
      %dma_start3A_258 = tpu.memref_slice %arg17[%add3A_53, %dma_start3A_257] : memref<10240x64xf32, #tpu.memory_space<vmem_shared>> -> memref<128x64xf32, #tpu.memory_space<vmem_shared>>
      tpu.enqueue_dma source(%arg16 : memref<128x64xf32, #tpu.memory_space<vmem>>) target(%dma_start3A_258 : memref<128x64xf32, #tpu.memory_space<vmem_shared>>) target_semaphore(%run_scoped3A : memref<!tpu.dma_semaphore, #tpu.memory_space<semaphore_mem>>)
      %dma_wait3A_259 = arith.constant 0 : i32
      %dma_wait3A_260 = tpu.memref_slice %arg17[%add3A_53, %dma_wait3A_259] : memref<10240x64xf32, #tpu.memory_space<vmem_shared>> -> memref<128x64xf32, #tpu.memory_space<vmem_shared>>
      %dma_wait3A_261 = arith.constant 0 : i32
      %dma_wait3A_262 = tpu.memref_slice %arg17[%add3A_53, %dma_wait3A_261] : memref<10240x64xf32, #tpu.memory_space<vmem_shared>> -> memref<128x64xf32, #tpu.memory_space<vmem_shared>>
      tpu.wait_dma2 semaphore(%run_scoped3A : memref<!tpu.dma_semaphore, #tpu.memory_space<semaphore_mem>>) src(%arg16 : memref<128x64xf32, #tpu.memory_space<vmem>>) dst(%dma_wait3A_262 : memref<128x64xf32, #tpu.memory_space<vmem_shared>>)
      tpu.yield
    }) : () -> ()
    %add3A_54 = arith.constant 256 : i32
    %add3A_55 = arith.addi %mul3A_49, %add3A_54 : i32
    "tpu.region"() ({
      %run_scoped3A = tpu.sem_alloc : memref<!tpu.dma_semaphore, #tpu.memory_space<semaphore_mem>>
      %dma_start3A_255 = arith.constant 0 : i32
      %dma_start3A_256 = tpu.memref_slice %arg17[%add3A_55, %dma_start3A_255] : memref<10240x64xf32, #tpu.memory_space<vmem_shared>> -> memref<128x64xf32, #tpu.memory_space<vmem_shared>>
      %dma_start3A_257 = arith.constant 0 : i32
      %dma_start3A_258 = tpu.memref_slice %arg17[%add3A_55, %dma_start3A_257] : memref<10240x64xf32, #tpu.memory_space<vmem_shared>> -> memref<128x64xf32, #tpu.memory_space<vmem_shared>>
      tpu.enqueue_dma source(%arg16 : memref<128x64xf32, #tpu.memory_space<vmem>>) target(%dma_start3A_258 : memref<128x64xf32, #tpu.memory_space<vmem_shared>>) target_semaphore(%run_scoped3A : memref<!tpu.dma_semaphore, #tpu.memory_space<semaphore_mem>>)
      %dma_wait3A_259 = arith.constant 0 : i32
      %dma_wait3A_260 = tpu.memref_slice %arg17[%add3A_55, %dma_wait3A_259] : memref<10240x64xf32, #tpu.memory_space<vmem_shared>> -> memref<128x64xf32, #tpu.memory_space<vmem_shared>>
      %dma_wait3A_261 = arith.constant 0 : i32
      %dma_wait3A_262 = tpu.memref_slice %arg17[%add3A_55, %dma_wait3A_261] : memref<10240x64xf32, #tpu.memory_space<vmem_shared>> -> memref<128x64xf32, #tpu.memory_space<vmem_shared>>
      tpu.wait_dma2 semaphore(%run_scoped3A : memref<!tpu.dma_semaphore, #tpu.memory_space<semaphore_mem>>) src(%arg16 : memref<128x64xf32, #tpu.memory_space<vmem>>) dst(%dma_wait3A_262 : memref<128x64xf32, #tpu.memory_space<vmem_shared>>)
      tpu.yield
    }) : () -> ()
    %add3A_56 = arith.constant 384 : i32
    %add3A_57 = arith.addi %mul3A_49, %add3A_56 : i32
    "tpu.region"() ({
      %run_scoped3A = tpu.sem_alloc : memref<!tpu.dma_semaphore, #tpu.memory_space<semaphore_mem>>
      %dma_start3A_255 = arith.constant 0 : i32
      %dma_start3A_256 = tpu.memref_slice %arg17[%add3A_57, %dma_start3A_255] : memref<10240x64xf32, #tpu.memory_space<vmem_shared>> -> memref<128x64xf32, #tpu.memory_space<vmem_shared>>
      %dma_start3A_257 = arith.constant 0 : i32
      %dma_start3A_258 = tpu.memref_slice %arg17[%add3A_57, %dma_start3A_257] : memref<10240x64xf32, #tpu.memory_space<vmem_shared>> -> memref<128x64xf32, #tpu.memory_space<vmem_shared>>
      tpu.enqueue_dma source(%arg16 : memref<128x64xf32, #tpu.memory_space<vmem>>) target(%dma_start3A_258 : memref<128x64xf32, #tpu.memory_space<vmem_shared>>) target_semaphore(%run_scoped3A : memref<!tpu.dma_semaphore, #tpu.memory_space<semaphore_mem>>)
      %dma_wait3A_259 = arith.constant 0 : i32
      %dma_wait3A_260 = tpu.memref_slice %arg17[%add3A_57, %dma_wait3A_259] : memref<10240x64xf32, #tpu.memory_space<vmem_shared>> -> memref<128x64xf32, #tpu.memory_space<vmem_shared>>
      %dma_wait3A_261 = arith.constant 0 : i32
      %dma_wait3A_262 = tpu.memref_slice %arg17[%add3A_57, %dma_wait3A_261] : memref<10240x64xf32, #tpu.memory_space<vmem_shared>> -> memref<128x64xf32, #tpu.memory_space<vmem_shared>>
      tpu.wait_dma2 semaphore(%run_scoped3A : memref<!tpu.dma_semaphore, #tpu.memory_space<semaphore_mem>>) src(%arg16 : memref<128x64xf32, #tpu.memory_space<vmem>>) dst(%dma_wait3A_262 : memref<128x64xf32, #tpu.memory_space<vmem_shared>>)
      tpu.yield
    }) : () -> ()
    %add3A_58 = arith.constant 512 : i32
    %add3A_59 = arith.addi %mul3A_49, %add3A_58 : i32
    "tpu.region"() ({
      %run_scoped3A = tpu.sem_alloc : memref<!tpu.dma_semaphore, #tpu.memory_space<semaphore_mem>>
      %dma_start3A_255 = arith.constant 0 : i32
      %dma_start3A_256 = tpu.memref_slice %arg17[%add3A_59, %dma_start3A_255] : memref<10240x64xf32, #tpu.memory_space<vmem_shared>> -> memref<128x64xf32, #tpu.memory_space<vmem_shared>>
      %dma_start3A_257 = arith.constant 0 : i32
      %dma_start3A_258 = tpu.memref_slice %arg17[%add3A_59, %dma_start3A_257] : memref<10240x64xf32, #tpu.memory_space<vmem_shared>> -> memref<128x64xf32, #tpu.memory_space<vmem_shared>>
      tpu.enqueue_dma source(%arg16 : memref<128x64xf32, #tpu.memory_space<vmem>>) target(%dma_start3A_258 : memref<128x64xf32, #tpu.memory_space<vmem_shared>>) target_semaphore(%run_scoped3A : memref<!tpu.dma_semaphore, #tpu.memory_space<semaphore_mem>>)
      %dma_wait3A_259 = arith.constant 0 : i32
      %dma_wait3A_260 = tpu.memref_slice %arg17[%add3A_59, %dma_wait3A_259] : memref<10240x64xf32, #tpu.memory_space<vmem_shared>> -> memref<128x64xf32, #tpu.memory_space<vmem_shared>>
      %dma_wait3A_261 = arith.constant 0 : i32
      %dma_wait3A_262 = tpu.memref_slice %arg17[%add3A_59, %dma_wait3A_261] : memref<10240x64xf32, #tpu.memory_space<vmem_shared>> -> memref<128x64xf32, #tpu.memory_space<vmem_shared>>
      tpu.wait_dma2 semaphore(%run_scoped3A : memref<!tpu.dma_semaphore, #tpu.memory_space<semaphore_mem>>) src(%arg16 : memref<128x64xf32, #tpu.memory_space<vmem>>) dst(%dma_wait3A_262 : memref<128x64xf32, #tpu.memory_space<vmem_shared>>)
      tpu.yield
    }) : () -> ()
    %barrier3A = arith.constant 0 : index
    tpu.barrier barrier_id(%barrier3A)
    %dma_wait3A = arith.constant 0 : i32
    %dma_wait3A_60 = arith.constant 0 : i32
    %dma_wait3A_61 = tpu.memref_slice %arg7[%dma_wait3A, %dma_wait3A_60] : memref<80x128xi32, #tpu.memory_space<vmem>> -> memref<1x128xi32, #tpu.memory_space<vmem>>
    %dma_wait3A_62 = tpu.memref_squeeze %dma_wait3A_61 : memref<1x128xi32, #tpu.memory_space<vmem>> -> memref<128xi32, #tpu.memory_space<vmem>>
    %dma_wait3A_63 = arith.constant 0 : i32
    %dma_wait3A_64 = arith.constant 0 : i32
    %dma_wait3A_65 = tpu.memref_slice %arg2[%dma_wait3A_63, %dma_wait3A_64] : memref<10240x64xf32, #tpu.memory_space<hbm>> -> memref<10240x64xf32, #tpu.memory_space<hbm>>
    tpu.wait_indirect_dma semaphore(%arg18 : memref<!tpu.dma_semaphore, #tpu.memory_space<semaphore_mem>>) src(%dma_wait3A_65 : memref<10240x64xf32, #tpu.memory_space<hbm>>) dst(%arg9 : memref<128x64xf32, #tpu.memory_space<vmem>>)
    %dma_wait3A_66 = arith.constant 1 : i32
    %dma_wait3A_67 = arith.constant 0 : i32
    %dma_wait3A_68 = tpu.memref_slice %arg7[%dma_wait3A_66, %dma_wait3A_67] : memref<80x128xi32, #tpu.memory_space<vmem>> -> memref<1x128xi32, #tpu.memory_space<vmem>>
    %dma_wait3A_69 = tpu.memref_squeeze %dma_wait3A_68 : memref<1x128xi32, #tpu.memory_space<vmem>> -> memref<128xi32, #tpu.memory_space<vmem>>
    %dma_wait3A_70 = arith.constant 0 : i32
    %dma_wait3A_71 = arith.constant 0 : i32
    %dma_wait3A_72 = tpu.memref_slice %arg2[%dma_wait3A_70, %dma_wait3A_71] : memref<10240x64xf32, #tpu.memory_space<hbm>> -> memref<10240x64xf32, #tpu.memory_space<hbm>>
    tpu.wait_indirect_dma semaphore(%arg18 : memref<!tpu.dma_semaphore, #tpu.memory_space<semaphore_mem>>) src(%dma_wait3A_72 : memref<10240x64xf32, #tpu.memory_space<hbm>>) dst(%arg10 : memref<128x64xf32, #tpu.memory_space<vmem>>)
    %dma_start3A_73 = arith.constant 0 : i32
    %dma_start3A_74 = arith.constant 0 : i32
    %dma_start3A_75 = tpu.memref_slice %arg8[%dma_start3A_73, %dma_start3A_74] : memref<80x128xi32, #tpu.memory_space<vmem>> -> memref<1x128xi32, #tpu.memory_space<vmem>>
    %dma_start3A_76 = tpu.memref_squeeze %dma_start3A_75 : memref<1x128xi32, #tpu.memory_space<vmem>> -> memref<128xi32, #tpu.memory_space<vmem>>
    %dma_start3A_77 = arith.constant 0 : i32
    %dma_start3A_78 = arith.constant 0 : i32
    %dma_start3A_79 = tpu.memref_slice %arg17[%dma_start3A_77, %dma_start3A_78] : memref<10240x64xf32, #tpu.memory_space<vmem_shared>> -> memref<10240x64xf32, #tpu.memory_space<vmem_shared>>
    tpu.enqueue_indirect_dma source(%arg9 : memref<128x64xf32, #tpu.memory_space<vmem>>) target(%dma_start3A_79 : memref<10240x64xf32, #tpu.memory_space<vmem_shared>>) offsets(%dma_start3A_76 : memref<128xi32, #tpu.memory_space<vmem>>) semaphore(%arg22 : memref<!tpu.dma_semaphore, #tpu.memory_space<semaphore_mem>>) {add = true}
    %dma_start3A_80 = arith.constant 1 : i32
    %dma_start3A_81 = arith.constant 0 : i32
    %dma_start3A_82 = tpu.memref_slice %arg8[%dma_start3A_80, %dma_start3A_81] : memref<80x128xi32, #tpu.memory_space<vmem>> -> memref<1x128xi32, #tpu.memory_space<vmem>>
    %dma_start3A_83 = tpu.memref_squeeze %dma_start3A_82 : memref<1x128xi32, #tpu.memory_space<vmem>> -> memref<128xi32, #tpu.memory_space<vmem>>
    %dma_start3A_84 = arith.constant 0 : i32
    %dma_start3A_85 = arith.constant 0 : i32
    %dma_start3A_86 = tpu.memref_slice %arg17[%dma_start3A_84, %dma_start3A_85] : memref<10240x64xf32, #tpu.memory_space<vmem_shared>> -> memref<10240x64xf32, #tpu.memory_space<vmem_shared>>
    tpu.enqueue_indirect_dma source(%arg10 : memref<128x64xf32, #tpu.memory_space<vmem>>) target(%dma_start3A_86 : memref<10240x64xf32, #tpu.memory_space<vmem_shared>>) offsets(%dma_start3A_83 : memref<128xi32, #tpu.memory_space<vmem>>) semaphore(%arg22 : memref<!tpu.dma_semaphore, #tpu.memory_space<semaphore_mem>>) {add = true}
    %dma_start3A_87 = arith.constant 6 : i32
    %dma_start3A_88 = arith.constant 0 : i32
    %dma_start3A_89 = tpu.memref_slice %arg7[%dma_start3A_87, %dma_start3A_88] : memref<80x128xi32, #tpu.memory_space<vmem>> -> memref<1x128xi32, #tpu.memory_space<vmem>>
    %dma_start3A_90 = tpu.memref_squeeze %dma_start3A_89 : memref<1x128xi32, #tpu.memory_space<vmem>> -> memref<128xi32, #tpu.memory_space<vmem>>
    %dma_start3A_91 = arith.constant 0 : i32
    %dma_start3A_92 = arith.constant 0 : i32
    %dma_start3A_93 = tpu.memref_slice %arg2[%dma_start3A_91, %dma_start3A_92] : memref<10240x64xf32, #tpu.memory_space<hbm>> -> memref<10240x64xf32, #tpu.memory_space<hbm>>
    tpu.enqueue_indirect_dma source(%dma_start3A_93 : memref<10240x64xf32, #tpu.memory_space<hbm>>) target(%arg15 : memref<128x64xf32, #tpu.memory_space<vmem>>) offsets(%dma_start3A_90 : memref<128xi32, #tpu.memory_space<vmem>>) semaphore(%arg21 : memref<!tpu.dma_semaphore, #tpu.memory_space<semaphore_mem>>)
    %dma_start3A_94 = arith.constant 7 : i32
    %dma_start3A_95 = arith.constant 0 : i32
    %dma_start3A_96 = tpu.memref_slice %arg7[%dma_start3A_94, %dma_start3A_95] : memref<80x128xi32, #tpu.memory_space<vmem>> -> memref<1x128xi32, #tpu.memory_space<vmem>>
    %dma_start3A_97 = tpu.memref_squeeze %dma_start3A_96 : memref<1x128xi32, #tpu.memory_space<vmem>> -> memref<128xi32, #tpu.memory_space<vmem>>
    %dma_start3A_98 = arith.constant 0 : i32
    %dma_start3A_99 = arith.constant 0 : i32
    %dma_start3A_100 = tpu.memref_slice %arg2[%dma_start3A_98, %dma_start3A_99] : memref<10240x64xf32, #tpu.memory_space<hbm>> -> memref<10240x64xf32, #tpu.memory_space<hbm>>
    tpu.enqueue_indirect_dma source(%dma_start3A_100 : memref<10240x64xf32, #tpu.memory_space<hbm>>) target(%arg16 : memref<128x64xf32, #tpu.memory_space<vmem>>) offsets(%dma_start3A_97 : memref<128xi32, #tpu.memory_space<vmem>>) semaphore(%arg21 : memref<!tpu.dma_semaphore, #tpu.memory_space<semaphore_mem>>)
    %scan3A_101 = arith.constant 0 : i32
    %scan3A_102 = arith.constant 0 : i32
    %scan3A_103 = arith.constant 9 : i32
    %scan3A_104 = arith.addi %scan3A_102, %scan3A_103 : i32
    %scan3A_105 = arith.constant 1 : i32
    scf.for %scan3A_255 = %scan3A_102 to %scan3A_104 step %scan3A_105  : i32 {
      %mul3A_256 = arith.constant 4 : i32
      %mul3A_257 = arith.muli %mul3A_256, %scan3A_255 : i32
      %add3A_258 = arith.constant 1 : i32
      %add3A_259 = arith.addi %mul3A_257, %add3A_258 : i32
      %add3A_260 = arith.constant 0 : i32
      %add3A_261 = arith.addi %add3A_259, %add3A_260 : i32
      %mul3A_262 = arith.constant 2 : i32
      %mul3A_263 = arith.muli %add3A_261, %mul3A_262 : i32
      %add3A_264 = arith.constant 0 : i32
      %add3A_265 = arith.addi %mul3A_263, %add3A_264 : i32
      %dma_wait3A_266 = arith.constant 0 : i32
      %dma_wait3A_267 = tpu.memref_slice %arg7[%add3A_265, %dma_wait3A_266] : memref<80x128xi32, #tpu.memory_space<vmem>> -> memref<1x128xi32, #tpu.memory_space<vmem>>
      %dma_wait3A_268 = tpu.memref_squeeze %dma_wait3A_267 : memref<1x128xi32, #tpu.memory_space<vmem>> -> memref<128xi32, #tpu.memory_space<vmem>>
      %dma_wait3A_269 = arith.constant 0 : i32
      %dma_wait3A_270 = arith.constant 0 : i32
      %dma_wait3A_271 = tpu.memref_slice %arg2[%dma_wait3A_269, %dma_wait3A_270] : memref<10240x64xf32, #tpu.memory_space<hbm>> -> memref<10240x64xf32, #tpu.memory_space<hbm>>
      tpu.wait_indirect_dma semaphore(%arg19 : memref<!tpu.dma_semaphore, #tpu.memory_space<semaphore_mem>>) src(%dma_wait3A_271 : memref<10240x64xf32, #tpu.memory_space<hbm>>) dst(%arg11 : memref<128x64xf32, #tpu.memory_space<vmem>>)
      %mul3A_272 = arith.constant 2 : i32
      %mul3A_273 = arith.muli %add3A_261, %mul3A_272 : i32
      %add3A_274 = arith.constant 1 : i32
      %add3A_275 = arith.addi %mul3A_273, %add3A_274 : i32
      %dma_wait3A_276 = arith.constant 0 : i32
      %dma_wait3A_277 = tpu.memref_slice %arg7[%add3A_275, %dma_wait3A_276] : memref<80x128xi32, #tpu.memory_space<vmem>> -> memref<1x128xi32, #tpu.memory_space<vmem>>
      %dma_wait3A_278 = tpu.memref_squeeze %dma_wait3A_277 : memref<1x128xi32, #tpu.memory_space<vmem>> -> memref<128xi32, #tpu.memory_space<vmem>>
      %dma_wait3A_279 = arith.constant 0 : i32
      %dma_wait3A_280 = arith.constant 0 : i32
      %dma_wait3A_281 = tpu.memref_slice %arg2[%dma_wait3A_279, %dma_wait3A_280] : memref<10240x64xf32, #tpu.memory_space<hbm>> -> memref<10240x64xf32, #tpu.memory_space<hbm>>
      tpu.wait_indirect_dma semaphore(%arg19 : memref<!tpu.dma_semaphore, #tpu.memory_space<semaphore_mem>>) src(%dma_wait3A_281 : memref<10240x64xf32, #tpu.memory_space<hbm>>) dst(%arg12 : memref<128x64xf32, #tpu.memory_space<vmem>>)
      %mul3A_282 = arith.constant 2 : i32
      %mul3A_283 = arith.muli %add3A_261, %mul3A_282 : i32
      %add3A_284 = arith.constant 0 : i32
      %add3A_285 = arith.addi %mul3A_283, %add3A_284 : i32
      %dma_start3A_286 = arith.constant 0 : i32
      %dma_start3A_287 = tpu.memref_slice %arg8[%add3A_285, %dma_start3A_286] : memref<80x128xi32, #tpu.memory_space<vmem>> -> memref<1x128xi32, #tpu.memory_space<vmem>>
      %dma_start3A_288 = tpu.memref_squeeze %dma_start3A_287 : memref<1x128xi32, #tpu.memory_space<vmem>> -> memref<128xi32, #tpu.memory_space<vmem>>
      %dma_start3A_289 = arith.constant 0 : i32
      %dma_start3A_290 = arith.constant 0 : i32
      %dma_start3A_291 = tpu.memref_slice %arg17[%dma_start3A_289, %dma_start3A_290] : memref<10240x64xf32, #tpu.memory_space<vmem_shared>> -> memref<10240x64xf32, #tpu.memory_space<vmem_shared>>
      tpu.enqueue_indirect_dma source(%arg11 : memref<128x64xf32, #tpu.memory_space<vmem>>) target(%dma_start3A_291 : memref<10240x64xf32, #tpu.memory_space<vmem_shared>>) offsets(%dma_start3A_288 : memref<128xi32, #tpu.memory_space<vmem>>) semaphore(%arg23 : memref<!tpu.dma_semaphore, #tpu.memory_space<semaphore_mem>>) {add = true}
      %mul3A_292 = arith.constant 2 : i32
      %mul3A_293 = arith.muli %add3A_261, %mul3A_292 : i32
      %add3A_294 = arith.constant 1 : i32
      %add3A_295 = arith.addi %mul3A_293, %add3A_294 : i32
      %dma_start3A_296 = arith.constant 0 : i32
      %dma_start3A_297 = tpu.memref_slice %arg8[%add3A_295, %dma_start3A_296] : memref<80x128xi32, #tpu.memory_space<vmem>> -> memref<1x128xi32, #tpu.memory_space<vmem>>
      %dma_start3A_298 = tpu.memref_squeeze %dma_start3A_297 : memref<1x128xi32, #tpu.memory_space<vmem>> -> memref<128xi32, #tpu.memory_space<vmem>>
      %dma_start3A_299 = arith.constant 0 : i32
      %dma_start3A_300 = arith.constant 0 : i32
      %dma_start3A_301 = tpu.memref_slice %arg17[%dma_start3A_299, %dma_start3A_300] : memref<10240x64xf32, #tpu.memory_space<vmem_shared>> -> memref<10240x64xf32, #tpu.memory_space<vmem_shared>>
      tpu.enqueue_indirect_dma source(%arg12 : memref<128x64xf32, #tpu.memory_space<vmem>>) target(%dma_start3A_301 : memref<10240x64xf32, #tpu.memory_space<vmem_shared>>) offsets(%dma_start3A_298 : memref<128xi32, #tpu.memory_space<vmem>>) semaphore(%arg23 : memref<!tpu.dma_semaphore, #tpu.memory_space<semaphore_mem>>) {add = true}
      %sub3A = arith.constant 1 : i32
      %sub3A_302 = arith.subi %add3A_261, %sub3A : i32
      %mul3A_303 = arith.constant 2 : i32
      %mul3A_304 = arith.muli %sub3A_302, %mul3A_303 : i32
      %add3A_305 = arith.constant 0 : i32
      %add3A_306 = arith.addi %mul3A_304, %add3A_305 : i32
      %dma_wait3A_307 = arith.constant 0 : i32
      %dma_wait3A_308 = tpu.memref_slice %arg8[%add3A_306, %dma_wait3A_307] : memref<80x128xi32, #tpu.memory_space<vmem>> -> memref<1x128xi32, #tpu.memory_space<vmem>>
      %dma_wait3A_309 = tpu.memref_squeeze %dma_wait3A_308 : memref<1x128xi32, #tpu.memory_space<vmem>> -> memref<128xi32, #tpu.memory_space<vmem>>
      %dma_wait3A_310 = arith.constant 0 : i32
      %dma_wait3A_311 = arith.constant 0 : i32
      %dma_wait3A_312 = tpu.memref_slice %arg17[%dma_wait3A_310, %dma_wait3A_311] : memref<10240x64xf32, #tpu.memory_space<vmem_shared>> -> memref<10240x64xf32, #tpu.memory_space<vmem_shared>>
      tpu.wait_indirect_dma semaphore(%arg22 : memref<!tpu.dma_semaphore, #tpu.memory_space<semaphore_mem>>) src(%arg9 : memref<128x64xf32, #tpu.memory_space<vmem>>) dst(%dma_wait3A_312 : memref<10240x64xf32, #tpu.memory_space<vmem_shared>>)
      %mul3A_313 = arith.constant 2 : i32
      %mul3A_314 = arith.muli %sub3A_302, %mul3A_313 : i32
      %add3A_315 = arith.constant 1 : i32
      %add3A_316 = arith.addi %mul3A_314, %add3A_315 : i32
      %dma_wait3A_317 = arith.constant 0 : i32
      %dma_wait3A_318 = tpu.memref_slice %arg8[%add3A_316, %dma_wait3A_317] : memref<80x128xi32, #tpu.memory_space<vmem>> -> memref<1x128xi32, #tpu.memory_space<vmem>>
      %dma_wait3A_319 = tpu.memref_squeeze %dma_wait3A_318 : memref<1x128xi32, #tpu.memory_space<vmem>> -> memref<128xi32, #tpu.memory_space<vmem>>
      %dma_wait3A_320 = arith.constant 0 : i32
      %dma_wait3A_321 = arith.constant 0 : i32
      %dma_wait3A_322 = tpu.memref_slice %arg17[%dma_wait3A_320, %dma_wait3A_321] : memref<10240x64xf32, #tpu.memory_space<vmem_shared>> -> memref<10240x64xf32, #tpu.memory_space<vmem_shared>>
      tpu.wait_indirect_dma semaphore(%arg22 : memref<!tpu.dma_semaphore, #tpu.memory_space<semaphore_mem>>) src(%arg10 : memref<128x64xf32, #tpu.memory_space<vmem>>) dst(%dma_wait3A_322 : memref<10240x64xf32, #tpu.memory_space<vmem_shared>>)
      %add3A_323 = arith.constant 4 : i32
      %add3A_324 = arith.addi %add3A_261, %add3A_323 : i32
      %sub3A_325 = arith.constant 1 : i32
      %sub3A_326 = arith.subi %add3A_324, %sub3A_325 : i32
      %mul3A_327 = arith.constant 2 : i32
      %mul3A_328 = arith.muli %sub3A_326, %mul3A_327 : i32
      %add3A_329 = arith.constant 0 : i32
      %add3A_330 = arith.addi %mul3A_328, %add3A_329 : i32
      %dma_start3A_331 = arith.constant 0 : i32
      %dma_start3A_332 = tpu.memref_slice %arg7[%add3A_330, %dma_start3A_331] : memref<80x128xi32, #tpu.memory_space<vmem>> -> memref<1x128xi32, #tpu.memory_space<vmem>>
      %dma_start3A_333 = tpu.memref_squeeze %dma_start3A_332 : memref<1x128xi32, #tpu.memory_space<vmem>> -> memref<128xi32, #tpu.memory_space<vmem>>
      %dma_start3A_334 = arith.constant 0 : i32
      %dma_start3A_335 = arith.constant 0 : i32
      %dma_start3A_336 = tpu.memref_slice %arg2[%dma_start3A_334, %dma_start3A_335] : memref<10240x64xf32, #tpu.memory_space<hbm>> -> memref<10240x64xf32, #tpu.memory_space<hbm>>
      tpu.enqueue_indirect_dma source(%dma_start3A_336 : memref<10240x64xf32, #tpu.memory_space<hbm>>) target(%arg9 : memref<128x64xf32, #tpu.memory_space<vmem>>) offsets(%dma_start3A_333 : memref<128xi32, #tpu.memory_space<vmem>>) semaphore(%arg18 : memref<!tpu.dma_semaphore, #tpu.memory_space<semaphore_mem>>)
      %mul3A_337 = arith.constant 2 : i32
      %mul3A_338 = arith.muli %sub3A_326, %mul3A_337 : i32
      %add3A_339 = arith.constant 1 : i32
      %add3A_340 = arith.addi %mul3A_338, %add3A_339 : i32
      %dma_start3A_341 = arith.constant 0 : i32
      %dma_start3A_342 = tpu.memref_slice %arg7[%add3A_340, %dma_start3A_341] : memref<80x128xi32, #tpu.memory_space<vmem>> -> memref<1x128xi32, #tpu.memory_space<vmem>>
      %dma_start3A_343 = tpu.memref_squeeze %dma_start3A_342 : memref<1x128xi32, #tpu.memory_space<vmem>> -> memref<128xi32, #tpu.memory_space<vmem>>
      %dma_start3A_344 = arith.constant 0 : i32
      %dma_start3A_345 = arith.constant 0 : i32
      %dma_start3A_346 = tpu.memref_slice %arg2[%dma_start3A_344, %dma_start3A_345] : memref<10240x64xf32, #tpu.memory_space<hbm>> -> memref<10240x64xf32, #tpu.memory_space<hbm>>
      tpu.enqueue_indirect_dma source(%dma_start3A_346 : memref<10240x64xf32, #tpu.memory_space<hbm>>) target(%arg10 : memref<128x64xf32, #tpu.memory_space<vmem>>) offsets(%dma_start3A_343 : memref<128xi32, #tpu.memory_space<vmem>>) semaphore(%arg18 : memref<!tpu.dma_semaphore, #tpu.memory_space<semaphore_mem>>)
      %add3A_347 = arith.constant 1 : i32
      %add3A_348 = arith.addi %add3A_259, %add3A_347 : i32
      %mul3A_349 = arith.constant 2 : i32
      %mul3A_350 = arith.muli %add3A_348, %mul3A_349 : i32
      %add3A_351 = arith.constant 0 : i32
      %add3A_352 = arith.addi %mul3A_350, %add3A_351 : i32
      %dma_wait3A_353 = arith.constant 0 : i32
      %dma_wait3A_354 = tpu.memref_slice %arg7[%add3A_352, %dma_wait3A_353] : memref<80x128xi32, #tpu.memory_space<vmem>> -> memref<1x128xi32, #tpu.memory_space<vmem>>
      %dma_wait3A_355 = tpu.memref_squeeze %dma_wait3A_354 : memref<1x128xi32, #tpu.memory_space<vmem>> -> memref<128xi32, #tpu.memory_space<vmem>>
      %dma_wait3A_356 = arith.constant 0 : i32
      %dma_wait3A_357 = arith.constant 0 : i32
      %dma_wait3A_358 = tpu.memref_slice %arg2[%dma_wait3A_356, %dma_wait3A_357] : memref<10240x64xf32, #tpu.memory_space<hbm>> -> memref<10240x64xf32, #tpu.memory_space<hbm>>
      tpu.wait_indirect_dma semaphore(%arg20 : memref<!tpu.dma_semaphore, #tpu.memory_space<semaphore_mem>>) src(%dma_wait3A_358 : memref<10240x64xf32, #tpu.memory_space<hbm>>) dst(%arg13 : memref<128x64xf32, #tpu.memory_space<vmem>>)
      %mul3A_359 = arith.constant 2 : i32
      %mul3A_360 = arith.muli %add3A_348, %mul3A_359 : i32
      %add3A_361 = arith.constant 1 : i32
      %add3A_362 = arith.addi %mul3A_360, %add3A_361 : i32
      %dma_wait3A_363 = arith.constant 0 : i32
      %dma_wait3A_364 = tpu.memref_slice %arg7[%add3A_362, %dma_wait3A_363] : memref<80x128xi32, #tpu.memory_space<vmem>> -> memref<1x128xi32, #tpu.memory_space<vmem>>
      %dma_wait3A_365 = tpu.memref_squeeze %dma_wait3A_364 : memref<1x128xi32, #tpu.memory_space<vmem>> -> memref<128xi32, #tpu.memory_space<vmem>>
      %dma_wait3A_366 = arith.constant 0 : i32
      %dma_wait3A_367 = arith.constant 0 : i32
      %dma_wait3A_368 = tpu.memref_slice %arg2[%dma_wait3A_366, %dma_wait3A_367] : memref<10240x64xf32, #tpu.memory_space<hbm>> -> memref<10240x64xf32, #tpu.memory_space<hbm>>
      tpu.wait_indirect_dma semaphore(%arg20 : memref<!tpu.dma_semaphore, #tpu.memory_space<semaphore_mem>>) src(%dma_wait3A_368 : memref<10240x64xf32, #tpu.memory_space<hbm>>) dst(%arg14 : memref<128x64xf32, #tpu.memory_space<vmem>>)
      %mul3A_369 = arith.constant 2 : i32
      %mul3A_370 = arith.muli %add3A_348, %mul3A_369 : i32
      %add3A_371 = arith.constant 0 : i32
      %add3A_372 = arith.addi %mul3A_370, %add3A_371 : i32
      %dma_start3A_373 = arith.constant 0 : i32
      %dma_start3A_374 = tpu.memref_slice %arg8[%add3A_372, %dma_start3A_373] : memref<80x128xi32, #tpu.memory_space<vmem>> -> memref<1x128xi32, #tpu.memory_space<vmem>>
      %dma_start3A_375 = tpu.memref_squeeze %dma_start3A_374 : memref<1x128xi32, #tpu.memory_space<vmem>> -> memref<128xi32, #tpu.memory_space<vmem>>
      %dma_start3A_376 = arith.constant 0 : i32
      %dma_start3A_377 = arith.constant 0 : i32
      %dma_start3A_378 = tpu.memref_slice %arg17[%dma_start3A_376, %dma_start3A_377] : memref<10240x64xf32, #tpu.memory_space<vmem_shared>> -> memref<10240x64xf32, #tpu.memory_space<vmem_shared>>
      tpu.enqueue_indirect_dma source(%arg13 : memref<128x64xf32, #tpu.memory_space<vmem>>) target(%dma_start3A_378 : memref<10240x64xf32, #tpu.memory_space<vmem_shared>>) offsets(%dma_start3A_375 : memref<128xi32, #tpu.memory_space<vmem>>) semaphore(%arg24 : memref<!tpu.dma_semaphore, #tpu.memory_space<semaphore_mem>>) {add = true}
      %mul3A_379 = arith.constant 2 : i32
      %mul3A_380 = arith.muli %add3A_348, %mul3A_379 : i32
      %add3A_381 = arith.constant 1 : i32
      %add3A_382 = arith.addi %mul3A_380, %add3A_381 : i32
      %dma_start3A_383 = arith.constant 0 : i32
      %dma_start3A_384 = tpu.memref_slice %arg8[%add3A_382, %dma_start3A_383] : memref<80x128xi32, #tpu.memory_space<vmem>> -> memref<1x128xi32, #tpu.memory_space<vmem>>
      %dma_start3A_385 = tpu.memref_squeeze %dma_start3A_384 : memref<1x128xi32, #tpu.memory_space<vmem>> -> memref<128xi32, #tpu.memory_space<vmem>>
      %dma_start3A_386 = arith.constant 0 : i32
      %dma_start3A_387 = arith.constant 0 : i32
      %dma_start3A_388 = tpu.memref_slice %arg17[%dma_start3A_386, %dma_start3A_387] : memref<10240x64xf32, #tpu.memory_space<vmem_shared>> -> memref<10240x64xf32, #tpu.memory_space<vmem_shared>>
      tpu.enqueue_indirect_dma source(%arg14 : memref<128x64xf32, #tpu.memory_space<vmem>>) target(%dma_start3A_388 : memref<10240x64xf32, #tpu.memory_space<vmem_shared>>) offsets(%dma_start3A_385 : memref<128xi32, #tpu.memory_space<vmem>>) semaphore(%arg24 : memref<!tpu.dma_semaphore, #tpu.memory_space<semaphore_mem>>) {add = true}
      %sub3A_389 = arith.constant 1 : i32
      %sub3A_390 = arith.subi %add3A_348, %sub3A_389 : i32
      %mul3A_391 = arith.constant 2 : i32
      %mul3A_392 = arith.muli %sub3A_390, %mul3A_391 : i32
      %add3A_393 = arith.constant 0 : i32
      %add3A_394 = arith.addi %mul3A_392, %add3A_393 : i32
      %dma_wait3A_395 = arith.constant 0 : i32
      %dma_wait3A_396 = tpu.memref_slice %arg8[%add3A_394, %dma_wait3A_395] : memref<80x128xi32, #tpu.memory_space<vmem>> -> memref<1x128xi32, #tpu.memory_space<vmem>>
      %dma_wait3A_397 = tpu.memref_squeeze %dma_wait3A_396 : memref<1x128xi32, #tpu.memory_space<vmem>> -> memref<128xi32, #tpu.memory_space<vmem>>
      %dma_wait3A_398 = arith.constant 0 : i32
      %dma_wait3A_399 = arith.constant 0 : i32
      %dma_wait3A_400 = tpu.memref_slice %arg17[%dma_wait3A_398, %dma_wait3A_399] : memref<10240x64xf32, #tpu.memory_space<vmem_shared>> -> memref<10240x64xf32, #tpu.memory_space<vmem_shared>>
      tpu.wait_indirect_dma semaphore(%arg23 : memref<!tpu.dma_semaphore, #tpu.memory_space<semaphore_mem>>) src(%arg11 : memref<128x64xf32, #tpu.memory_space<vmem>>) dst(%dma_wait3A_400 : memref<10240x64xf32, #tpu.memory_space<vmem_shared>>)
      %mul3A_401 = arith.constant 2 : i32
      %mul3A_402 = arith.muli %sub3A_390, %mul3A_401 : i32
      %add3A_403 = arith.constant 1 : i32
      %add3A_404 = arith.addi %mul3A_402, %add3A_403 : i32
      %dma_wait3A_405 = arith.constant 0 : i32
      %dma_wait3A_406 = tpu.memref_slice %arg8[%add3A_404, %dma_wait3A_405] : memref<80x128xi32, #tpu.memory_space<vmem>> -> memref<1x128xi32, #tpu.memory_space<vmem>>
      %dma_wait3A_407 = tpu.memref_squeeze %dma_wait3A_406 : memref<1x128xi32, #tpu.memory_space<vmem>> -> memref<128xi32, #tpu.memory_space<vmem>>
      %dma_wait3A_408 = arith.constant 0 : i32
      %dma_wait3A_409 = arith.constant 0 : i32
      %dma_wait3A_410 = tpu.memref_slice %arg17[%dma_wait3A_408, %dma_wait3A_409] : memref<10240x64xf32, #tpu.memory_space<vmem_shared>> -> memref<10240x64xf32, #tpu.memory_space<vmem_shared>>
      tpu.wait_indirect_dma semaphore(%arg23 : memref<!tpu.dma_semaphore, #tpu.memory_space<semaphore_mem>>) src(%arg12 : memref<128x64xf32, #tpu.memory_space<vmem>>) dst(%dma_wait3A_410 : memref<10240x64xf32, #tpu.memory_space<vmem_shared>>)
      %add3A_411 = arith.constant 4 : i32
      %add3A_412 = arith.addi %add3A_348, %add3A_411 : i32
      %sub3A_413 = arith.constant 1 : i32
      %sub3A_414 = arith.subi %add3A_412, %sub3A_413 : i32
      %mul3A_415 = arith.constant 2 : i32
      %mul3A_416 = arith.muli %sub3A_414, %mul3A_415 : i32
      %add3A_417 = arith.constant 0 : i32
      %add3A_418 = arith.addi %mul3A_416, %add3A_417 : i32
      %dma_start3A_419 = arith.constant 0 : i32
      %dma_start3A_420 = tpu.memref_slice %arg7[%add3A_418, %dma_start3A_419] : memref<80x128xi32, #tpu.memory_space<vmem>> -> memref<1x128xi32, #tpu.memory_space<vmem>>
      %dma_start3A_421 = tpu.memref_squeeze %dma_start3A_420 : memref<1x128xi32, #tpu.memory_space<vmem>> -> memref<128xi32, #tpu.memory_space<vmem>>
      %dma_start3A_422 = arith.constant 0 : i32
      %dma_start3A_423 = arith.constant 0 : i32
      %dma_start3A_424 = tpu.memref_slice %arg2[%dma_start3A_422, %dma_start3A_423] : memref<10240x64xf32, #tpu.memory_space<hbm>> -> memref<10240x64xf32, #tpu.memory_space<hbm>>
      tpu.enqueue_indirect_dma source(%dma_start3A_424 : memref<10240x64xf32, #tpu.memory_space<hbm>>) target(%arg11 : memref<128x64xf32, #tpu.memory_space<vmem>>) offsets(%dma_start3A_421 : memref<128xi32, #tpu.memory_space<vmem>>) semaphore(%arg19 : memref<!tpu.dma_semaphore, #tpu.memory_space<semaphore_mem>>)
      %mul3A_425 = arith.constant 2 : i32
      %mul3A_426 = arith.muli %sub3A_414, %mul3A_425 : i32
      %add3A_427 = arith.constant 1 : i32
      %add3A_428 = arith.addi %mul3A_426, %add3A_427 : i32
      %dma_start3A_429 = arith.constant 0 : i32
      %dma_start3A_430 = tpu.memref_slice %arg7[%add3A_428, %dma_start3A_429] : memref<80x128xi32, #tpu.memory_space<vmem>> -> memref<1x128xi32, #tpu.memory_space<vmem>>
      %dma_start3A_431 = tpu.memref_squeeze %dma_start3A_430 : memref<1x128xi32, #tpu.memory_space<vmem>> -> memref<128xi32, #tpu.memory_space<vmem>>
      %dma_start3A_432 = arith.constant 0 : i32
      %dma_start3A_433 = arith.constant 0 : i32
      %dma_start3A_434 = tpu.memref_slice %arg2[%dma_start3A_432, %dma_start3A_433] : memref<10240x64xf32, #tpu.memory_space<hbm>> -> memref<10240x64xf32, #tpu.memory_space<hbm>>
      tpu.enqueue_indirect_dma source(%dma_start3A_434 : memref<10240x64xf32, #tpu.memory_space<hbm>>) target(%arg12 : memref<128x64xf32, #tpu.memory_space<vmem>>) offsets(%dma_start3A_431 : memref<128xi32, #tpu.memory_space<vmem>>) semaphore(%arg19 : memref<!tpu.dma_semaphore, #tpu.memory_space<semaphore_mem>>)
      %add3A_435 = arith.constant 2 : i32
      %add3A_436 = arith.addi %add3A_259, %add3A_435 : i32
      %mul3A_437 = arith.constant 2 : i32
      %mul3A_438 = arith.muli %add3A_436, %mul3A_437 : i32
      %add3A_439 = arith.constant 0 : i32
      %add3A_440 = arith.addi %mul3A_438, %add3A_439 : i32
      %dma_wait3A_441 = arith.constant 0 : i32
      %dma_wait3A_442 = tpu.memref_slice %arg7[%add3A_440, %dma_wait3A_441] : memref<80x128xi32, #tpu.memory_space<vmem>> -> memref<1x128xi32, #tpu.memory_space<vmem>>
      %dma_wait3A_443 = tpu.memref_squeeze %dma_wait3A_442 : memref<1x128xi32, #tpu.memory_space<vmem>> -> memref<128xi32, #tpu.memory_space<vmem>>
      %dma_wait3A_444 = arith.constant 0 : i32
      %dma_wait3A_445 = arith.constant 0 : i32
      %dma_wait3A_446 = tpu.memref_slice %arg2[%dma_wait3A_444, %dma_wait3A_445] : memref<10240x64xf32, #tpu.memory_space<hbm>> -> memref<10240x64xf32, #tpu.memory_space<hbm>>
      tpu.wait_indirect_dma semaphore(%arg21 : memref<!tpu.dma_semaphore, #tpu.memory_space<semaphore_mem>>) src(%dma_wait3A_446 : memref<10240x64xf32, #tpu.memory_space<hbm>>) dst(%arg15 : memref<128x64xf32, #tpu.memory_space<vmem>>)
      %mul3A_447 = arith.constant 2 : i32
      %mul3A_448 = arith.muli %add3A_436, %mul3A_447 : i32
      %add3A_449 = arith.constant 1 : i32
      %add3A_450 = arith.addi %mul3A_448, %add3A_449 : i32
      %dma_wait3A_451 = arith.constant 0 : i32
      %dma_wait3A_452 = tpu.memref_slice %arg7[%add3A_450, %dma_wait3A_451] : memref<80x128xi32, #tpu.memory_space<vmem>> -> memref<1x128xi32, #tpu.memory_space<vmem>>
      %dma_wait3A_453 = tpu.memref_squeeze %dma_wait3A_452 : memref<1x128xi32, #tpu.memory_space<vmem>> -> memref<128xi32, #tpu.memory_space<vmem>>
      %dma_wait3A_454 = arith.constant 0 : i32
      %dma_wait3A_455 = arith.constant 0 : i32
      %dma_wait3A_456 = tpu.memref_slice %arg2[%dma_wait3A_454, %dma_wait3A_455] : memref<10240x64xf32, #tpu.memory_space<hbm>> -> memref<10240x64xf32, #tpu.memory_space<hbm>>
      tpu.wait_indirect_dma semaphore(%arg21 : memref<!tpu.dma_semaphore, #tpu.memory_space<semaphore_mem>>) src(%dma_wait3A_456 : memref<10240x64xf32, #tpu.memory_space<hbm>>) dst(%arg16 : memref<128x64xf32, #tpu.memory_space<vmem>>)
      %mul3A_457 = arith.constant 2 : i32
      %mul3A_458 = arith.muli %add3A_436, %mul3A_457 : i32
      %add3A_459 = arith.constant 0 : i32
      %add3A_460 = arith.addi %mul3A_458, %add3A_459 : i32
      %dma_start3A_461 = arith.constant 0 : i32
      %dma_start3A_462 = tpu.memref_slice %arg8[%add3A_460, %dma_start3A_461] : memref<80x128xi32, #tpu.memory_space<vmem>> -> memref<1x128xi32, #tpu.memory_space<vmem>>
      %dma_start3A_463 = tpu.memref_squeeze %dma_start3A_462 : memref<1x128xi32, #tpu.memory_space<vmem>> -> memref<128xi32, #tpu.memory_space<vmem>>
      %dma_start3A_464 = arith.constant 0 : i32
      %dma_start3A_465 = arith.constant 0 : i32
      %dma_start3A_466 = tpu.memref_slice %arg17[%dma_start3A_464, %dma_start3A_465] : memref<10240x64xf32, #tpu.memory_space<vmem_shared>> -> memref<10240x64xf32, #tpu.memory_space<vmem_shared>>
      tpu.enqueue_indirect_dma source(%arg15 : memref<128x64xf32, #tpu.memory_space<vmem>>) target(%dma_start3A_466 : memref<10240x64xf32, #tpu.memory_space<vmem_shared>>) offsets(%dma_start3A_463 : memref<128xi32, #tpu.memory_space<vmem>>) semaphore(%arg25 : memref<!tpu.dma_semaphore, #tpu.memory_space<semaphore_mem>>) {add = true}
      %mul3A_467 = arith.constant 2 : i32
      %mul3A_468 = arith.muli %add3A_436, %mul3A_467 : i32
      %add3A_469 = arith.constant 1 : i32
      %add3A_470 = arith.addi %mul3A_468, %add3A_469 : i32
      %dma_start3A_471 = arith.constant 0 : i32
      %dma_start3A_472 = tpu.memref_slice %arg8[%add3A_470, %dma_start3A_471] : memref<80x128xi32, #tpu.memory_space<vmem>> -> memref<1x128xi32, #tpu.memory_space<vmem>>
      %dma_start3A_473 = tpu.memref_squeeze %dma_start3A_472 : memref<1x128xi32, #tpu.memory_space<vmem>> -> memref<128xi32, #tpu.memory_space<vmem>>
      %dma_start3A_474 = arith.constant 0 : i32
      %dma_start3A_475 = arith.constant 0 : i32
      %dma_start3A_476 = tpu.memref_slice %arg17[%dma_start3A_474, %dma_start3A_475] : memref<10240x64xf32, #tpu.memory_space<vmem_shared>> -> memref<10240x64xf32, #tpu.memory_space<vmem_shared>>
      tpu.enqueue_indirect_dma source(%arg16 : memref<128x64xf32, #tpu.memory_space<vmem>>) target(%dma_start3A_476 : memref<10240x64xf32, #tpu.memory_space<vmem_shared>>) offsets(%dma_start3A_473 : memref<128xi32, #tpu.memory_space<vmem>>) semaphore(%arg25 : memref<!tpu.dma_semaphore, #tpu.memory_space<semaphore_mem>>) {add = true}
      %sub3A_477 = arith.constant 1 : i32
      %sub3A_478 = arith.subi %add3A_436, %sub3A_477 : i32
      %mul3A_479 = arith.constant 2 : i32
      %mul3A_480 = arith.muli %sub3A_478, %mul3A_479 : i32
      %add3A_481 = arith.constant 0 : i32
      %add3A_482 = arith.addi %mul3A_480, %add3A_481 : i32
      %dma_wait3A_483 = arith.constant 0 : i32
      %dma_wait3A_484 = tpu.memref_slice %arg8[%add3A_482, %dma_wait3A_483] : memref<80x128xi32, #tpu.memory_space<vmem>> -> memref<1x128xi32, #tpu.memory_space<vmem>>
      %dma_wait3A_485 = tpu.memref_squeeze %dma_wait3A_484 : memref<1x128xi32, #tpu.memory_space<vmem>> -> memref<128xi32, #tpu.memory_space<vmem>>
      %dma_wait3A_486 = arith.constant 0 : i32
      %dma_wait3A_487 = arith.constant 0 : i32
      %dma_wait3A_488 = tpu.memref_slice %arg17[%dma_wait3A_486, %dma_wait3A_487] : memref<10240x64xf32, #tpu.memory_space<vmem_shared>> -> memref<10240x64xf32, #tpu.memory_space<vmem_shared>>
      tpu.wait_indirect_dma semaphore(%arg24 : memref<!tpu.dma_semaphore, #tpu.memory_space<semaphore_mem>>) src(%arg13 : memref<128x64xf32, #tpu.memory_space<vmem>>) dst(%dma_wait3A_488 : memref<10240x64xf32, #tpu.memory_space<vmem_shared>>)
      %mul3A_489 = arith.constant 2 : i32
      %mul3A_490 = arith.muli %sub3A_478, %mul3A_489 : i32
      %add3A_491 = arith.constant 1 : i32
      %add3A_492 = arith.addi %mul3A_490, %add3A_491 : i32
      %dma_wait3A_493 = arith.constant 0 : i32
      %dma_wait3A_494 = tpu.memref_slice %arg8[%add3A_492, %dma_wait3A_493] : memref<80x128xi32, #tpu.memory_space<vmem>> -> memref<1x128xi32, #tpu.memory_space<vmem>>
      %dma_wait3A_495 = tpu.memref_squeeze %dma_wait3A_494 : memref<1x128xi32, #tpu.memory_space<vmem>> -> memref<128xi32, #tpu.memory_space<vmem>>
      %dma_wait3A_496 = arith.constant 0 : i32
      %dma_wait3A_497 = arith.constant 0 : i32
      %dma_wait3A_498 = tpu.memref_slice %arg17[%dma_wait3A_496, %dma_wait3A_497] : memref<10240x64xf32, #tpu.memory_space<vmem_shared>> -> memref<10240x64xf32, #tpu.memory_space<vmem_shared>>
      tpu.wait_indirect_dma semaphore(%arg24 : memref<!tpu.dma_semaphore, #tpu.memory_space<semaphore_mem>>) src(%arg14 : memref<128x64xf32, #tpu.memory_space<vmem>>) dst(%dma_wait3A_498 : memref<10240x64xf32, #tpu.memory_space<vmem_shared>>)
      %add3A_499 = arith.constant 4 : i32
      %add3A_500 = arith.addi %add3A_436, %add3A_499 : i32
      %sub3A_501 = arith.constant 1 : i32
      %sub3A_502 = arith.subi %add3A_500, %sub3A_501 : i32
      %mul3A_503 = arith.constant 2 : i32
      %mul3A_504 = arith.muli %sub3A_502, %mul3A_503 : i32
      %add3A_505 = arith.constant 0 : i32
      %add3A_506 = arith.addi %mul3A_504, %add3A_505 : i32
      %dma_start3A_507 = arith.constant 0 : i32
      %dma_start3A_508 = tpu.memref_slice %arg7[%add3A_506, %dma_start3A_507] : memref<80x128xi32, #tpu.memory_space<vmem>> -> memref<1x128xi32, #tpu.memory_space<vmem>>
      %dma_start3A_509 = tpu.memref_squeeze %dma_start3A_508 : memref<1x128xi32, #tpu.memory_space<vmem>> -> memref<128xi32, #tpu.memory_space<vmem>>
      %dma_start3A_510 = arith.constant 0 : i32
      %dma_start3A_511 = arith.constant 0 : i32
      %dma_start3A_512 = tpu.memref_slice %arg2[%dma_start3A_510, %dma_start3A_511] : memref<10240x64xf32, #tpu.memory_space<hbm>> -> memref<10240x64xf32, #tpu.memory_space<hbm>>
      tpu.enqueue_indirect_dma source(%dma_start3A_512 : memref<10240x64xf32, #tpu.memory_space<hbm>>) target(%arg13 : memref<128x64xf32, #tpu.memory_space<vmem>>) offsets(%dma_start3A_509 : memref<128xi32, #tpu.memory_space<vmem>>) semaphore(%arg20 : memref<!tpu.dma_semaphore, #tpu.memory_space<semaphore_mem>>)
      %mul3A_513 = arith.constant 2 : i32
      %mul3A_514 = arith.muli %sub3A_502, %mul3A_513 : i32
      %add3A_515 = arith.constant 1 : i32
      %add3A_516 = arith.addi %mul3A_514, %add3A_515 : i32
      %dma_start3A_517 = arith.constant 0 : i32
      %dma_start3A_518 = tpu.memref_slice %arg7[%add3A_516, %dma_start3A_517] : memref<80x128xi32, #tpu.memory_space<vmem>> -> memref<1x128xi32, #tpu.memory_space<vmem>>
      %dma_start3A_519 = tpu.memref_squeeze %dma_start3A_518 : memref<1x128xi32, #tpu.memory_space<vmem>> -> memref<128xi32, #tpu.memory_space<vmem>>
      %dma_start3A_520 = arith.constant 0 : i32
      %dma_start3A_521 = arith.constant 0 : i32
      %dma_start3A_522 = tpu.memref_slice %arg2[%dma_start3A_520, %dma_start3A_521] : memref<10240x64xf32, #tpu.memory_space<hbm>> -> memref<10240x64xf32, #tpu.memory_space<hbm>>
      tpu.enqueue_indirect_dma source(%dma_start3A_522 : memref<10240x64xf32, #tpu.memory_space<hbm>>) target(%arg14 : memref<128x64xf32, #tpu.memory_space<vmem>>) offsets(%dma_start3A_519 : memref<128xi32, #tpu.memory_space<vmem>>) semaphore(%arg20 : memref<!tpu.dma_semaphore, #tpu.memory_space<semaphore_mem>>)
      %add3A_523 = arith.constant 3 : i32
      %add3A_524 = arith.addi %add3A_259, %add3A_523 : i32
      %mul3A_525 = arith.constant 2 : i32
      %mul3A_526 = arith.muli %add3A_524, %mul3A_525 : i32
      %add3A_527 = arith.constant 0 : i32
      %add3A_528 = arith.addi %mul3A_526, %add3A_527 : i32
      %dma_wait3A_529 = arith.constant 0 : i32
      %dma_wait3A_530 = tpu.memref_slice %arg7[%add3A_528, %dma_wait3A_529] : memref<80x128xi32, #tpu.memory_space<vmem>> -> memref<1x128xi32, #tpu.memory_space<vmem>>
      %dma_wait3A_531 = tpu.memref_squeeze %dma_wait3A_530 : memref<1x128xi32, #tpu.memory_space<vmem>> -> memref<128xi32, #tpu.memory_space<vmem>>
      %dma_wait3A_532 = arith.constant 0 : i32
      %dma_wait3A_533 = arith.constant 0 : i32
      %dma_wait3A_534 = tpu.memref_slice %arg2[%dma_wait3A_532, %dma_wait3A_533] : memref<10240x64xf32, #tpu.memory_space<hbm>> -> memref<10240x64xf32, #tpu.memory_space<hbm>>
      tpu.wait_indirect_dma semaphore(%arg18 : memref<!tpu.dma_semaphore, #tpu.memory_space<semaphore_mem>>) src(%dma_wait3A_534 : memref<10240x64xf32, #tpu.memory_space<hbm>>) dst(%arg9 : memref<128x64xf32, #tpu.memory_space<vmem>>)
      %mul3A_535 = arith.constant 2 : i32
      %mul3A_536 = arith.muli %add3A_524, %mul3A_535 : i32
      %add3A_537 = arith.constant 1 : i32
      %add3A_538 = arith.addi %mul3A_536, %add3A_537 : i32
      %dma_wait3A_539 = arith.constant 0 : i32
      %dma_wait3A_540 = tpu.memref_slice %arg7[%add3A_538, %dma_wait3A_539] : memref<80x128xi32, #tpu.memory_space<vmem>> -> memref<1x128xi32, #tpu.memory_space<vmem>>
      %dma_wait3A_541 = tpu.memref_squeeze %dma_wait3A_540 : memref<1x128xi32, #tpu.memory_space<vmem>> -> memref<128xi32, #tpu.memory_space<vmem>>
      %dma_wait3A_542 = arith.constant 0 : i32
      %dma_wait3A_543 = arith.constant 0 : i32
      %dma_wait3A_544 = tpu.memref_slice %arg2[%dma_wait3A_542, %dma_wait3A_543] : memref<10240x64xf32, #tpu.memory_space<hbm>> -> memref<10240x64xf32, #tpu.memory_space<hbm>>
      tpu.wait_indirect_dma semaphore(%arg18 : memref<!tpu.dma_semaphore, #tpu.memory_space<semaphore_mem>>) src(%dma_wait3A_544 : memref<10240x64xf32, #tpu.memory_space<hbm>>) dst(%arg10 : memref<128x64xf32, #tpu.memory_space<vmem>>)
      %mul3A_545 = arith.constant 2 : i32
      %mul3A_546 = arith.muli %add3A_524, %mul3A_545 : i32
      %add3A_547 = arith.constant 0 : i32
      %add3A_548 = arith.addi %mul3A_546, %add3A_547 : i32
      %dma_start3A_549 = arith.constant 0 : i32
      %dma_start3A_550 = tpu.memref_slice %arg8[%add3A_548, %dma_start3A_549] : memref<80x128xi32, #tpu.memory_space<vmem>> -> memref<1x128xi32, #tpu.memory_space<vmem>>
      %dma_start3A_551 = tpu.memref_squeeze %dma_start3A_550 : memref<1x128xi32, #tpu.memory_space<vmem>> -> memref<128xi32, #tpu.memory_space<vmem>>
      %dma_start3A_552 = arith.constant 0 : i32
      %dma_start3A_553 = arith.constant 0 : i32
      %dma_start3A_554 = tpu.memref_slice %arg17[%dma_start3A_552, %dma_start3A_553] : memref<10240x64xf32, #tpu.memory_space<vmem_shared>> -> memref<10240x64xf32, #tpu.memory_space<vmem_shared>>
      tpu.enqueue_indirect_dma source(%arg9 : memref<128x64xf32, #tpu.memory_space<vmem>>) target(%dma_start3A_554 : memref<10240x64xf32, #tpu.memory_space<vmem_shared>>) offsets(%dma_start3A_551 : memref<128xi32, #tpu.memory_space<vmem>>) semaphore(%arg22 : memref<!tpu.dma_semaphore, #tpu.memory_space<semaphore_mem>>) {add = true}
      %mul3A_555 = arith.constant 2 : i32
      %mul3A_556 = arith.muli %add3A_524, %mul3A_555 : i32
      %add3A_557 = arith.constant 1 : i32
      %add3A_558 = arith.addi %mul3A_556, %add3A_557 : i32
      %dma_start3A_559 = arith.constant 0 : i32
      %dma_start3A_560 = tpu.memref_slice %arg8[%add3A_558, %dma_start3A_559] : memref<80x128xi32, #tpu.memory_space<vmem>> -> memref<1x128xi32, #tpu.memory_space<vmem>>
      %dma_start3A_561 = tpu.memref_squeeze %dma_start3A_560 : memref<1x128xi32, #tpu.memory_space<vmem>> -> memref<128xi32, #tpu.memory_space<vmem>>
      %dma_start3A_562 = arith.constant 0 : i32
      %dma_start3A_563 = arith.constant 0 : i32
      %dma_start3A_564 = tpu.memref_slice %arg17[%dma_start3A_562, %dma_start3A_563] : memref<10240x64xf32, #tpu.memory_space<vmem_shared>> -> memref<10240x64xf32, #tpu.memory_space<vmem_shared>>
      tpu.enqueue_indirect_dma source(%arg10 : memref<128x64xf32, #tpu.memory_space<vmem>>) target(%dma_start3A_564 : memref<10240x64xf32, #tpu.memory_space<vmem_shared>>) offsets(%dma_start3A_561 : memref<128xi32, #tpu.memory_space<vmem>>) semaphore(%arg22 : memref<!tpu.dma_semaphore, #tpu.memory_space<semaphore_mem>>) {add = true}
      %sub3A_565 = arith.constant 1 : i32
      %sub3A_566 = arith.subi %add3A_524, %sub3A_565 : i32
      %mul3A_567 = arith.constant 2 : i32
      %mul3A_568 = arith.muli %sub3A_566, %mul3A_567 : i32
      %add3A_569 = arith.constant 0 : i32
      %add3A_570 = arith.addi %mul3A_568, %add3A_569 : i32
      %dma_wait3A_571 = arith.constant 0 : i32
      %dma_wait3A_572 = tpu.memref_slice %arg8[%add3A_570, %dma_wait3A_571] : memref<80x128xi32, #tpu.memory_space<vmem>> -> memref<1x128xi32, #tpu.memory_space<vmem>>
      %dma_wait3A_573 = tpu.memref_squeeze %dma_wait3A_572 : memref<1x128xi32, #tpu.memory_space<vmem>> -> memref<128xi32, #tpu.memory_space<vmem>>
      %dma_wait3A_574 = arith.constant 0 : i32
      %dma_wait3A_575 = arith.constant 0 : i32
      %dma_wait3A_576 = tpu.memref_slice %arg17[%dma_wait3A_574, %dma_wait3A_575] : memref<10240x64xf32, #tpu.memory_space<vmem_shared>> -> memref<10240x64xf32, #tpu.memory_space<vmem_shared>>
      tpu.wait_indirect_dma semaphore(%arg25 : memref<!tpu.dma_semaphore, #tpu.memory_space<semaphore_mem>>) src(%arg15 : memref<128x64xf32, #tpu.memory_space<vmem>>) dst(%dma_wait3A_576 : memref<10240x64xf32, #tpu.memory_space<vmem_shared>>)
      %mul3A_577 = arith.constant 2 : i32
      %mul3A_578 = arith.muli %sub3A_566, %mul3A_577 : i32
      %add3A_579 = arith.constant 1 : i32
      %add3A_580 = arith.addi %mul3A_578, %add3A_579 : i32
      %dma_wait3A_581 = arith.constant 0 : i32
      %dma_wait3A_582 = tpu.memref_slice %arg8[%add3A_580, %dma_wait3A_581] : memref<80x128xi32, #tpu.memory_space<vmem>> -> memref<1x128xi32, #tpu.memory_space<vmem>>
      %dma_wait3A_583 = tpu.memref_squeeze %dma_wait3A_582 : memref<1x128xi32, #tpu.memory_space<vmem>> -> memref<128xi32, #tpu.memory_space<vmem>>
      %dma_wait3A_584 = arith.constant 0 : i32
      %dma_wait3A_585 = arith.constant 0 : i32
      %dma_wait3A_586 = tpu.memref_slice %arg17[%dma_wait3A_584, %dma_wait3A_585] : memref<10240x64xf32, #tpu.memory_space<vmem_shared>> -> memref<10240x64xf32, #tpu.memory_space<vmem_shared>>
      tpu.wait_indirect_dma semaphore(%arg25 : memref<!tpu.dma_semaphore, #tpu.memory_space<semaphore_mem>>) src(%arg16 : memref<128x64xf32, #tpu.memory_space<vmem>>) dst(%dma_wait3A_586 : memref<10240x64xf32, #tpu.memory_space<vmem_shared>>)
      %add3A_587 = arith.constant 4 : i32
      %add3A_588 = arith.addi %add3A_524, %add3A_587 : i32
      %sub3A_589 = arith.constant 1 : i32
      %sub3A_590 = arith.subi %add3A_588, %sub3A_589 : i32
      %mul3A_591 = arith.constant 2 : i32
      %mul3A_592 = arith.muli %sub3A_590, %mul3A_591 : i32
      %add3A_593 = arith.constant 0 : i32
      %add3A_594 = arith.addi %mul3A_592, %add3A_593 : i32
      %dma_start3A_595 = arith.constant 0 : i32
      %dma_start3A_596 = tpu.memref_slice %arg7[%add3A_594, %dma_start3A_595] : memref<80x128xi32, #tpu.memory_space<vmem>> -> memref<1x128xi32, #tpu.memory_space<vmem>>
      %dma_start3A_597 = tpu.memref_squeeze %dma_start3A_596 : memref<1x128xi32, #tpu.memory_space<vmem>> -> memref<128xi32, #tpu.memory_space<vmem>>
      %dma_start3A_598 = arith.constant 0 : i32
      %dma_start3A_599 = arith.constant 0 : i32
      %dma_start3A_600 = tpu.memref_slice %arg2[%dma_start3A_598, %dma_start3A_599] : memref<10240x64xf32, #tpu.memory_space<hbm>> -> memref<10240x64xf32, #tpu.memory_space<hbm>>
      tpu.enqueue_indirect_dma source(%dma_start3A_600 : memref<10240x64xf32, #tpu.memory_space<hbm>>) target(%arg15 : memref<128x64xf32, #tpu.memory_space<vmem>>) offsets(%dma_start3A_597 : memref<128xi32, #tpu.memory_space<vmem>>) semaphore(%arg21 : memref<!tpu.dma_semaphore, #tpu.memory_space<semaphore_mem>>)
      %mul3A_601 = arith.constant 2 : i32
      %mul3A_602 = arith.muli %sub3A_590, %mul3A_601 : i32
      %add3A_603 = arith.constant 1 : i32
      %add3A_604 = arith.addi %mul3A_602, %add3A_603 : i32
      %dma_start3A_605 = arith.constant 0 : i32
      %dma_start3A_606 = tpu.memref_slice %arg7[%add3A_604, %dma_start3A_605] : memref<80x128xi32, #tpu.memory_space<vmem>> -> memref<1x128xi32, #tpu.memory_space<vmem>>
      %dma_start3A_607 = tpu.memref_squeeze %dma_start3A_606 : memref<1x128xi32, #tpu.memory_space<vmem>> -> memref<128xi32, #tpu.memory_space<vmem>>
      %dma_start3A_608 = arith.constant 0 : i32
      %dma_start3A_609 = arith.constant 0 : i32
      %dma_start3A_610 = tpu.memref_slice %arg2[%dma_start3A_608, %dma_start3A_609] : memref<10240x64xf32, #tpu.memory_space<hbm>> -> memref<10240x64xf32, #tpu.memory_space<hbm>>
      tpu.enqueue_indirect_dma source(%dma_start3A_610 : memref<10240x64xf32, #tpu.memory_space<hbm>>) target(%arg16 : memref<128x64xf32, #tpu.memory_space<vmem>>) offsets(%dma_start3A_607 : memref<128xi32, #tpu.memory_space<vmem>>) semaphore(%arg21 : memref<!tpu.dma_semaphore, #tpu.memory_space<semaphore_mem>>)
    }
    %scan3A_106 = arith.constant 9 : i32
    %dma_wait3A_107 = arith.constant 74 : i32
    %dma_wait3A_108 = arith.constant 0 : i32
    %dma_wait3A_109 = tpu.memref_slice %arg7[%dma_wait3A_107, %dma_wait3A_108] : memref<80x128xi32, #tpu.memory_space<vmem>> -> memref<1x128xi32, #tpu.memory_space<vmem>>
    %dma_wait3A_110 = tpu.memref_squeeze %dma_wait3A_109 : memref<1x128xi32, #tpu.memory_space<vmem>> -> memref<128xi32, #tpu.memory_space<vmem>>
    %dma_wait3A_111 = arith.constant 0 : i32
    %dma_wait3A_112 = arith.constant 0 : i32
    %dma_wait3A_113 = tpu.memref_slice %arg2[%dma_wait3A_111, %dma_wait3A_112] : memref<10240x64xf32, #tpu.memory_space<hbm>> -> memref<10240x64xf32, #tpu.memory_space<hbm>>
    tpu.wait_indirect_dma semaphore(%arg19 : memref<!tpu.dma_semaphore, #tpu.memory_space<semaphore_mem>>) src(%dma_wait3A_113 : memref<10240x64xf32, #tpu.memory_space<hbm>>) dst(%arg11 : memref<128x64xf32, #tpu.memory_space<vmem>>)
    %dma_wait3A_114 = arith.constant 75 : i32
    %dma_wait3A_115 = arith.constant 0 : i32
    %dma_wait3A_116 = tpu.memref_slice %arg7[%dma_wait3A_114, %dma_wait3A_115] : memref<80x128xi32, #tpu.memory_space<vmem>> -> memref<1x128xi32, #tpu.memory_space<vmem>>
    %dma_wait3A_117 = tpu.memref_squeeze %dma_wait3A_116 : memref<1x128xi32, #tpu.memory_space<vmem>> -> memref<128xi32, #tpu.memory_space<vmem>>
    %dma_wait3A_118 = arith.constant 0 : i32
    %dma_wait3A_119 = arith.constant 0 : i32
    %dma_wait3A_120 = tpu.memref_slice %arg2[%dma_wait3A_118, %dma_wait3A_119] : memref<10240x64xf32, #tpu.memory_space<hbm>> -> memref<10240x64xf32, #tpu.memory_space<hbm>>
    tpu.wait_indirect_dma semaphore(%arg19 : memref<!tpu.dma_semaphore, #tpu.memory_space<semaphore_mem>>) src(%dma_wait3A_120 : memref<10240x64xf32, #tpu.memory_space<hbm>>) dst(%arg12 : memref<128x64xf32, #tpu.memory_space<vmem>>)
    %dma_start3A_121 = arith.constant 74 : i32
    %dma_start3A_122 = arith.constant 0 : i32
    %dma_start3A_123 = tpu.memref_slice %arg8[%dma_start3A_121, %dma_start3A_122] : memref<80x128xi32, #tpu.memory_space<vmem>> -> memref<1x128xi32, #tpu.memory_space<vmem>>
    %dma_start3A_124 = tpu.memref_squeeze %dma_start3A_123 : memref<1x128xi32, #tpu.memory_space<vmem>> -> memref<128xi32, #tpu.memory_space<vmem>>
    %dma_start3A_125 = arith.constant 0 : i32
    %dma_start3A_126 = arith.constant 0 : i32
    %dma_start3A_127 = tpu.memref_slice %arg17[%dma_start3A_125, %dma_start3A_126] : memref<10240x64xf32, #tpu.memory_space<vmem_shared>> -> memref<10240x64xf32, #tpu.memory_space<vmem_shared>>
    tpu.enqueue_indirect_dma source(%arg11 : memref<128x64xf32, #tpu.memory_space<vmem>>) target(%dma_start3A_127 : memref<10240x64xf32, #tpu.memory_space<vmem_shared>>) offsets(%dma_start3A_124 : memref<128xi32, #tpu.memory_space<vmem>>) semaphore(%arg23 : memref<!tpu.dma_semaphore, #tpu.memory_space<semaphore_mem>>) {add = true}
    %dma_start3A_128 = arith.constant 75 : i32
    %dma_start3A_129 = arith.constant 0 : i32
    %dma_start3A_130 = tpu.memref_slice %arg8[%dma_start3A_128, %dma_start3A_129] : memref<80x128xi32, #tpu.memory_space<vmem>> -> memref<1x128xi32, #tpu.memory_space<vmem>>
    %dma_start3A_131 = tpu.memref_squeeze %dma_start3A_130 : memref<1x128xi32, #tpu.memory_space<vmem>> -> memref<128xi32, #tpu.memory_space<vmem>>
    %dma_start3A_132 = arith.constant 0 : i32
    %dma_start3A_133 = arith.constant 0 : i32
    %dma_start3A_134 = tpu.memref_slice %arg17[%dma_start3A_132, %dma_start3A_133] : memref<10240x64xf32, #tpu.memory_space<vmem_shared>> -> memref<10240x64xf32, #tpu.memory_space<vmem_shared>>
    tpu.enqueue_indirect_dma source(%arg12 : memref<128x64xf32, #tpu.memory_space<vmem>>) target(%dma_start3A_134 : memref<10240x64xf32, #tpu.memory_space<vmem_shared>>) offsets(%dma_start3A_131 : memref<128xi32, #tpu.memory_space<vmem>>) semaphore(%arg23 : memref<!tpu.dma_semaphore, #tpu.memory_space<semaphore_mem>>) {add = true}
    %dma_wait3A_135 = arith.constant 72 : i32
    %dma_wait3A_136 = arith.constant 0 : i32
    %dma_wait3A_137 = tpu.memref_slice %arg8[%dma_wait3A_135, %dma_wait3A_136] : memref<80x128xi32, #tpu.memory_space<vmem>> -> memref<1x128xi32, #tpu.memory_space<vmem>>
    %dma_wait3A_138 = tpu.memref_squeeze %dma_wait3A_137 : memref<1x128xi32, #tpu.memory_space<vmem>> -> memref<128xi32, #tpu.memory_space<vmem>>
    %dma_wait3A_139 = arith.constant 0 : i32
    %dma_wait3A_140 = arith.constant 0 : i32
    %dma_wait3A_141 = tpu.memref_slice %arg17[%dma_wait3A_139, %dma_wait3A_140] : memref<10240x64xf32, #tpu.memory_space<vmem_shared>> -> memref<10240x64xf32, #tpu.memory_space<vmem_shared>>
    tpu.wait_indirect_dma semaphore(%arg22 : memref<!tpu.dma_semaphore, #tpu.memory_space<semaphore_mem>>) src(%arg9 : memref<128x64xf32, #tpu.memory_space<vmem>>) dst(%dma_wait3A_141 : memref<10240x64xf32, #tpu.memory_space<vmem_shared>>)
    %dma_wait3A_142 = arith.constant 73 : i32
    %dma_wait3A_143 = arith.constant 0 : i32
    %dma_wait3A_144 = tpu.memref_slice %arg8[%dma_wait3A_142, %dma_wait3A_143] : memref<80x128xi32, #tpu.memory_space<vmem>> -> memref<1x128xi32, #tpu.memory_space<vmem>>
    %dma_wait3A_145 = tpu.memref_squeeze %dma_wait3A_144 : memref<1x128xi32, #tpu.memory_space<vmem>> -> memref<128xi32, #tpu.memory_space<vmem>>
    %dma_wait3A_146 = arith.constant 0 : i32
    %dma_wait3A_147 = arith.constant 0 : i32
    %dma_wait3A_148 = tpu.memref_slice %arg17[%dma_wait3A_146, %dma_wait3A_147] : memref<10240x64xf32, #tpu.memory_space<vmem_shared>> -> memref<10240x64xf32, #tpu.memory_space<vmem_shared>>
    tpu.wait_indirect_dma semaphore(%arg22 : memref<!tpu.dma_semaphore, #tpu.memory_space<semaphore_mem>>) src(%arg10 : memref<128x64xf32, #tpu.memory_space<vmem>>) dst(%dma_wait3A_148 : memref<10240x64xf32, #tpu.memory_space<vmem_shared>>)
    %dma_wait3A_149 = arith.constant 76 : i32
    %dma_wait3A_150 = arith.constant 0 : i32
    %dma_wait3A_151 = tpu.memref_slice %arg7[%dma_wait3A_149, %dma_wait3A_150] : memref<80x128xi32, #tpu.memory_space<vmem>> -> memref<1x128xi32, #tpu.memory_space<vmem>>
    %dma_wait3A_152 = tpu.memref_squeeze %dma_wait3A_151 : memref<1x128xi32, #tpu.memory_space<vmem>> -> memref<128xi32, #tpu.memory_space<vmem>>
    %dma_wait3A_153 = arith.constant 0 : i32
    %dma_wait3A_154 = arith.constant 0 : i32
    %dma_wait3A_155 = tpu.memref_slice %arg2[%dma_wait3A_153, %dma_wait3A_154] : memref<10240x64xf32, #tpu.memory_space<hbm>> -> memref<10240x64xf32, #tpu.memory_space<hbm>>
    tpu.wait_indirect_dma semaphore(%arg20 : memref<!tpu.dma_semaphore, #tpu.memory_space<semaphore_mem>>) src(%dma_wait3A_155 : memref<10240x64xf32, #tpu.memory_space<hbm>>) dst(%arg13 : memref<128x64xf32, #tpu.memory_space<vmem>>)
    %dma_wait3A_156 = arith.constant 77 : i32
    %dma_wait3A_157 = arith.constant 0 : i32
    %dma_wait3A_158 = tpu.memref_slice %arg7[%dma_wait3A_156, %dma_wait3A_157] : memref<80x128xi32, #tpu.memory_space<vmem>> -> memref<1x128xi32, #tpu.memory_space<vmem>>
    %dma_wait3A_159 = tpu.memref_squeeze %dma_wait3A_158 : memref<1x128xi32, #tpu.memory_space<vmem>> -> memref<128xi32, #tpu.memory_space<vmem>>
    %dma_wait3A_160 = arith.constant 0 : i32
    %dma_wait3A_161 = arith.constant 0 : i32
    %dma_wait3A_162 = tpu.memref_slice %arg2[%dma_wait3A_160, %dma_wait3A_161] : memref<10240x64xf32, #tpu.memory_space<hbm>> -> memref<10240x64xf32, #tpu.memory_space<hbm>>
    tpu.wait_indirect_dma semaphore(%arg20 : memref<!tpu.dma_semaphore, #tpu.memory_space<semaphore_mem>>) src(%dma_wait3A_162 : memref<10240x64xf32, #tpu.memory_space<hbm>>) dst(%arg14 : memref<128x64xf32, #tpu.memory_space<vmem>>)
    %dma_start3A_163 = arith.constant 76 : i32
    %dma_start3A_164 = arith.constant 0 : i32
    %dma_start3A_165 = tpu.memref_slice %arg8[%dma_start3A_163, %dma_start3A_164] : memref<80x128xi32, #tpu.memory_space<vmem>> -> memref<1x128xi32, #tpu.memory_space<vmem>>
    %dma_start3A_166 = tpu.memref_squeeze %dma_start3A_165 : memref<1x128xi32, #tpu.memory_space<vmem>> -> memref<128xi32, #tpu.memory_space<vmem>>
    %dma_start3A_167 = arith.constant 0 : i32
    %dma_start3A_168 = arith.constant 0 : i32
    %dma_start3A_169 = tpu.memref_slice %arg17[%dma_start3A_167, %dma_start3A_168] : memref<10240x64xf32, #tpu.memory_space<vmem_shared>> -> memref<10240x64xf32, #tpu.memory_space<vmem_shared>>
    tpu.enqueue_indirect_dma source(%arg13 : memref<128x64xf32, #tpu.memory_space<vmem>>) target(%dma_start3A_169 : memref<10240x64xf32, #tpu.memory_space<vmem_shared>>) offsets(%dma_start3A_166 : memref<128xi32, #tpu.memory_space<vmem>>) semaphore(%arg24 : memref<!tpu.dma_semaphore, #tpu.memory_space<semaphore_mem>>) {add = true}
    %dma_start3A_170 = arith.constant 77 : i32
    %dma_start3A_171 = arith.constant 0 : i32
    %dma_start3A_172 = tpu.memref_slice %arg8[%dma_start3A_170, %dma_start3A_171] : memref<80x128xi32, #tpu.memory_space<vmem>> -> memref<1x128xi32, #tpu.memory_space<vmem>>
    %dma_start3A_173 = tpu.memref_squeeze %dma_start3A_172 : memref<1x128xi32, #tpu.memory_space<vmem>> -> memref<128xi32, #tpu.memory_space<vmem>>
    %dma_start3A_174 = arith.constant 0 : i32
    %dma_start3A_175 = arith.constant 0 : i32
    %dma_start3A_176 = tpu.memref_slice %arg17[%dma_start3A_174, %dma_start3A_175] : memref<10240x64xf32, #tpu.memory_space<vmem_shared>> -> memref<10240x64xf32, #tpu.memory_space<vmem_shared>>
    tpu.enqueue_indirect_dma source(%arg14 : memref<128x64xf32, #tpu.memory_space<vmem>>) target(%dma_start3A_176 : memref<10240x64xf32, #tpu.memory_space<vmem_shared>>) offsets(%dma_start3A_173 : memref<128xi32, #tpu.memory_space<vmem>>) semaphore(%arg24 : memref<!tpu.dma_semaphore, #tpu.memory_space<semaphore_mem>>) {add = true}
    %dma_wait3A_177 = arith.constant 74 : i32
    %dma_wait3A_178 = arith.constant 0 : i32
    %dma_wait3A_179 = tpu.memref_slice %arg8[%dma_wait3A_177, %dma_wait3A_178] : memref<80x128xi32, #tpu.memory_space<vmem>> -> memref<1x128xi32, #tpu.memory_space<vmem>>
    %dma_wait3A_180 = tpu.memref_squeeze %dma_wait3A_179 : memref<1x128xi32, #tpu.memory_space<vmem>> -> memref<128xi32, #tpu.memory_space<vmem>>
    %dma_wait3A_181 = arith.constant 0 : i32
    %dma_wait3A_182 = arith.constant 0 : i32
    %dma_wait3A_183 = tpu.memref_slice %arg17[%dma_wait3A_181, %dma_wait3A_182] : memref<10240x64xf32, #tpu.memory_space<vmem_shared>> -> memref<10240x64xf32, #tpu.memory_space<vmem_shared>>
    tpu.wait_indirect_dma semaphore(%arg23 : memref<!tpu.dma_semaphore, #tpu.memory_space<semaphore_mem>>) src(%arg11 : memref<128x64xf32, #tpu.memory_space<vmem>>) dst(%dma_wait3A_183 : memref<10240x64xf32, #tpu.memory_space<vmem_shared>>)
    %dma_wait3A_184 = arith.constant 75 : i32
    %dma_wait3A_185 = arith.constant 0 : i32
    %dma_wait3A_186 = tpu.memref_slice %arg8[%dma_wait3A_184, %dma_wait3A_185] : memref<80x128xi32, #tpu.memory_space<vmem>> -> memref<1x128xi32, #tpu.memory_space<vmem>>
    %dma_wait3A_187 = tpu.memref_squeeze %dma_wait3A_186 : memref<1x128xi32, #tpu.memory_space<vmem>> -> memref<128xi32, #tpu.memory_space<vmem>>
    %dma_wait3A_188 = arith.constant 0 : i32
    %dma_wait3A_189 = arith.constant 0 : i32
    %dma_wait3A_190 = tpu.memref_slice %arg17[%dma_wait3A_188, %dma_wait3A_189] : memref<10240x64xf32, #tpu.memory_space<vmem_shared>> -> memref<10240x64xf32, #tpu.memory_space<vmem_shared>>
    tpu.wait_indirect_dma semaphore(%arg23 : memref<!tpu.dma_semaphore, #tpu.memory_space<semaphore_mem>>) src(%arg12 : memref<128x64xf32, #tpu.memory_space<vmem>>) dst(%dma_wait3A_190 : memref<10240x64xf32, #tpu.memory_space<vmem_shared>>)
    %dma_wait3A_191 = arith.constant 78 : i32
    %dma_wait3A_192 = arith.constant 0 : i32
    %dma_wait3A_193 = tpu.memref_slice %arg7[%dma_wait3A_191, %dma_wait3A_192] : memref<80x128xi32, #tpu.memory_space<vmem>> -> memref<1x128xi32, #tpu.memory_space<vmem>>
    %dma_wait3A_194 = tpu.memref_squeeze %dma_wait3A_193 : memref<1x128xi32, #tpu.memory_space<vmem>> -> memref<128xi32, #tpu.memory_space<vmem>>
    %dma_wait3A_195 = arith.constant 0 : i32
    %dma_wait3A_196 = arith.constant 0 : i32
    %dma_wait3A_197 = tpu.memref_slice %arg2[%dma_wait3A_195, %dma_wait3A_196] : memref<10240x64xf32, #tpu.memory_space<hbm>> -> memref<10240x64xf32, #tpu.memory_space<hbm>>
    tpu.wait_indirect_dma semaphore(%arg21 : memref<!tpu.dma_semaphore, #tpu.memory_space<semaphore_mem>>) src(%dma_wait3A_197 : memref<10240x64xf32, #tpu.memory_space<hbm>>) dst(%arg15 : memref<128x64xf32, #tpu.memory_space<vmem>>)
    %dma_wait3A_198 = arith.constant 79 : i32
    %dma_wait3A_199 = arith.constant 0 : i32
    %dma_wait3A_200 = tpu.memref_slice %arg7[%dma_wait3A_198, %dma_wait3A_199] : memref<80x128xi32, #tpu.memory_space<vmem>> -> memref<1x128xi32, #tpu.memory_space<vmem>>
    %dma_wait3A_201 = tpu.memref_squeeze %dma_wait3A_200 : memref<1x128xi32, #tpu.memory_space<vmem>> -> memref<128xi32, #tpu.memory_space<vmem>>
    %dma_wait3A_202 = arith.constant 0 : i32
    %dma_wait3A_203 = arith.constant 0 : i32
    %dma_wait3A_204 = tpu.memref_slice %arg2[%dma_wait3A_202, %dma_wait3A_203] : memref<10240x64xf32, #tpu.memory_space<hbm>> -> memref<10240x64xf32, #tpu.memory_space<hbm>>
    tpu.wait_indirect_dma semaphore(%arg21 : memref<!tpu.dma_semaphore, #tpu.memory_space<semaphore_mem>>) src(%dma_wait3A_204 : memref<10240x64xf32, #tpu.memory_space<hbm>>) dst(%arg16 : memref<128x64xf32, #tpu.memory_space<vmem>>)
    %dma_start3A_205 = arith.constant 78 : i32
    %dma_start3A_206 = arith.constant 0 : i32
    %dma_start3A_207 = tpu.memref_slice %arg8[%dma_start3A_205, %dma_start3A_206] : memref<80x128xi32, #tpu.memory_space<vmem>> -> memref<1x128xi32, #tpu.memory_space<vmem>>
    %dma_start3A_208 = tpu.memref_squeeze %dma_start3A_207 : memref<1x128xi32, #tpu.memory_space<vmem>> -> memref<128xi32, #tpu.memory_space<vmem>>
    %dma_start3A_209 = arith.constant 0 : i32
    %dma_start3A_210 = arith.constant 0 : i32
    %dma_start3A_211 = tpu.memref_slice %arg17[%dma_start3A_209, %dma_start3A_210] : memref<10240x64xf32, #tpu.memory_space<vmem_shared>> -> memref<10240x64xf32, #tpu.memory_space<vmem_shared>>
    tpu.enqueue_indirect_dma source(%arg15 : memref<128x64xf32, #tpu.memory_space<vmem>>) target(%dma_start3A_211 : memref<10240x64xf32, #tpu.memory_space<vmem_shared>>) offsets(%dma_start3A_208 : memref<128xi32, #tpu.memory_space<vmem>>) semaphore(%arg25 : memref<!tpu.dma_semaphore, #tpu.memory_space<semaphore_mem>>) {add = true}
    %dma_start3A_212 = arith.constant 79 : i32
    %dma_start3A_213 = arith.constant 0 : i32
    %dma_start3A_214 = tpu.memref_slice %arg8[%dma_start3A_212, %dma_start3A_213] : memref<80x128xi32, #tpu.memory_space<vmem>> -> memref<1x128xi32, #tpu.memory_space<vmem>>
    %dma_start3A_215 = tpu.memref_squeeze %dma_start3A_214 : memref<1x128xi32, #tpu.memory_space<vmem>> -> memref<128xi32, #tpu.memory_space<vmem>>
    %dma_start3A_216 = arith.constant 0 : i32
    %dma_start3A_217 = arith.constant 0 : i32
    %dma_start3A_218 = tpu.memref_slice %arg17[%dma_start3A_216, %dma_start3A_217] : memref<10240x64xf32, #tpu.memory_space<vmem_shared>> -> memref<10240x64xf32, #tpu.memory_space<vmem_shared>>
    tpu.enqueue_indirect_dma source(%arg16 : memref<128x64xf32, #tpu.memory_space<vmem>>) target(%dma_start3A_218 : memref<10240x64xf32, #tpu.memory_space<vmem_shared>>) offsets(%dma_start3A_215 : memref<128xi32, #tpu.memory_space<vmem>>) semaphore(%arg25 : memref<!tpu.dma_semaphore, #tpu.memory_space<semaphore_mem>>) {add = true}
    %dma_wait3A_219 = arith.constant 76 : i32
    %dma_wait3A_220 = arith.constant 0 : i32
    %dma_wait3A_221 = tpu.memref_slice %arg8[%dma_wait3A_219, %dma_wait3A_220] : memref<80x128xi32, #tpu.memory_space<vmem>> -> memref<1x128xi32, #tpu.memory_space<vmem>>
    %dma_wait3A_222 = tpu.memref_squeeze %dma_wait3A_221 : memref<1x128xi32, #tpu.memory_space<vmem>> -> memref<128xi32, #tpu.memory_space<vmem>>
    %dma_wait3A_223 = arith.constant 0 : i32
    %dma_wait3A_224 = arith.constant 0 : i32
    %dma_wait3A_225 = tpu.memref_slice %arg17[%dma_wait3A_223, %dma_wait3A_224] : memref<10240x64xf32, #tpu.memory_space<vmem_shared>> -> memref<10240x64xf32, #tpu.memory_space<vmem_shared>>
    tpu.wait_indirect_dma semaphore(%arg24 : memref<!tpu.dma_semaphore, #tpu.memory_space<semaphore_mem>>) src(%arg13 : memref<128x64xf32, #tpu.memory_space<vmem>>) dst(%dma_wait3A_225 : memref<10240x64xf32, #tpu.memory_space<vmem_shared>>)
    %dma_wait3A_226 = arith.constant 77 : i32
    %dma_wait3A_227 = arith.constant 0 : i32
    %dma_wait3A_228 = tpu.memref_slice %arg8[%dma_wait3A_226, %dma_wait3A_227] : memref<80x128xi32, #tpu.memory_space<vmem>> -> memref<1x128xi32, #tpu.memory_space<vmem>>
    %dma_wait3A_229 = tpu.memref_squeeze %dma_wait3A_228 : memref<1x128xi32, #tpu.memory_space<vmem>> -> memref<128xi32, #tpu.memory_space<vmem>>
    %dma_wait3A_230 = arith.constant 0 : i32
    %dma_wait3A_231 = arith.constant 0 : i32
    %dma_wait3A_232 = tpu.memref_slice %arg17[%dma_wait3A_230, %dma_wait3A_231] : memref<10240x64xf32, #tpu.memory_space<vmem_shared>> -> memref<10240x64xf32, #tpu.memory_space<vmem_shared>>
    tpu.wait_indirect_dma semaphore(%arg24 : memref<!tpu.dma_semaphore, #tpu.memory_space<semaphore_mem>>) src(%arg14 : memref<128x64xf32, #tpu.memory_space<vmem>>) dst(%dma_wait3A_232 : memref<10240x64xf32, #tpu.memory_space<vmem_shared>>)
    %dma_wait3A_233 = arith.constant 78 : i32
    %dma_wait3A_234 = arith.constant 0 : i32
    %dma_wait3A_235 = tpu.memref_slice %arg8[%dma_wait3A_233, %dma_wait3A_234] : memref<80x128xi32, #tpu.memory_space<vmem>> -> memref<1x128xi32, #tpu.memory_space<vmem>>
    %dma_wait3A_236 = tpu.memref_squeeze %dma_wait3A_235 : memref<1x128xi32, #tpu.memory_space<vmem>> -> memref<128xi32, #tpu.memory_space<vmem>>
    %dma_wait3A_237 = arith.constant 0 : i32
    %dma_wait3A_238 = arith.constant 0 : i32
    %dma_wait3A_239 = tpu.memref_slice %arg17[%dma_wait3A_237, %dma_wait3A_238] : memref<10240x64xf32, #tpu.memory_space<vmem_shared>> -> memref<10240x64xf32, #tpu.memory_space<vmem_shared>>
    tpu.wait_indirect_dma semaphore(%arg25 : memref<!tpu.dma_semaphore, #tpu.memory_space<semaphore_mem>>) src(%arg15 : memref<128x64xf32, #tpu.memory_space<vmem>>) dst(%dma_wait3A_239 : memref<10240x64xf32, #tpu.memory_space<vmem_shared>>)
    %dma_wait3A_240 = arith.constant 79 : i32
    %dma_wait3A_241 = arith.constant 0 : i32
    %dma_wait3A_242 = tpu.memref_slice %arg8[%dma_wait3A_240, %dma_wait3A_241] : memref<80x128xi32, #tpu.memory_space<vmem>> -> memref<1x128xi32, #tpu.memory_space<vmem>>
    %dma_wait3A_243 = tpu.memref_squeeze %dma_wait3A_242 : memref<1x128xi32, #tpu.memory_space<vmem>> -> memref<128xi32, #tpu.memory_space<vmem>>
    %dma_wait3A_244 = arith.constant 0 : i32
    %dma_wait3A_245 = arith.constant 0 : i32
    %dma_wait3A_246 = tpu.memref_slice %arg17[%dma_wait3A_244, %dma_wait3A_245] : memref<10240x64xf32, #tpu.memory_space<vmem_shared>> -> memref<10240x64xf32, #tpu.memory_space<vmem_shared>>
    tpu.wait_indirect_dma semaphore(%arg25 : memref<!tpu.dma_semaphore, #tpu.memory_space<semaphore_mem>>) src(%arg16 : memref<128x64xf32, #tpu.memory_space<vmem>>) dst(%dma_wait3A_246 : memref<10240x64xf32, #tpu.memory_space<vmem_shared>>)
    %barrier3A_247 = arith.constant 0 : index
    tpu.barrier barrier_id(%barrier3A_247)
    %eq3A = arith.constant 0 : i32
    %eq3A_248 = arith.cmpi eq, %arg0, %eq3A : i32
    %convert_element_type3A = arith.extui %eq3A_248 : i1 to i32
    %cond3A = arith.constant 0 : i32
    %cond3A_249 = arith.cmpi ne, %convert_element_type3A, %cond3A : i32
    scf.if %cond3A_249 {
      "tpu.region"() ({
        %run_scoped3A = tpu.sem_alloc : memref<!tpu.dma_semaphore, #tpu.memory_space<semaphore_mem>>
        %dma_start3A_255 = arith.constant 0 : i32
        %dma_start3A_256 = tpu.memref_slice %arg5[%mul3A_49, %dma_start3A_255] : memref<10240x64xf32, #tpu.memory_space<hbm>> -> memref<640x64xf32, #tpu.memory_space<hbm>>
        %dma_start3A_257 = arith.constant 0 : i32
        %dma_start3A_258 = tpu.memref_slice %arg17[%mul3A_49, %dma_start3A_257] : memref<10240x64xf32, #tpu.memory_space<vmem_shared>> -> memref<640x64xf32, #tpu.memory_space<vmem_shared>>
        tpu.enqueue_dma source(%dma_start3A_258 : memref<640x64xf32, #tpu.memory_space<vmem_shared>>) target(%dma_start3A_256 : memref<640x64xf32, #tpu.memory_space<hbm>>) target_semaphore(%run_scoped3A : memref<!tpu.dma_semaphore, #tpu.memory_space<semaphore_mem>>)
        %dma_wait3A_259 = arith.constant 0 : i32
        %dma_wait3A_260 = tpu.memref_slice %arg5[%mul3A_49, %dma_wait3A_259] : memref<10240x64xf32, #tpu.memory_space<hbm>> -> memref<640x64xf32, #tpu.memory_space<hbm>>
        %dma_wait3A_261 = arith.constant 0 : i32
        %dma_wait3A_262 = tpu.memref_slice %arg17[%mul3A_49, %dma_wait3A_261] : memref<10240x64xf32, #tpu.memory_space<vmem_shared>> -> memref<640x64xf32, #tpu.memory_space<vmem_shared>>
        tpu.wait_dma2 semaphore(%run_scoped3A : memref<!tpu.dma_semaphore, #tpu.memory_space<semaphore_mem>>) src(%dma_wait3A_262 : memref<640x64xf32, #tpu.memory_space<vmem_shared>>) dst(%dma_wait3A_260 : memref<640x64xf32, #tpu.memory_space<hbm>>)
        tpu.yield
      }) : () -> ()
    } else {
    }
    %eq3A_250 = arith.constant 1 : i32
    %eq3A_251 = arith.cmpi eq, %arg0, %eq3A_250 : i32
    %convert_element_type3A_252 = arith.extui %eq3A_251 : i1 to i32
    %cond3A_253 = arith.constant 0 : i32
    %cond3A_254 = arith.cmpi ne, %convert_element_type3A_252, %cond3A_253 : i32
    scf.if %cond3A_254 {
      "tpu.region"() ({
        %run_scoped3A = tpu.sem_alloc : memref<!tpu.dma_semaphore, #tpu.memory_space<semaphore_mem>>
        %dma_start3A_255 = arith.constant 0 : i32
        %dma_start3A_256 = tpu.memref_slice %arg6[%mul3A_49, %dma_start3A_255] : memref<10240x64xf32, #tpu.memory_space<hbm>> -> memref<640x64xf32, #tpu.memory_space<hbm>>
        %dma_start3A_257 = arith.constant 0 : i32
        %dma_start3A_258 = tpu.memref_slice %arg17[%mul3A_49, %dma_start3A_257] : memref<10240x64xf32, #tpu.memory_space<vmem_shared>> -> memref<640x64xf32, #tpu.memory_space<vmem_shared>>
        tpu.enqueue_dma source(%dma_start3A_258 : memref<640x64xf32, #tpu.memory_space<vmem_shared>>) target(%dma_start3A_256 : memref<640x64xf32, #tpu.memory_space<hbm>>) target_semaphore(%run_scoped3A : memref<!tpu.dma_semaphore, #tpu.memory_space<semaphore_mem>>)
        %dma_wait3A_259 = arith.constant 0 : i32
        %dma_wait3A_260 = tpu.memref_slice %arg6[%mul3A_49, %dma_wait3A_259] : memref<10240x64xf32, #tpu.memory_space<hbm>> -> memref<640x64xf32, #tpu.memory_space<hbm>>
        %dma_wait3A_261 = arith.constant 0 : i32
        %dma_wait3A_262 = tpu.memref_slice %arg17[%mul3A_49, %dma_wait3A_261] : memref<10240x64xf32, #tpu.memory_space<vmem_shared>> -> memref<640x64xf32, #tpu.memory_space<vmem_shared>>
        tpu.wait_dma2 semaphore(%run_scoped3A : memref<!tpu.dma_semaphore, #tpu.memory_space<semaphore_mem>>) src(%dma_wait3A_262 : memref<640x64xf32, #tpu.memory_space<vmem_shared>>) dst(%dma_wait3A_260 : memref<640x64xf32, #tpu.memory_space<hbm>>)
        tpu.yield
      }) : () -> ()
    } else {
    }
    return
  }
}

module attributes {stable_mosaic.version = 14 : i64} {
  func.func @_pre_block(%arg0: i32, %arg1: memref<1024x128xf32, #tpu.memory_space<vmem>>, %arg2: memref<128x64xf32, #tpu.memory_space<vmem>>, %arg3: memref<1024x64xf32, #tpu.memory_space<vmem>>) attributes {dimension_semantics = [#tpu.dimension_semantics<arbitrary>], iteration_bounds = array<i64: 10>, scalar_prefetch = 0 : i64, scratch_operands = 0 : i64, tpu.core_type = #tpu.core_type<tc>, window_params = [{transform_indices = @transform_0, window_bounds = array<i64: 1024, 128>}, {pipeline_mode = #tpu.pipeline_mode<synchronous>, transform_indices = @transform_1, window_bounds = array<i64: 128, 64>}, {transform_indices = @transform_2, window_bounds = array<i64: 1024, 64>}]} {
    %get3A = arith.constant 0 : index
    %get3A_0 = arith.constant 0 : index
    %get3A_1 = vector.load %arg1[%get3A, %get3A_0] : memref<1024x128xf32, #tpu.memory_space<vmem>>, vector<1024x128xf32>
    %get3A_2 = arith.constant 0 : index
    %get3A_3 = arith.constant 0 : index
    %get3A_4 = vector.load %arg2[%get3A_2, %get3A_3] : memref<128x64xf32, #tpu.memory_space<vmem>>, vector<128x64xf32>
    %dot_general3A = arith.constant dense<0.000000e+00> : vector<1024x64xf32>
    %dot_general3A_5 = tpu.matmul %get3A_1, %get3A_4, %dot_general3A {dimension_numbers = #tpu.dot_dimension_numbers<[1], [0], [0], [1], [0, 0, 1, 1], [], []>, transpose_lhs_hint = false} : vector<1024x128xf32>, vector<128x64xf32>, vector<1024x64xf32> -> vector<1024x64xf32>
    %swap3A = arith.constant 0 : index
    %swap3A_6 = arith.constant 0 : index
    %swap3A_7 = vector.load %arg3[%swap3A, %swap3A_6] : memref<1024x64xf32, #tpu.memory_space<vmem>>, vector<1024x64xf32>
    tpu.vector_store %arg3[%swap3A, %swap3A_6], %dot_general3A_5 {strides = array<i32>} : memref<1024x64xf32, #tpu.memory_space<vmem>>, vector<1024x64xf32>,
    return
  }
  func.func @transform_0(%arg0: i32) -> (i32, i32) {
    %c0_i32 = arith.constant 0 : i32
    %c0_i32_0 = arith.constant 0 : i32
    return %arg0, %c0_i32 : i32, i32
  }
  func.func @transform_1(%arg0: i32) -> (i32, i32) {
    %c0_i32 = arith.constant 0 : i32
    %c0_i32_0 = arith.constant 0 : i32
    %c0_i32_1 = arith.constant 0 : i32
    return %c0_i32, %c0_i32_0 : i32, i32
  }
  func.func @transform_2(%arg0: i32) -> (i32, i32) {
    %c0_i32 = arith.constant 0 : i32
    %c0_i32_0 = arith.constant 0 : i32
    return %arg0, %c0_i32 : i32, i32
  }
}

module attributes {stable_mosaic.version = 14 : i64} {
  func.func @_mid_block(%arg0: i32, %arg1: memref<1024x64xf32, #tpu.memory_space<vmem>>, %arg2: memref<1024x64xf32, #tpu.memory_space<vmem>>, %arg3: memref<1024x64xf32, #tpu.memory_space<vmem>>, %arg4: memref<8x64xf32, #tpu.memory_space<vmem>>, %arg5: memref<64x64xf32, #tpu.memory_space<vmem>>, %arg6: memref<64x64xf32, #tpu.memory_space<vmem>>, %arg7: memref<1024x64xf32, #tpu.memory_space<vmem>>) attributes {dimension_semantics = [#tpu.dimension_semantics<arbitrary>], iteration_bounds = array<i64: 10>, scalar_prefetch = 0 : i64, scratch_operands = 0 : i64, tpu.core_type = #tpu.core_type<tc>, window_params = [{transform_indices = @transform_0, window_bounds = array<i64: 1024, 64>}, {transform_indices = @transform_1, window_bounds = array<i64: 1024, 64>}, {transform_indices = @transform_2, window_bounds = array<i64: 1024, 64>}, {pipeline_mode = #tpu.pipeline_mode<synchronous>, transform_indices = @transform_3, window_bounds = array<i64: 8, 64>}, {pipeline_mode = #tpu.pipeline_mode<synchronous>, transform_indices = @transform_4, window_bounds = array<i64: 64, 64>}, {pipeline_mode = #tpu.pipeline_mode<synchronous>, transform_indices = @transform_5, window_bounds = array<i64: 64, 64>}, {transform_indices = @transform_6, window_bounds = array<i64: 1024, 64>}]} {
    %get3A = arith.constant 0 : index
    %get3A_0 = arith.constant 0 : index
    %get3A_1 = vector.load %arg4[%get3A, %get3A_0] : memref<8x64xf32, #tpu.memory_space<vmem>>, vector<8x64xf32>
    %slice3A = vector.extract_strided_slice %get3A_1 {offsets = [0, 0], sizes = [1, 64], strides = [1, 1]} : vector<8x64xf32> to vector<1x64xf32>
    %slice3A_2 = vector.extract_strided_slice %get3A_1 {offsets = [1, 0], sizes = [1, 64], strides = [1, 1]} : vector<8x64xf32> to vector<1x64xf32>
    %slice3A_3 = vector.extract_strided_slice %get3A_1 {offsets = [2, 0], sizes = [1, 64], strides = [1, 1]} : vector<8x64xf32> to vector<1x64xf32>
    %slice3A_4 = vector.extract_strided_slice %get3A_1 {offsets = [3, 0], sizes = [1, 64], strides = [1, 1]} : vector<8x64xf32> to vector<1x64xf32>
    %slice3A_5 = vector.extract_strided_slice %get3A_1 {offsets = [4, 0], sizes = [1, 64], strides = [1, 1]} : vector<8x64xf32> to vector<1x64xf32>
    %slice3A_6 = vector.extract_strided_slice %get3A_1 {offsets = [5, 0], sizes = [1, 64], strides = [1, 1]} : vector<8x64xf32> to vector<1x64xf32>
    %get3A_7 = arith.constant 0 : index
    %get3A_8 = arith.constant 0 : index
    %get3A_9 = vector.load %arg1[%get3A_7, %get3A_8] : memref<1024x64xf32, #tpu.memory_space<vmem>>, vector<1024x64xf32>
    %get3A_10 = arith.constant 0 : index
    %get3A_11 = arith.constant 0 : index
    %get3A_12 = vector.load %arg2[%get3A_10, %get3A_11] : memref<1024x64xf32, #tpu.memory_space<vmem>>, vector<1024x64xf32>
    %add3A = arith.addf %get3A_9, %get3A_12 : vector<1024x64xf32>
    %get3A_13 = arith.constant 0 : index
    %get3A_14 = arith.constant 0 : index
    %get3A_15 = vector.load %arg3[%get3A_13, %get3A_14] : memref<1024x64xf32, #tpu.memory_space<vmem>>, vector<1024x64xf32>
    %add3A_16 = arith.addf %add3A, %get3A_15 : vector<1024x64xf32>
    %add3A_17 = vector.broadcast %slice3A : vector<1x64xf32> to vector<1024x64xf32>
    %add3A_18 = arith.addf %add3A_16, %add3A_17 : vector<1024x64xf32>
    %add3A_19 = arith.constant 9.99999974E-6 : f32
    %add3A_20 = vector.broadcast %add3A_19 : f32 to vector<1x64xf32>
    %add3A_21 = arith.addf %slice3A_5, %add3A_20 : vector<1x64xf32>
    %rsqrt3A = math.rsqrt %add3A_21 : vector<1x64xf32>
    %mul3A = arith.mulf %slice3A_2, %rsqrt3A : vector<1x64xf32>
    %mul3A_22 = vector.broadcast %mul3A : vector<1x64xf32> to vector<1024x64xf32>
    %mul3A_23 = arith.mulf %add3A_18, %mul3A_22 : vector<1024x64xf32>
    %mul3A_24 = arith.mulf %slice3A_4, %mul3A : vector<1x64xf32>
    %sub3A = arith.subf %slice3A_3, %mul3A_24 : vector<1x64xf32>
    %add3A_25 = vector.broadcast %sub3A : vector<1x64xf32> to vector<1024x64xf32>
    %add3A_26 = arith.addf %mul3A_23, %add3A_25 : vector<1024x64xf32>
    %max3A = arith.constant 0.000000e+00 : f32
    %max3A_27 = vector.broadcast %max3A : f32 to vector<1024x64xf32>
    %max3A_28 = arith.maximumf %add3A_26, %max3A_27 : vector<1024x64xf32>
    %get3A_29 = arith.constant 0 : index
    %get3A_30 = arith.constant 0 : index
    %get3A_31 = vector.load %arg5[%get3A_29, %get3A_30] : memref<64x64xf32, #tpu.memory_space<vmem>>, vector<64x64xf32>
    %dot_general3A = arith.constant dense<0.000000e+00> : vector<1024x64xf32>
    %dot_general3A_32 = tpu.matmul %max3A_28, %get3A_31, %dot_general3A {dimension_numbers = #tpu.dot_dimension_numbers<[1], [0], [0], [1], [0, 0, 1, 1], [], []>, transpose_lhs_hint = false} : vector<1024x64xf32>, vector<64x64xf32>, vector<1024x64xf32> -> vector<1024x64xf32>
    %add3A_33 = vector.broadcast %slice3A_6 : vector<1x64xf32> to vector<1024x64xf32>
    %add3A_34 = arith.addf %dot_general3A_32, %add3A_33 : vector<1024x64xf32>
    %max3A_35 = arith.constant 0.000000e+00 : f32
    %max3A_36 = vector.broadcast %max3A_35 : f32 to vector<1024x64xf32>
    %max3A_37 = arith.maximumf %add3A_34, %max3A_36 : vector<1024x64xf32>
    %get3A_38 = arith.constant 0 : index
    %get3A_39 = arith.constant 0 : index
    %get3A_40 = vector.load %arg6[%get3A_38, %get3A_39] : memref<64x64xf32, #tpu.memory_space<vmem>>, vector<64x64xf32>
    %dot_general3A_41 = arith.constant dense<0.000000e+00> : vector<1024x64xf32>
    %dot_general3A_42 = tpu.matmul %max3A_37, %get3A_40, %dot_general3A_41 {dimension_numbers = #tpu.dot_dimension_numbers<[1], [0], [0], [1], [0, 0, 1, 1], [], []>, transpose_lhs_hint = false} : vector<1024x64xf32>, vector<64x64xf32>, vector<1024x64xf32> -> vector<1024x64xf32>
    %swap3A = arith.constant 0 : index
    %swap3A_43 = arith.constant 0 : index
    %swap3A_44 = vector.load %arg7[%swap3A, %swap3A_43] : memref<1024x64xf32, #tpu.memory_space<vmem>>, vector<1024x64xf32>
    tpu.vector_store %arg7[%swap3A, %swap3A_43], %dot_general3A_42 {strides = array<i32>} : memref<1024x64xf32, #tpu.memory_space<vmem>>, vector<1024x64xf32>,
    return
  }
  func.func @transform_0(%arg0: i32) -> (i32, i32) {
    %c0_i32 = arith.constant 0 : i32
    %c0_i32_0 = arith.constant 0 : i32
    return %arg0, %c0_i32 : i32, i32
  }
  func.func @transform_1(%arg0: i32) -> (i32, i32) {
    %c0_i32 = arith.constant 0 : i32
    %c0_i32_0 = arith.constant 0 : i32
    return %arg0, %c0_i32 : i32, i32
  }
  func.func @transform_2(%arg0: i32) -> (i32, i32) {
    %c0_i32 = arith.constant 0 : i32
    %c0_i32_0 = arith.constant 0 : i32
    return %arg0, %c0_i32 : i32, i32
  }
  func.func @transform_3(%arg0: i32) -> (i32, i32) {
    %c0_i32 = arith.constant 0 : i32
    %c0_i32_0 = arith.constant 0 : i32
    %c0_i32_1 = arith.constant 0 : i32
    return %c0_i32, %c0_i32_0 : i32, i32
  }
  func.func @transform_4(%arg0: i32) -> (i32, i32) {
    %c0_i32 = arith.constant 0 : i32
    %c0_i32_0 = arith.constant 0 : i32
    %c0_i32_1 = arith.constant 0 : i32
    return %c0_i32, %c0_i32_0 : i32, i32
  }
  func.func @transform_5(%arg0: i32) -> (i32, i32) {
    %c0_i32 = arith.constant 0 : i32
    %c0_i32_0 = arith.constant 0 : i32
    %c0_i32_1 = arith.constant 0 : i32
    return %c0_i32, %c0_i32_0 : i32, i32
  }
  func.func @transform_6(%arg0: i32) -> (i32, i32) {
    %c0_i32 = arith.constant 0 : i32
    %c0_i32_0 = arith.constant 0 : i32
    return %arg0, %c0_i32 : i32, i32
  }
}

module attributes {stable_mosaic.version = 14 : i64} {
  func.func @_final_block(%arg0: i32, %arg1: memref<1024x64xf32, #tpu.memory_space<vmem>>, %arg2: memref<1024x64xf32, #tpu.memory_space<vmem>>, %arg3: memref<1024x64xf32, #tpu.memory_space<vmem>>, %arg4: memref<8x64xf32, #tpu.memory_space<vmem>>, %arg5: memref<64x64xf32, #tpu.memory_space<vmem>>, %arg6: memref<1024x1xi32, #tpu.memory_space<vmem>>, %arg7: memref<192x64xf32, #tpu.memory_space<vmem>>, %arg8: memref<64x2xf32, #tpu.memory_space<vmem>>, %arg9: memref<8x64xf32, #tpu.memory_space<vmem>>, %arg10: memref<64x2xf32, #tpu.memory_space<vmem>>, %arg11: memref<64x64xf32, #tpu.memory_space<vmem>>) attributes {dimension_semantics = [#tpu.dimension_semantics<arbitrary>], iteration_bounds = array<i64: 10>, scalar_prefetch = 0 : i64, scratch_operands = 1 : i64, tpu.core_type = #tpu.core_type<tc>, window_params = [{transform_indices = @transform_0, window_bounds = array<i64: 1024, 64>}, {transform_indices = @transform_1, window_bounds = array<i64: 1024, 64>}, {transform_indices = @transform_2, window_bounds = array<i64: 1024, 64>}, {pipeline_mode = #tpu.pipeline_mode<synchronous>, transform_indices = @transform_3, window_bounds = array<i64: 8, 64>}, {pipeline_mode = #tpu.pipeline_mode<synchronous>, transform_indices = @transform_4, window_bounds = array<i64: 64, 64>}, {transform_indices = @transform_5, window_bounds = array<i64: 1024, 1>}, {pipeline_mode = #tpu.pipeline_mode<synchronous>, transform_indices = @transform_6, window_bounds = array<i64: 192, 64>}, {pipeline_mode = #tpu.pipeline_mode<synchronous>, transform_indices = @transform_7, window_bounds = array<i64: 64, 2>}, {pipeline_mode = #tpu.pipeline_mode<synchronous>, transform_indices = @transform_8, window_bounds = array<i64: 8, 64>}, {pipeline_mode = #tpu.pipeline_mode<synchronous>, transform_indices = @transform_9, window_bounds = array<i64: 64, 2>}]} {
    %get3A = arith.constant 0 : index
    %get3A_0 = arith.constant 0 : index
    %get3A_1 = vector.load %arg4[%get3A, %get3A_0] : memref<8x64xf32, #tpu.memory_space<vmem>>, vector<8x64xf32>
    %slice3A = vector.extract_strided_slice %get3A_1 {offsets = [0, 0], sizes = [1, 64], strides = [1, 1]} : vector<8x64xf32> to vector<1x64xf32>
    %slice3A_2 = vector.extract_strided_slice %get3A_1 {offsets = [1, 0], sizes = [1, 64], strides = [1, 1]} : vector<8x64xf32> to vector<1x64xf32>
    %slice3A_3 = vector.extract_strided_slice %get3A_1 {offsets = [2, 0], sizes = [1, 64], strides = [1, 1]} : vector<8x64xf32> to vector<1x64xf32>
    %slice3A_4 = vector.extract_strided_slice %get3A_1 {offsets = [3, 0], sizes = [1, 64], strides = [1, 1]} : vector<8x64xf32> to vector<1x64xf32>
    %slice3A_5 = vector.extract_strided_slice %get3A_1 {offsets = [4, 0], sizes = [1, 64], strides = [1, 1]} : vector<8x64xf32> to vector<1x64xf32>
    %slice3A_6 = vector.extract_strided_slice %get3A_1 {offsets = [5, 0], sizes = [1, 64], strides = [1, 1]} : vector<8x64xf32> to vector<1x64xf32>
    %get3A_7 = arith.constant 0 : index
    %get3A_8 = arith.constant 0 : index
    %get3A_9 = vector.load %arg1[%get3A_7, %get3A_8] : memref<1024x64xf32, #tpu.memory_space<vmem>>, vector<1024x64xf32>
    %get3A_10 = arith.constant 0 : index
    %get3A_11 = arith.constant 0 : index
    %get3A_12 = vector.load %arg2[%get3A_10, %get3A_11] : memref<1024x64xf32, #tpu.memory_space<vmem>>, vector<1024x64xf32>
    %add3A = arith.addf %get3A_9, %get3A_12 : vector<1024x64xf32>
    %get3A_13 = arith.constant 0 : index
    %get3A_14 = arith.constant 0 : index
    %get3A_15 = vector.load %arg3[%get3A_13, %get3A_14] : memref<1024x64xf32, #tpu.memory_space<vmem>>, vector<1024x64xf32>
    %add3A_16 = arith.addf %add3A, %get3A_15 : vector<1024x64xf32>
    %add3A_17 = vector.broadcast %slice3A : vector<1x64xf32> to vector<1024x64xf32>
    %add3A_18 = arith.addf %add3A_16, %add3A_17 : vector<1024x64xf32>
    %add3A_19 = arith.constant 9.99999974E-6 : f32
    %add3A_20 = vector.broadcast %add3A_19 : f32 to vector<1x64xf32>
    %add3A_21 = arith.addf %slice3A_5, %add3A_20 : vector<1x64xf32>
    %rsqrt3A = math.rsqrt %add3A_21 : vector<1x64xf32>
    %mul3A = arith.mulf %slice3A_2, %rsqrt3A : vector<1x64xf32>
    %mul3A_22 = vector.broadcast %mul3A : vector<1x64xf32> to vector<1024x64xf32>
    %mul3A_23 = arith.mulf %add3A_18, %mul3A_22 : vector<1024x64xf32>
    %mul3A_24 = arith.mulf %slice3A_4, %mul3A : vector<1x64xf32>
    %sub3A = arith.subf %slice3A_3, %mul3A_24 : vector<1x64xf32>
    %add3A_25 = vector.broadcast %sub3A : vector<1x64xf32> to vector<1024x64xf32>
    %add3A_26 = arith.addf %mul3A_23, %add3A_25 : vector<1024x64xf32>
    %max3A = arith.constant 0.000000e+00 : f32
    %max3A_27 = vector.broadcast %max3A : f32 to vector<1024x64xf32>
    %max3A_28 = arith.maximumf %add3A_26, %max3A_27 : vector<1024x64xf32>
    %get3A_29 = arith.constant 0 : index
    %get3A_30 = arith.constant 0 : index
    %get3A_31 = vector.load %arg5[%get3A_29, %get3A_30] : memref<64x64xf32, #tpu.memory_space<vmem>>, vector<64x64xf32>
    %dot_general3A = arith.constant dense<0.000000e+00> : vector<1024x64xf32>
    %dot_general3A_32 = tpu.matmul %max3A_28, %get3A_31, %dot_general3A {dimension_numbers = #tpu.dot_dimension_numbers<[1], [0], [0], [1], [0, 0, 1, 1], [], []>, transpose_lhs_hint = false} : vector<1024x64xf32>, vector<64x64xf32>, vector<1024x64xf32> -> vector<1024x64xf32>
    %add3A_33 = vector.broadcast %slice3A_6 : vector<1x64xf32> to vector<1024x64xf32>
    %add3A_34 = arith.addf %dot_general3A_32, %add3A_33 : vector<1024x64xf32>
    %max3A_35 = arith.constant 0.000000e+00 : f32
    %max3A_36 = vector.broadcast %max3A_35 : f32 to vector<1024x64xf32>
    %max3A_37 = arith.maximumf %add3A_34, %max3A_36 : vector<1024x64xf32>
    %get3A_38 = arith.constant 0 : index
    %get3A_39 = arith.constant 0 : index
    %get3A_40 = vector.load %arg6[%get3A_38, %get3A_39] : memref<1024x1xi32, #tpu.memory_space<vmem>>, vector<1024x1xi32>
    %iota3A = tpu.iota {dimensions = array<i32: 1>} : vector<1024x64xi32>
    %eq3A = vector.broadcast %get3A_40 : vector<1024x1xi32> to vector<1024x64xi32>
    %eq3A_41 = arith.cmpi eq, %eq3A, %iota3A : vector<1024x64xi32>
    %convert_element_type3A = arith.extui %eq3A_41 : vector<1024x64xi1> to vector<1024x64xi32>
    %convert_element_type3A_42 = arith.sitofp %convert_element_type3A : vector<1024x64xi32> to vector<1024x64xf32>
    %dot_general3A_43 = arith.constant dense<0.000000e+00> : vector<64x64xf32>
    %dot_general3A_44 = tpu.matmul %convert_element_type3A_42, %max3A_37, %dot_general3A_43 {dimension_numbers = #tpu.dot_dimension_numbers<[0], [0], [1], [1], [0, 1, 1, 1], [], []>, transpose_lhs_hint = false} : vector<1024x64xf32>, vector<1024x64xf32>, vector<64x64xf32> -> vector<64x64xf32>
    %eq3A_45 = arith.constant 0 : i32
    %eq3A_46 = arith.cmpi eq, %arg0, %eq3A_45 : i32
    %convert_element_type3A_47 = arith.extui %eq3A_46 : i1 to i32
    %cond3A = arith.constant 0 : i32
    %cond3A_48 = arith.cmpi ne, %convert_element_type3A_47, %cond3A : i32
    scf.if %cond3A_48 {
      %swap3A = arith.constant 0 : index
      %swap3A_58 = arith.constant 0 : index
      %swap3A_59 = vector.load %arg11[%swap3A, %swap3A_58] : memref<64x64xf32, #tpu.memory_space<vmem>>, vector<64x64xf32>
      tpu.vector_store %arg11[%swap3A, %swap3A_58], %dot_general3A_44 {strides = array<i32>} : memref<64x64xf32, #tpu.memory_space<vmem>>, vector<64x64xf32>,
    } else {
    }
    %gt3A = arith.constant 0 : i32
    %gt3A_49 = arith.cmpi sgt, %arg0, %gt3A : i32
    %convert_element_type3A_50 = arith.extui %gt3A_49 : i1 to i32
    %cond3A_51 = arith.constant 0 : i32
    %cond3A_52 = arith.cmpi ne, %convert_element_type3A_50, %cond3A_51 : i32
    scf.if %cond3A_52 {
      %get3A_58 = arith.constant 0 : index
      %get3A_59 = arith.constant 0 : index
      %get3A_60 = vector.load %arg11[%get3A_58, %get3A_59] : memref<64x64xf32, #tpu.memory_space<vmem>>, vector<64x64xf32>
      %add3A_61 = arith.addf %get3A_60, %dot_general3A_44 : vector<64x64xf32>
      %swap3A = arith.constant 0 : index
      %swap3A_62 = arith.constant 0 : index
      %swap3A_63 = vector.load %arg11[%swap3A, %swap3A_62] : memref<64x64xf32, #tpu.memory_space<vmem>>, vector<64x64xf32>
      tpu.vector_store %arg11[%swap3A, %swap3A_62], %add3A_61 {strides = array<i32>} : memref<64x64xf32, #tpu.memory_space<vmem>>, vector<64x64xf32>,
    } else {
    }
    %eq3A_53 = arith.constant 9 : i32
    %eq3A_54 = arith.cmpi eq, %arg0, %eq3A_53 : i32
    %convert_element_type3A_55 = arith.extui %eq3A_54 : i1 to i32
    %cond3A_56 = arith.constant 0 : i32
    %cond3A_57 = arith.cmpi ne, %convert_element_type3A_55, %cond3A_56 : i32
    scf.if %cond3A_57 {
      %get3A_58 = arith.constant 0 : index
      %get3A_59 = arith.constant 0 : index
      %get3A_60 = vector.load %arg11[%get3A_58, %get3A_59] : memref<64x64xf32, #tpu.memory_space<vmem>>, vector<64x64xf32>
      %get3A_61 = arith.constant 0 : index
      %get3A_62 = arith.constant 0 : index
      %get3A_63 = vector.load %arg7[%get3A_61, %get3A_62] : memref<192x64xf32, #tpu.memory_space<vmem>>, vector<192x64xf32>
      %slice3A_64 = vector.extract_strided_slice %get3A_63 {offsets = [0, 0], sizes = [64, 64], strides = [1, 1]} : vector<192x64xf32> to vector<64x64xf32>
      %slice3A_65 = vector.extract_strided_slice %get3A_63 {offsets = [64, 0], sizes = [64, 64], strides = [1, 1]} : vector<192x64xf32> to vector<64x64xf32>
      %add3A_66 = arith.addf %slice3A_64, %slice3A_65 : vector<64x64xf32>
      %slice3A_67 = vector.extract_strided_slice %get3A_63 {offsets = [128, 0], sizes = [64, 64], strides = [1, 1]} : vector<192x64xf32> to vector<64x64xf32>
      %add3A_68 = arith.addf %add3A_66, %slice3A_67 : vector<64x64xf32>
      %get3A_69 = arith.constant 0 : index
      %get3A_70 = arith.constant 0 : index
      %get3A_71 = vector.load %arg9[%get3A_69, %get3A_70] : memref<8x64xf32, #tpu.memory_space<vmem>>, vector<8x64xf32>
      %dot_general3A_72 = arith.constant dense<0.000000e+00> : vector<64x64xf32>
      %dot_general3A_73 = tpu.matmul %get3A_60, %add3A_68, %dot_general3A_72 {dimension_numbers = #tpu.dot_dimension_numbers<[1], [0], [0], [1], [0, 0, 1, 1], [], []>, transpose_lhs_hint = false} : vector<64x64xf32>, vector<64x64xf32>, vector<64x64xf32> -> vector<64x64xf32>
      %slice3A_74 = vector.extract_strided_slice %get3A_71 {offsets = [0, 0], sizes = [1, 64], strides = [1, 1]} : vector<8x64xf32> to vector<1x64xf32>
      %add3A_75 = vector.broadcast %slice3A_74 : vector<1x64xf32> to vector<64x64xf32>
      %add3A_76 = arith.addf %dot_general3A_73, %add3A_75 : vector<64x64xf32>
      %max3A_77 = arith.constant 0.000000e+00 : f32
      %max3A_78 = vector.broadcast %max3A_77 : f32 to vector<64x64xf32>
      %max3A_79 = arith.maximumf %add3A_76, %max3A_78 : vector<64x64xf32>
      %get3A_80 = arith.constant 0 : index
      %get3A_81 = arith.constant 0 : index
      %get3A_82 = vector.load %arg8[%get3A_80, %get3A_81] : memref<64x2xf32, #tpu.memory_space<vmem>>, vector<64x2xf32>
      %dot_general3A_83 = arith.constant dense<0.000000e+00> : vector<64x2xf32>
      %dot_general3A_84 = tpu.matmul %max3A_79, %get3A_82, %dot_general3A_83 {dimension_numbers = #tpu.dot_dimension_numbers<[1], [0], [0], [1], [0, 0, 1, 1], [], []>, transpose_lhs_hint = false} : vector<64x64xf32>, vector<64x2xf32>, vector<64x2xf32> -> vector<64x2xf32>
      %slice3A_85 = vector.extract_strided_slice %get3A_71 {offsets = [1, 0], sizes = [1, 2], strides = [1, 1]} : vector<8x64xf32> to vector<1x2xf32>
      %add3A_86 = vector.broadcast %slice3A_85 : vector<1x2xf32> to vector<64x2xf32>
      %add3A_87 = arith.addf %dot_general3A_84, %add3A_86 : vector<64x2xf32>
      %reduce_max3A = arith.constant dense<0xFF800000> : vector<64xf32>
      %reduce_max3A_88 = vector.multi_reduction <maximumf>, %add3A_87, %reduce_max3A [1] : vector<64x2xf32> to vector<64xf32>
      %broadcast_in_dim3A = vector.shape_cast %reduce_max3A_88 : vector<64xf32> to vector<64x1xf32>
      %sub3A_89 = vector.broadcast %broadcast_in_dim3A : vector<64x1xf32> to vector<64x2xf32>
      %sub3A_90 = arith.subf %add3A_87, %sub3A_89 : vector<64x2xf32>
      %exp3A = math.exp %sub3A_90 : vector<64x2xf32>
      %reduce_sum3A = arith.constant dense<0.000000e+00> : vector<64xf32>
      %reduce_sum3A_91 = vector.multi_reduction <add>, %exp3A, %reduce_sum3A [1] : vector<64x2xf32> to vector<64xf32>
      %broadcast_in_dim3A_92 = vector.shape_cast %reduce_sum3A_91 : vector<64xf32> to vector<64x1xf32>
      %sub3A_93 = vector.broadcast %broadcast_in_dim3A : vector<64x1xf32> to vector<64x2xf32>
      %sub3A_94 = arith.subf %add3A_87, %sub3A_93 : vector<64x2xf32>
      %log3A = math.log %broadcast_in_dim3A_92 : vector<64x1xf32>
      %sub3A_95 = vector.broadcast %log3A : vector<64x1xf32> to vector<64x2xf32>
      %sub3A_96 = arith.subf %sub3A_94, %sub3A_95 : vector<64x2xf32>
      %swap3A = arith.constant 0 : index
      %swap3A_97 = arith.constant 0 : index
      %swap3A_98 = vector.load %arg10[%swap3A, %swap3A_97] : memref<64x2xf32, #tpu.memory_space<vmem>>, vector<64x2xf32>
      tpu.vector_store %arg10[%swap3A, %swap3A_97], %sub3A_96 {strides = array<i32>} : memref<64x2xf32, #tpu.memory_space<vmem>>, vector<64x2xf32>,
    } else {
    }
    return
  }
  func.func @transform_0(%arg0: i32) -> (i32, i32) {
    %c0_i32 = arith.constant 0 : i32
    %c0_i32_0 = arith.constant 0 : i32
    return %arg0, %c0_i32 : i32, i32
  }
  func.func @transform_1(%arg0: i32) -> (i32, i32) {
    %c0_i32 = arith.constant 0 : i32
    %c0_i32_0 = arith.constant 0 : i32
    return %arg0, %c0_i32 : i32, i32
  }
  func.func @transform_2(%arg0: i32) -> (i32, i32) {
    %c0_i32 = arith.constant 0 : i32
    %c0_i32_0 = arith.constant 0 : i32
    return %arg0, %c0_i32 : i32, i32
  }
  func.func @transform_3(%arg0: i32) -> (i32, i32) {
    %c0_i32 = arith.constant 0 : i32
    %c0_i32_0 = arith.constant 0 : i32
    %c0_i32_1 = arith.constant 0 : i32
    return %c0_i32, %c0_i32_0 : i32, i32
  }
  func.func @transform_4(%arg0: i32) -> (i32, i32) {
    %c0_i32 = arith.constant 0 : i32
    %c0_i32_0 = arith.constant 0 : i32
    %c0_i32_1 = arith.constant 0 : i32
    return %c0_i32, %c0_i32_0 : i32, i32
  }
  func.func @transform_5(%arg0: i32) -> (i32, i32) {
    %c0_i32 = arith.constant 0 : i32
    %c0_i32_0 = arith.constant 0 : i32
    return %arg0, %c0_i32 : i32, i32
  }
  func.func @transform_6(%arg0: i32) -> (i32, i32) {
    %c0_i32 = arith.constant 0 : i32
    %c0_i32_0 = arith.constant 0 : i32
    %c0_i32_1 = arith.constant 0 : i32
    return %c0_i32, %c0_i32_0 : i32, i32
  }
  func.func @transform_7(%arg0: i32) -> (i32, i32) {
    %c0_i32 = arith.constant 0 : i32
    %c0_i32_0 = arith.constant 0 : i32
    %c0_i32_1 = arith.constant 0 : i32
    return %c0_i32, %c0_i32_0 : i32, i32
  }
  func.func @transform_8(%arg0: i32) -> (i32, i32) {
    %c0_i32 = arith.constant 0 : i32
    %c0_i32_0 = arith.constant 0 : i32
    %c0_i32_1 = arith.constant 0 : i32
    return %c0_i32, %c0_i32_0 : i32, i32
  }
  func.func @transform_9(%arg0: i32) -> (i32, i32) {
    %c0_i32 = arith.constant 0 : i32
    %c0_i32_0 = arith.constant 0 : i32
    %c0_i32_1 = arith.constant 0 : i32
    return %c0_i32, %c0_i32_0 : i32, i32
  }
}

</mosaic_0001>

<sc_bundles>
// kernel: kernel.12.cloned.1.call-start
scs
__scs_entry_jumppad:
0x0: {  	(pc) =	sbr.rel $0x88, $3  }
0x1: {  	(tag) =	ssettag $0x0;
	lr =	simm.s32 $0x1  }
0x2: {  	[smem:$0x3F82] =	sst lr;
	_ =	strace $0xD0000000  }
0x3: {  	_ = 	snop  }
0x4: {  	_ = 	snop  }
0x5: {  	_ = 	snop  }
0x6: {  	_ = 	snop  }
0x7: {  	_ = 	snop  }
__scs_overlays_trampoline_lowered:
0x8: {  	[smem:$0x3F91] =	sst s0  }
0x9: {  	[smem:$0x3F92] =	sst s1  }
0xa: {  	[smem:$0x3F93] =	sst s2  }
0xb: {  	[smem:$0x3F94] =	sst s3  }
0xc: {  	[smem:$0x3F95] =	sst s4  }
0xd: {  	[smem:$0x3F96] =	sst s5  }
0xe: {  	[smem:$0x3F97] =	sst s6  }
0xf: {  	[smem:$0x3F98] =	sst s7  }
0x10: {  	[smem:$0x3F99] =	sst s8  }
0x11: {  	[smem:$0x3F9A] =	sst s9;
	s0 =	simm.s32 @!p0 $0x0  }
0x12: {  	s1 =	sld [smem:$0x3F80];
	s0 =	simm.s32 @p0 $0x1  }
0x13: {  	[smem:$0x3F9B] =	sst s0;
	s0 =	simm.s32 @!p1 $0x0  }
0x14: {  	s2 =	sld [smem:$0x3F7F];
	s0 =	simm.s32 @p1 $0x1  }
0x15: {  	[smem:$0x3F9C] =	sst s0;
	s0 =	simm.s32 @!p2 $0x0  }
0x16: {  	s3 =	sld [smem:$0x3FDB];
	s0 =	simm.s32 @p2 $0x1  }
0x17: {  	s4 =	simm.s32 $0x1BF5;
	[smem:$0x3F9E] =	sst s0  }
0x18: {  	s0 =	sld [smem:$0x3F81];
	_ =	swait.ge [sflag:s4], $0x0  }
0x19: {  	s7 =	sld [smem:$0x3F82]  }
0x1a: {  	s8 =	sadd.s32 $0xFFFFE003, lr  }
0x1b: {  	s9 =	sadd.s32 $0xFFFFFEF7, lr;
	s5 =	simm.s32 $0xFFFFFFFF;
	p2 =	slt.u32 s8, $0xFFFFF086  }
0x1c: {  	p1 =	slt.u32 s9, $0xF7A;
	s5 =	simm.s32 @!p2 $0x0  }
0x1d: {  	s5 =	simm.s32 @p1 $0x1;
	p0 =	seq.s32 s7, s2  }
0x1e: {  	s7 =	smul.u32 @!p0 $0xF7A, s2;
	p2 =	seq.s32 @!p0 s5, $0x0  }
0x1f: {  	s9 =	smul.u32 $0xF7A, s1;
	s8 =	simm.s32 @!p0 $0x1BF5;
	p2 =	por !p2, p0  }
0x20: {  	[sflag:s8] =	ssyncset.s32 @!p0 $0xFFFFF086;
	s6 =	sadd.s32 @!p0 s3, s7;
	s7 =	simm.s32 @!p0 $0x108  }
0x21: {  	s3 =	sadd.s32 s3, s9;
	s6 =	sadd.s32 @!p0 $0x88, s6;
	s7 =	simm.s32 @p2 $0x1082  }
0x22: {  	[simem:s7], [sflag:s8] =	dma.local @!p0 [hbm:s6], $0xF7A  }
0x23: {  	s9 =	sor.u32 $0xD0000000, s2;
	s6 =	simm.s32 $0x108;
	_ =	swait.ge @!p0 [sflag:s8], $0x0  }
0x24: {  	s3 =	sadd.s32 $0x88, s3;
	s6 =	simm.s32 @!p1 $0x1082;
	[sflag:s4] =	ssyncset.s32 $0xFFFFF086  }
0x25: {  	[simem:s6], [sflag:s4] =	dma.local [hbm:s3], $0xF7A  }
0x26: {  	[smem:$0x3F82] =	sst s1;
	(tag) =	ssettag s2;
	_ =	strace s9  }
0x27: {  	s1 =	sld [smem:$0x3F92]  }
0x28: {  	s2 =	sld [smem:$0x3F93]  }
0x29: {  	s4 =	sld [smem:$0x3F95]  }
0x2a: {  	p0 =	seq.s32 s5, $0x0;
	s5 =	sld [smem:$0x3F96]  }
0x2b: {  	s6 =	sld [smem:$0x3F97]  }
0x2c: {  	s7 =	sld [smem:$0x3F98]  }
0x2d: {  	s3 =	simm.s32 $0x108;
	s8 =	sld [smem:$0x3F99]  }
0x2e: {  	s3 =	simm.s32 @!p0 $0x1082;
	s9 =	sld [smem:$0x3F9A]  }
0x2f: {  	lr =	sadd.s32 s0, s3;
	s0 =	sld [smem:$0x3F91]  }
0x30: {  	s3 =	sld [smem:$0x3F94]  }
0x31: {  	[smem:$0x3F9D] =	sst s10  }
0x32: {  	s10 =	sld [smem:$0x3F9B];
	_ =	sdelay $0x3  }
0x33: {  	p0 =	seq.s32 s10, $0x1;
	s10 =	sld [smem:$0x3F9D];
	_ =	sdelay $0x3  }
0x34: {  	[smem:$0x3F9D] =	sst s10  }
0x35: {  	s10 =	sld [smem:$0x3F9C];
	_ =	sdelay $0x3  }
0x36: {  	p1 =	seq.s32 s10, $0x1;
	s10 =	sld [smem:$0x3F9D];
	_ =	sdelay $0x3  }
0x37: {  	[smem:$0x3F9D] =	sst s10  }
0x38: {  	s10 =	sld [smem:$0x3F9E]  }
0x39: {  	_ = 	snop;
	(pc) =	sbr.ind lr, $3  }
0x3a: {  	_ = 	snop  }
0x3b: {  	_ = 	snop  }
0x3c: {  	p2 =	seq.s32 s10, $0x1;
	s10 =	sld [smem:$0x3F9D]  }
0x3d: {  	_ =	shalt  }
0x3e: {  	_ =	shalt  }
0x3f: {  	_ =	shalt  }
0x40: {  	_ =	shalt  }
0x41: {  	_ =	shalt  }
0x42: {  	_ =	shalt  }
0x43: {  	_ =	shalt  }
0x44: {  	_ =	shalt  }
0x45: {  	_ =	shalt  }
0x46: {  	_ =	shalt  }
0x47: {  	_ =	shalt  }
0x48: {  	_ =	shalt  }
0x49: {  	_ =	shalt  }
0x4a: {  	_ =	shalt  }
0x4b: {  	_ =	shalt  }
0x4c: {  	_ =	shalt  }
0x4d: {  	_ =	shalt  }
0x4e: {  	_ =	shalt  }
0x4f: {  	_ =	shalt  }
0x50: {  	_ =	shalt  }
0x51: {  	_ =	shalt  }
0x52: {  	_ =	shalt  }
0x53: {  	_ =	shalt  }
0x54: {  	_ =	shalt  }
0x55: {  	_ =	shalt  }
0x56: {  	_ =	shalt  }
0x57: {  	_ =	shalt  }
0x58: {  	_ =	shalt  }
0x59: {  	_ =	shalt  }
0x5a: {  	_ =	shalt  }
0x5b: {  	_ =	shalt  }
0x5c: {  	_ =	shalt  }
0x5d: {  	_ =	shalt  }
0x5e: {  	_ =	shalt  }
0x5f: {  	_ =	shalt  }
0x60: {  	_ =	shalt  }
0x61: {  	_ =	shalt  }
0x62: {  	_ =	shalt  }
0x63: {  	_ =	shalt  }
0x64: {  	_ =	shalt  }
0x65: {  	_ =	shalt  }
0x66: {  	_ =	shalt  }
0x67: {  	_ =	shalt  }
0x68: {  	_ =	shalt  }
0x69: {  	_ =	shalt  }
0x6a: {  	_ =	shalt  }
0x6b: {  	_ =	shalt  }
0x6c: {  	_ =	shalt  }
0x6d: {  	_ =	shalt  }
0x6e: {  	_ =	shalt  }
0x6f: {  	_ =	shalt  }
0x70: {  	_ =	shalt  }
0x71: {  	_ =	shalt  }
0x72: {  	_ =	shalt  }
0x73: {  	_ =	shalt  }
0x74: {  	_ =	shalt  }
0x75: {  	_ =	shalt  }
0x76: {  	_ =	shalt  }
0x77: {  	_ =	shalt  }
0x78: {  	_ =	shalt  }
0x79: {  	_ =	shalt  }
0x7a: {  	_ =	shalt  }
0x7b: {  	_ =	shalt  }
0x7c: {  	_ =	shalt  }
0x7d: {  	_ =	shalt  }
0x7e: {  	_ =	shalt  }
0x7f: {  	_ =	shalt  }
0x80: {  	_ =	shalt  }
0x81: {  	_ =	shalt  }
0x82: {  	_ =	shalt  }
0x83: {  	_ =	shalt  }
0x84: {  	_ =	shalt  }
0x85: {  	_ =	shalt  }
0x86: {  	_ =	shalt  }
0x87: {  	_ =	shalt  }
.Lfunc_end0:
.L_simem_size_0:
called_computation.1_lowered:
.L_overlay_start_0:
0x88: {  	s2 =	sld [smem:$0x3FD9]  }
0x89: {  	s3 =	sld [smem:$0x3FFE];
	_ =	sdelay $0x1  }
0x8a: {  	s1 =	srdreg.scid  }
0x8b: {  	s0 =	sand.u32 $0x1, s1  }
0x8c: {  	s16 =	sshll.u32 s0, $0xA;
	s2 =	sadd.s32 s3, s2  }
0x8d: {  	s2 =	sadd.s32 s2, s16  }
0x8e: {  	[smem:$0x3FA9] =	sst s2  }
0x8f: {  	_ = 	snop  }
0x90: {  	(tm) =	ssettm $0x1  }
0x91: {  	s17 =	sld [smem:$0x3FFB];
	_ =	sdelay $0x3  }
0x92: {  	_ =	strace s17  }
0x93: {  	s2 =	sld [smem:$0x3FFC];
	_ =	sdelay $0x3  }
0x94: {  	_ =	strace s2  }
0x95: {  	s2 =	sld [smem:$0x3FFD];
	_ =	sdelay $0x3  }
0x96: {  	_ =	strace s2  }
0x97: {  	_ =	strace $0x8FFFFFFF  }
0x98: {  	s18 =	sld [smem:$0x3FDB];
	_ =	sdelay $0x1  }
0x99: {  	s19 =	simm.s32 $_scs_section_size  }
0x9a: {  	s4 =	simm.s32 $_size__tile_overlayer_lowered;
	s5 =	simm.s32 $_tile_overlayer_lowered  }
0x9b: {  	s22 =	simm.s32 $0x1BFF;
	s21 =	sshll.u32 s5, $0x1;
	s2 =	sadd.s32 s19, s18  }
0x9c: {  	s6 =	simm.s32 $0x0;
	s20 =	sshll.u32 s4, $0x1;
	s4 =	sadd.s32 s21, s2  }
0x9d: {  	[timem:s6], [sflag:s22] =	dma.local [hbm:s4], s20  }
0x9e: {  	_ =	swait.ge [sflag:s22], s20  }
0x9f: {  	s3 =	ssub.s32 $0x0, s20;
	[sflag:s22] =	ssyncset.done $0x0  }
0xa0: {  	[sflag:s22] =	ssyncadd.s32 s3;
	_ =	sdelay $0x1  }
0xa1: {  	s23 =	simm.s32 $0x1B8B  }
0xa2: {  	_ =	swait.ge [sflag:s23], $0x1  }
0xa3: {  	[sflag:s23] =	ssyncset.done $0x0  }
0xa4: {  	s25 =	simm.s32 $0x1B8E;
	s24 =	sld [smem:$0x3FFE];
	[sflag:s23] =	ssyncadd.s32 $0xFFFFFFFF  }
0xa5: {  	s26 =	simm.s32 $execute0_lowered;
	[smem:$0x3FD2] =	sst s25  }
0xa6: {  	s4 =	sshll.u32 s26, $0x1;
	_ =	strace $0x80000049;
	[dreg:$0x1] =	wrdreg $0xFFFFFFFF  }
0xa7: {  	s28 =	simm.s32 $_size_execute0_lowered;
	s2 =	sadd.s32 s2, s4;
	[dreg:$0x0] =	wrdreg $0x0  }
0xa8: {  	s4 =	sshll.u32 s28, $0x1;
	[dreg:$0x2] =	wrdreg s2  }
0xa9: {  	[dreg:$0x3] =	wrdreg s4  }
0xaa: {  	[dreg:$0x4] =	wrdreg $0xC0  }
0xab: {  	_ =	task [dreg:s6], $0x5FFFF  }
0xac: {  	[dreg:$0x1] =	wrdreg $0xFFFFFFFF  }
0xad: {  	[dreg:$0x0] =	wrdreg $0x60  }
0xae: {  	[dreg:$0x2] =	wrdreg s24  }
0xaf: {  	[dreg:$0x3] =	wrdreg $0x150000  }
0xb0: {  	[dreg:$0x4] =	wrdreg $0x9  }
0xb1: {  	_ =	task.clear_ibuf [dreg:s6], $0x5FFFF;
	_ =	strace $0x90000049  }
0xb2: {  	s29 =	simm.s32 $0x9;
	_ =	strace $0x8000004B  }
0xb3: {  	_ =	swait.ge [sflag:s29], $0x1  }
0xb4: {  	[sflag:s29] =	ssyncadd.s32 $0xFFFFFFFF  }
0xb5: {  	_ =	strace $0x9000004B  }
0xb6: {  	_ =	sfence  }
0xb7: {  	s30 =	sld [smem:$0x0];
	_ =	sdelay $0x2  }
0xb8: {  	s31 =	sshll.u32 s1, $0xD;
	s1 =	sshrl.u32 s1, $0x2  }
0xb9: {  	s3 =	sand.u32 $0x4000, s31;
	s1 =	sadd.s32 s1, s30  }
0xba: {  	s0 =	sor.u32 s3, s0;
	s1 =	sshll.u32 s1, $0x11  }
0xbb: {  	s0 =	sor.u32 s1, s0  }
0xbc: {  	s0 =	sadd.s32 $0x8F2B, s0  }
0xbd: {  	[sflag:s0] =	ssyncadd.remote.s32 $0x1  }
0xbe: {  	_ =	sfence.sel $0xFFFF  }
0xbf: {  	[dreg:$0x0] =	wrdreg $0xFFFFFFFF;
	(pc) =	sbr.abs _section_cstart, $3  }
0xc0: {  	[dreg:$0x1] =	wrdreg $0xFFFFFFFF  }
0xc1: {  	_ =	task.clear_ibuf [dreg:s6], $0x2FFFF;
	_ =	strace $0x9FFFFFFF  }
0xc2: {  	(tm) =	ssettm $0x7FFFFFFF  }
0xc3: {  	_ =	shalt  }
tec
execute0_lowered:
.L_overlay_start_1:
0x0: {  	(tag) =	ssettag $0x1  }
0x1: {  	s0 =	srdreg.scid;
	s1 =	rddreg [dreg:$0x0]  }
0x2: {  	s2 =	rddreg [dreg:$0x1];
	s9 =	stileid.u32;
	s3 =	simm.s32 $0x0  }
0x3: {  	s14 =	simm.s32 $0x9;
	s15 =	simm.s32 $0x2800;
	s16 =	simm.s32 $0x80  }
0x4: {  	s17 =	simm.s32 $0x5000;
	s18 =	simm.s32 $0x7000;
	s20 =	simm.s32 $0x9000  }
0x5: {  	s28 =	simm.s32 $0x13000;
	s29 =	simm.s32 $0x1;
	s21 =	simm.s32 $0x2  }
0x6: {  	s30 =	simm.s32 $0x6;
	s31 =	simm.s32 $0x7;
	s19 =	simm.s32 $0x8  }
0x7: {  	s0 =	sand.u32 $0x1, s0;
	[smem:$0x7FF] =	sst s3;
	s6 =	smul.u32 $0xA000, s9  }
0x8: {  	s4 =	sshll.u32 s0, $0x4;
	s5 =	ssub.s32 $0x2, s0;
	p0 =	seq.s32 s0, $0x1  }
0x9: {  	s0 =	simm.s32 $0x2D400;
	s4 =	sor.u32 s9, s4;
	s9 =	smul.u32 $0x28000, s9  }
0xa: {  	s8 =	sshrl.u32 s5, $0x1;
	s0 =	simm.s32 @!p0 $0x41400;
	s4 =	smul.u32 $0x500, s4  }
0xb: {  	_ =	strace $0x8000004A;
	s5 =	ssub.s32 s5, s8;
	s0 =	sadd.s32 s0, s1  }
0xc: {  	s23 =	sshrl.u32 s9, $0x2;
	s12 =	smax.u32 s5, $0x1;
	s7 =	sadd.s32 s4, s1  }
0xd: {  	s5 =	simm.s32 $0x0;
	s4 =	sadd.s32 $0x5400, s1;
	s22 =	sadd.s32 $0x19400, s7  }
0xe: {  	s8 =	sadd.s32 s23, s2;
	s7 =	sadd.s32 $0x23400, s7;
	[dreg:$0x3] =	wrdreg s22  }
0xf: {  	s23 =	simm.s32 $0x5;
	s24 =	sadd.s32 $0x2000, s8;
	[dreg:$0x4] =	wrdreg s7  }
0x10: {  	s1 =	simm.s32 $0x4;
	s25 =	sadd.s32 $0x4000, s8;
	[dreg:$0x5] =	wrdreg s24  }
0x11: {  	s26 =	sadd.s32 $0x6000, s8;
	s11 =	sadd.s32 $0x8000, s8;
	[dreg:$0x6] =	wrdreg s25  }
0x12: {  	s7 =	sadd.s32 s6, s2;
	[dreg:$0x7] =	wrdreg s26;
	s6 =	sshrl.u32 s6, $0x3  }
0x13: {  	s22 =	simm.s32 $0xB000;
	s24 =	simm.s32 $0xD000;
	s26 =	simm.s32 $0xF000  }
0x14: {  	v0 =	vimm.f32 $0.0e+00;
	s25 =	simm.s32 $0x3;
	s13 =	sadd.s32 s0, s6;
	s0 =	simm.s32 $0x11000  }
.LBB2_1:
0x15: {  	s6 =	rddreg [dreg:$0x3]  }
0x16: {  	[tilespmem:s3], [sflag:$0x9] =	stream.linear.gather [hbm4b:s6+s3], $0x2800, $0x38;
	[tilespmem:$0x1F000] =	vst v63  }
0x17: {  	_ =	swait.ge [sflag:s14], $0x2800  }
0x18: {  	[sflag:s14] =	ssyncset.done $0x0  }
0x19: {  	s8 =	rddreg [dreg:$0x4];
	[sflag:s14] =	ssyncadd.s32 $0xFFFFD800  }
0x1a: {  	[tilespmem:s15], [sflag:$0x9] =	stream.linear.gather [hbm4b:s8+s3], $0x2800, $0x38;
	[tilespmem:$0x1F000] =	vst v63  }
0x1b: {  	_ =	swait.ge [sflag:s14], $0x2800  }
0x1c: {  	[sflag:s14] =	ssyncset.done $0x0  }
0x1d: {  	[sflag:s14] =	ssyncadd.s32 $0xFFFFD800  }
0x1e: {  	[tilespmem:s17], [sflag:$0x1] =	stream.indirect.gather [hbm4b:s4+s16], $0x40, s3, s16, $0xb8;
	[tilespmem:$0x1F000] =	vst v63  }
0x1f: {  	_ = 	snop  }
0x20: {  	[tilespmem:s18], [sflag:$0x1] =	stream.indirect.gather [hbm4b:s4+s16], $0x40, s16, s16, $0xb8;
	[tilespmem:$0x1F000] =	vst v63  }
0x21: {  	s9 =	simm.s32 $0x100  }
0x22: {  	[tilespmem:s20], [sflag:$0x2] =	stream.indirect.gather [hbm4b:s4+s16], $0x40, s9, s16, $0xb8;
	[tilespmem:$0x1F000] =	vst v63  }
0x23: {  	s10 =	simm.s32 $0x180  }
0x24: {  	[tilespmem:s22], [sflag:$0x2] =	stream.indirect.gather [hbm4b:s4+s16], $0x40, s10, s16, $0xb8;
	[tilespmem:$0x1F000] =	vst v63  }
0x25: {  	s8 =	simm.s32 $0x200  }
0x26: {  	[tilespmem:s24], [sflag:$0x3] =	stream.indirect.gather [hbm4b:s4+s16], $0x40, s8, s16, $0xb8;
	[tilespmem:$0x1F000] =	vst v63  }
0x27: {  	s9 =	simm.s32 $0x280;
	s10 =	sand.u32 $0x7F00, s3  }
0x28: {  	[tilespmem:s26], [sflag:$0x3] =	stream.indirect.gather [hbm4b:s4+s16], $0x40, s9, s16, $0xb8;
	[tilespmem:$0x1F000] =	vst v63  }
0x29: {  	s8 =	sand.u32 $0x30, s3;
	s9 =	sshrl.u32 s10, $0x2  }
0x2a: {  	s6 =	simm.s32 $0x40;
	s9 =	sor.u32 s8, s9;
	s8 =	simm.s32 $0x0  }
.LBB2_2:
0x2b: {  	p0 =	sne.s32 s6, $0x7FC0  }
0x2c: {  	[tilespmem:s9+$0x13000] =	vst v0;
	s8 =	sadd.s32 $0x10, s8;
	s9 =	smov.u32 s6;
	s6 =	sadd.s32 $0x40, s6  }
.Ltmp0:
0x2d: {  	(pc) =	sbr.rel @p0 .LBB2_2-.Ltmp0, $4  }
0x2e: {  	_ = 	snop  }
0x2f: {  	s9 =	sand.u32 $0x7F00, s9  }
0x30: {  	s10 =	sand.u32 $0x30, s8;
	s9 =	sshrl.u32 s9, $0x2  }
0x31: {  	s9 =	sor.u32 s10, s9  }
0x32: {  	[tilespmem:s9+$0x13000] =	vst v0  }
0x33: {  	[spmem:s7] =	stream.linear.scatter [tilespmem:s28], [sflag:$0x9], $0x2000, $0x38;
	[tilespmem:$0x1F000] =	vst v63  }
0x34: {  	_ =	swait.ge [sflag:s14], $0x2000  }
0x35: {  	[sflag:s14] =	ssyncset.done $0x0  }
0x36: {  	s6 =	rddreg [dreg:$0x5];
	[sflag:s14] =	ssyncadd.s32 $0xFFFFE000  }
0x37: {  	[spmem:s6] =	stream.linear.scatter [tilespmem:s28], [sflag:$0x9], $0x2000, $0x38;
	[tilespmem:$0x1F000] =	vst v63  }
0x38: {  	_ =	swait.ge [sflag:s14], $0x2000  }
0x39: {  	[sflag:s14] =	ssyncset.done $0x0  }
0x3a: {  	s9 =	rddreg [dreg:$0x6];
	[sflag:s14] =	ssyncadd.s32 $0xFFFFE000  }
0x3b: {  	[spmem:s9] =	stream.linear.scatter [tilespmem:s28], [sflag:$0x9], $0x2000, $0x38;
	[tilespmem:$0x1F000] =	vst v63  }
0x3c: {  	_ =	swait.ge [sflag:s14], $0x2000  }
0x3d: {  	[sflag:s14] =	ssyncset.done $0x0  }
0x3e: {  	s10 =	rddreg [dreg:$0x7];
	[sflag:s14] =	ssyncadd.s32 $0xFFFFE000  }
0x3f: {  	[spmem:s10] =	stream.linear.scatter [tilespmem:s28], [sflag:$0x9], $0x2000, $0x38;
	[tilespmem:$0x1F000] =	vst v63  }
0x40: {  	_ =	swait.ge [sflag:s14], $0x2000  }
0x41: {  	[sflag:s14] =	ssyncset.done $0x0  }
0x42: {  	[sflag:s14] =	ssyncadd.s32 $0xFFFFE000  }
0x43: {  	[spmem:s11] =	stream.linear.scatter [tilespmem:s28], [sflag:$0x9], $0x2000, $0x38;
	[tilespmem:$0x1F000] =	vst v63  }
0x44: {  	_ =	swait.ge [sflag:s14], $0x2000  }
0x45: {  	[sflag:s14] =	ssyncset.done $0x0  }
0x46: {  	[sflag:s14] =	ssyncadd.s32 $0xFFFFE000  }
0x47: {  	[bflag:$0x0] =	sbarrier.arrive $0xFFFF  }
0x48: {  	_ =	swait.ge [sflag:s29], $0x2000  }
0x49: {  	[sflag:s29] =	ssyncset.done $0x0  }
0x4a: {  	[sflag:s29] =	ssyncadd.s32 $0xFFFFE000  }
0x4b: {  	_ =	swait.ge [sflag:s29], $0x2000  }
0x4c: {  	[sflag:s29] =	ssyncset.done $0x0  }
0x4d: {  	[sflag:s29] =	ssyncadd.s32 $0xFFFFE000  }
0x4e: {  	[spmem:s2] =	stream.indirect.scatter.add.f32 [tilespmem:s17], [sflag:$0x5], $0x40, s15, s16, $0xb8;
	[tilespmem:$0x1F000] =	vst v63  }
0x4f: {  	s8 =	simm.s32 $0x2880  }
0x50: {  	[spmem:s2] =	stream.indirect.scatter.add.f32 [tilespmem:s18], [sflag:$0x5], $0x40, s8, s16, $0xb8;
	[tilespmem:$0x1F000] =	vst v63  }
0x51: {  	s9 =	simm.s32 $0x300  }
0x52: {  	[tilespmem:s0], [sflag:$0x4] =	stream.indirect.gather [hbm4b:s4+s16], $0x40, s9, s16, $0xb8;
	[tilespmem:$0x1F000] =	vst v63  }
0x53: {  	s10 =	simm.s32 $0x380  }
0x54: {  	[tilespmem:s28], [sflag:$0x4] =	stream.indirect.gather [hbm4b:s4+s16], $0x40, s10, s16, $0xb8;
	[tilespmem:$0x1F000] =	vst v63  }
0x55: {  	_ =	swait.ge [sflag:s21], $0x2000  }
0x56: {  	[sflag:s21] =	ssyncset.done $0x0  }
0x57: {  	[sflag:s21] =	ssyncadd.s32 $0xFFFFE000  }
0x58: {  	_ =	swait.ge [sflag:s21], $0x2000  }
0x59: {  	[sflag:s21] =	ssyncset.done $0x0  }
0x5a: {  	s8 =	simm.s32 $0x2900;
	[sflag:s21] =	ssyncadd.s32 $0xFFFFE000  }
0x5b: {  	[spmem:s2] =	stream.indirect.scatter.add.f32 [tilespmem:s20], [sflag:$0x6], $0x40, s8, s16, $0xb8;
	[tilespmem:$0x1F000] =	vst v63  }
0x5c: {  	s9 =	simm.s32 $0x2980  }
0x5d: {  	[spmem:s2] =	stream.indirect.scatter.add.f32 [tilespmem:s22], [sflag:$0x6], $0x40, s9, s16, $0xb8;
	[tilespmem:$0x1F000] =	vst v63  }
0x5e: {  	_ =	swait.ge [sflag:s23], $0x2000  }
0x5f: {  	[sflag:s23] =	ssyncset.done $0x0  }
0x60: {  	[sflag:s23] =	ssyncadd.s32 $0xFFFFE000  }
0x61: {  	_ =	swait.ge [sflag:s23], $0x2000  }
0x62: {  	[sflag:s23] =	ssyncset.done $0x0  }
0x63: {  	s10 =	simm.s32 $0x400;
	[sflag:s23] =	ssyncadd.s32 $0xFFFFE000  }
0x64: {  	[tilespmem:s17], [sflag:$0x1] =	stream.indirect.gather [hbm4b:s4+s16], $0x40, s10, s16, $0xb8;
	[tilespmem:$0x1F000] =	vst v63  }
0x65: {  	s8 =	simm.s32 $0x480  }
0x66: {  	[tilespmem:s18], [sflag:$0x1] =	stream.indirect.gather [hbm4b:s4+s16], $0x40, s8, s16, $0xb8;
	[tilespmem:$0x1F000] =	vst v63  }
0x67: {  	_ =	swait.ge [sflag:s25], $0x2000  }
0x68: {  	[sflag:s25] =	ssyncset.done $0x0  }
0x69: {  	[sflag:s25] =	ssyncadd.s32 $0xFFFFE000  }
0x6a: {  	_ =	swait.ge [sflag:s25], $0x2000  }
0x6b: {  	[sflag:s25] =	ssyncset.done $0x0  }
0x6c: {  	s9 =	simm.s32 $0x2A00;
	[sflag:s25] =	ssyncadd.s32 $0xFFFFE000  }
0x6d: {  	[spmem:s2] =	stream.indirect.scatter.add.f32 [tilespmem:s24], [sflag:$0x7], $0x40, s9, s16, $0xb8;
	[tilespmem:$0x1F000] =	vst v63  }
0x6e: {  	s10 =	simm.s32 $0x2A80  }
0x6f: {  	[spmem:s2] =	stream.indirect.scatter.add.f32 [tilespmem:s26], [sflag:$0x7], $0x40, s10, s16, $0xb8;
	[tilespmem:$0x1F000] =	vst v63  }
0x70: {  	_ =	swait.ge [sflag:s30], $0x2000  }
0x71: {  	[sflag:s30] =	ssyncset.done $0x0  }
0x72: {  	[sflag:s30] =	ssyncadd.s32 $0xFFFFE000  }
0x73: {  	_ =	swait.ge [sflag:s30], $0x2000  }
0x74: {  	[sflag:s30] =	ssyncset.done $0x0  }
0x75: {  	s8 =	simm.s32 $0x500;
	[sflag:s30] =	ssyncadd.s32 $0xFFFFE000  }
0x76: {  	[tilespmem:s20], [sflag:$0x2] =	stream.indirect.gather [hbm4b:s4+s16], $0x40, s8, s16, $0xb8;
	[tilespmem:$0x1F000] =	vst v63  }
0x77: {  	s9 =	simm.s32 $0x580  }
0x78: {  	[tilespmem:s22], [sflag:$0x2] =	stream.indirect.gather [hbm4b:s4+s16], $0x40, s9, s16, $0xb8;
	[tilespmem:$0x1F000] =	vst v63  }
0x79: {  	_ =	swait.ge [sflag:s1], $0x2000  }
0x7a: {  	[sflag:s1] =	ssyncset.done $0x0  }
0x7b: {  	[sflag:s1] =	ssyncadd.s32 $0xFFFFE000  }
0x7c: {  	_ =	swait.ge [sflag:s1], $0x2000  }
0x7d: {  	[sflag:s1] =	ssyncset.done $0x0  }
0x7e: {  	s10 =	simm.s32 $0x2B00;
	[sflag:s1] =	ssyncadd.s32 $0xFFFFE000  }
0x7f: {  	[spmem:s2] =	stream.indirect.scatter.add.f32 [tilespmem:s0], [sflag:$0x8], $0x40, s10, s16, $0xb8;
	[tilespmem:$0x1F000] =	vst v63  }
0x80: {  	s8 =	simm.s32 $0x2B80  }
0x81: {  	[spmem:s2] =	stream.indirect.scatter.add.f32 [tilespmem:s28], [sflag:$0x8], $0x40, s8, s16, $0xb8;
	[tilespmem:$0x1F000] =	vst v63  }
0x82: {  	_ =	swait.ge [sflag:s31], $0x2000  }
0x83: {  	[sflag:s31] =	ssyncset.done $0x0  }
0x84: {  	[sflag:s31] =	ssyncadd.s32 $0xFFFFE000  }
0x85: {  	_ =	swait.ge [sflag:s31], $0x2000  }
0x86: {  	[sflag:s31] =	ssyncset.done $0x0  }
0x87: {  	s9 =	simm.s32 $0x600;
	[sflag:s31] =	ssyncadd.s32 $0xFFFFE000  }
0x88: {  	[tilespmem:s24], [sflag:$0x3] =	stream.indirect.gather [hbm4b:s4+s16], $0x40, s9, s16, $0xb8;
	[tilespmem:$0x1F000] =	vst v63  }
0x89: {  	s10 =	simm.s32 $0x680  }
0x8a: {  	[tilespmem:s26], [sflag:$0x3] =	stream.indirect.gather [hbm4b:s4+s16], $0x40, s10, s16, $0xb8;
	[tilespmem:$0x1F000] =	vst v63  }
0x8b: {  	_ =	swait.ge [sflag:s29], $0x2000  }
0x8c: {  	[sflag:s29] =	ssyncset.done $0x0  }
0x8d: {  	[sflag:s29] =	ssyncadd.s32 $0xFFFFE000  }
0x8e: {  	_ =	swait.ge [sflag:s29], $0x2000  }
0x8f: {  	[sflag:s29] =	ssyncset.done $0x0  }
0x90: {  	s8 =	simm.s32 $0x2C00;
	[sflag:s29] =	ssyncadd.s32 $0xFFFFE000  }
0x91: {  	[spmem:s2] =	stream.indirect.scatter.add.f32 [tilespmem:s17], [sflag:$0x5], $0x40, s8, s16, $0xb8;
	[tilespmem:$0x1F000] =	vst v63  }
0x92: {  	s9 =	simm.s32 $0x2C80  }
0x93: {  	[spmem:s2] =	stream.indirect.scatter.add.f32 [tilespmem:s18], [sflag:$0x5], $0x40, s9, s16, $0xb8;
	[tilespmem:$0x1F000] =	vst v63  }
0x94: {  	_ =	swait.ge [sflag:s19], $0x2000  }
0x95: {  	[sflag:s19] =	ssyncset.done $0x0  }
0x96: {  	[sflag:s19] =	ssyncadd.s32 $0xFFFFE000  }
0x97: {  	_ =	swait.ge [sflag:s19], $0x2000  }
0x98: {  	s6 =	simm.s32 $0x1000;
	[sflag:s19] =	ssyncset.done $0x0  }
0x99: {  	s10 =	simm.s32 $0x700;
	s8 =	simm.s32 $0x780;
	[sflag:s19] =	ssyncadd.s32 $0xFFFFE000  }
0x9a: {  	[tilespmem:s0], [sflag:$0x4] =	stream.indirect.gather [hbm4b:s4+s16], $0x40, s10, s16, $0xb8;
	[tilespmem:$0x1F000] =	vst v63  }
.LBB2_4:
0x9b: {  	[tilespmem:s28], [sflag:$0x4] =	stream.indirect.gather [hbm4b:s4+s16], $0x40, s8, s16, $0xb8;
	[tilespmem:$0x1F000] =	vst v63  }
0x9c: {  	s8 =	smov.u32 s6  }
0x9d: {  	p0 =	sne.s32 s6, $0x8000;
	s6 =	sadd.s32 $0x1000, s6;
	_ =	swait.ge [sflag:s21], $0x2000  }
0x9e: {  	[sflag:s21] =	ssyncset.done $0x0  }
0x9f: {  	[sflag:s21] =	ssyncadd.s32 $0xFFFFE000  }
0xa0: {  	_ =	swait.ge [sflag:s21], $0x2000  }
0xa1: {  	s8 =	sshra.s32 s8, $0x2;
	[sflag:s21] =	ssyncset.done $0x0  }
0xa2: {  	s9 =	sadd.s32 $0x2900, s8;
	[sflag:s21] =	ssyncadd.s32 $0xFFFFE000  }
0xa3: {  	[spmem:s2] =	stream.indirect.scatter.add.f32 [tilespmem:s20], [sflag:$0x6], $0x40, s9, s16, $0xb8;
	[tilespmem:$0x1F000] =	vst v63  }
0xa4: {  	s9 =	sadd.s32 $0x2980, s8  }
0xa5: {  	[spmem:s2] =	stream.indirect.scatter.add.f32 [tilespmem:s22], [sflag:$0x6], $0x40, s9, s16, $0xb8;
	[tilespmem:$0x1F000] =	vst v63  }
0xa6: {  	_ =	swait.ge [sflag:s23], $0x2000  }
0xa7: {  	[sflag:s23] =	ssyncset.done $0x0  }
0xa8: {  	[sflag:s23] =	ssyncadd.s32 $0xFFFFE000  }
0xa9: {  	_ =	swait.ge [sflag:s23], $0x2000  }
0xaa: {  	[sflag:s23] =	ssyncset.done $0x0  }
0xab: {  	s9 =	sadd.s32 $0x400, s8;
	[sflag:s23] =	ssyncadd.s32 $0xFFFFE000  }
0xac: {  	[tilespmem:s17], [sflag:$0x1] =	stream.indirect.gather [hbm4b:s4+s16], $0x40, s9, s16, $0xb8;
	[tilespmem:$0x1F000] =	vst v63  }
0xad: {  	s9 =	sadd.s32 $0x480, s8  }
0xae: {  	[tilespmem:s18], [sflag:$0x1] =	stream.indirect.gather [hbm4b:s4+s16], $0x40, s9, s16, $0xb8;
	[tilespmem:$0x1F000] =	vst v63  }
0xaf: {  	_ =	swait.ge [sflag:s25], $0x2000  }
0xb0: {  	[sflag:s25] =	ssyncset.done $0x0  }
0xb1: {  	[sflag:s25] =	ssyncadd.s32 $0xFFFFE000  }
0xb2: {  	_ =	swait.ge [sflag:s25], $0x2000  }
0xb3: {  	[sflag:s25] =	ssyncset.done $0x0  }
0xb4: {  	s9 =	sadd.s32 $0x2A00, s8;
	[sflag:s25] =	ssyncadd.s32 $0xFFFFE000  }
0xb5: {  	[spmem:s2] =	stream.indirect.scatter.add.f32 [tilespmem:s24], [sflag:$0x7], $0x40, s9, s16, $0xb8;
	[tilespmem:$0x1F000] =	vst v63  }
0xb6: {  	s9 =	sadd.s32 $0x2A80, s8  }
0xb7: {  	[spmem:s2] =	stream.indirect.scatter.add.f32 [tilespmem:s26], [sflag:$0x7], $0x40, s9, s16, $0xb8;
	[tilespmem:$0x1F000] =	vst v63  }
0xb8: {  	_ =	swait.ge [sflag:s30], $0x2000  }
0xb9: {  	[sflag:s30] =	ssyncset.done $0x0  }
0xba: {  	[sflag:s30] =	ssyncadd.s32 $0xFFFFE000  }
0xbb: {  	_ =	swait.ge [sflag:s30], $0x2000  }
0xbc: {  	[sflag:s30] =	ssyncset.done $0x0  }
0xbd: {  	s9 =	sadd.s32 $0x500, s8;
	[sflag:s30] =	ssyncadd.s32 $0xFFFFE000  }
0xbe: {  	[tilespmem:s20], [sflag:$0x2] =	stream.indirect.gather [hbm4b:s4+s16], $0x40, s9, s16, $0xb8;
	[tilespmem:$0x1F000] =	vst v63  }
0xbf: {  	s9 =	sadd.s32 $0x580, s8  }
0xc0: {  	[tilespmem:s22], [sflag:$0x2] =	stream.indirect.gather [hbm4b:s4+s16], $0x40, s9, s16, $0xb8;
	[tilespmem:$0x1F000] =	vst v63  }
0xc1: {  	_ =	swait.ge [sflag:s1], $0x2000  }
0xc2: {  	[sflag:s1] =	ssyncset.done $0x0  }
0xc3: {  	[sflag:s1] =	ssyncadd.s32 $0xFFFFE000  }
0xc4: {  	_ =	swait.ge [sflag:s1], $0x2000  }
0xc5: {  	[sflag:s1] =	ssyncset.done $0x0  }
0xc6: {  	s9 =	sadd.s32 $0x2B00, s8;
	[sflag:s1] =	ssyncadd.s32 $0xFFFFE000  }
0xc7: {  	[spmem:s2] =	stream.indirect.scatter.add.f32 [tilespmem:s0], [sflag:$0x8], $0x40, s9, s16, $0xb8;
	[tilespmem:$0x1F000] =	vst v63  }
0xc8: {  	s9 =	sadd.s32 $0x2B80, s8  }
0xc9: {  	[spmem:s2] =	stream.indirect.scatter.add.f32 [tilespmem:s28], [sflag:$0x8], $0x40, s9, s16, $0xb8;
	[tilespmem:$0x1F000] =	vst v63  }
0xca: {  	_ =	swait.ge [sflag:s31], $0x2000  }
0xcb: {  	[sflag:s31] =	ssyncset.done $0x0  }
0xcc: {  	[sflag:s31] =	ssyncadd.s32 $0xFFFFE000  }
0xcd: {  	_ =	swait.ge [sflag:s31], $0x2000  }
0xce: {  	[sflag:s31] =	ssyncset.done $0x0  }
0xcf: {  	s9 =	sadd.s32 $0x600, s8;
	[sflag:s31] =	ssyncadd.s32 $0xFFFFE000  }
0xd0: {  	[tilespmem:s24], [sflag:$0x3] =	stream.indirect.gather [hbm4b:s4+s16], $0x40, s9, s16, $0xb8;
	[tilespmem:$0x1F000] =	vst v63  }
0xd1: {  	s9 =	sadd.s32 $0x680, s8  }
0xd2: {  	[tilespmem:s26], [sflag:$0x3] =	stream.indirect.gather [hbm4b:s4+s16], $0x40, s9, s16, $0xb8;
	[tilespmem:$0x1F000] =	vst v63  }
0xd3: {  	_ =	swait.ge [sflag:s29], $0x2000  }
0xd4: {  	[sflag:s29] =	ssyncset.done $0x0  }
0xd5: {  	[sflag:s29] =	ssyncadd.s32 $0xFFFFE000  }
0xd6: {  	_ =	swait.ge [sflag:s29], $0x2000  }
0xd7: {  	[sflag:s29] =	ssyncset.done $0x0  }
0xd8: {  	s9 =	sadd.s32 $0x2C00, s8;
	[sflag:s29] =	ssyncadd.s32 $0xFFFFE000  }
0xd9: {  	[spmem:s2] =	stream.indirect.scatter.add.f32 [tilespmem:s17], [sflag:$0x5], $0x40, s9, s16, $0xb8;
	[tilespmem:$0x1F000] =	vst v63  }
0xda: {  	s9 =	sadd.s32 $0x2C80, s8  }
0xdb: {  	[spmem:s2] =	stream.indirect.scatter.add.f32 [tilespmem:s18], [sflag:$0x5], $0x40, s9, s16, $0xb8;
	[tilespmem:$0x1F000] =	vst v63  }
0xdc: {  	_ =	swait.ge [sflag:s19], $0x2000  }
0xdd: {  	[sflag:s19] =	ssyncset.done $0x0  }
0xde: {  	[sflag:s19] =	ssyncadd.s32 $0xFFFFE000  }
.Ltmp1:
0xdf: {  	_ =	swait.ge [sflag:s19], $0x2000;
	(pc) =	sbr.rel @p0 .LBB2_4-.Ltmp1, $4  }
0xe0: {  	[sflag:s19] =	ssyncset.done $0x0  }
0xe1: {  	s9 =	sadd.s32 $0x700, s8;
	[sflag:s19] =	ssyncadd.s32 $0xFFFFE000  }
0xe2: {  	[tilespmem:s0], [sflag:$0x4] =	stream.indirect.gather [hbm4b:s4+s16], $0x40, s9, s16, $0xb8;
	[tilespmem:$0x1F000] =	vst v63  }
0xe3: {  	s8 =	sadd.s32 $0x780, s8  }
0xe4: {  	[tilespmem:s28], [sflag:$0x4] =	stream.indirect.gather [hbm4b:s4+s16], $0x40, s8, s16, $0xb8;
	[tilespmem:$0x1F000] =	vst v63  }
0xe5: {  	_ =	swait.ge [sflag:s21], $0x2000  }
0xe6: {  	[sflag:s21] =	ssyncset.done $0x0  }
0xe7: {  	[sflag:s21] =	ssyncadd.s32 $0xFFFFE000  }
0xe8: {  	_ =	swait.ge [sflag:s21], $0x2000  }
0xe9: {  	[sflag:s21] =	ssyncset.done $0x0  }
0xea: {  	s6 =	simm.s32 $0x4D00;
	[sflag:s21] =	ssyncadd.s32 $0xFFFFE000  }
0xeb: {  	[spmem:s2] =	stream.indirect.scatter.add.f32 [tilespmem:s20], [sflag:$0x6], $0x40, s6, s16, $0xb8;
	[tilespmem:$0x1F000] =	vst v63  }
0xec: {  	s10 =	simm.s32 $0x4D80  }
0xed: {  	[spmem:s2] =	stream.indirect.scatter.add.f32 [tilespmem:s22], [sflag:$0x6], $0x40, s10, s16, $0xb8;
	[tilespmem:$0x1F000] =	vst v63  }
0xee: {  	_ =	swait.ge [sflag:s23], $0x2000  }
0xef: {  	[sflag:s23] =	ssyncset.done $0x0  }
0xf0: {  	[sflag:s23] =	ssyncadd.s32 $0xFFFFE000  }
0xf1: {  	_ =	swait.ge [sflag:s23], $0x2000  }
0xf2: {  	[sflag:s23] =	ssyncset.done $0x0  }
0xf3: {  	[sflag:s23] =	ssyncadd.s32 $0xFFFFE000  }
0xf4: {  	_ =	swait.ge [sflag:s25], $0x2000  }
0xf5: {  	[sflag:s25] =	ssyncset.done $0x0  }
0xf6: {  	[sflag:s25] =	ssyncadd.s32 $0xFFFFE000  }
0xf7: {  	_ =	swait.ge [sflag:s25], $0x2000  }
0xf8: {  	[sflag:s25] =	ssyncset.done $0x0  }
0xf9: {  	s8 =	simm.s32 $0x4E00;
	[sflag:s25] =	ssyncadd.s32 $0xFFFFE000  }
0xfa: {  	[spmem:s2] =	stream.indirect.scatter.add.f32 [tilespmem:s24], [sflag:$0x7], $0x40, s8, s16, $0xb8;
	[tilespmem:$0x1F000] =	vst v63  }
0xfb: {  	s9 =	simm.s32 $0x4E80  }
0xfc: {  	[spmem:s2] =	stream.indirect.scatter.add.f32 [tilespmem:s26], [sflag:$0x7], $0x40, s9, s16, $0xb8;
	[tilespmem:$0x1F000] =	vst v63  }
0xfd: {  	_ =	swait.ge [sflag:s30], $0x2000  }
0xfe: {  	[sflag:s30] =	ssyncset.done $0x0  }
0xff: {  	[sflag:s30] =	ssyncadd.s32 $0xFFFFE000  }
0x100: {  	_ =	swait.ge [sflag:s30], $0x2000  }
0x101: {  	[sflag:s30] =	ssyncset.done $0x0  }
0x102: {  	[sflag:s30] =	ssyncadd.s32 $0xFFFFE000  }
0x103: {  	_ =	swait.ge [sflag:s1], $0x2000  }
0x104: {  	[sflag:s1] =	ssyncset.done $0x0  }
0x105: {  	[sflag:s1] =	ssyncadd.s32 $0xFFFFE000  }
0x106: {  	_ =	swait.ge [sflag:s1], $0x2000  }
0x107: {  	[sflag:s1] =	ssyncset.done $0x0  }
0x108: {  	s10 =	simm.s32 $0x4F00;
	[sflag:s1] =	ssyncadd.s32 $0xFFFFE000  }
0x109: {  	[spmem:s2] =	stream.indirect.scatter.add.f32 [tilespmem:s0], [sflag:$0x8], $0x40, s10, s16, $0xb8;
	[tilespmem:$0x1F000] =	vst v63  }
0x10a: {  	s8 =	simm.s32 $0x4F80  }
0x10b: {  	[spmem:s2] =	stream.indirect.scatter.add.f32 [tilespmem:s28], [sflag:$0x8], $0x40, s8, s16, $0xb8;
	[tilespmem:$0x1F000] =	vst v63  }
0x10c: {  	_ =	swait.ge [sflag:s31], $0x2000  }
0x10d: {  	[sflag:s31] =	ssyncset.done $0x0  }
0x10e: {  	[sflag:s31] =	ssyncadd.s32 $0xFFFFE000  }
0x10f: {  	_ =	swait.ge [sflag:s31], $0x2000  }
0x110: {  	[sflag:s31] =	ssyncset.done $0x0  }
0x111: {  	[sflag:s31] =	ssyncadd.s32 $0xFFFFE000  }
0x112: {  	_ =	swait.ge [sflag:s19], $0x2000  }
0x113: {  	[sflag:s19] =	ssyncset.done $0x0  }
0x114: {  	[sflag:s19] =	ssyncadd.s32 $0xFFFFE000  }
0x115: {  	s9 =	stileid.u32;
	_ =	swait.ge [sflag:s19], $0x2000  }
0x116: {  	s5 =	sadd.s32 $0x1, s5;
	s6 =	sshll.u32 s9, $0x6;
	[sflag:s19] =	ssyncset.done $0x0  }
0x117: {  	p0 =	sne.s32 s5, s12;
	s6 =	sor.u32 $0x1C09, s6;
	[sflag:s19] =	ssyncadd.s32 $0xFFFFE000  }
.Ltmp2:
0x118: {  	s10 =	sshrl.u32 s7, $0x3;
	[bflag:$0x0] =	sbarrier.arrive $0xFFFF;
	(pc) =	sbr.rel @p0 .LBB2_1-.Ltmp2, $4  }
0x119: {  	[hbm:s13], [sflag:s6] =	dma.local [spmem:s10], $0x1400  }
0x11a: {  	_ =	swait.ge [sflag:s14], $0x1400  }
0x11b: {  	[sflag:s14] =	ssyncset.done $0x0  }
0x11c: {  	[sflag:s14] =	ssyncadd.s32 $0xFFFFEC00  }
0x11d: {  	_ =	sfence.sel $0x180000  }
0x11e: {  	[bflag:$0x0] =	sbarrier.arrive $0xFFFF  }
0x11f: {  	_ =	strace $0x9000004A  }
0x120: {  	s0 =	stileid.u32;
	[bflag:$0x2] =	sbarrier.arrive $0xFFFF  }
0x121: {  	p0 =	sne.s32 s0, $0x0;
	s0 =	rddreg [dreg:$0x2]  }
0x122: {  	s0 =	sadd.s32 @!p0 $0x100000, s0  }
0x123: {  	[sflag:s0] =	ssyncadd.tile.s32 @!p0 $0x1;
	_ =	shalt  }
.Lfunc_end2:
_tile_overlayer_lowered:
.L_overlay_start_2:
0x124: {  	(tag) =	ssettag $0x2  }
0x125: {  	s0 =	rddreg [dreg:$0x0];
	s2 =	stileid.u32  }
0x126: {  	s1 =	rddreg [dreg:$0x1];
	p0 =	sne.s32 s2, $0x0  }
0x127: {  	s3 =	rddreg [dreg:$0x2];
	[bflag:$0x3] =	sbarrier.arrive $0xFFFF;
	s2 =	simm.s32 @!p0 $0x1C09  }
0x128: {  	[timem:s3], [sflag:s2] =	dma.local @!p0 [hbm:s0], s1  }
0x129: {  	s0 =	simm.s32 @!p0 $0x9  }
0x12a: {  	_ =	swait.ge @!p0 [sflag:s0], s1  }
0x12b: {  	s1 =	ssub.s32 @!p0 $0x0, s1;
	[sflag:s0] =	ssyncset.done @!p0 $0x0  }
0x12c: {  	[sflag:s0] =	ssyncadd.s32 @!p0 s1  }
0x12d: {  	[bflag:$0x3] =	sbarrier.arrive $0xFFFF  }
0x12e: {  	_ =	shalt  }

// kernel: kernel.15.cloned.1.call-start
scs
__scs_entry_jumppad:
0x0: {  	(pc) =	sbr.rel $0x88, $3  }
0x1: {  	(tag) =	ssettag $0x0;
	lr =	simm.s32 $0x1  }
0x2: {  	[smem:$0x3F82] =	sst lr;
	_ =	strace $0xD0000000  }
0x3: {  	_ = 	snop  }
0x4: {  	_ = 	snop  }
0x5: {  	_ = 	snop  }
0x6: {  	_ = 	snop  }
0x7: {  	_ = 	snop  }
__scs_overlays_trampoline_lowered:
0x8: {  	[smem:$0x3F91] =	sst s0  }
0x9: {  	[smem:$0x3F92] =	sst s1  }
0xa: {  	[smem:$0x3F93] =	sst s2  }
0xb: {  	[smem:$0x3F94] =	sst s3  }
0xc: {  	[smem:$0x3F95] =	sst s4  }
0xd: {  	[smem:$0x3F96] =	sst s5  }
0xe: {  	[smem:$0x3F97] =	sst s6  }
0xf: {  	[smem:$0x3F98] =	sst s7  }
0x10: {  	[smem:$0x3F99] =	sst s8  }
0x11: {  	[smem:$0x3F9A] =	sst s9;
	s0 =	simm.s32 @!p0 $0x0  }
0x12: {  	s1 =	sld [smem:$0x3F80];
	s0 =	simm.s32 @p0 $0x1  }
0x13: {  	[smem:$0x3F9B] =	sst s0;
	s0 =	simm.s32 @!p1 $0x0  }
0x14: {  	s2 =	sld [smem:$0x3F7F];
	s0 =	simm.s32 @p1 $0x1  }
0x15: {  	[smem:$0x3F9C] =	sst s0;
	s0 =	simm.s32 @!p2 $0x0  }
0x16: {  	s3 =	sld [smem:$0x3FDB];
	s0 =	simm.s32 @p2 $0x1  }
0x17: {  	s4 =	simm.s32 $0x1BF5;
	[smem:$0x3F9E] =	sst s0  }
0x18: {  	s0 =	sld [smem:$0x3F81];
	_ =	swait.ge [sflag:s4], $0x0  }
0x19: {  	s7 =	sld [smem:$0x3F82]  }
0x1a: {  	s8 =	sadd.s32 $0xFFFFE003, lr  }
0x1b: {  	s9 =	sadd.s32 $0xFFFFFEF7, lr;
	s5 =	simm.s32 $0xFFFFFFFF;
	p2 =	slt.u32 s8, $0xFFFFF086  }
0x1c: {  	p1 =	slt.u32 s9, $0xF7A;
	s5 =	simm.s32 @!p2 $0x0  }
0x1d: {  	s5 =	simm.s32 @p1 $0x1;
	p0 =	seq.s32 s7, s2  }
0x1e: {  	s7 =	smul.u32 @!p0 $0xF7A, s2;
	p2 =	seq.s32 @!p0 s5, $0x0  }
0x1f: {  	s9 =	smul.u32 $0xF7A, s1;
	s8 =	simm.s32 @!p0 $0x1BF5;
	p2 =	por !p2, p0  }
0x20: {  	[sflag:s8] =	ssyncset.s32 @!p0 $0xFFFFF086;
	s6 =	sadd.s32 @!p0 s3, s7;
	s7 =	simm.s32 @!p0 $0x108  }
0x21: {  	s3 =	sadd.s32 s3, s9;
	s6 =	sadd.s32 @!p0 $0x88, s6;
	s7 =	simm.s32 @p2 $0x1082  }
0x22: {  	[simem:s7], [sflag:s8] =	dma.local @!p0 [hbm:s6], $0xF7A  }
0x23: {  	s9 =	sor.u32 $0xD0000000, s2;
	s6 =	simm.s32 $0x108;
	_ =	swait.ge @!p0 [sflag:s8], $0x0  }
0x24: {  	s3 =	sadd.s32 $0x88, s3;
	s6 =	simm.s32 @!p1 $0x1082;
	[sflag:s4] =	ssyncset.s32 $0xFFFFF086  }
0x25: {  	[simem:s6], [sflag:s4] =	dma.local [hbm:s3], $0xF7A  }
0x26: {  	[smem:$0x3F82] =	sst s1;
	(tag) =	ssettag s2;
	_ =	strace s9  }
0x27: {  	s1 =	sld [smem:$0x3F92]  }
0x28: {  	s2 =	sld [smem:$0x3F93]  }
0x29: {  	s4 =	sld [smem:$0x3F95]  }
0x2a: {  	p0 =	seq.s32 s5, $0x0;
	s5 =	sld [smem:$0x3F96]  }
0x2b: {  	s6 =	sld [smem:$0x3F97]  }
0x2c: {  	s7 =	sld [smem:$0x3F98]  }
0x2d: {  	s3 =	simm.s32 $0x108;
	s8 =	sld [smem:$0x3F99]  }
0x2e: {  	s3 =	simm.s32 @!p0 $0x1082;
	s9 =	sld [smem:$0x3F9A]  }
0x2f: {  	lr =	sadd.s32 s0, s3;
	s0 =	sld [smem:$0x3F91]  }
0x30: {  	s3 =	sld [smem:$0x3F94]  }
0x31: {  	[smem:$0x3F9D] =	sst s10  }
0x32: {  	s10 =	sld [smem:$0x3F9B];
	_ =	sdelay $0x3  }
0x33: {  	p0 =	seq.s32 s10, $0x1;
	s10 =	sld [smem:$0x3F9D];
	_ =	sdelay $0x3  }
0x34: {  	[smem:$0x3F9D] =	sst s10  }
0x35: {  	s10 =	sld [smem:$0x3F9C];
	_ =	sdelay $0x3  }
0x36: {  	p1 =	seq.s32 s10, $0x1;
	s10 =	sld [smem:$0x3F9D];
	_ =	sdelay $0x3  }
0x37: {  	[smem:$0x3F9D] =	sst s10  }
0x38: {  	s10 =	sld [smem:$0x3F9E]  }
0x39: {  	_ = 	snop;
	(pc) =	sbr.ind lr, $3  }
0x3a: {  	_ = 	snop  }
0x3b: {  	_ = 	snop  }
0x3c: {  	p2 =	seq.s32 s10, $0x1;
	s10 =	sld [smem:$0x3F9D]  }
0x3d: {  	_ =	shalt  }
0x3e: {  	_ =	shalt  }
0x3f: {  	_ =	shalt  }
0x40: {  	_ =	shalt  }
0x41: {  	_ =	shalt  }
0x42: {  	_ =	shalt  }
0x43: {  	_ =	shalt  }
0x44: {  	_ =	shalt  }
0x45: {  	_ =	shalt  }
0x46: {  	_ =	shalt  }
0x47: {  	_ =	shalt  }
0x48: {  	_ =	shalt  }
0x49: {  	_ =	shalt  }
0x4a: {  	_ =	shalt  }
0x4b: {  	_ =	shalt  }
0x4c: {  	_ =	shalt  }
0x4d: {  	_ =	shalt  }
0x4e: {  	_ =	shalt  }
0x4f: {  	_ =	shalt  }
0x50: {  	_ =	shalt  }
0x51: {  	_ =	shalt  }
0x52: {  	_ =	shalt  }
0x53: {  	_ =	shalt  }
0x54: {  	_ =	shalt  }
0x55: {  	_ =	shalt  }
0x56: {  	_ =	shalt  }
0x57: {  	_ =	shalt  }
0x58: {  	_ =	shalt  }
0x59: {  	_ =	shalt  }
0x5a: {  	_ =	shalt  }
0x5b: {  	_ =	shalt  }
0x5c: {  	_ =	shalt  }
0x5d: {  	_ =	shalt  }
0x5e: {  	_ =	shalt  }
0x5f: {  	_ =	shalt  }
0x60: {  	_ =	shalt  }
0x61: {  	_ =	shalt  }
0x62: {  	_ =	shalt  }
0x63: {  	_ =	shalt  }
0x64: {  	_ =	shalt  }
0x65: {  	_ =	shalt  }
0x66: {  	_ =	shalt  }
0x67: {  	_ =	shalt  }
0x68: {  	_ =	shalt  }
0x69: {  	_ =	shalt  }
0x6a: {  	_ =	shalt  }
0x6b: {  	_ =	shalt  }
0x6c: {  	_ =	shalt  }
0x6d: {  	_ =	shalt  }
0x6e: {  	_ =	shalt  }
0x6f: {  	_ =	shalt  }
0x70: {  	_ =	shalt  }
0x71: {  	_ =	shalt  }
0x72: {  	_ =	shalt  }
0x73: {  	_ =	shalt  }
0x74: {  	_ =	shalt  }
0x75: {  	_ =	shalt  }
0x76: {  	_ =	shalt  }
0x77: {  	_ =	shalt  }
0x78: {  	_ =	shalt  }
0x79: {  	_ =	shalt  }
0x7a: {  	_ =	shalt  }
0x7b: {  	_ =	shalt  }
0x7c: {  	_ =	shalt  }
0x7d: {  	_ =	shalt  }
0x7e: {  	_ =	shalt  }
0x7f: {  	_ =	shalt  }
0x80: {  	_ =	shalt  }
0x81: {  	_ =	shalt  }
0x82: {  	_ =	shalt  }
0x83: {  	_ =	shalt  }
0x84: {  	_ =	shalt  }
0x85: {  	_ =	shalt  }
0x86: {  	_ =	shalt  }
0x87: {  	_ =	shalt  }
.Lfunc_end0:
.L_simem_size_0:
called_computation.2_lowered:
.L_overlay_start_0:
0x88: {  	s2 =	sld [smem:$0x3FD9]  }
0x89: {  	s3 =	sld [smem:$0x3FFE];
	_ =	sdelay $0x1  }
0x8a: {  	s1 =	srdreg.scid  }
0x8b: {  	s0 =	sand.u32 $0x1, s1  }
0x8c: {  	s16 =	sshll.u32 s0, $0xA;
	s2 =	sadd.s32 s3, s2  }
0x8d: {  	s2 =	sadd.s32 s2, s16  }
0x8e: {  	[smem:$0x3FA9] =	sst s2  }
0x8f: {  	_ = 	snop  }
0x90: {  	(tm) =	ssettm $0x1  }
0x91: {  	s17 =	sld [smem:$0x3FFB];
	_ =	sdelay $0x3  }
0x92: {  	_ =	strace s17  }
0x93: {  	s2 =	sld [smem:$0x3FFC];
	_ =	sdelay $0x3  }
0x94: {  	_ =	strace s2  }
0x95: {  	s2 =	sld [smem:$0x3FFD];
	_ =	sdelay $0x3  }
0x96: {  	_ =	strace s2  }
0x97: {  	_ =	strace $0x8FFFFFFF  }
0x98: {  	s18 =	sld [smem:$0x3FDB];
	_ =	sdelay $0x1  }
0x99: {  	s19 =	simm.s32 $_scs_section_size  }
0x9a: {  	s4 =	simm.s32 $_size__tile_overlayer_lowered;
	s5 =	simm.s32 $_tile_overlayer_lowered  }
0x9b: {  	s22 =	simm.s32 $0x1BFF;
	s21 =	sshll.u32 s5, $0x1;
	s2 =	sadd.s32 s19, s18  }
0x9c: {  	s6 =	simm.s32 $0x0;
	s20 =	sshll.u32 s4, $0x1;
	s4 =	sadd.s32 s21, s2  }
0x9d: {  	[timem:s6], [sflag:s22] =	dma.local [hbm:s4], s20  }
0x9e: {  	_ =	swait.ge [sflag:s22], s20  }
0x9f: {  	s3 =	ssub.s32 $0x0, s20;
	[sflag:s22] =	ssyncset.done $0x0  }
0xa0: {  	[sflag:s22] =	ssyncadd.s32 s3;
	_ =	sdelay $0x1  }
0xa1: {  	s23 =	simm.s32 $0x1B8B  }
0xa2: {  	_ =	swait.ge [sflag:s23], $0x1  }
0xa3: {  	[sflag:s23] =	ssyncset.done $0x0  }
0xa4: {  	s25 =	simm.s32 $0x1B8E;
	s24 =	sld [smem:$0x3FFE];
	[sflag:s23] =	ssyncadd.s32 $0xFFFFFFFF  }
0xa5: {  	s26 =	simm.s32 $execute0_lowered;
	[smem:$0x3FD2] =	sst s25  }
0xa6: {  	s4 =	sshll.u32 s26, $0x1;
	_ =	strace $0x8000004C;
	[dreg:$0x1] =	wrdreg $0xFFFFFFFF  }
0xa7: {  	s28 =	simm.s32 $_size_execute0_lowered;
	s2 =	sadd.s32 s2, s4;
	[dreg:$0x0] =	wrdreg $0x0  }
0xa8: {  	s4 =	sshll.u32 s28, $0x1;
	[dreg:$0x2] =	wrdreg s2  }
0xa9: {  	[dreg:$0x3] =	wrdreg s4  }
0xaa: {  	[dreg:$0x4] =	wrdreg $0xC0  }
0xab: {  	_ =	task [dreg:s6], $0x5FFFF  }
0xac: {  	[dreg:$0x1] =	wrdreg $0xFFFFFFFF  }
0xad: {  	[dreg:$0x0] =	wrdreg $0x60  }
0xae: {  	[dreg:$0x2] =	wrdreg s24  }
0xaf: {  	[dreg:$0x3] =	wrdreg $0x150000  }
0xb0: {  	[dreg:$0x4] =	wrdreg $0x9  }
0xb1: {  	_ =	task.clear_ibuf [dreg:s6], $0x5FFFF;
	_ =	strace $0x9000004C  }
0xb2: {  	s29 =	simm.s32 $0x9;
	_ =	strace $0x8000004E  }
0xb3: {  	_ =	swait.ge [sflag:s29], $0x1  }
0xb4: {  	[sflag:s29] =	ssyncadd.s32 $0xFFFFFFFF  }
0xb5: {  	_ =	strace $0x9000004E  }
0xb6: {  	_ =	sfence  }
0xb7: {  	s30 =	sld [smem:$0x0];
	_ =	sdelay $0x2  }
0xb8: {  	s31 =	sshll.u32 s1, $0xD;
	s1 =	sshrl.u32 s1, $0x2  }
0xb9: {  	s3 =	sand.u32 $0x4000, s31;
	s1 =	sadd.s32 s1, s30  }
0xba: {  	s0 =	sor.u32 s3, s0;
	s1 =	sshll.u32 s1, $0x11  }
0xbb: {  	s0 =	sor.u32 s1, s0  }
0xbc: {  	s0 =	sadd.s32 $0x8F2B, s0  }
0xbd: {  	[sflag:s0] =	ssyncadd.remote.s32 $0x1  }
0xbe: {  	_ =	sfence.sel $0xFFFF  }
0xbf: {  	[dreg:$0x0] =	wrdreg $0xFFFFFFFF;
	(pc) =	sbr.abs _section_cstart, $3  }
0xc0: {  	[dreg:$0x1] =	wrdreg $0xFFFFFFFF  }
0xc1: {  	_ =	task.clear_ibuf [dreg:s6], $0x2FFFF;
	_ =	strace $0x9FFFFFFF  }
0xc2: {  	(tm) =	ssettm $0x7FFFFFFF  }
0xc3: {  	_ =	shalt  }
tec
execute0_lowered:
.L_overlay_start_1:
0x0: {  	(tag) =	ssettag $0x1  }
0x1: {  	s0 =	srdreg.scid;
	s1 =	rddreg [dreg:$0x0]  }
0x2: {  	s2 =	rddreg [dreg:$0x1];
	s9 =	stileid.u32;
	s3 =	simm.s32 $0x0  }
0x3: {  	s14 =	simm.s32 $0x9;
	s15 =	simm.s32 $0x2800;
	s16 =	simm.s32 $0x80  }
0x4: {  	s17 =	simm.s32 $0x5000;
	s18 =	simm.s32 $0x7000;
	s20 =	simm.s32 $0x9000  }
0x5: {  	s28 =	simm.s32 $0x13000;
	s29 =	simm.s32 $0x1;
	s21 =	simm.s32 $0x2  }
0x6: {  	s30 =	simm.s32 $0x6;
	s31 =	simm.s32 $0x7;
	s19 =	simm.s32 $0x8  }
0x7: {  	s0 =	sand.u32 $0x1, s0;
	[smem:$0x7FF] =	sst s3;
	s6 =	smul.u32 $0xA000, s9  }
0x8: {  	s4 =	sshll.u32 s0, $0x4;
	s5 =	ssub.s32 $0x2, s0;
	p0 =	seq.s32 s0, $0x1  }
0x9: {  	s0 =	simm.s32 $0x2D400;
	s4 =	sor.u32 s9, s4;
	s9 =	smul.u32 $0x28000, s9  }
0xa: {  	s8 =	sshrl.u32 s5, $0x1;
	s0 =	simm.s32 @!p0 $0x41400;
	s4 =	smul.u32 $0x500, s4  }
0xb: {  	_ =	strace $0x8000004D;
	s5 =	ssub.s32 s5, s8;
	s0 =	sadd.s32 s0, s1  }
0xc: {  	s23 =	sshrl.u32 s9, $0x2;
	s12 =	smax.u32 s5, $0x1;
	s7 =	sadd.s32 s4, s1  }
0xd: {  	s5 =	simm.s32 $0x0;
	s4 =	sadd.s32 $0x5400, s1;
	s22 =	sadd.s32 $0x19400, s7  }
0xe: {  	s8 =	sadd.s32 s23, s2;
	s7 =	sadd.s32 $0x23400, s7;
	[dreg:$0x3] =	wrdreg s22  }
0xf: {  	s23 =	simm.s32 $0x5;
	s24 =	sadd.s32 $0x2000, s8;
	[dreg:$0x4] =	wrdreg s7  }
0x10: {  	s1 =	simm.s32 $0x4;
	s25 =	sadd.s32 $0x4000, s8;
	[dreg:$0x5] =	wrdreg s24  }
0x11: {  	s26 =	sadd.s32 $0x6000, s8;
	s11 =	sadd.s32 $0x8000, s8;
	[dreg:$0x6] =	wrdreg s25  }
0x12: {  	s7 =	sadd.s32 s6, s2;
	[dreg:$0x7] =	wrdreg s26;
	s6 =	sshrl.u32 s6, $0x3  }
0x13: {  	s22 =	simm.s32 $0xB000;
	s24 =	simm.s32 $0xD000;
	s26 =	simm.s32 $0xF000  }
0x14: {  	v0 =	vimm.f32 $0.0e+00;
	s25 =	simm.s32 $0x3;
	s13 =	sadd.s32 s0, s6;
	s0 =	simm.s32 $0x11000  }
.LBB2_1:
0x15: {  	s6 =	rddreg [dreg:$0x3]  }
0x16: {  	[tilespmem:s3], [sflag:$0x9] =	stream.linear.gather [hbm4b:s6+s3], $0x2800, $0x38;
	[tilespmem:$0x1F000] =	vst v63  }
0x17: {  	_ =	swait.ge [sflag:s14], $0x2800  }
0x18: {  	[sflag:s14] =	ssyncset.done $0x0  }
0x19: {  	s8 =	rddreg [dreg:$0x4];
	[sflag:s14] =	ssyncadd.s32 $0xFFFFD800  }
0x1a: {  	[tilespmem:s15], [sflag:$0x9] =	stream.linear.gather [hbm4b:s8+s3], $0x2800, $0x38;
	[tilespmem:$0x1F000] =	vst v63  }
0x1b: {  	_ =	swait.ge [sflag:s14], $0x2800  }
0x1c: {  	[sflag:s14] =	ssyncset.done $0x0  }
0x1d: {  	[sflag:s14] =	ssyncadd.s32 $0xFFFFD800  }
0x1e: {  	[tilespmem:s17], [sflag:$0x1] =	stream.indirect.gather [hbm4b:s4+s16], $0x40, s3, s16, $0xb8;
	[tilespmem:$0x1F000] =	vst v63  }
0x1f: {  	_ = 	snop  }
0x20: {  	[tilespmem:s18], [sflag:$0x1] =	stream.indirect.gather [hbm4b:s4+s16], $0x40, s16, s16, $0xb8;
	[tilespmem:$0x1F000] =	vst v63  }
0x21: {  	s9 =	simm.s32 $0x100  }
0x22: {  	[tilespmem:s20], [sflag:$0x2] =	stream.indirect.gather [hbm4b:s4+s16], $0x40, s9, s16, $0xb8;
	[tilespmem:$0x1F000] =	vst v63  }
0x23: {  	s10 =	simm.s32 $0x180  }
0x24: {  	[tilespmem:s22], [sflag:$0x2] =	stream.indirect.gather [hbm4b:s4+s16], $0x40, s10, s16, $0xb8;
	[tilespmem:$0x1F000] =	vst v63  }
0x25: {  	s8 =	simm.s32 $0x200  }
0x26: {  	[tilespmem:s24], [sflag:$0x3] =	stream.indirect.gather [hbm4b:s4+s16], $0x40, s8, s16, $0xb8;
	[tilespmem:$0x1F000] =	vst v63  }
0x27: {  	s9 =	simm.s32 $0x280;
	s10 =	sand.u32 $0x7F00, s3  }
0x28: {  	[tilespmem:s26], [sflag:$0x3] =	stream.indirect.gather [hbm4b:s4+s16], $0x40, s9, s16, $0xb8;
	[tilespmem:$0x1F000] =	vst v63  }
0x29: {  	s8 =	sand.u32 $0x30, s3;
	s9 =	sshrl.u32 s10, $0x2  }
0x2a: {  	s6 =	simm.s32 $0x40;
	s9 =	sor.u32 s8, s9;
	s8 =	simm.s32 $0x0  }
.LBB2_2:
0x2b: {  	p0 =	sne.s32 s6, $0x7FC0  }
0x2c: {  	[tilespmem:s9+$0x13000] =	vst v0;
	s8 =	sadd.s32 $0x10, s8;
	s9 =	smov.u32 s6;
	s6 =	sadd.s32 $0x40, s6  }
.Ltmp0:
0x2d: {  	(pc) =	sbr.rel @p0 .LBB2_2-.Ltmp0, $4  }
0x2e: {  	_ = 	snop  }
0x2f: {  	s9 =	sand.u32 $0x7F00, s9  }
0x30: {  	s10 =	sand.u32 $0x30, s8;
	s9 =	sshrl.u32 s9, $0x2  }
0x31: {  	s9 =	sor.u32 s10, s9  }
0x32: {  	[tilespmem:s9+$0x13000] =	vst v0  }
0x33: {  	[spmem:s7] =	stream.linear.scatter [tilespmem:s28], [sflag:$0x9], $0x2000, $0x38;
	[tilespmem:$0x1F000] =	vst v63  }
0x34: {  	_ =	swait.ge [sflag:s14], $0x2000  }
0x35: {  	[sflag:s14] =	ssyncset.done $0x0  }
0x36: {  	s6 =	rddreg [dreg:$0x5];
	[sflag:s14] =	ssyncadd.s32 $0xFFFFE000  }
0x37: {  	[spmem:s6] =	stream.linear.scatter [tilespmem:s28], [sflag:$0x9], $0x2000, $0x38;
	[tilespmem:$0x1F000] =	vst v63  }
0x38: {  	_ =	swait.ge [sflag:s14], $0x2000  }
0x39: {  	[sflag:s14] =	ssyncset.done $0x0  }
0x3a: {  	s9 =	rddreg [dreg:$0x6];
	[sflag:s14] =	ssyncadd.s32 $0xFFFFE000  }
0x3b: {  	[spmem:s9] =	stream.linear.scatter [tilespmem:s28], [sflag:$0x9], $0x2000, $0x38;
	[tilespmem:$0x1F000] =	vst v63  }
0x3c: {  	_ =	swait.ge [sflag:s14], $0x2000  }
0x3d: {  	[sflag:s14] =	ssyncset.done $0x0  }
0x3e: {  	s10 =	rddreg [dreg:$0x7];
	[sflag:s14] =	ssyncadd.s32 $0xFFFFE000  }
0x3f: {  	[spmem:s10] =	stream.linear.scatter [tilespmem:s28], [sflag:$0x9], $0x2000, $0x38;
	[tilespmem:$0x1F000] =	vst v63  }
0x40: {  	_ =	swait.ge [sflag:s14], $0x2000  }
0x41: {  	[sflag:s14] =	ssyncset.done $0x0  }
0x42: {  	[sflag:s14] =	ssyncadd.s32 $0xFFFFE000  }
0x43: {  	[spmem:s11] =	stream.linear.scatter [tilespmem:s28], [sflag:$0x9], $0x2000, $0x38;
	[tilespmem:$0x1F000] =	vst v63  }
0x44: {  	_ =	swait.ge [sflag:s14], $0x2000  }
0x45: {  	[sflag:s14] =	ssyncset.done $0x0  }
0x46: {  	[sflag:s14] =	ssyncadd.s32 $0xFFFFE000  }
0x47: {  	[bflag:$0x0] =	sbarrier.arrive $0xFFFF  }
0x48: {  	_ =	swait.ge [sflag:s29], $0x2000  }
0x49: {  	[sflag:s29] =	ssyncset.done $0x0  }
0x4a: {  	[sflag:s29] =	ssyncadd.s32 $0xFFFFE000  }
0x4b: {  	_ =	swait.ge [sflag:s29], $0x2000  }
0x4c: {  	[sflag:s29] =	ssyncset.done $0x0  }
0x4d: {  	[sflag:s29] =	ssyncadd.s32 $0xFFFFE000  }
0x4e: {  	[spmem:s2] =	stream.indirect.scatter.add.f32 [tilespmem:s17], [sflag:$0x5], $0x40, s15, s16, $0xb8;
	[tilespmem:$0x1F000] =	vst v63  }
0x4f: {  	s8 =	simm.s32 $0x2880  }
0x50: {  	[spmem:s2] =	stream.indirect.scatter.add.f32 [tilespmem:s18], [sflag:$0x5], $0x40, s8, s16, $0xb8;
	[tilespmem:$0x1F000] =	vst v63  }
0x51: {  	s9 =	simm.s32 $0x300  }
0x52: {  	[tilespmem:s0], [sflag:$0x4] =	stream.indirect.gather [hbm4b:s4+s16], $0x40, s9, s16, $0xb8;
	[tilespmem:$0x1F000] =	vst v63  }
0x53: {  	s10 =	simm.s32 $0x380  }
0x54: {  	[tilespmem:s28], [sflag:$0x4] =	stream.indirect.gather [hbm4b:s4+s16], $0x40, s10, s16, $0xb8;
	[tilespmem:$0x1F000] =	vst v63  }
0x55: {  	_ =	swait.ge [sflag:s21], $0x2000  }
0x56: {  	[sflag:s21] =	ssyncset.done $0x0  }
0x57: {  	[sflag:s21] =	ssyncadd.s32 $0xFFFFE000  }
0x58: {  	_ =	swait.ge [sflag:s21], $0x2000  }
0x59: {  	[sflag:s21] =	ssyncset.done $0x0  }
0x5a: {  	s8 =	simm.s32 $0x2900;
	[sflag:s21] =	ssyncadd.s32 $0xFFFFE000  }
0x5b: {  	[spmem:s2] =	stream.indirect.scatter.add.f32 [tilespmem:s20], [sflag:$0x6], $0x40, s8, s16, $0xb8;
	[tilespmem:$0x1F000] =	vst v63  }
0x5c: {  	s9 =	simm.s32 $0x2980  }
0x5d: {  	[spmem:s2] =	stream.indirect.scatter.add.f32 [tilespmem:s22], [sflag:$0x6], $0x40, s9, s16, $0xb8;
	[tilespmem:$0x1F000] =	vst v63  }
0x5e: {  	_ =	swait.ge [sflag:s23], $0x2000  }
0x5f: {  	[sflag:s23] =	ssyncset.done $0x0  }
0x60: {  	[sflag:s23] =	ssyncadd.s32 $0xFFFFE000  }
0x61: {  	_ =	swait.ge [sflag:s23], $0x2000  }
0x62: {  	[sflag:s23] =	ssyncset.done $0x0  }
0x63: {  	s10 =	simm.s32 $0x400;
	[sflag:s23] =	ssyncadd.s32 $0xFFFFE000  }
0x64: {  	[tilespmem:s17], [sflag:$0x1] =	stream.indirect.gather [hbm4b:s4+s16], $0x40, s10, s16, $0xb8;
	[tilespmem:$0x1F000] =	vst v63  }
0x65: {  	s8 =	simm.s32 $0x480  }
0x66: {  	[tilespmem:s18], [sflag:$0x1] =	stream.indirect.gather [hbm4b:s4+s16], $0x40, s8, s16, $0xb8;
	[tilespmem:$0x1F000] =	vst v63  }
0x67: {  	_ =	swait.ge [sflag:s25], $0x2000  }
0x68: {  	[sflag:s25] =	ssyncset.done $0x0  }
0x69: {  	[sflag:s25] =	ssyncadd.s32 $0xFFFFE000  }
0x6a: {  	_ =	swait.ge [sflag:s25], $0x2000  }
0x6b: {  	[sflag:s25] =	ssyncset.done $0x0  }
0x6c: {  	s9 =	simm.s32 $0x2A00;
	[sflag:s25] =	ssyncadd.s32 $0xFFFFE000  }
0x6d: {  	[spmem:s2] =	stream.indirect.scatter.add.f32 [tilespmem:s24], [sflag:$0x7], $0x40, s9, s16, $0xb8;
	[tilespmem:$0x1F000] =	vst v63  }
0x6e: {  	s10 =	simm.s32 $0x2A80  }
0x6f: {  	[spmem:s2] =	stream.indirect.scatter.add.f32 [tilespmem:s26], [sflag:$0x7], $0x40, s10, s16, $0xb8;
	[tilespmem:$0x1F000] =	vst v63  }
0x70: {  	_ =	swait.ge [sflag:s30], $0x2000  }
0x71: {  	[sflag:s30] =	ssyncset.done $0x0  }
0x72: {  	[sflag:s30] =	ssyncadd.s32 $0xFFFFE000  }
0x73: {  	_ =	swait.ge [sflag:s30], $0x2000  }
0x74: {  	[sflag:s30] =	ssyncset.done $0x0  }
0x75: {  	s8 =	simm.s32 $0x500;
	[sflag:s30] =	ssyncadd.s32 $0xFFFFE000  }
0x76: {  	[tilespmem:s20], [sflag:$0x2] =	stream.indirect.gather [hbm4b:s4+s16], $0x40, s8, s16, $0xb8;
	[tilespmem:$0x1F000] =	vst v63  }
0x77: {  	s9 =	simm.s32 $0x580  }
0x78: {  	[tilespmem:s22], [sflag:$0x2] =	stream.indirect.gather [hbm4b:s4+s16], $0x40, s9, s16, $0xb8;
	[tilespmem:$0x1F000] =	vst v63  }
0x79: {  	_ =	swait.ge [sflag:s1], $0x2000  }
0x7a: {  	[sflag:s1] =	ssyncset.done $0x0  }
0x7b: {  	[sflag:s1] =	ssyncadd.s32 $0xFFFFE000  }
0x7c: {  	_ =	swait.ge [sflag:s1], $0x2000  }
0x7d: {  	[sflag:s1] =	ssyncset.done $0x0  }
0x7e: {  	s10 =	simm.s32 $0x2B00;
	[sflag:s1] =	ssyncadd.s32 $0xFFFFE000  }
0x7f: {  	[spmem:s2] =	stream.indirect.scatter.add.f32 [tilespmem:s0], [sflag:$0x8], $0x40, s10, s16, $0xb8;
	[tilespmem:$0x1F000] =	vst v63  }
0x80: {  	s8 =	simm.s32 $0x2B80  }
0x81: {  	[spmem:s2] =	stream.indirect.scatter.add.f32 [tilespmem:s28], [sflag:$0x8], $0x40, s8, s16, $0xb8;
	[tilespmem:$0x1F000] =	vst v63  }
0x82: {  	_ =	swait.ge [sflag:s31], $0x2000  }
0x83: {  	[sflag:s31] =	ssyncset.done $0x0  }
0x84: {  	[sflag:s31] =	ssyncadd.s32 $0xFFFFE000  }
0x85: {  	_ =	swait.ge [sflag:s31], $0x2000  }
0x86: {  	[sflag:s31] =	ssyncset.done $0x0  }
0x87: {  	s9 =	simm.s32 $0x600;
	[sflag:s31] =	ssyncadd.s32 $0xFFFFE000  }
0x88: {  	[tilespmem:s24], [sflag:$0x3] =	stream.indirect.gather [hbm4b:s4+s16], $0x40, s9, s16, $0xb8;
	[tilespmem:$0x1F000] =	vst v63  }
0x89: {  	s10 =	simm.s32 $0x680  }
0x8a: {  	[tilespmem:s26], [sflag:$0x3] =	stream.indirect.gather [hbm4b:s4+s16], $0x40, s10, s16, $0xb8;
	[tilespmem:$0x1F000] =	vst v63  }
0x8b: {  	_ =	swait.ge [sflag:s29], $0x2000  }
0x8c: {  	[sflag:s29] =	ssyncset.done $0x0  }
0x8d: {  	[sflag:s29] =	ssyncadd.s32 $0xFFFFE000  }
0x8e: {  	_ =	swait.ge [sflag:s29], $0x2000  }
0x8f: {  	[sflag:s29] =	ssyncset.done $0x0  }
0x90: {  	s8 =	simm.s32 $0x2C00;
	[sflag:s29] =	ssyncadd.s32 $0xFFFFE000  }
0x91: {  	[spmem:s2] =	stream.indirect.scatter.add.f32 [tilespmem:s17], [sflag:$0x5], $0x40, s8, s16, $0xb8;
	[tilespmem:$0x1F000] =	vst v63  }
0x92: {  	s9 =	simm.s32 $0x2C80  }
0x93: {  	[spmem:s2] =	stream.indirect.scatter.add.f32 [tilespmem:s18], [sflag:$0x5], $0x40, s9, s16, $0xb8;
	[tilespmem:$0x1F000] =	vst v63  }
0x94: {  	_ =	swait.ge [sflag:s19], $0x2000  }
0x95: {  	[sflag:s19] =	ssyncset.done $0x0  }
0x96: {  	[sflag:s19] =	ssyncadd.s32 $0xFFFFE000  }
0x97: {  	_ =	swait.ge [sflag:s19], $0x2000  }
0x98: {  	s6 =	simm.s32 $0x1000;
	[sflag:s19] =	ssyncset.done $0x0  }
0x99: {  	s10 =	simm.s32 $0x700;
	s8 =	simm.s32 $0x780;
	[sflag:s19] =	ssyncadd.s32 $0xFFFFE000  }
0x9a: {  	[tilespmem:s0], [sflag:$0x4] =	stream.indirect.gather [hbm4b:s4+s16], $0x40, s10, s16, $0xb8;
	[tilespmem:$0x1F000] =	vst v63  }
.LBB2_4:
0x9b: {  	[tilespmem:s28], [sflag:$0x4] =	stream.indirect.gather [hbm4b:s4+s16], $0x40, s8, s16, $0xb8;
	[tilespmem:$0x1F000] =	vst v63  }
0x9c: {  	s8 =	smov.u32 s6  }
0x9d: {  	p0 =	sne.s32 s6, $0x8000;
	s6 =	sadd.s32 $0x1000, s6;
	_ =	swait.ge [sflag:s21], $0x2000  }
0x9e: {  	[sflag:s21] =	ssyncset.done $0x0  }
0x9f: {  	[sflag:s21] =	ssyncadd.s32 $0xFFFFE000  }
0xa0: {  	_ =	swait.ge [sflag:s21], $0x2000  }
0xa1: {  	s8 =	sshra.s32 s8, $0x2;
	[sflag:s21] =	ssyncset.done $0x0  }
0xa2: {  	s9 =	sadd.s32 $0x2900, s8;
	[sflag:s21] =	ssyncadd.s32 $0xFFFFE000  }
0xa3: {  	[spmem:s2] =	stream.indirect.scatter.add.f32 [tilespmem:s20], [sflag:$0x6], $0x40, s9, s16, $0xb8;
	[tilespmem:$0x1F000] =	vst v63  }
0xa4: {  	s9 =	sadd.s32 $0x2980, s8  }
0xa5: {  	[spmem:s2] =	stream.indirect.scatter.add.f32 [tilespmem:s22], [sflag:$0x6], $0x40, s9, s16, $0xb8;
	[tilespmem:$0x1F000] =	vst v63  }
0xa6: {  	_ =	swait.ge [sflag:s23], $0x2000  }
0xa7: {  	[sflag:s23] =	ssyncset.done $0x0  }
0xa8: {  	[sflag:s23] =	ssyncadd.s32 $0xFFFFE000  }
0xa9: {  	_ =	swait.ge [sflag:s23], $0x2000  }
0xaa: {  	[sflag:s23] =	ssyncset.done $0x0  }
0xab: {  	s9 =	sadd.s32 $0x400, s8;
	[sflag:s23] =	ssyncadd.s32 $0xFFFFE000  }
0xac: {  	[tilespmem:s17], [sflag:$0x1] =	stream.indirect.gather [hbm4b:s4+s16], $0x40, s9, s16, $0xb8;
	[tilespmem:$0x1F000] =	vst v63  }
0xad: {  	s9 =	sadd.s32 $0x480, s8  }
0xae: {  	[tilespmem:s18], [sflag:$0x1] =	stream.indirect.gather [hbm4b:s4+s16], $0x40, s9, s16, $0xb8;
	[tilespmem:$0x1F000] =	vst v63  }
0xaf: {  	_ =	swait.ge [sflag:s25], $0x2000  }
0xb0: {  	[sflag:s25] =	ssyncset.done $0x0  }
0xb1: {  	[sflag:s25] =	ssyncadd.s32 $0xFFFFE000  }
0xb2: {  	_ =	swait.ge [sflag:s25], $0x2000  }
0xb3: {  	[sflag:s25] =	ssyncset.done $0x0  }
0xb4: {  	s9 =	sadd.s32 $0x2A00, s8;
	[sflag:s25] =	ssyncadd.s32 $0xFFFFE000  }
0xb5: {  	[spmem:s2] =	stream.indirect.scatter.add.f32 [tilespmem:s24], [sflag:$0x7], $0x40, s9, s16, $0xb8;
	[tilespmem:$0x1F000] =	vst v63  }
0xb6: {  	s9 =	sadd.s32 $0x2A80, s8  }
0xb7: {  	[spmem:s2] =	stream.indirect.scatter.add.f32 [tilespmem:s26], [sflag:$0x7], $0x40, s9, s16, $0xb8;
	[tilespmem:$0x1F000] =	vst v63  }
0xb8: {  	_ =	swait.ge [sflag:s30], $0x2000  }
0xb9: {  	[sflag:s30] =	ssyncset.done $0x0  }
0xba: {  	[sflag:s30] =	ssyncadd.s32 $0xFFFFE000  }
0xbb: {  	_ =	swait.ge [sflag:s30], $0x2000  }
0xbc: {  	[sflag:s30] =	ssyncset.done $0x0  }
0xbd: {  	s9 =	sadd.s32 $0x500, s8;
	[sflag:s30] =	ssyncadd.s32 $0xFFFFE000  }
0xbe: {  	[tilespmem:s20], [sflag:$0x2] =	stream.indirect.gather [hbm4b:s4+s16], $0x40, s9, s16, $0xb8;
	[tilespmem:$0x1F000] =	vst v63  }
0xbf: {  	s9 =	sadd.s32 $0x580, s8  }
0xc0: {  	[tilespmem:s22], [sflag:$0x2] =	stream.indirect.gather [hbm4b:s4+s16], $0x40, s9, s16, $0xb8;
	[tilespmem:$0x1F000] =	vst v63  }
0xc1: {  	_ =	swait.ge [sflag:s1], $0x2000  }
0xc2: {  	[sflag:s1] =	ssyncset.done $0x0  }
0xc3: {  	[sflag:s1] =	ssyncadd.s32 $0xFFFFE000  }
0xc4: {  	_ =	swait.ge [sflag:s1], $0x2000  }
0xc5: {  	[sflag:s1] =	ssyncset.done $0x0  }
0xc6: {  	s9 =	sadd.s32 $0x2B00, s8;
	[sflag:s1] =	ssyncadd.s32 $0xFFFFE000  }
0xc7: {  	[spmem:s2] =	stream.indirect.scatter.add.f32 [tilespmem:s0], [sflag:$0x8], $0x40, s9, s16, $0xb8;
	[tilespmem:$0x1F000] =	vst v63  }
0xc8: {  	s9 =	sadd.s32 $0x2B80, s8  }
0xc9: {  	[spmem:s2] =	stream.indirect.scatter.add.f32 [tilespmem:s28], [sflag:$0x8], $0x40, s9, s16, $0xb8;
	[tilespmem:$0x1F000] =	vst v63  }
0xca: {  	_ =	swait.ge [sflag:s31], $0x2000  }
0xcb: {  	[sflag:s31] =	ssyncset.done $0x0  }
0xcc: {  	[sflag:s31] =	ssyncadd.s32 $0xFFFFE000  }
0xcd: {  	_ =	swait.ge [sflag:s31], $0x2000  }
0xce: {  	[sflag:s31] =	ssyncset.done $0x0  }
0xcf: {  	s9 =	sadd.s32 $0x600, s8;
	[sflag:s31] =	ssyncadd.s32 $0xFFFFE000  }
0xd0: {  	[tilespmem:s24], [sflag:$0x3] =	stream.indirect.gather [hbm4b:s4+s16], $0x40, s9, s16, $0xb8;
	[tilespmem:$0x1F000] =	vst v63  }
0xd1: {  	s9 =	sadd.s32 $0x680, s8  }
0xd2: {  	[tilespmem:s26], [sflag:$0x3] =	stream.indirect.gather [hbm4b:s4+s16], $0x40, s9, s16, $0xb8;
	[tilespmem:$0x1F000] =	vst v63  }
0xd3: {  	_ =	swait.ge [sflag:s29], $0x2000  }
0xd4: {  	[sflag:s29] =	ssyncset.done $0x0  }
0xd5: {  	[sflag:s29] =	ssyncadd.s32 $0xFFFFE000  }
0xd6: {  	_ =	swait.ge [sflag:s29], $0x2000  }
0xd7: {  	[sflag:s29] =	ssyncset.done $0x0  }
0xd8: {  	s9 =	sadd.s32 $0x2C00, s8;
	[sflag:s29] =	ssyncadd.s32 $0xFFFFE000  }
0xd9: {  	[spmem:s2] =	stream.indirect.scatter.add.f32 [tilespmem:s17], [sflag:$0x5], $0x40, s9, s16, $0xb8;
	[tilespmem:$0x1F000] =	vst v63  }
0xda: {  	s9 =	sadd.s32 $0x2C80, s8  }
0xdb: {  	[spmem:s2] =	stream.indirect.scatter.add.f32 [tilespmem:s18], [sflag:$0x5], $0x40, s9, s16, $0xb8;
	[tilespmem:$0x1F000] =	vst v63  }
0xdc: {  	_ =	swait.ge [sflag:s19], $0x2000  }
0xdd: {  	[sflag:s19] =	ssyncset.done $0x0  }
0xde: {  	[sflag:s19] =	ssyncadd.s32 $0xFFFFE000  }
.Ltmp1:
0xdf: {  	_ =	swait.ge [sflag:s19], $0x2000;
	(pc) =	sbr.rel @p0 .LBB2_4-.Ltmp1, $4  }
0xe0: {  	[sflag:s19] =	ssyncset.done $0x0  }
0xe1: {  	s9 =	sadd.s32 $0x700, s8;
	[sflag:s19] =	ssyncadd.s32 $0xFFFFE000  }
0xe2: {  	[tilespmem:s0], [sflag:$0x4] =	stream.indirect.gather [hbm4b:s4+s16], $0x40, s9, s16, $0xb8;
	[tilespmem:$0x1F000] =	vst v63  }
0xe3: {  	s8 =	sadd.s32 $0x780, s8  }
0xe4: {  	[tilespmem:s28], [sflag:$0x4] =	stream.indirect.gather [hbm4b:s4+s16], $0x40, s8, s16, $0xb8;
	[tilespmem:$0x1F000] =	vst v63  }
0xe5: {  	_ =	swait.ge [sflag:s21], $0x2000  }
0xe6: {  	[sflag:s21] =	ssyncset.done $0x0  }
0xe7: {  	[sflag:s21] =	ssyncadd.s32 $0xFFFFE000  }
0xe8: {  	_ =	swait.ge [sflag:s21], $0x2000  }
0xe9: {  	[sflag:s21] =	ssyncset.done $0x0  }
0xea: {  	s6 =	simm.s32 $0x4D00;
	[sflag:s21] =	ssyncadd.s32 $0xFFFFE000  }
0xeb: {  	[spmem:s2] =	stream.indirect.scatter.add.f32 [tilespmem:s20], [sflag:$0x6], $0x40, s6, s16, $0xb8;
	[tilespmem:$0x1F000] =	vst v63  }
0xec: {  	s10 =	simm.s32 $0x4D80  }
0xed: {  	[spmem:s2] =	stream.indirect.scatter.add.f32 [tilespmem:s22], [sflag:$0x6], $0x40, s10, s16, $0xb8;
	[tilespmem:$0x1F000] =	vst v63  }
0xee: {  	_ =	swait.ge [sflag:s23], $0x2000  }
0xef: {  	[sflag:s23] =	ssyncset.done $0x0  }
0xf0: {  	[sflag:s23] =	ssyncadd.s32 $0xFFFFE000  }
0xf1: {  	_ =	swait.ge [sflag:s23], $0x2000  }
0xf2: {  	[sflag:s23] =	ssyncset.done $0x0  }
0xf3: {  	[sflag:s23] =	ssyncadd.s32 $0xFFFFE000  }
0xf4: {  	_ =	swait.ge [sflag:s25], $0x2000  }
0xf5: {  	[sflag:s25] =	ssyncset.done $0x0  }
0xf6: {  	[sflag:s25] =	ssyncadd.s32 $0xFFFFE000  }
0xf7: {  	_ =	swait.ge [sflag:s25], $0x2000  }
0xf8: {  	[sflag:s25] =	ssyncset.done $0x0  }
0xf9: {  	s8 =	simm.s32 $0x4E00;
	[sflag:s25] =	ssyncadd.s32 $0xFFFFE000  }
0xfa: {  	[spmem:s2] =	stream.indirect.scatter.add.f32 [tilespmem:s24], [sflag:$0x7], $0x40, s8, s16, $0xb8;
	[tilespmem:$0x1F000] =	vst v63  }
0xfb: {  	s9 =	simm.s32 $0x4E80  }
0xfc: {  	[spmem:s2] =	stream.indirect.scatter.add.f32 [tilespmem:s26], [sflag:$0x7], $0x40, s9, s16, $0xb8;
	[tilespmem:$0x1F000] =	vst v63  }
0xfd: {  	_ =	swait.ge [sflag:s30], $0x2000  }
0xfe: {  	[sflag:s30] =	ssyncset.done $0x0  }
0xff: {  	[sflag:s30] =	ssyncadd.s32 $0xFFFFE000  }
0x100: {  	_ =	swait.ge [sflag:s30], $0x2000  }
0x101: {  	[sflag:s30] =	ssyncset.done $0x0  }
0x102: {  	[sflag:s30] =	ssyncadd.s32 $0xFFFFE000  }
0x103: {  	_ =	swait.ge [sflag:s1], $0x2000  }
0x104: {  	[sflag:s1] =	ssyncset.done $0x0  }
0x105: {  	[sflag:s1] =	ssyncadd.s32 $0xFFFFE000  }
0x106: {  	_ =	swait.ge [sflag:s1], $0x2000  }
0x107: {  	[sflag:s1] =	ssyncset.done $0x0  }
0x108: {  	s10 =	simm.s32 $0x4F00;
	[sflag:s1] =	ssyncadd.s32 $0xFFFFE000  }
0x109: {  	[spmem:s2] =	stream.indirect.scatter.add.f32 [tilespmem:s0], [sflag:$0x8], $0x40, s10, s16, $0xb8;
	[tilespmem:$0x1F000] =	vst v63  }
0x10a: {  	s8 =	simm.s32 $0x4F80  }
0x10b: {  	[spmem:s2] =	stream.indirect.scatter.add.f32 [tilespmem:s28], [sflag:$0x8], $0x40, s8, s16, $0xb8;
	[tilespmem:$0x1F000] =	vst v63  }
0x10c: {  	_ =	swait.ge [sflag:s31], $0x2000  }
0x10d: {  	[sflag:s31] =	ssyncset.done $0x0  }
0x10e: {  	[sflag:s31] =	ssyncadd.s32 $0xFFFFE000  }
0x10f: {  	_ =	swait.ge [sflag:s31], $0x2000  }
0x110: {  	[sflag:s31] =	ssyncset.done $0x0  }
0x111: {  	[sflag:s31] =	ssyncadd.s32 $0xFFFFE000  }
0x112: {  	_ =	swait.ge [sflag:s19], $0x2000  }
0x113: {  	[sflag:s19] =	ssyncset.done $0x0  }
0x114: {  	[sflag:s19] =	ssyncadd.s32 $0xFFFFE000  }
0x115: {  	s9 =	stileid.u32;
	_ =	swait.ge [sflag:s19], $0x2000  }
0x116: {  	s5 =	sadd.s32 $0x1, s5;
	s6 =	sshll.u32 s9, $0x6;
	[sflag:s19] =	ssyncset.done $0x0  }
0x117: {  	p0 =	sne.s32 s5, s12;
	s6 =	sor.u32 $0x1C09, s6;
	[sflag:s19] =	ssyncadd.s32 $0xFFFFE000  }
.Ltmp2:
0x118: {  	s10 =	sshrl.u32 s7, $0x3;
	[bflag:$0x0] =	sbarrier.arrive $0xFFFF;
	(pc) =	sbr.rel @p0 .LBB2_1-.Ltmp2, $4  }
0x119: {  	[hbm:s13], [sflag:s6] =	dma.local [spmem:s10], $0x1400  }
0x11a: {  	_ =	swait.ge [sflag:s14], $0x1400  }
0x11b: {  	[sflag:s14] =	ssyncset.done $0x0  }
0x11c: {  	[sflag:s14] =	ssyncadd.s32 $0xFFFFEC00  }
0x11d: {  	_ =	sfence.sel $0x180000  }
0x11e: {  	[bflag:$0x0] =	sbarrier.arrive $0xFFFF  }
0x11f: {  	_ =	strace $0x9000004D  }
0x120: {  	s0 =	stileid.u32;
	[bflag:$0x2] =	sbarrier.arrive $0xFFFF  }
0x121: {  	p0 =	sne.s32 s0, $0x0;
	s0 =	rddreg [dreg:$0x2]  }
0x122: {  	s0 =	sadd.s32 @!p0 $0x100000, s0  }
0x123: {  	[sflag:s0] =	ssyncadd.tile.s32 @!p0 $0x1;
	_ =	shalt  }
.Lfunc_end2:
_tile_overlayer_lowered:
.L_overlay_start_2:
0x124: {  	(tag) =	ssettag $0x2  }
0x125: {  	s0 =	rddreg [dreg:$0x0];
	s2 =	stileid.u32  }
0x126: {  	s1 =	rddreg [dreg:$0x1];
	p0 =	sne.s32 s2, $0x0  }
0x127: {  	s3 =	rddreg [dreg:$0x2];
	[bflag:$0x3] =	sbarrier.arrive $0xFFFF;
	s2 =	simm.s32 @!p0 $0x1C09  }
0x128: {  	[timem:s3], [sflag:s2] =	dma.local @!p0 [hbm:s0], s1  }
0x129: {  	s0 =	simm.s32 @!p0 $0x9  }
0x12a: {  	_ =	swait.ge @!p0 [sflag:s0], s1  }
0x12b: {  	s1 =	ssub.s32 @!p0 $0x0, s1;
	[sflag:s0] =	ssyncset.done @!p0 $0x0  }
0x12c: {  	[sflag:s0] =	ssyncadd.s32 @!p0 s1  }
0x12d: {  	[bflag:$0x3] =	sbarrier.arrive $0xFFFF  }
0x12e: {  	_ =	shalt  }

// kernel: kernel.9.cloned.1.call-start
scs
__scs_entry_jumppad:
0x0: {  	(pc) =	sbr.rel $0x88, $3  }
0x1: {  	(tag) =	ssettag $0x0;
	lr =	simm.s32 $0x1  }
0x2: {  	[smem:$0x3F82] =	sst lr;
	_ =	strace $0xD0000000  }
0x3: {  	_ = 	snop  }
0x4: {  	_ = 	snop  }
0x5: {  	_ = 	snop  }
0x6: {  	_ = 	snop  }
0x7: {  	_ = 	snop  }
__scs_overlays_trampoline_lowered:
0x8: {  	[smem:$0x3F91] =	sst s0  }
0x9: {  	[smem:$0x3F92] =	sst s1  }
0xa: {  	[smem:$0x3F93] =	sst s2  }
0xb: {  	[smem:$0x3F94] =	sst s3  }
0xc: {  	[smem:$0x3F95] =	sst s4  }
0xd: {  	[smem:$0x3F96] =	sst s5  }
0xe: {  	[smem:$0x3F97] =	sst s6  }
0xf: {  	[smem:$0x3F98] =	sst s7  }
0x10: {  	[smem:$0x3F99] =	sst s8  }
0x11: {  	[smem:$0x3F9A] =	sst s9;
	s0 =	simm.s32 @!p0 $0x0  }
0x12: {  	s1 =	sld [smem:$0x3F80];
	s0 =	simm.s32 @p0 $0x1  }
0x13: {  	[smem:$0x3F9B] =	sst s0;
	s0 =	simm.s32 @!p1 $0x0  }
0x14: {  	s2 =	sld [smem:$0x3F7F];
	s0 =	simm.s32 @p1 $0x1  }
0x15: {  	[smem:$0x3F9C] =	sst s0;
	s0 =	simm.s32 @!p2 $0x0  }
0x16: {  	s3 =	sld [smem:$0x3FDB];
	s0 =	simm.s32 @p2 $0x1  }
0x17: {  	s4 =	simm.s32 $0x1BF5;
	[smem:$0x3F9E] =	sst s0  }
0x18: {  	s0 =	sld [smem:$0x3F81];
	_ =	swait.ge [sflag:s4], $0x0  }
0x19: {  	s7 =	sld [smem:$0x3F82]  }
0x1a: {  	s8 =	sadd.s32 $0xFFFFE003, lr  }
0x1b: {  	s9 =	sadd.s32 $0xFFFFFEF7, lr;
	s5 =	simm.s32 $0xFFFFFFFF;
	p2 =	slt.u32 s8, $0xFFFFF086  }
0x1c: {  	p1 =	slt.u32 s9, $0xF7A;
	s5 =	simm.s32 @!p2 $0x0  }
0x1d: {  	s5 =	simm.s32 @p1 $0x1;
	p0 =	seq.s32 s7, s2  }
0x1e: {  	s7 =	smul.u32 @!p0 $0xF7A, s2;
	p2 =	seq.s32 @!p0 s5, $0x0  }
0x1f: {  	s9 =	smul.u32 $0xF7A, s1;
	s8 =	simm.s32 @!p0 $0x1BF5;
	p2 =	por !p2, p0  }
0x20: {  	[sflag:s8] =	ssyncset.s32 @!p0 $0xFFFFF086;
	s6 =	sadd.s32 @!p0 s3, s7;
	s7 =	simm.s32 @!p0 $0x108  }
0x21: {  	s3 =	sadd.s32 s3, s9;
	s6 =	sadd.s32 @!p0 $0x88, s6;
	s7 =	simm.s32 @p2 $0x1082  }
0x22: {  	[simem:s7], [sflag:s8] =	dma.local @!p0 [hbm:s6], $0xF7A  }
0x23: {  	s9 =	sor.u32 $0xD0000000, s2;
	s6 =	simm.s32 $0x108;
	_ =	swait.ge @!p0 [sflag:s8], $0x0  }
0x24: {  	s3 =	sadd.s32 $0x88, s3;
	s6 =	simm.s32 @!p1 $0x1082;
	[sflag:s4] =	ssyncset.s32 $0xFFFFF086  }
0x25: {  	[simem:s6], [sflag:s4] =	dma.local [hbm:s3], $0xF7A  }
0x26: {  	[smem:$0x3F82] =	sst s1;
	(tag) =	ssettag s2;
	_ =	strace s9  }
0x27: {  	s1 =	sld [smem:$0x3F92]  }
0x28: {  	s2 =	sld [smem:$0x3F93]  }
0x29: {  	s4 =	sld [smem:$0x3F95]  }
0x2a: {  	p0 =	seq.s32 s5, $0x0;
	s5 =	sld [smem:$0x3F96]  }
0x2b: {  	s6 =	sld [smem:$0x3F97]  }
0x2c: {  	s7 =	sld [smem:$0x3F98]  }
0x2d: {  	s3 =	simm.s32 $0x108;
	s8 =	sld [smem:$0x3F99]  }
0x2e: {  	s3 =	simm.s32 @!p0 $0x1082;
	s9 =	sld [smem:$0x3F9A]  }
0x2f: {  	lr =	sadd.s32 s0, s3;
	s0 =	sld [smem:$0x3F91]  }
0x30: {  	s3 =	sld [smem:$0x3F94]  }
0x31: {  	[smem:$0x3F9D] =	sst s10  }
0x32: {  	s10 =	sld [smem:$0x3F9B];
	_ =	sdelay $0x3  }
0x33: {  	p0 =	seq.s32 s10, $0x1;
	s10 =	sld [smem:$0x3F9D];
	_ =	sdelay $0x3  }
0x34: {  	[smem:$0x3F9D] =	sst s10  }
0x35: {  	s10 =	sld [smem:$0x3F9C];
	_ =	sdelay $0x3  }
0x36: {  	p1 =	seq.s32 s10, $0x1;
	s10 =	sld [smem:$0x3F9D];
	_ =	sdelay $0x3  }
0x37: {  	[smem:$0x3F9D] =	sst s10  }
0x38: {  	s10 =	sld [smem:$0x3F9E]  }
0x39: {  	_ = 	snop;
	(pc) =	sbr.ind lr, $3  }
0x3a: {  	_ = 	snop  }
0x3b: {  	_ = 	snop  }
0x3c: {  	p2 =	seq.s32 s10, $0x1;
	s10 =	sld [smem:$0x3F9D]  }
0x3d: {  	_ =	shalt  }
0x3e: {  	_ =	shalt  }
0x3f: {  	_ =	shalt  }
0x40: {  	_ =	shalt  }
0x41: {  	_ =	shalt  }
0x42: {  	_ =	shalt  }
0x43: {  	_ =	shalt  }
0x44: {  	_ =	shalt  }
0x45: {  	_ =	shalt  }
0x46: {  	_ =	shalt  }
0x47: {  	_ =	shalt  }
0x48: {  	_ =	shalt  }
0x49: {  	_ =	shalt  }
0x4a: {  	_ =	shalt  }
0x4b: {  	_ =	shalt  }
0x4c: {  	_ =	shalt  }
0x4d: {  	_ =	shalt  }
0x4e: {  	_ =	shalt  }
0x4f: {  	_ =	shalt  }
0x50: {  	_ =	shalt  }
0x51: {  	_ =	shalt  }
0x52: {  	_ =	shalt  }
0x53: {  	_ =	shalt  }
0x54: {  	_ =	shalt  }
0x55: {  	_ =	shalt  }
0x56: {  	_ =	shalt  }
0x57: {  	_ =	shalt  }
0x58: {  	_ =	shalt  }
0x59: {  	_ =	shalt  }
0x5a: {  	_ =	shalt  }
0x5b: {  	_ =	shalt  }
0x5c: {  	_ =	shalt  }
0x5d: {  	_ =	shalt  }
0x5e: {  	_ =	shalt  }
0x5f: {  	_ =	shalt  }
0x60: {  	_ =	shalt  }
0x61: {  	_ =	shalt  }
0x62: {  	_ =	shalt  }
0x63: {  	_ =	shalt  }
0x64: {  	_ =	shalt  }
0x65: {  	_ =	shalt  }
0x66: {  	_ =	shalt  }
0x67: {  	_ =	shalt  }
0x68: {  	_ =	shalt  }
0x69: {  	_ =	shalt  }
0x6a: {  	_ =	shalt  }
0x6b: {  	_ =	shalt  }
0x6c: {  	_ =	shalt  }
0x6d: {  	_ =	shalt  }
0x6e: {  	_ =	shalt  }
0x6f: {  	_ =	shalt  }
0x70: {  	_ =	shalt  }
0x71: {  	_ =	shalt  }
0x72: {  	_ =	shalt  }
0x73: {  	_ =	shalt  }
0x74: {  	_ =	shalt  }
0x75: {  	_ =	shalt  }
0x76: {  	_ =	shalt  }
0x77: {  	_ =	shalt  }
0x78: {  	_ =	shalt  }
0x79: {  	_ =	shalt  }
0x7a: {  	_ =	shalt  }
0x7b: {  	_ =	shalt  }
0x7c: {  	_ =	shalt  }
0x7d: {  	_ =	shalt  }
0x7e: {  	_ =	shalt  }
0x7f: {  	_ =	shalt  }
0x80: {  	_ =	shalt  }
0x81: {  	_ =	shalt  }
0x82: {  	_ =	shalt  }
0x83: {  	_ =	shalt  }
0x84: {  	_ =	shalt  }
0x85: {  	_ =	shalt  }
0x86: {  	_ =	shalt  }
0x87: {  	_ =	shalt  }
.Lfunc_end0:
.L_simem_size_0:
called_computation_lowered:
.L_overlay_start_0:
0x88: {  	s2 =	sld [smem:$0x3FD9]  }
0x89: {  	s3 =	sld [smem:$0x3FFE];
	_ =	sdelay $0x1  }
0x8a: {  	s1 =	srdreg.scid  }
0x8b: {  	s0 =	sand.u32 $0x1, s1  }
0x8c: {  	s16 =	sshll.u32 s0, $0xA;
	s2 =	sadd.s32 s3, s2  }
0x8d: {  	s2 =	sadd.s32 s2, s16  }
0x8e: {  	[smem:$0x3FA9] =	sst s2  }
0x8f: {  	_ = 	snop  }
0x90: {  	(tm) =	ssettm $0x1  }
0x91: {  	s17 =	sld [smem:$0x3FFB];
	_ =	sdelay $0x3  }
0x92: {  	_ =	strace s17  }
0x93: {  	s2 =	sld [smem:$0x3FFC];
	_ =	sdelay $0x3  }
0x94: {  	_ =	strace s2  }
0x95: {  	s2 =	sld [smem:$0x3FFD];
	_ =	sdelay $0x3  }
0x96: {  	_ =	strace s2  }
0x97: {  	_ =	strace $0x8FFFFFFF  }
0x98: {  	s18 =	sld [smem:$0x3FDB];
	_ =	sdelay $0x1  }
0x99: {  	s19 =	simm.s32 $_scs_section_size  }
0x9a: {  	s4 =	simm.s32 $_size__tile_overlayer_lowered;
	s5 =	simm.s32 $_tile_overlayer_lowered  }
0x9b: {  	s22 =	simm.s32 $0x1BFF;
	s21 =	sshll.u32 s5, $0x1;
	s2 =	sadd.s32 s19, s18  }
0x9c: {  	s6 =	simm.s32 $0x0;
	s20 =	sshll.u32 s4, $0x1;
	s4 =	sadd.s32 s21, s2  }
0x9d: {  	[timem:s6], [sflag:s22] =	dma.local [hbm:s4], s20  }
0x9e: {  	_ =	swait.ge [sflag:s22], s20  }
0x9f: {  	s3 =	ssub.s32 $0x0, s20;
	[sflag:s22] =	ssyncset.done $0x0  }
0xa0: {  	[sflag:s22] =	ssyncadd.s32 s3;
	_ =	sdelay $0x1  }
0xa1: {  	s23 =	simm.s32 $0x1B8B  }
0xa2: {  	_ =	swait.ge [sflag:s23], $0x1  }
0xa3: {  	[sflag:s23] =	ssyncset.done $0x0  }
0xa4: {  	s25 =	simm.s32 $0x1B8E;
	s24 =	sld [smem:$0x3FFE];
	[sflag:s23] =	ssyncadd.s32 $0xFFFFFFFF  }
0xa5: {  	s26 =	simm.s32 $execute0_lowered;
	[smem:$0x3FD2] =	sst s25  }
0xa6: {  	s4 =	sshll.u32 s26, $0x1;
	_ =	strace $0x80000046;
	[dreg:$0x1] =	wrdreg $0xFFFFFFFF  }
0xa7: {  	s28 =	simm.s32 $_size_execute0_lowered;
	s2 =	sadd.s32 s2, s4;
	[dreg:$0x0] =	wrdreg $0x0  }
0xa8: {  	s4 =	sshll.u32 s28, $0x1;
	[dreg:$0x2] =	wrdreg s2  }
0xa9: {  	[dreg:$0x3] =	wrdreg s4  }
0xaa: {  	[dreg:$0x4] =	wrdreg $0xC0  }
0xab: {  	_ =	task [dreg:s6], $0x5FFFF  }
0xac: {  	[dreg:$0x1] =	wrdreg $0xFFFFFFFF  }
0xad: {  	[dreg:$0x0] =	wrdreg $0x60  }
0xae: {  	[dreg:$0x2] =	wrdreg s24  }
0xaf: {  	[dreg:$0x3] =	wrdreg $0x150000  }
0xb0: {  	[dreg:$0x4] =	wrdreg $0x9  }
0xb1: {  	_ =	task.clear_ibuf [dreg:s6], $0x5FFFF;
	_ =	strace $0x90000046  }
0xb2: {  	s29 =	simm.s32 $0x9;
	_ =	strace $0x80000048  }
0xb3: {  	_ =	swait.ge [sflag:s29], $0x1  }
0xb4: {  	[sflag:s29] =	ssyncadd.s32 $0xFFFFFFFF  }
0xb5: {  	_ =	strace $0x90000048  }
0xb6: {  	_ =	sfence  }
0xb7: {  	s30 =	sld [smem:$0x0];
	_ =	sdelay $0x2  }
0xb8: {  	s31 =	sshll.u32 s1, $0xD;
	s1 =	sshrl.u32 s1, $0x2  }
0xb9: {  	s3 =	sand.u32 $0x4000, s31;
	s1 =	sadd.s32 s1, s30  }
0xba: {  	s0 =	sor.u32 s3, s0;
	s1 =	sshll.u32 s1, $0x11  }
0xbb: {  	s0 =	sor.u32 s1, s0  }
0xbc: {  	s0 =	sadd.s32 $0x8F2B, s0  }
0xbd: {  	[sflag:s0] =	ssyncadd.remote.s32 $0x1  }
0xbe: {  	_ =	sfence.sel $0xFFFF  }
0xbf: {  	[dreg:$0x0] =	wrdreg $0xFFFFFFFF;
	(pc) =	sbr.abs _section_cstart, $3  }
0xc0: {  	[dreg:$0x1] =	wrdreg $0xFFFFFFFF  }
0xc1: {  	_ =	task.clear_ibuf [dreg:s6], $0x2FFFF;
	_ =	strace $0x9FFFFFFF  }
0xc2: {  	(tm) =	ssettm $0x7FFFFFFF  }
0xc3: {  	_ =	shalt  }
tec
execute0_lowered:
.L_overlay_start_1:
0x0: {  	(tag) =	ssettag $0x1  }
0x1: {  	s0 =	srdreg.scid;
	s1 =	rddreg [dreg:$0x0]  }
0x2: {  	s2 =	rddreg [dreg:$0x1];
	s9 =	stileid.u32;
	s3 =	simm.s32 $0x0  }
0x3: {  	s14 =	simm.s32 $0x9;
	s15 =	simm.s32 $0x2800;
	s16 =	simm.s32 $0x80  }
0x4: {  	s17 =	simm.s32 $0x5000;
	s18 =	simm.s32 $0x7000;
	s20 =	simm.s32 $0x9000  }
0x5: {  	s28 =	simm.s32 $0x13000;
	s29 =	simm.s32 $0x1;
	s21 =	simm.s32 $0x2  }
0x6: {  	s30 =	simm.s32 $0x6;
	s31 =	simm.s32 $0x7;
	s19 =	simm.s32 $0x8  }
0x7: {  	s0 =	sand.u32 $0x1, s0;
	[smem:$0x7FF] =	sst s3;
	s6 =	smul.u32 $0xA000, s9  }
0x8: {  	s4 =	sshll.u32 s0, $0x4;
	s5 =	ssub.s32 $0x2, s0;
	p0 =	seq.s32 s0, $0x1  }
0x9: {  	s0 =	simm.s32 $0x2D400;
	s4 =	sor.u32 s9, s4;
	s9 =	smul.u32 $0x28000, s9  }
0xa: {  	s8 =	sshrl.u32 s5, $0x1;
	s0 =	simm.s32 @!p0 $0x41400;
	s4 =	smul.u32 $0x500, s4  }
0xb: {  	_ =	strace $0x80000047;
	s5 =	ssub.s32 s5, s8;
	s0 =	sadd.s32 s0, s1  }
0xc: {  	s23 =	sshrl.u32 s9, $0x2;
	s12 =	smax.u32 s5, $0x1;
	s7 =	sadd.s32 s4, s1  }
0xd: {  	s5 =	simm.s32 $0x0;
	s4 =	sadd.s32 $0x5400, s1;
	s22 =	sadd.s32 $0x19400, s7  }
0xe: {  	s8 =	sadd.s32 s23, s2;
	s7 =	sadd.s32 $0x23400, s7;
	[dreg:$0x3] =	wrdreg s22  }
0xf: {  	s23 =	simm.s32 $0x5;
	s24 =	sadd.s32 $0x2000, s8;
	[dreg:$0x4] =	wrdreg s7  }
0x10: {  	s1 =	simm.s32 $0x4;
	s25 =	sadd.s32 $0x4000, s8;
	[dreg:$0x5] =	wrdreg s24  }
0x11: {  	s26 =	sadd.s32 $0x6000, s8;
	s11 =	sadd.s32 $0x8000, s8;
	[dreg:$0x6] =	wrdreg s25  }
0x12: {  	s7 =	sadd.s32 s6, s2;
	[dreg:$0x7] =	wrdreg s26;
	s6 =	sshrl.u32 s6, $0x3  }
0x13: {  	s22 =	simm.s32 $0xB000;
	s24 =	simm.s32 $0xD000;
	s26 =	simm.s32 $0xF000  }
0x14: {  	v0 =	vimm.f32 $0.0e+00;
	s25 =	simm.s32 $0x3;
	s13 =	sadd.s32 s0, s6;
	s0 =	simm.s32 $0x11000  }
.LBB2_1:
0x15: {  	s6 =	rddreg [dreg:$0x3]  }
0x16: {  	[tilespmem:s3], [sflag:$0x9] =	stream.linear.gather [hbm4b:s6+s3], $0x2800, $0x38;
	[tilespmem:$0x1F000] =	vst v63  }
0x17: {  	_ =	swait.ge [sflag:s14], $0x2800  }
0x18: {  	[sflag:s14] =	ssyncset.done $0x0  }
0x19: {  	s8 =	rddreg [dreg:$0x4];
	[sflag:s14] =	ssyncadd.s32 $0xFFFFD800  }
0x1a: {  	[tilespmem:s15], [sflag:$0x9] =	stream.linear.gather [hbm4b:s8+s3], $0x2800, $0x38;
	[tilespmem:$0x1F000] =	vst v63  }
0x1b: {  	_ =	swait.ge [sflag:s14], $0x2800  }
0x1c: {  	[sflag:s14] =	ssyncset.done $0x0  }
0x1d: {  	[sflag:s14] =	ssyncadd.s32 $0xFFFFD800  }
0x1e: {  	[tilespmem:s17], [sflag:$0x1] =	stream.indirect.gather [hbm4b:s4+s16], $0x40, s3, s16, $0xb8;
	[tilespmem:$0x1F000] =	vst v63  }
0x1f: {  	_ = 	snop  }
0x20: {  	[tilespmem:s18], [sflag:$0x1] =	stream.indirect.gather [hbm4b:s4+s16], $0x40, s16, s16, $0xb8;
	[tilespmem:$0x1F000] =	vst v63  }
0x21: {  	s9 =	simm.s32 $0x100  }
0x22: {  	[tilespmem:s20], [sflag:$0x2] =	stream.indirect.gather [hbm4b:s4+s16], $0x40, s9, s16, $0xb8;
	[tilespmem:$0x1F000] =	vst v63  }
0x23: {  	s10 =	simm.s32 $0x180  }
0x24: {  	[tilespmem:s22], [sflag:$0x2] =	stream.indirect.gather [hbm4b:s4+s16], $0x40, s10, s16, $0xb8;
	[tilespmem:$0x1F000] =	vst v63  }
0x25: {  	s8 =	simm.s32 $0x200  }
0x26: {  	[tilespmem:s24], [sflag:$0x3] =	stream.indirect.gather [hbm4b:s4+s16], $0x40, s8, s16, $0xb8;
	[tilespmem:$0x1F000] =	vst v63  }
0x27: {  	s9 =	simm.s32 $0x280;
	s10 =	sand.u32 $0x7F00, s3  }
0x28: {  	[tilespmem:s26], [sflag:$0x3] =	stream.indirect.gather [hbm4b:s4+s16], $0x40, s9, s16, $0xb8;
	[tilespmem:$0x1F000] =	vst v63  }
0x29: {  	s8 =	sand.u32 $0x30, s3;
	s9 =	sshrl.u32 s10, $0x2  }
0x2a: {  	s6 =	simm.s32 $0x40;
	s9 =	sor.u32 s8, s9;
	s8 =	simm.s32 $0x0  }
.LBB2_2:
0x2b: {  	p0 =	sne.s32 s6, $0x7FC0  }
0x2c: {  	[tilespmem:s9+$0x13000] =	vst v0;
	s8 =	sadd.s32 $0x10, s8;
	s9 =	smov.u32 s6;
	s6 =	sadd.s32 $0x40, s6  }
.Ltmp0:
0x2d: {  	(pc) =	sbr.rel @p0 .LBB2_2-.Ltmp0, $4  }
0x2e: {  	_ = 	snop  }
0x2f: {  	s9 =	sand.u32 $0x7F00, s9  }
0x30: {  	s10 =	sand.u32 $0x30, s8;
	s9 =	sshrl.u32 s9, $0x2  }
0x31: {  	s9 =	sor.u32 s10, s9  }
0x32: {  	[tilespmem:s9+$0x13000] =	vst v0  }
0x33: {  	[spmem:s7] =	stream.linear.scatter [tilespmem:s28], [sflag:$0x9], $0x2000, $0x38;
	[tilespmem:$0x1F000] =	vst v63  }
0x34: {  	_ =	swait.ge [sflag:s14], $0x2000  }
0x35: {  	[sflag:s14] =	ssyncset.done $0x0  }
0x36: {  	s6 =	rddreg [dreg:$0x5];
	[sflag:s14] =	ssyncadd.s32 $0xFFFFE000  }
0x37: {  	[spmem:s6] =	stream.linear.scatter [tilespmem:s28], [sflag:$0x9], $0x2000, $0x38;
	[tilespmem:$0x1F000] =	vst v63  }
0x38: {  	_ =	swait.ge [sflag:s14], $0x2000  }
0x39: {  	[sflag:s14] =	ssyncset.done $0x0  }
0x3a: {  	s9 =	rddreg [dreg:$0x6];
	[sflag:s14] =	ssyncadd.s32 $0xFFFFE000  }
0x3b: {  	[spmem:s9] =	stream.linear.scatter [tilespmem:s28], [sflag:$0x9], $0x2000, $0x38;
	[tilespmem:$0x1F000] =	vst v63  }
0x3c: {  	_ =	swait.ge [sflag:s14], $0x2000  }
0x3d: {  	[sflag:s14] =	ssyncset.done $0x0  }
0x3e: {  	s10 =	rddreg [dreg:$0x7];
	[sflag:s14] =	ssyncadd.s32 $0xFFFFE000  }
0x3f: {  	[spmem:s10] =	stream.linear.scatter [tilespmem:s28], [sflag:$0x9], $0x2000, $0x38;
	[tilespmem:$0x1F000] =	vst v63  }
0x40: {  	_ =	swait.ge [sflag:s14], $0x2000  }
0x41: {  	[sflag:s14] =	ssyncset.done $0x0  }
0x42: {  	[sflag:s14] =	ssyncadd.s32 $0xFFFFE000  }
0x43: {  	[spmem:s11] =	stream.linear.scatter [tilespmem:s28], [sflag:$0x9], $0x2000, $0x38;
	[tilespmem:$0x1F000] =	vst v63  }
0x44: {  	_ =	swait.ge [sflag:s14], $0x2000  }
0x45: {  	[sflag:s14] =	ssyncset.done $0x0  }
0x46: {  	[sflag:s14] =	ssyncadd.s32 $0xFFFFE000  }
0x47: {  	[bflag:$0x0] =	sbarrier.arrive $0xFFFF  }
0x48: {  	_ =	swait.ge [sflag:s29], $0x2000  }
0x49: {  	[sflag:s29] =	ssyncset.done $0x0  }
0x4a: {  	[sflag:s29] =	ssyncadd.s32 $0xFFFFE000  }
0x4b: {  	_ =	swait.ge [sflag:s29], $0x2000  }
0x4c: {  	[sflag:s29] =	ssyncset.done $0x0  }
0x4d: {  	[sflag:s29] =	ssyncadd.s32 $0xFFFFE000  }
0x4e: {  	[spmem:s2] =	stream.indirect.scatter.add.f32 [tilespmem:s17], [sflag:$0x5], $0x40, s15, s16, $0xb8;
	[tilespmem:$0x1F000] =	vst v63  }
0x4f: {  	s8 =	simm.s32 $0x2880  }
0x50: {  	[spmem:s2] =	stream.indirect.scatter.add.f32 [tilespmem:s18], [sflag:$0x5], $0x40, s8, s16, $0xb8;
	[tilespmem:$0x1F000] =	vst v63  }
0x51: {  	s9 =	simm.s32 $0x300  }
0x52: {  	[tilespmem:s0], [sflag:$0x4] =	stream.indirect.gather [hbm4b:s4+s16], $0x40, s9, s16, $0xb8;
	[tilespmem:$0x1F000] =	vst v63  }
0x53: {  	s10 =	simm.s32 $0x380  }
0x54: {  	[tilespmem:s28], [sflag:$0x4] =	stream.indirect.gather [hbm4b:s4+s16], $0x40, s10, s16, $0xb8;
	[tilespmem:$0x1F000] =	vst v63  }
0x55: {  	_ =	swait.ge [sflag:s21], $0x2000  }
0x56: {  	[sflag:s21] =	ssyncset.done $0x0  }
0x57: {  	[sflag:s21] =	ssyncadd.s32 $0xFFFFE000  }
0x58: {  	_ =	swait.ge [sflag:s21], $0x2000  }
0x59: {  	[sflag:s21] =	ssyncset.done $0x0  }
0x5a: {  	s8 =	simm.s32 $0x2900;
	[sflag:s21] =	ssyncadd.s32 $0xFFFFE000  }
0x5b: {  	[spmem:s2] =	stream.indirect.scatter.add.f32 [tilespmem:s20], [sflag:$0x6], $0x40, s8, s16, $0xb8;
	[tilespmem:$0x1F000] =	vst v63  }
0x5c: {  	s9 =	simm.s32 $0x2980  }
0x5d: {  	[spmem:s2] =	stream.indirect.scatter.add.f32 [tilespmem:s22], [sflag:$0x6], $0x40, s9, s16, $0xb8;
	[tilespmem:$0x1F000] =	vst v63  }
0x5e: {  	_ =	swait.ge [sflag:s23], $0x2000  }
0x5f: {  	[sflag:s23] =	ssyncset.done $0x0  }
0x60: {  	[sflag:s23] =	ssyncadd.s32 $0xFFFFE000  }
0x61: {  	_ =	swait.ge [sflag:s23], $0x2000  }
0x62: {  	[sflag:s23] =	ssyncset.done $0x0  }
0x63: {  	s10 =	simm.s32 $0x400;
	[sflag:s23] =	ssyncadd.s32 $0xFFFFE000  }
0x64: {  	[tilespmem:s17], [sflag:$0x1] =	stream.indirect.gather [hbm4b:s4+s16], $0x40, s10, s16, $0xb8;
	[tilespmem:$0x1F000] =	vst v63  }
0x65: {  	s8 =	simm.s32 $0x480  }
0x66: {  	[tilespmem:s18], [sflag:$0x1] =	stream.indirect.gather [hbm4b:s4+s16], $0x40, s8, s16, $0xb8;
	[tilespmem:$0x1F000] =	vst v63  }
0x67: {  	_ =	swait.ge [sflag:s25], $0x2000  }
0x68: {  	[sflag:s25] =	ssyncset.done $0x0  }
0x69: {  	[sflag:s25] =	ssyncadd.s32 $0xFFFFE000  }
0x6a: {  	_ =	swait.ge [sflag:s25], $0x2000  }
0x6b: {  	[sflag:s25] =	ssyncset.done $0x0  }
0x6c: {  	s9 =	simm.s32 $0x2A00;
	[sflag:s25] =	ssyncadd.s32 $0xFFFFE000  }
0x6d: {  	[spmem:s2] =	stream.indirect.scatter.add.f32 [tilespmem:s24], [sflag:$0x7], $0x40, s9, s16, $0xb8;
	[tilespmem:$0x1F000] =	vst v63  }
0x6e: {  	s10 =	simm.s32 $0x2A80  }
0x6f: {  	[spmem:s2] =	stream.indirect.scatter.add.f32 [tilespmem:s26], [sflag:$0x7], $0x40, s10, s16, $0xb8;
	[tilespmem:$0x1F000] =	vst v63  }
0x70: {  	_ =	swait.ge [sflag:s30], $0x2000  }
0x71: {  	[sflag:s30] =	ssyncset.done $0x0  }
0x72: {  	[sflag:s30] =	ssyncadd.s32 $0xFFFFE000  }
0x73: {  	_ =	swait.ge [sflag:s30], $0x2000  }
0x74: {  	[sflag:s30] =	ssyncset.done $0x0  }
0x75: {  	s8 =	simm.s32 $0x500;
	[sflag:s30] =	ssyncadd.s32 $0xFFFFE000  }
0x76: {  	[tilespmem:s20], [sflag:$0x2] =	stream.indirect.gather [hbm4b:s4+s16], $0x40, s8, s16, $0xb8;
	[tilespmem:$0x1F000] =	vst v63  }
0x77: {  	s9 =	simm.s32 $0x580  }
0x78: {  	[tilespmem:s22], [sflag:$0x2] =	stream.indirect.gather [hbm4b:s4+s16], $0x40, s9, s16, $0xb8;
	[tilespmem:$0x1F000] =	vst v63  }
0x79: {  	_ =	swait.ge [sflag:s1], $0x2000  }
0x7a: {  	[sflag:s1] =	ssyncset.done $0x0  }
0x7b: {  	[sflag:s1] =	ssyncadd.s32 $0xFFFFE000  }
0x7c: {  	_ =	swait.ge [sflag:s1], $0x2000  }
0x7d: {  	[sflag:s1] =	ssyncset.done $0x0  }
0x7e: {  	s10 =	simm.s32 $0x2B00;
	[sflag:s1] =	ssyncadd.s32 $0xFFFFE000  }
0x7f: {  	[spmem:s2] =	stream.indirect.scatter.add.f32 [tilespmem:s0], [sflag:$0x8], $0x40, s10, s16, $0xb8;
	[tilespmem:$0x1F000] =	vst v63  }
0x80: {  	s8 =	simm.s32 $0x2B80  }
0x81: {  	[spmem:s2] =	stream.indirect.scatter.add.f32 [tilespmem:s28], [sflag:$0x8], $0x40, s8, s16, $0xb8;
	[tilespmem:$0x1F000] =	vst v63  }
0x82: {  	_ =	swait.ge [sflag:s31], $0x2000  }
0x83: {  	[sflag:s31] =	ssyncset.done $0x0  }
0x84: {  	[sflag:s31] =	ssyncadd.s32 $0xFFFFE000  }
0x85: {  	_ =	swait.ge [sflag:s31], $0x2000  }
0x86: {  	[sflag:s31] =	ssyncset.done $0x0  }
0x87: {  	s9 =	simm.s32 $0x600;
	[sflag:s31] =	ssyncadd.s32 $0xFFFFE000  }
0x88: {  	[tilespmem:s24], [sflag:$0x3] =	stream.indirect.gather [hbm4b:s4+s16], $0x40, s9, s16, $0xb8;
	[tilespmem:$0x1F000] =	vst v63  }
0x89: {  	s10 =	simm.s32 $0x680  }
0x8a: {  	[tilespmem:s26], [sflag:$0x3] =	stream.indirect.gather [hbm4b:s4+s16], $0x40, s10, s16, $0xb8;
	[tilespmem:$0x1F000] =	vst v63  }
0x8b: {  	_ =	swait.ge [sflag:s29], $0x2000  }
0x8c: {  	[sflag:s29] =	ssyncset.done $0x0  }
0x8d: {  	[sflag:s29] =	ssyncadd.s32 $0xFFFFE000  }
0x8e: {  	_ =	swait.ge [sflag:s29], $0x2000  }
0x8f: {  	[sflag:s29] =	ssyncset.done $0x0  }
0x90: {  	s8 =	simm.s32 $0x2C00;
	[sflag:s29] =	ssyncadd.s32 $0xFFFFE000  }
0x91: {  	[spmem:s2] =	stream.indirect.scatter.add.f32 [tilespmem:s17], [sflag:$0x5], $0x40, s8, s16, $0xb8;
	[tilespmem:$0x1F000] =	vst v63  }
0x92: {  	s9 =	simm.s32 $0x2C80  }
0x93: {  	[spmem:s2] =	stream.indirect.scatter.add.f32 [tilespmem:s18], [sflag:$0x5], $0x40, s9, s16, $0xb8;
	[tilespmem:$0x1F000] =	vst v63  }
0x94: {  	_ =	swait.ge [sflag:s19], $0x2000  }
0x95: {  	[sflag:s19] =	ssyncset.done $0x0  }
0x96: {  	[sflag:s19] =	ssyncadd.s32 $0xFFFFE000  }
0x97: {  	_ =	swait.ge [sflag:s19], $0x2000  }
0x98: {  	s6 =	simm.s32 $0x1000;
	[sflag:s19] =	ssyncset.done $0x0  }
0x99: {  	s10 =	simm.s32 $0x700;
	s8 =	simm.s32 $0x780;
	[sflag:s19] =	ssyncadd.s32 $0xFFFFE000  }
0x9a: {  	[tilespmem:s0], [sflag:$0x4] =	stream.indirect.gather [hbm4b:s4+s16], $0x40, s10, s16, $0xb8;
	[tilespmem:$0x1F000] =	vst v63  }
.LBB2_4:
0x9b: {  	[tilespmem:s28], [sflag:$0x4] =	stream.indirect.gather [hbm4b:s4+s16], $0x40, s8, s16, $0xb8;
	[tilespmem:$0x1F000] =	vst v63  }
0x9c: {  	s8 =	smov.u32 s6  }
0x9d: {  	p0 =	sne.s32 s6, $0x8000;
	s6 =	sadd.s32 $0x1000, s6;
	_ =	swait.ge [sflag:s21], $0x2000  }
0x9e: {  	[sflag:s21] =	ssyncset.done $0x0  }
0x9f: {  	[sflag:s21] =	ssyncadd.s32 $0xFFFFE000  }
0xa0: {  	_ =	swait.ge [sflag:s21], $0x2000  }
0xa1: {  	s8 =	sshra.s32 s8, $0x2;
	[sflag:s21] =	ssyncset.done $0x0  }
0xa2: {  	s9 =	sadd.s32 $0x2900, s8;
	[sflag:s21] =	ssyncadd.s32 $0xFFFFE000  }
0xa3: {  	[spmem:s2] =	stream.indirect.scatter.add.f32 [tilespmem:s20], [sflag:$0x6], $0x40, s9, s16, $0xb8;
	[tilespmem:$0x1F000] =	vst v63  }
0xa4: {  	s9 =	sadd.s32 $0x2980, s8  }
0xa5: {  	[spmem:s2] =	stream.indirect.scatter.add.f32 [tilespmem:s22], [sflag:$0x6], $0x40, s9, s16, $0xb8;
	[tilespmem:$0x1F000] =	vst v63  }
0xa6: {  	_ =	swait.ge [sflag:s23], $0x2000  }
0xa7: {  	[sflag:s23] =	ssyncset.done $0x0  }
0xa8: {  	[sflag:s23] =	ssyncadd.s32 $0xFFFFE000  }
0xa9: {  	_ =	swait.ge [sflag:s23], $0x2000  }
0xaa: {  	[sflag:s23] =	ssyncset.done $0x0  }
0xab: {  	s9 =	sadd.s32 $0x400, s8;
	[sflag:s23] =	ssyncadd.s32 $0xFFFFE000  }
0xac: {  	[tilespmem:s17], [sflag:$0x1] =	stream.indirect.gather [hbm4b:s4+s16], $0x40, s9, s16, $0xb8;
	[tilespmem:$0x1F000] =	vst v63  }
0xad: {  	s9 =	sadd.s32 $0x480, s8  }
0xae: {  	[tilespmem:s18], [sflag:$0x1] =	stream.indirect.gather [hbm4b:s4+s16], $0x40, s9, s16, $0xb8;
	[tilespmem:$0x1F000] =	vst v63  }
0xaf: {  	_ =	swait.ge [sflag:s25], $0x2000  }
0xb0: {  	[sflag:s25] =	ssyncset.done $0x0  }
0xb1: {  	[sflag:s25] =	ssyncadd.s32 $0xFFFFE000  }
0xb2: {  	_ =	swait.ge [sflag:s25], $0x2000  }
0xb3: {  	[sflag:s25] =	ssyncset.done $0x0  }
0xb4: {  	s9 =	sadd.s32 $0x2A00, s8;
	[sflag:s25] =	ssyncadd.s32 $0xFFFFE000  }
0xb5: {  	[spmem:s2] =	stream.indirect.scatter.add.f32 [tilespmem:s24], [sflag:$0x7], $0x40, s9, s16, $0xb8;
	[tilespmem:$0x1F000] =	vst v63  }
0xb6: {  	s9 =	sadd.s32 $0x2A80, s8  }
0xb7: {  	[spmem:s2] =	stream.indirect.scatter.add.f32 [tilespmem:s26], [sflag:$0x7], $0x40, s9, s16, $0xb8;
	[tilespmem:$0x1F000] =	vst v63  }
0xb8: {  	_ =	swait.ge [sflag:s30], $0x2000  }
0xb9: {  	[sflag:s30] =	ssyncset.done $0x0  }
0xba: {  	[sflag:s30] =	ssyncadd.s32 $0xFFFFE000  }
0xbb: {  	_ =	swait.ge [sflag:s30], $0x2000  }
0xbc: {  	[sflag:s30] =	ssyncset.done $0x0  }
0xbd: {  	s9 =	sadd.s32 $0x500, s8;
	[sflag:s30] =	ssyncadd.s32 $0xFFFFE000  }
0xbe: {  	[tilespmem:s20], [sflag:$0x2] =	stream.indirect.gather [hbm4b:s4+s16], $0x40, s9, s16, $0xb8;
	[tilespmem:$0x1F000] =	vst v63  }
0xbf: {  	s9 =	sadd.s32 $0x580, s8  }
0xc0: {  	[tilespmem:s22], [sflag:$0x2] =	stream.indirect.gather [hbm4b:s4+s16], $0x40, s9, s16, $0xb8;
	[tilespmem:$0x1F000] =	vst v63  }
0xc1: {  	_ =	swait.ge [sflag:s1], $0x2000  }
0xc2: {  	[sflag:s1] =	ssyncset.done $0x0  }
0xc3: {  	[sflag:s1] =	ssyncadd.s32 $0xFFFFE000  }
0xc4: {  	_ =	swait.ge [sflag:s1], $0x2000  }
0xc5: {  	[sflag:s1] =	ssyncset.done $0x0  }
0xc6: {  	s9 =	sadd.s32 $0x2B00, s8;
	[sflag:s1] =	ssyncadd.s32 $0xFFFFE000  }
0xc7: {  	[spmem:s2] =	stream.indirect.scatter.add.f32 [tilespmem:s0], [sflag:$0x8], $0x40, s9, s16, $0xb8;
	[tilespmem:$0x1F000] =	vst v63  }
0xc8: {  	s9 =	sadd.s32 $0x2B80, s8  }
0xc9: {  	[spmem:s2] =	stream.indirect.scatter.add.f32 [tilespmem:s28], [sflag:$0x8], $0x40, s9, s16, $0xb8;
	[tilespmem:$0x1F000] =	vst v63  }
0xca: {  	_ =	swait.ge [sflag:s31], $0x2000  }
0xcb: {  	[sflag:s31] =	ssyncset.done $0x0  }
0xcc: {  	[sflag:s31] =	ssyncadd.s32 $0xFFFFE000  }
0xcd: {  	_ =	swait.ge [sflag:s31], $0x2000  }
0xce: {  	[sflag:s31] =	ssyncset.done $0x0  }
0xcf: {  	s9 =	sadd.s32 $0x600, s8;
	[sflag:s31] =	ssyncadd.s32 $0xFFFFE000  }
0xd0: {  	[tilespmem:s24], [sflag:$0x3] =	stream.indirect.gather [hbm4b:s4+s16], $0x40, s9, s16, $0xb8;
	[tilespmem:$0x1F000] =	vst v63  }
0xd1: {  	s9 =	sadd.s32 $0x680, s8  }
0xd2: {  	[tilespmem:s26], [sflag:$0x3] =	stream.indirect.gather [hbm4b:s4+s16], $0x40, s9, s16, $0xb8;
	[tilespmem:$0x1F000] =	vst v63  }
0xd3: {  	_ =	swait.ge [sflag:s29], $0x2000  }
0xd4: {  	[sflag:s29] =	ssyncset.done $0x0  }
0xd5: {  	[sflag:s29] =	ssyncadd.s32 $0xFFFFE000  }
0xd6: {  	_ =	swait.ge [sflag:s29], $0x2000  }
0xd7: {  	[sflag:s29] =	ssyncset.done $0x0  }
0xd8: {  	s9 =	sadd.s32 $0x2C00, s8;
	[sflag:s29] =	ssyncadd.s32 $0xFFFFE000  }
0xd9: {  	[spmem:s2] =	stream.indirect.scatter.add.f32 [tilespmem:s17], [sflag:$0x5], $0x40, s9, s16, $0xb8;
	[tilespmem:$0x1F000] =	vst v63  }
0xda: {  	s9 =	sadd.s32 $0x2C80, s8  }
0xdb: {  	[spmem:s2] =	stream.indirect.scatter.add.f32 [tilespmem:s18], [sflag:$0x5], $0x40, s9, s16, $0xb8;
	[tilespmem:$0x1F000] =	vst v63  }
0xdc: {  	_ =	swait.ge [sflag:s19], $0x2000  }
0xdd: {  	[sflag:s19] =	ssyncset.done $0x0  }
0xde: {  	[sflag:s19] =	ssyncadd.s32 $0xFFFFE000  }
.Ltmp1:
0xdf: {  	_ =	swait.ge [sflag:s19], $0x2000;
	(pc) =	sbr.rel @p0 .LBB2_4-.Ltmp1, $4  }
0xe0: {  	[sflag:s19] =	ssyncset.done $0x0  }
0xe1: {  	s9 =	sadd.s32 $0x700, s8;
	[sflag:s19] =	ssyncadd.s32 $0xFFFFE000  }
0xe2: {  	[tilespmem:s0], [sflag:$0x4] =	stream.indirect.gather [hbm4b:s4+s16], $0x40, s9, s16, $0xb8;
	[tilespmem:$0x1F000] =	vst v63  }
0xe3: {  	s8 =	sadd.s32 $0x780, s8  }
0xe4: {  	[tilespmem:s28], [sflag:$0x4] =	stream.indirect.gather [hbm4b:s4+s16], $0x40, s8, s16, $0xb8;
	[tilespmem:$0x1F000] =	vst v63  }
0xe5: {  	_ =	swait.ge [sflag:s21], $0x2000  }
0xe6: {  	[sflag:s21] =	ssyncset.done $0x0  }
0xe7: {  	[sflag:s21] =	ssyncadd.s32 $0xFFFFE000  }
0xe8: {  	_ =	swait.ge [sflag:s21], $0x2000  }
0xe9: {  	[sflag:s21] =	ssyncset.done $0x0  }
0xea: {  	s6 =	simm.s32 $0x4D00;
	[sflag:s21] =	ssyncadd.s32 $0xFFFFE000  }
0xeb: {  	[spmem:s2] =	stream.indirect.scatter.add.f32 [tilespmem:s20], [sflag:$0x6], $0x40, s6, s16, $0xb8;
	[tilespmem:$0x1F000] =	vst v63  }
0xec: {  	s10 =	simm.s32 $0x4D80  }
0xed: {  	[spmem:s2] =	stream.indirect.scatter.add.f32 [tilespmem:s22], [sflag:$0x6], $0x40, s10, s16, $0xb8;
	[tilespmem:$0x1F000] =	vst v63  }
0xee: {  	_ =	swait.ge [sflag:s23], $0x2000  }
0xef: {  	[sflag:s23] =	ssyncset.done $0x0  }
0xf0: {  	[sflag:s23] =	ssyncadd.s32 $0xFFFFE000  }
0xf1: {  	_ =	swait.ge [sflag:s23], $0x2000  }
0xf2: {  	[sflag:s23] =	ssyncset.done $0x0  }
0xf3: {  	[sflag:s23] =	ssyncadd.s32 $0xFFFFE000  }
0xf4: {  	_ =	swait.ge [sflag:s25], $0x2000  }
0xf5: {  	[sflag:s25] =	ssyncset.done $0x0  }
0xf6: {  	[sflag:s25] =	ssyncadd.s32 $0xFFFFE000  }
0xf7: {  	_ =	swait.ge [sflag:s25], $0x2000  }
0xf8: {  	[sflag:s25] =	ssyncset.done $0x0  }
0xf9: {  	s8 =	simm.s32 $0x4E00;
	[sflag:s25] =	ssyncadd.s32 $0xFFFFE000  }
0xfa: {  	[spmem:s2] =	stream.indirect.scatter.add.f32 [tilespmem:s24], [sflag:$0x7], $0x40, s8, s16, $0xb8;
	[tilespmem:$0x1F000] =	vst v63  }
0xfb: {  	s9 =	simm.s32 $0x4E80  }
0xfc: {  	[spmem:s2] =	stream.indirect.scatter.add.f32 [tilespmem:s26], [sflag:$0x7], $0x40, s9, s16, $0xb8;
	[tilespmem:$0x1F000] =	vst v63  }
0xfd: {  	_ =	swait.ge [sflag:s30], $0x2000  }
0xfe: {  	[sflag:s30] =	ssyncset.done $0x0  }
0xff: {  	[sflag:s30] =	ssyncadd.s32 $0xFFFFE000  }
0x100: {  	_ =	swait.ge [sflag:s30], $0x2000  }
0x101: {  	[sflag:s30] =	ssyncset.done $0x0  }
0x102: {  	[sflag:s30] =	ssyncadd.s32 $0xFFFFE000  }
0x103: {  	_ =	swait.ge [sflag:s1], $0x2000  }
0x104: {  	[sflag:s1] =	ssyncset.done $0x0  }
0x105: {  	[sflag:s1] =	ssyncadd.s32 $0xFFFFE000  }
0x106: {  	_ =	swait.ge [sflag:s1], $0x2000  }
0x107: {  	[sflag:s1] =	ssyncset.done $0x0  }
0x108: {  	s10 =	simm.s32 $0x4F00;
	[sflag:s1] =	ssyncadd.s32 $0xFFFFE000  }
0x109: {  	[spmem:s2] =	stream.indirect.scatter.add.f32 [tilespmem:s0], [sflag:$0x8], $0x40, s10, s16, $0xb8;
	[tilespmem:$0x1F000] =	vst v63  }
0x10a: {  	s8 =	simm.s32 $0x4F80  }
0x10b: {  	[spmem:s2] =	stream.indirect.scatter.add.f32 [tilespmem:s28], [sflag:$0x8], $0x40, s8, s16, $0xb8;
	[tilespmem:$0x1F000] =	vst v63  }
0x10c: {  	_ =	swait.ge [sflag:s31], $0x2000  }
0x10d: {  	[sflag:s31] =	ssyncset.done $0x0  }
0x10e: {  	[sflag:s31] =	ssyncadd.s32 $0xFFFFE000  }
0x10f: {  	_ =	swait.ge [sflag:s31], $0x2000  }
0x110: {  	[sflag:s31] =	ssyncset.done $0x0  }
0x111: {  	[sflag:s31] =	ssyncadd.s32 $0xFFFFE000  }
0x112: {  	_ =	swait.ge [sflag:s19], $0x2000  }
0x113: {  	[sflag:s19] =	ssyncset.done $0x0  }
0x114: {  	[sflag:s19] =	ssyncadd.s32 $0xFFFFE000  }
0x115: {  	s9 =	stileid.u32;
	_ =	swait.ge [sflag:s19], $0x2000  }
0x116: {  	s5 =	sadd.s32 $0x1, s5;
	s6 =	sshll.u32 s9, $0x6;
	[sflag:s19] =	ssyncset.done $0x0  }
0x117: {  	p0 =	sne.s32 s5, s12;
	s6 =	sor.u32 $0x1C09, s6;
	[sflag:s19] =	ssyncadd.s32 $0xFFFFE000  }
.Ltmp2:
0x118: {  	s10 =	sshrl.u32 s7, $0x3;
	[bflag:$0x0] =	sbarrier.arrive $0xFFFF;
	(pc) =	sbr.rel @p0 .LBB2_1-.Ltmp2, $4  }
0x119: {  	[hbm:s13], [sflag:s6] =	dma.local [spmem:s10], $0x1400  }
0x11a: {  	_ =	swait.ge [sflag:s14], $0x1400  }
0x11b: {  	[sflag:s14] =	ssyncset.done $0x0  }
0x11c: {  	[sflag:s14] =	ssyncadd.s32 $0xFFFFEC00  }
0x11d: {  	_ =	sfence.sel $0x180000  }
0x11e: {  	[bflag:$0x0] =	sbarrier.arrive $0xFFFF  }
0x11f: {  	_ =	strace $0x90000047  }
0x120: {  	s0 =	stileid.u32;
	[bflag:$0x2] =	sbarrier.arrive $0xFFFF  }
0x121: {  	p0 =	sne.s32 s0, $0x0;
	s0 =	rddreg [dreg:$0x2]  }
0x122: {  	s0 =	sadd.s32 @!p0 $0x100000, s0  }
0x123: {  	[sflag:s0] =	ssyncadd.tile.s32 @!p0 $0x1;
	_ =	shalt  }
.Lfunc_end2:
_tile_overlayer_lowered:
.L_overlay_start_2:
0x124: {  	(tag) =	ssettag $0x2  }
0x125: {  	s0 =	rddreg [dreg:$0x0];
	s2 =	stileid.u32  }
0x126: {  	s1 =	rddreg [dreg:$0x1];
	p0 =	sne.s32 s2, $0x0  }
0x127: {  	s3 =	rddreg [dreg:$0x2];
	[bflag:$0x3] =	sbarrier.arrive $0xFFFF;
	s2 =	simm.s32 @!p0 $0x1C09  }
0x128: {  	[timem:s3], [sflag:s2] =	dma.local @!p0 [hbm:s0], s1  }
0x129: {  	s0 =	simm.s32 @!p0 $0x9  }
0x12a: {  	_ =	swait.ge @!p0 [sflag:s0], s1  }
0x12b: {  	s1 =	ssub.s32 @!p0 $0x0, s1;
	[sflag:s0] =	ssyncset.done @!p0 $0x0  }
0x12c: {  	[sflag:s0] =	ssyncadd.s32 @!p0 s1  }
0x12d: {  	[bflag:$0x3] =	sbarrier.arrive $0xFFFF  }
0x12e: {  	_ =	shalt  }

</sc_bundles>
